<compile_context>
chip_gen: v7x
topology: tpu7x:2x2x1
jax: 0.10.2.dev20260603
libtpu: 0.0.44.dev20260713+nightly
codegen_flags: <defaults>
</compile_context>

<pallas_src>
import functools

import jax
import jax.numpy as jnp
import numpy as np
from jax import lax
from jax.experimental import pallas as pl
from jax.experimental.pallas import tpu as pltpu
from jax.experimental.pallas import tpu_sc as plsc

N_NODES = 10000
NC, NS = 2, 16
NW = NC * NS
PW = 128
AW = 72
CH = 128
NPAD = 10240



def _edge_kernel(msg_ref, wq_ref, wk_ref, wva_ref, wvb_ref, g_ref,
                 gta_ref, gtb_ref, pa_ref, pb_ref, pay_ref):
    m = msg_ref[...]
    q = jnp.dot(m, wq_ref[...], preferred_element_type=jnp.float32)
    k = jnp.dot(m, wk_ref[...], preferred_element_type=jnp.float32)
    va = jnp.dot(m, wva_ref[...], preferred_element_type=jnp.float32)
    vb = jnp.dot(m, wvb_ref[...], preferred_element_type=jnp.float32)
    s = jnp.dot(q * k, g_ref[...], preferred_element_type=jnp.float32)
    s = jnp.where(s >= 0, s, 0.2 * s)
    e = jnp.exp(s)
    ea = jnp.dot(e, gta_ref[...], preferred_element_type=jnp.float32)
    eb = jnp.dot(e, gtb_ref[...], preferred_element_type=jnp.float32)
    da = jnp.dot(e, pa_ref[...], preferred_element_type=jnp.float32)
    db = jnp.dot(e, pb_ref[...], preferred_element_type=jnp.float32)
    pay_ref[0] = jnp.concatenate([va * ea, da], axis=1)
    pay_ref[1] = jnp.concatenate([vb * eb, db], axis=1)


def _edge_payload(msg, wq2, wk2, wva, wvb, g, gta, gtb, pa, pb, be,
                  part, nparts):
    m_edges, d = msg.shape
    mh = m_edges // nparts
    ha = wq2.shape[1]
    grid = mh // be
    off = part * grid
    return pl.pallas_call(
        _edge_kernel,
        grid=(grid,),
        in_specs=[
            pl.BlockSpec((be, d), lambda i: (i + off, 0)),
            pl.BlockSpec((d, ha), lambda i: (0, 0)),
            pl.BlockSpec((d, ha), lambda i: (0, 0)),
            pl.BlockSpec((d, ha // 2), lambda i: (0, 0)),
            pl.BlockSpec((d, ha // 2), lambda i: (0, 0)),
            pl.BlockSpec((ha, 8), lambda i: (0, 0)),
            pl.BlockSpec((8, ha // 2), lambda i: (0, 0)),
            pl.BlockSpec((8, ha // 2), lambda i: (0, 0)),
            pl.BlockSpec((8, PW - 64), lambda i: (0, 0)),
            pl.BlockSpec((8, PW - 64), lambda i: (0, 0)),
        ],
        out_specs=pl.BlockSpec((2, be, PW), lambda i: (0, i, 0)),
        out_shape=jax.ShapeDtypeStruct((2, mh, PW), jnp.float32),
    )(msg, wq2, wk2, wva, wvb, g, gta, gtb, pa, pb)



def _sc_scatter(payload, idx32, ebase):
    m_edges = payload.shape[1]
    ept = m_edges // NS
    nch = ept // CH
    tail = ept - nch * CH
    rows_pt = NPAD // NS
    zr = rows_pt // 10

    mesh = plsc.VectorSubcoreMesh(core_axis_name="c", subcore_axis_name="s")

    @functools.partial(
        pl.kernel,
        out_type=jax.ShapeDtypeStruct((NC, NPAD, AW), jnp.float32),
        mesh=mesh,
        scratch_types=[
            pltpu.VMEM((CH, AW), jnp.float32),
            pltpu.VMEM((CH, AW), jnp.float32),
            pltpu.VMEM((CH,), jnp.int32),
            pltpu.VMEM((CH,), jnp.int32),
            pltpu.VMEM((max(tail, 8), AW), jnp.float32),
            pltpu.VMEM((max(tail, 8),), jnp.int32),
            pltpu.VMEM((zr, AW), jnp.float32),
            pltpu.VMEM_SHARED((NPAD, AW), jnp.float32),
            pltpu.SemaphoreType.DMA,
            pltpu.SemaphoreType.DMA,
        ],
        compiler_params=pltpu.CompilerParams(use_tc_tiling_on_sc=False),
    )
    def body(pay_hbm, idx_hbm, out_hbm, buf0, buf1, ibuf0, ibuf1,
             tbuf, tibuf, zbuf, acc, sem0, sem1):
        cid = lax.axis_index("c")
        sid = lax.axis_index("s")
        base = sid * ept
        bufs = (buf0, buf1)
        ibufs = (ibuf0, ibuf1)
        sems = (sem0, sem1)

        def issue(c, b):
            pltpu.async_copy(
                pay_hbm.at[cid, pl.ds(base + c * CH, CH), pl.ds(0, AW)],
                bufs[b], sems[b])
            pltpu.async_copy(idx_hbm.at[pl.ds(ebase + base + c * CH, CH)],
                             ibufs[b], sems[b])

        issue(0, 0)
        issue(1, 1)

        def zrow(i, _):
            for j in range(AW // 16):
                zbuf[i, pl.ds(j * 16, 16)] = jnp.zeros((16,), jnp.float32)
            if AW % 16:
                zbuf[i, pl.ds(AW - 16, 16)] = jnp.zeros((16,), jnp.float32)
            return 0
        lax.fori_loop(0, zr, zrow, 0)
        for r in range(rows_pt // zr):
            pltpu.sync_copy(zbuf, acc.at[pl.ds(sid * rows_pt + r * zr, zr)])
        plsc.subcore_barrier()

        def chunk_pair(i, _):
            for b in range(2):
                c = i * 2 + b
                pltpu.make_async_copy(
                    pay_hbm.at[cid, pl.ds(0, CH), pl.ds(0, AW)],
                    bufs[b], sems[b]).wait()
                pltpu.make_async_copy(idx_hbm.at[pl.ds(0, CH)],
                                      ibufs[b], sems[b]).wait()
                pltpu.sync_copy(bufs[b], acc.at[ibufs[b]], add=True)

                @pl.when(c + 2 < nch)
                def _():
                    issue(c + 2, b)
            return 0
        lax.fori_loop(0, nch // 2, chunk_pair, 0)

        if nch % 2:
            pltpu.make_async_copy(
                pay_hbm.at[cid, pl.ds(0, CH), pl.ds(0, AW)],
                bufs[0], sems[0]).wait()
            pltpu.make_async_copy(idx_hbm.at[pl.ds(0, CH)],
                                  ibufs[0], sems[0]).wait()
            pltpu.sync_copy(bufs[0], acc.at[ibufs[0]], add=True)

        if tail:
            pltpu.sync_copy(
                pay_hbm.at[cid, pl.ds(base + nch * CH, tail), pl.ds(0, AW)],
                tbuf)
            pltpu.sync_copy(idx_hbm.at[pl.ds(ebase + base + nch * CH, tail)],
                            tibuf)
            pltpu.sync_copy(tbuf, acc.at[tibuf], add=True)

        plsc.subcore_barrier()
        pltpu.sync_copy(acc.at[pl.ds(sid * rows_pt, rows_pt)],
                        out_hbm.at[cid, pl.ds(sid * rows_pt, rows_pt)])

    return body(payload, idx32)



def _finish_kernel(*refs):
    npart = len(refs) - 7
    part_refs = refs[:npart]
    t0_ref, t1_ref, s0_ref, s1_ref, wt_ref, b_ref, out_ref = refs[npart:]
    p0 = part_refs[0][0]
    p1 = part_refs[0][1]
    for pr in part_refs[1:]:
        p0 = p0 + pr[0]
        p1 = p1 + pr[1]
    num = (jnp.dot(p0, t0_ref[...], preferred_element_type=jnp.float32)
           + jnp.dot(p1, t1_ref[...], preferred_element_type=jnp.float32))
    den = (jnp.dot(p0, s0_ref[...], preferred_element_type=jnp.float32)
           + jnp.dot(p1, s1_ref[...], preferred_element_type=jnp.float32))
    ratio = jnp.where(den > 0, num / den, 0.0)
    out_ref[...] = (
        jnp.dot(ratio, wt_ref[...], preferred_element_type=jnp.float32)
        + b_ref[...]
    )


def _finish(partials, t0, t1, s0, s1, wt, b2, bn):
    n, d = N_NODES, wt.shape[1]
    return pl.pallas_call(
        _finish_kernel,
        grid=(n // bn,),
        in_specs=[
            pl.BlockSpec((NC, bn, AW), lambda i: (0, i, 0))
            for _ in partials
        ] + [
            pl.BlockSpec((AW, 128), lambda i: (0, 0)),
            pl.BlockSpec((AW, 128), lambda i: (0, 0)),
            pl.BlockSpec((AW, 128), lambda i: (0, 0)),
            pl.BlockSpec((AW, 128), lambda i: (0, 0)),
            pl.BlockSpec((128, d), lambda i: (0, 0)),
            pl.BlockSpec((1, d), lambda i: (0, 0)),
        ],
        out_specs=pl.BlockSpec((bn, d), lambda i: (i, 0)),
        out_shape=jax.ShapeDtypeStruct((n, d), jnp.float32),
    )(*partials, t0, t1, s0, s1, wt, b2)



def kernel(msg, index, t, dim_size, Wq, Wk, Wv, out_W, out_b):
    m_edges, d = msg.shape
    h, _, a = Wq.shape
    ha = h * a
    hh = h // 2

    wq2 = jnp.transpose(Wq, (1, 0, 2)).reshape(d, ha)
    wk2 = jnp.transpose(Wk, (1, 0, 2)).reshape(d, ha)
    wv2 = jnp.transpose(Wv, (1, 0, 2)).reshape(d, ha)
    wva, wvb = wv2[:, :ha // 2], wv2[:, ha // 2:]

    gnp = np.zeros((ha, 8), np.float32)
    for i in range(h):
        gnp[i * a:(i + 1) * a, i] = 1.0
    g = jnp.asarray(gnp)
    gta = np.zeros((8, ha // 2), np.float32)
    gtb = np.zeros((8, ha // 2), np.float32)
    for i in range(hh):
        gta[i, i * a:(i + 1) * a] = 1.0
        gtb[hh + i, i * a:(i + 1) * a] = 1.0
    pa = np.zeros((8, PW - 64), np.float32)
    pb = np.zeros((8, PW - 64), np.float32)
    for i in range(hh):
        pa[i, i] = 1.0
        pb[hh + i, i] = 1.0
    t0 = np.zeros((AW, 128), np.float32)
    t1 = np.zeros((AW, 128), np.float32)
    s0 = np.zeros((AW, 128), np.float32)
    s1 = np.zeros((AW, 128), np.float32)
    for i in range(hh * a):
        t0[i, i] = 1.0
        t1[i, hh * a + i] = 1.0
    for i in range(hh):
        s0[hh * a + i, i * a:(i + 1) * a] = 1.0
        s1[hh * a + i, (hh + i) * a:(hh + i + 1) * a] = 1.0

    idx32 = index.astype(jnp.int32)
    nparts = 5
    mh = m_edges // nparts
    partials = []
    for part in range(nparts):
        payload = _edge_payload(msg, wq2, wk2, wva, wvb, g,
                                jnp.asarray(gta), jnp.asarray(gtb),
                                jnp.asarray(pa), jnp.asarray(pb), be=2000,
                                part=part, nparts=nparts)
        partials.append(_sc_scatter(payload, idx32, ebase=part * mh))
    out = _finish(partials, jnp.asarray(t0), jnp.asarray(t1),
                  jnp.asarray(s0), jnp.asarray(s1),
                  jnp.transpose(out_W), out_b.reshape(1, d), bn=2000)
    return out

# --- scband reference (transcript-rebuilt; emitter-appended) ---
"""Pipeline reference for scband-multi-head-attention-aggregator-27736898798014 (READ-ONLY COPY).

The authoritative reference and input builder live on the scoring server;
editing this copy changes nothing except your own understanding.
"""

import jax, jax.numpy as jnp
import numpy as np

M = 320000
D = 128
H = 4
A = 32
N = 10000


def setup_inputs(seed: int = 0) -> dict:
    key = jax.random.key(seed)
    k1, k2, k3, k4, k5, k6, k7, k8 = jax.random.split(key, 8)
    msg = jax.random.normal(k1, (M, D), dtype=jnp.float32)
    index = jax.random.randint(k2, (M,), 0, N, dtype=jnp.int64)
    t = jax.random.normal(k3, (M,), dtype=jnp.float32)
    Wq = jax.random.normal(k4, (H, D, A), dtype=jnp.float32) * 0.05
    Wk = jax.random.normal(k5, (H, D, A), dtype=jnp.float32) * 0.05
    Wv = jax.random.normal(k6, (H, D, A), dtype=jnp.float32) * 0.05
    out_W = jax.random.normal(k7, (D, H * A), dtype=jnp.float32) * 0.05
    out_b = jax.random.normal(k8, (D,), dtype=jnp.float32) * 0.05
    return {"msg": msg, "index": index, "t": t, "dim_size": N,
            "Wq": Wq, "Wk": Wk, "Wv": Wv, "out_W": out_W, "out_b": out_b}


def _scatter_softmax(scores, index, num_segments):
    # per-destination-node softmax over incoming messages
    smax = jax.ops.segment_max(scores, index, num_segments=num_segments)
    smax = jnp.where(jnp.isfinite(smax), smax, 0.0)
    e = jnp.exp(scores - smax[index])
    denom = jax.ops.segment_sum(e, index, num_segments=num_segments)
    return e / denom[index]


def reference(msg, index, t, dim_size, Wq, Wk, Wv, out_W, out_b):
    # per-head Q/K/V projections (dropout p=0.0 -> identity)
    q = jnp.einsum('md,hda->hma', msg, Wq)
    k = jnp.einsum('md,hda->hma', msg, Wk)
    v = jnp.einsum('md,hda->hma', msg, Wv)
    scores = jnp.sum(q * k, axis=-1, keepdims=True)  # [H, m, 1]
    scores = jnp.where(scores >= 0, scores, 0.2 * scores)  # leaky_relu(0.2)
    head_outputs = []
    for i in range(H):
        att = _scatter_softmax(scores[i], index, N)  # [m, 1]
        weighted = v[i] * att  # [m, A]
        out_i = jax.ops.segment_sum(weighted, index, num_segments=N)  # [N, A]
        head_outputs.append(out_i)
    out = jnp.concatenate(head_outputs, axis=-1)  # [N, H*A]
    out = out @ out_W.T + out_b  # Linear(H*A -> D)
    out = out + (dim_size - dim_size)
    return out

if __name__ == "__main__":
    import jax
    _d = setup_inputs()
    print(jax.jit(kernel)(*tuple(_d.values())))

</pallas_src>

<mosaic_0001>
#map = affine_map<(d0, d1) -> (0, 0, 0)>
#map1 = affine_map<(d0, d1) -> (0)>
module attributes {stable_mosaic.version = 14 : i64} {
  func.func @body(%arg0: i32, %arg1: i32, %arg2: memref<2x64000x128xf32, #tpu.memory_space<hbm>>, %arg3: memref<320000xi32, #tpu.memory_space<hbm>>, %arg4: memref<2x10240x72xf32, #tpu.memory_space<hbm>>, %arg5: memref<128x72xf32, #tpu.memory_space<vmem>>, %arg6: memref<128x72xf32, #tpu.memory_space<vmem>>, %arg7: memref<128xi32, #tpu.memory_space<vmem>>, %arg8: memref<128xi32, #tpu.memory_space<vmem>>, %arg9: memref<32x72xf32, #tpu.memory_space<vmem>>, %arg10: memref<32xi32, #tpu.memory_space<vmem>>, %arg11: memref<64x72xf32, #tpu.memory_space<vmem>>, %arg12: memref<10240x72xf32, #tpu.memory_space<vmem_shared>>, %arg13: memref<!tpu.dma_semaphore, #tpu.memory_space<semaphore_mem>>, %arg14: memref<!tpu.dma_semaphore, #tpu.memory_space<semaphore_mem>>) attributes {dimension_semantics = [#tpu.dimension_semantics<core_parallel>, #tpu.dimension_semantics<subcore_parallel>], iteration_bounds = array<i64: 2, 16>, scalar_prefetch = 0 : i64, scratch_operands = 10 : i64, tpu.core_type = #tpu.core_type<sc_vector_subcore>, window_params = [{transform_indices = #map}, {transform_indices = #map1}, {transform_indices = #map}]} {
    %mul3A = arith.constant 4000 : i32
    %mul3A_0 = arith.muli %arg1, %mul3A : i32
    %add3A = arith.constant 0 : i32
    %add3A_1 = arith.addi %mul3A_0, %add3A : i32
    %dma_start3A = arith.constant 0 : i32
    %dma_start3A_2 = tpu.memref_slice %arg2[%arg0, %add3A_1, %dma_start3A] : memref<2x64000x128xf32, #tpu.memory_space<hbm>> -> memref<1x128x72xf32, #tpu.memory_space<hbm>>
    %dma_start3A_3 = tpu.memref_squeeze %dma_start3A_2 : memref<1x128x72xf32, #tpu.memory_space<hbm>> -> memref<128x72xf32, #tpu.memory_space<hbm>>
    %dma_start3A_4 = arith.constant 0 : i32
    %dma_start3A_5 = tpu.memref_slice %arg2[%arg0, %add3A_1, %dma_start3A_4] : memref<2x64000x128xf32, #tpu.memory_space<hbm>> -> memref<1x128x72xf32, #tpu.memory_space<hbm>>
    %dma_start3A_6 = tpu.memref_squeeze %dma_start3A_5 : memref<1x128x72xf32, #tpu.memory_space<hbm>> -> memref<128x72xf32, #tpu.memory_space<hbm>>
    tpu.enqueue_dma source(%dma_start3A_6 : memref<128x72xf32, #tpu.memory_space<hbm>>) target(%arg5 : memref<128x72xf32, #tpu.memory_space<vmem>>) target_semaphore(%arg13 : memref<!tpu.dma_semaphore, #tpu.memory_space<semaphore_mem>>)
    %add3A_7 = arith.constant 192000 : i32
    %add3A_8 = arith.addi %add3A_7, %mul3A_0 : i32
    %add3A_9 = arith.constant 0 : i32
    %add3A_10 = arith.addi %add3A_8, %add3A_9 : i32
    %dma_start3A_11 = tpu.memref_slice %arg3[%add3A_10] : memref<320000xi32, #tpu.memory_space<hbm>> -> memref<128xi32, #tpu.memory_space<hbm>>
    %dma_start3A_12 = tpu.memref_slice %arg3[%add3A_10] : memref<320000xi32, #tpu.memory_space<hbm>> -> memref<128xi32, #tpu.memory_space<hbm>>
    tpu.enqueue_dma source(%dma_start3A_12 : memref<128xi32, #tpu.memory_space<hbm>>) target(%arg7 : memref<128xi32, #tpu.memory_space<vmem>>) target_semaphore(%arg13 : memref<!tpu.dma_semaphore, #tpu.memory_space<semaphore_mem>>)
    %add3A_13 = arith.constant 128 : i32
    %add3A_14 = arith.addi %mul3A_0, %add3A_13 : i32
    %dma_start3A_15 = arith.constant 0 : i32
    %dma_start3A_16 = tpu.memref_slice %arg2[%arg0, %add3A_14, %dma_start3A_15] : memref<2x64000x128xf32, #tpu.memory_space<hbm>> -> memref<1x128x72xf32, #tpu.memory_space<hbm>>
    %dma_start3A_17 = tpu.memref_squeeze %dma_start3A_16 : memref<1x128x72xf32, #tpu.memory_space<hbm>> -> memref<128x72xf32, #tpu.memory_space<hbm>>
    %dma_start3A_18 = arith.constant 0 : i32
    %dma_start3A_19 = tpu.memref_slice %arg2[%arg0, %add3A_14, %dma_start3A_18] : memref<2x64000x128xf32, #tpu.memory_space<hbm>> -> memref<1x128x72xf32, #tpu.memory_space<hbm>>
    %dma_start3A_20 = tpu.memref_squeeze %dma_start3A_19 : memref<1x128x72xf32, #tpu.memory_space<hbm>> -> memref<128x72xf32, #tpu.memory_space<hbm>>
    tpu.enqueue_dma source(%dma_start3A_20 : memref<128x72xf32, #tpu.memory_space<hbm>>) target(%arg6 : memref<128x72xf32, #tpu.memory_space<vmem>>) target_semaphore(%arg14 : memref<!tpu.dma_semaphore, #tpu.memory_space<semaphore_mem>>)
    %add3A_21 = arith.constant 192000 : i32
    %add3A_22 = arith.addi %add3A_21, %mul3A_0 : i32
    %add3A_23 = arith.constant 128 : i32
    %add3A_24 = arith.addi %add3A_22, %add3A_23 : i32
    %dma_start3A_25 = tpu.memref_slice %arg3[%add3A_24] : memref<320000xi32, #tpu.memory_space<hbm>> -> memref<128xi32, #tpu.memory_space<hbm>>
    %dma_start3A_26 = tpu.memref_slice %arg3[%add3A_24] : memref<320000xi32, #tpu.memory_space<hbm>> -> memref<128xi32, #tpu.memory_space<hbm>>
    tpu.enqueue_dma source(%dma_start3A_26 : memref<128xi32, #tpu.memory_space<hbm>>) target(%arg8 : memref<128xi32, #tpu.memory_space<vmem>>) target_semaphore(%arg14 : memref<!tpu.dma_semaphore, #tpu.memory_space<semaphore_mem>>)
    %scan3A = arith.constant 0 : i32
    %scan3A_27 = arith.constant 0 : i32
    %scan3A_28 = arith.constant 64 : i32
    %scan3A_29 = arith.addi %scan3A_27, %scan3A_28 : i32
    %scan3A_30 = arith.constant 1 : i32
    %scan3A_31 = scf.for %scan3A_102 = %scan3A_27 to %scan3A_29 step %scan3A_30 iter_args(%scan3A_103 = %scan3A) -> (i32)  : i32 {
      %broadcast_in_dim3A = arith.constant 0.000000e+00 : f32
      %broadcast_in_dim3A_104 = vector.broadcast %broadcast_in_dim3A : f32 to vector<16xf32>
      %swap3A = arith.index_cast %scan3A_102 : i32 to index
      %swap3A_105 = arith.constant 0 : index
      %swap3A_106 = tpu.vector_load %arg11[%swap3A, %swap3A_105] {strides = array<i32>} : memref<64x72xf32, #tpu.memory_space<vmem>>, vector<1x16xf32>,
      %swap3A_107 = vector.shape_cast %swap3A_106 : vector<1x16xf32> to vector<16xf32>
      %swap3A_108 = vector.shape_cast %broadcast_in_dim3A_104 : vector<16xf32> to vector<1x16xf32>
      tpu.vector_store %arg11[%swap3A, %swap3A_105], %swap3A_108 {strides = array<i32>} : memref<64x72xf32, #tpu.memory_space<vmem>>, vector<1x16xf32>,
      %broadcast_in_dim3A_109 = arith.constant 0.000000e+00 : f32
      %broadcast_in_dim3A_110 = vector.broadcast %broadcast_in_dim3A_109 : f32 to vector<16xf32>
      %swap3A_111 = arith.index_cast %scan3A_102 : i32 to index
      %swap3A_112 = arith.constant 16 : index
      %swap3A_113 = tpu.vector_load %arg11[%swap3A_111, %swap3A_112] {strides = array<i32>} : memref<64x72xf32, #tpu.memory_space<vmem>>, vector<1x16xf32>,
      %swap3A_114 = vector.shape_cast %swap3A_113 : vector<1x16xf32> to vector<16xf32>
      %swap3A_115 = vector.shape_cast %broadcast_in_dim3A_110 : vector<16xf32> to vector<1x16xf32>
      tpu.vector_store %arg11[%swap3A_111, %swap3A_112], %swap3A_115 {strides = array<i32>} : memref<64x72xf32, #tpu.memory_space<vmem>>, vector<1x16xf32>,
      %broadcast_in_dim3A_116 = arith.constant 0.000000e+00 : f32
      %broadcast_in_dim3A_117 = vector.broadcast %broadcast_in_dim3A_116 : f32 to vector<16xf32>
      %swap3A_118 = arith.index_cast %scan3A_102 : i32 to index
      %swap3A_119 = arith.constant 32 : index
      %swap3A_120 = tpu.vector_load %arg11[%swap3A_118, %swap3A_119] {strides = array<i32>} : memref<64x72xf32, #tpu.memory_space<vmem>>, vector<1x16xf32>,
      %swap3A_121 = vector.shape_cast %swap3A_120 : vector<1x16xf32> to vector<16xf32>
      %swap3A_122 = vector.shape_cast %broadcast_in_dim3A_117 : vector<16xf32> to vector<1x16xf32>
      tpu.vector_store %arg11[%swap3A_118, %swap3A_119], %swap3A_122 {strides = array<i32>} : memref<64x72xf32, #tpu.memory_space<vmem>>, vector<1x16xf32>,
      %broadcast_in_dim3A_123 = arith.constant 0.000000e+00 : f32
      %broadcast_in_dim3A_124 = vector.broadcast %broadcast_in_dim3A_123 : f32 to vector<16xf32>
      %swap3A_125 = arith.index_cast %scan3A_102 : i32 to index
      %swap3A_126 = arith.constant 48 : index
      %swap3A_127 = tpu.vector_load %arg11[%swap3A_125, %swap3A_126] {strides = array<i32>} : memref<64x72xf32, #tpu.memory_space<vmem>>, vector<1x16xf32>,
      %swap3A_128 = vector.shape_cast %swap3A_127 : vector<1x16xf32> to vector<16xf32>
      %swap3A_129 = vector.shape_cast %broadcast_in_dim3A_124 : vector<16xf32> to vector<1x16xf32>
      tpu.vector_store %arg11[%swap3A_125, %swap3A_126], %swap3A_129 {strides = array<i32>} : memref<64x72xf32, #tpu.memory_space<vmem>>, vector<1x16xf32>,
      %broadcast_in_dim3A_130 = arith.constant 0.000000e+00 : f32
      %broadcast_in_dim3A_131 = vector.broadcast %broadcast_in_dim3A_130 : f32 to vector<16xf32>
      %swap3A_132 = arith.index_cast %scan3A_102 : i32 to index
      %swap3A_133 = arith.constant 56 : index
      %swap3A_134 = tpu.vector_load %arg11[%swap3A_132, %swap3A_133] {strides = array<i32>} : memref<64x72xf32, #tpu.memory_space<vmem>>, vector<1x16xf32>,
      %swap3A_135 = vector.shape_cast %swap3A_134 : vector<1x16xf32> to vector<16xf32>
      %swap3A_136 = vector.shape_cast %broadcast_in_dim3A_131 : vector<16xf32> to vector<1x16xf32>
      tpu.vector_store %arg11[%swap3A_132, %swap3A_133], %swap3A_136 {strides = array<i32>} : memref<64x72xf32, #tpu.memory_space<vmem>>, vector<1x16xf32>,
      %scan3A_137 = arith.constant 0 : i32
      scf.yield %scan3A_137 : i32
    }
    %scan3A_32 = arith.constant 64 : i32
    %mul3A_33 = arith.constant 640 : i32
    %mul3A_34 = arith.muli %arg1, %mul3A_33 : i32
    %add3A_35 = arith.constant 0 : i32
    %add3A_36 = arith.addi %mul3A_34, %add3A_35 : i32
    "tpu.region"() ({
      %run_scoped3A = tpu.sem_alloc : memref<!tpu.dma_semaphore, #tpu.memory_space<semaphore_mem>>
      %dma_start3A_102 = arith.constant 0 : i32
      %dma_start3A_103 = tpu.memref_slice %arg12[%add3A_36, %dma_start3A_102] : memref<10240x72xf32, #tpu.memory_space<vmem_shared>> -> memref<64x72xf32, #tpu.memory_space<vmem_shared>>
      %dma_start3A_104 = arith.constant 0 : i32
      %dma_start3A_105 = tpu.memref_slice %arg12[%add3A_36, %dma_start3A_104] : memref<10240x72xf32, #tpu.memory_space<vmem_shared>> -> memref<64x72xf32, #tpu.memory_space<vmem_shared>>
      tpu.enqueue_dma source(%arg11 : memref<64x72xf32, #tpu.memory_space<vmem>>) target(%dma_start3A_105 : memref<64x72xf32, #tpu.memory_space<vmem_shared>>) target_semaphore(%run_scoped3A : memref<!tpu.dma_semaphore, #tpu.memory_space<semaphore_mem>>)
      %dma_wait3A_106 = arith.constant 0 : i32
      %dma_wait3A_107 = tpu.memref_slice %arg12[%add3A_36, %dma_wait3A_106] : memref<10240x72xf32, #tpu.memory_space<vmem_shared>> -> memref<64x72xf32, #tpu.memory_space<vmem_shared>>
      %dma_wait3A_108 = arith.constant 0 : i32
      %dma_wait3A_109 = tpu.memref_slice %arg12[%add3A_36, %dma_wait3A_108] : memref<10240x72xf32, #tpu.memory_space<vmem_shared>> -> memref<64x72xf32, #tpu.memory_space<vmem_shared>>
      tpu.wait_dma2 semaphore(%run_scoped3A : memref<!tpu.dma_semaphore, #tpu.memory_space<semaphore_mem>>) src(%arg11 : memref<64x72xf32, #tpu.memory_space<vmem>>) dst(%dma_wait3A_109 : memref<64x72xf32, #tpu.memory_space<vmem_shared>>)
      tpu.yield
    }) : () -> ()
    %mul3A_37 = arith.constant 640 : i32
    %mul3A_38 = arith.muli %arg1, %mul3A_37 : i32
    %add3A_39 = arith.constant 64 : i32
    %add3A_40 = arith.addi %mul3A_38, %add3A_39 : i32
    "tpu.region"() ({
      %run_scoped3A = tpu.sem_alloc : memref<!tpu.dma_semaphore, #tpu.memory_space<semaphore_mem>>
      %dma_start3A_102 = arith.constant 0 : i32
      %dma_start3A_103 = tpu.memref_slice %arg12[%add3A_40, %dma_start3A_102] : memref<10240x72xf32, #tpu.memory_space<vmem_shared>> -> memref<64x72xf32, #tpu.memory_space<vmem_shared>>
      %dma_start3A_104 = arith.constant 0 : i32
      %dma_start3A_105 = tpu.memref_slice %arg12[%add3A_40, %dma_start3A_104] : memref<10240x72xf32, #tpu.memory_space<vmem_shared>> -> memref<64x72xf32, #tpu.memory_space<vmem_shared>>
      tpu.enqueue_dma source(%arg11 : memref<64x72xf32, #tpu.memory_space<vmem>>) target(%dma_start3A_105 : memref<64x72xf32, #tpu.memory_space<vmem_shared>>) target_semaphore(%run_scoped3A : memref<!tpu.dma_semaphore, #tpu.memory_space<semaphore_mem>>)
      %dma_wait3A_106 = arith.constant 0 : i32
      %dma_wait3A_107 = tpu.memref_slice %arg12[%add3A_40, %dma_wait3A_106] : memref<10240x72xf32, #tpu.memory_space<vmem_shared>> -> memref<64x72xf32, #tpu.memory_space<vmem_shared>>
      %dma_wait3A_108 = arith.constant 0 : i32
      %dma_wait3A_109 = tpu.memref_slice %arg12[%add3A_40, %dma_wait3A_108] : memref<10240x72xf32, #tpu.memory_space<vmem_shared>> -> memref<64x72xf32, #tpu.memory_space<vmem_shared>>
      tpu.wait_dma2 semaphore(%run_scoped3A : memref<!tpu.dma_semaphore, #tpu.memory_space<semaphore_mem>>) src(%arg11 : memref<64x72xf32, #tpu.memory_space<vmem>>) dst(%dma_wait3A_109 : memref<64x72xf32, #tpu.memory_space<vmem_shared>>)
      tpu.yield
    }) : () -> ()
    %mul3A_41 = arith.constant 640 : i32
    %mul3A_42 = arith.muli %arg1, %mul3A_41 : i32
    %add3A_43 = arith.constant 128 : i32
    %add3A_44 = arith.addi %mul3A_42, %add3A_43 : i32
    "tpu.region"() ({
      %run_scoped3A = tpu.sem_alloc : memref<!tpu.dma_semaphore, #tpu.memory_space<semaphore_mem>>
      %dma_start3A_102 = arith.constant 0 : i32
      %dma_start3A_103 = tpu.memref_slice %arg12[%add3A_44, %dma_start3A_102] : memref<10240x72xf32, #tpu.memory_space<vmem_shared>> -> memref<64x72xf32, #tpu.memory_space<vmem_shared>>
      %dma_start3A_104 = arith.constant 0 : i32
      %dma_start3A_105 = tpu.memref_slice %arg12[%add3A_44, %dma_start3A_104] : memref<10240x72xf32, #tpu.memory_space<vmem_shared>> -> memref<64x72xf32, #tpu.memory_space<vmem_shared>>
      tpu.enqueue_dma source(%arg11 : memref<64x72xf32, #tpu.memory_space<vmem>>) target(%dma_start3A_105 : memref<64x72xf32, #tpu.memory_space<vmem_shared>>) target_semaphore(%run_scoped3A : memref<!tpu.dma_semaphore, #tpu.memory_space<semaphore_mem>>)
      %dma_wait3A_106 = arith.constant 0 : i32
      %dma_wait3A_107 = tpu.memref_slice %arg12[%add3A_44, %dma_wait3A_106] : memref<10240x72xf32, #tpu.memory_space<vmem_shared>> -> memref<64x72xf32, #tpu.memory_space<vmem_shared>>
      %dma_wait3A_108 = arith.constant 0 : i32
      %dma_wait3A_109 = tpu.memref_slice %arg12[%add3A_44, %dma_wait3A_108] : memref<10240x72xf32, #tpu.memory_space<vmem_shared>> -> memref<64x72xf32, #tpu.memory_space<vmem_shared>>
      tpu.wait_dma2 semaphore(%run_scoped3A : memref<!tpu.dma_semaphore, #tpu.memory_space<semaphore_mem>>) src(%arg11 : memref<64x72xf32, #tpu.memory_space<vmem>>) dst(%dma_wait3A_109 : memref<64x72xf32, #tpu.memory_space<vmem_shared>>)
      tpu.yield
    }) : () -> ()
    %mul3A_45 = arith.constant 640 : i32
    %mul3A_46 = arith.muli %arg1, %mul3A_45 : i32
    %add3A_47 = arith.constant 192 : i32
    %add3A_48 = arith.addi %mul3A_46, %add3A_47 : i32
    "tpu.region"() ({
      %run_scoped3A = tpu.sem_alloc : memref<!tpu.dma_semaphore, #tpu.memory_space<semaphore_mem>>
      %dma_start3A_102 = arith.constant 0 : i32
      %dma_start3A_103 = tpu.memref_slice %arg12[%add3A_48, %dma_start3A_102] : memref<10240x72xf32, #tpu.memory_space<vmem_shared>> -> memref<64x72xf32, #tpu.memory_space<vmem_shared>>
      %dma_start3A_104 = arith.constant 0 : i32
      %dma_start3A_105 = tpu.memref_slice %arg12[%add3A_48, %dma_start3A_104] : memref<10240x72xf32, #tpu.memory_space<vmem_shared>> -> memref<64x72xf32, #tpu.memory_space<vmem_shared>>
      tpu.enqueue_dma source(%arg11 : memref<64x72xf32, #tpu.memory_space<vmem>>) target(%dma_start3A_105 : memref<64x72xf32, #tpu.memory_space<vmem_shared>>) target_semaphore(%run_scoped3A : memref<!tpu.dma_semaphore, #tpu.memory_space<semaphore_mem>>)
      %dma_wait3A_106 = arith.constant 0 : i32
      %dma_wait3A_107 = tpu.memref_slice %arg12[%add3A_48, %dma_wait3A_106] : memref<10240x72xf32, #tpu.memory_space<vmem_shared>> -> memref<64x72xf32, #tpu.memory_space<vmem_shared>>
      %dma_wait3A_108 = arith.constant 0 : i32
      %dma_wait3A_109 = tpu.memref_slice %arg12[%add3A_48, %dma_wait3A_108] : memref<10240x72xf32, #tpu.memory_space<vmem_shared>> -> memref<64x72xf32, #tpu.memory_space<vmem_shared>>
      tpu.wait_dma2 semaphore(%run_scoped3A : memref<!tpu.dma_semaphore, #tpu.memory_space<semaphore_mem>>) src(%arg11 : memref<64x72xf32, #tpu.memory_space<vmem>>) dst(%dma_wait3A_109 : memref<64x72xf32, #tpu.memory_space<vmem_shared>>)
      tpu.yield
    }) : () -> ()
    %mul3A_49 = arith.constant 640 : i32
    %mul3A_50 = arith.muli %arg1, %mul3A_49 : i32
    %add3A_51 = arith.constant 256 : i32
    %add3A_52 = arith.addi %mul3A_50, %add3A_51 : i32
    "tpu.region"() ({
      %run_scoped3A = tpu.sem_alloc : memref<!tpu.dma_semaphore, #tpu.memory_space<semaphore_mem>>
      %dma_start3A_102 = arith.constant 0 : i32
      %dma_start3A_103 = tpu.memref_slice %arg12[%add3A_52, %dma_start3A_102] : memref<10240x72xf32, #tpu.memory_space<vmem_shared>> -> memref<64x72xf32, #tpu.memory_space<vmem_shared>>
      %dma_start3A_104 = arith.constant 0 : i32
      %dma_start3A_105 = tpu.memref_slice %arg12[%add3A_52, %dma_start3A_104] : memref<10240x72xf32, #tpu.memory_space<vmem_shared>> -> memref<64x72xf32, #tpu.memory_space<vmem_shared>>
      tpu.enqueue_dma source(%arg11 : memref<64x72xf32, #tpu.memory_space<vmem>>) target(%dma_start3A_105 : memref<64x72xf32, #tpu.memory_space<vmem_shared>>) target_semaphore(%run_scoped3A : memref<!tpu.dma_semaphore, #tpu.memory_space<semaphore_mem>>)
      %dma_wait3A_106 = arith.constant 0 : i32
      %dma_wait3A_107 = tpu.memref_slice %arg12[%add3A_52, %dma_wait3A_106] : memref<10240x72xf32, #tpu.memory_space<vmem_shared>> -> memref<64x72xf32, #tpu.memory_space<vmem_shared>>
      %dma_wait3A_108 = arith.constant 0 : i32
      %dma_wait3A_109 = tpu.memref_slice %arg12[%add3A_52, %dma_wait3A_108] : memref<10240x72xf32, #tpu.memory_space<vmem_shared>> -> memref<64x72xf32, #tpu.memory_space<vmem_shared>>
      tpu.wait_dma2 semaphore(%run_scoped3A : memref<!tpu.dma_semaphore, #tpu.memory_space<semaphore_mem>>) src(%arg11 : memref<64x72xf32, #tpu.memory_space<vmem>>) dst(%dma_wait3A_109 : memref<64x72xf32, #tpu.memory_space<vmem_shared>>)
      tpu.yield
    }) : () -> ()
    %mul3A_53 = arith.constant 640 : i32
    %mul3A_54 = arith.muli %arg1, %mul3A_53 : i32
    %add3A_55 = arith.constant 320 : i32
    %add3A_56 = arith.addi %mul3A_54, %add3A_55 : i32
    "tpu.region"() ({
      %run_scoped3A = tpu.sem_alloc : memref<!tpu.dma_semaphore, #tpu.memory_space<semaphore_mem>>
      %dma_start3A_102 = arith.constant 0 : i32
      %dma_start3A_103 = tpu.memref_slice %arg12[%add3A_56, %dma_start3A_102] : memref<10240x72xf32, #tpu.memory_space<vmem_shared>> -> memref<64x72xf32, #tpu.memory_space<vmem_shared>>
      %dma_start3A_104 = arith.constant 0 : i32
      %dma_start3A_105 = tpu.memref_slice %arg12[%add3A_56, %dma_start3A_104] : memref<10240x72xf32, #tpu.memory_space<vmem_shared>> -> memref<64x72xf32, #tpu.memory_space<vmem_shared>>
      tpu.enqueue_dma source(%arg11 : memref<64x72xf32, #tpu.memory_space<vmem>>) target(%dma_start3A_105 : memref<64x72xf32, #tpu.memory_space<vmem_shared>>) target_semaphore(%run_scoped3A : memref<!tpu.dma_semaphore, #tpu.memory_space<semaphore_mem>>)
      %dma_wait3A_106 = arith.constant 0 : i32
      %dma_wait3A_107 = tpu.memref_slice %arg12[%add3A_56, %dma_wait3A_106] : memref<10240x72xf32, #tpu.memory_space<vmem_shared>> -> memref<64x72xf32, #tpu.memory_space<vmem_shared>>
      %dma_wait3A_108 = arith.constant 0 : i32
      %dma_wait3A_109 = tpu.memref_slice %arg12[%add3A_56, %dma_wait3A_108] : memref<10240x72xf32, #tpu.memory_space<vmem_shared>> -> memref<64x72xf32, #tpu.memory_space<vmem_shared>>
      tpu.wait_dma2 semaphore(%run_scoped3A : memref<!tpu.dma_semaphore, #tpu.memory_space<semaphore_mem>>) src(%arg11 : memref<64x72xf32, #tpu.memory_space<vmem>>) dst(%dma_wait3A_109 : memref<64x72xf32, #tpu.memory_space<vmem_shared>>)
      tpu.yield
    }) : () -> ()
    %mul3A_57 = arith.constant 640 : i32
    %mul3A_58 = arith.muli %arg1, %mul3A_57 : i32
    %add3A_59 = arith.constant 384 : i32
    %add3A_60 = arith.addi %mul3A_58, %add3A_59 : i32
    "tpu.region"() ({
      %run_scoped3A = tpu.sem_alloc : memref<!tpu.dma_semaphore, #tpu.memory_space<semaphore_mem>>
      %dma_start3A_102 = arith.constant 0 : i32
      %dma_start3A_103 = tpu.memref_slice %arg12[%add3A_60, %dma_start3A_102] : memref<10240x72xf32, #tpu.memory_space<vmem_shared>> -> memref<64x72xf32, #tpu.memory_space<vmem_shared>>
      %dma_start3A_104 = arith.constant 0 : i32
      %dma_start3A_105 = tpu.memref_slice %arg12[%add3A_60, %dma_start3A_104] : memref<10240x72xf32, #tpu.memory_space<vmem_shared>> -> memref<64x72xf32, #tpu.memory_space<vmem_shared>>
      tpu.enqueue_dma source(%arg11 : memref<64x72xf32, #tpu.memory_space<vmem>>) target(%dma_start3A_105 : memref<64x72xf32, #tpu.memory_space<vmem_shared>>) target_semaphore(%run_scoped3A : memref<!tpu.dma_semaphore, #tpu.memory_space<semaphore_mem>>)
      %dma_wait3A_106 = arith.constant 0 : i32
      %dma_wait3A_107 = tpu.memref_slice %arg12[%add3A_60, %dma_wait3A_106] : memref<10240x72xf32, #tpu.memory_space<vmem_shared>> -> memref<64x72xf32, #tpu.memory_space<vmem_shared>>
      %dma_wait3A_108 = arith.constant 0 : i32
      %dma_wait3A_109 = tpu.memref_slice %arg12[%add3A_60, %dma_wait3A_108] : memref<10240x72xf32, #tpu.memory_space<vmem_shared>> -> memref<64x72xf32, #tpu.memory_space<vmem_shared>>
      tpu.wait_dma2 semaphore(%run_scoped3A : memref<!tpu.dma_semaphore, #tpu.memory_space<semaphore_mem>>) src(%arg11 : memref<64x72xf32, #tpu.memory_space<vmem>>) dst(%dma_wait3A_109 : memref<64x72xf32, #tpu.memory_space<vmem_shared>>)
      tpu.yield
    }) : () -> ()
    %mul3A_61 = arith.constant 640 : i32
    %mul3A_62 = arith.muli %arg1, %mul3A_61 : i32
    %add3A_63 = arith.constant 448 : i32
    %add3A_64 = arith.addi %mul3A_62, %add3A_63 : i32
    "tpu.region"() ({
      %run_scoped3A = tpu.sem_alloc : memref<!tpu.dma_semaphore, #tpu.memory_space<semaphore_mem>>
      %dma_start3A_102 = arith.constant 0 : i32
      %dma_start3A_103 = tpu.memref_slice %arg12[%add3A_64, %dma_start3A_102] : memref<10240x72xf32, #tpu.memory_space<vmem_shared>> -> memref<64x72xf32, #tpu.memory_space<vmem_shared>>
      %dma_start3A_104 = arith.constant 0 : i32
      %dma_start3A_105 = tpu.memref_slice %arg12[%add3A_64, %dma_start3A_104] : memref<10240x72xf32, #tpu.memory_space<vmem_shared>> -> memref<64x72xf32, #tpu.memory_space<vmem_shared>>
      tpu.enqueue_dma source(%arg11 : memref<64x72xf32, #tpu.memory_space<vmem>>) target(%dma_start3A_105 : memref<64x72xf32, #tpu.memory_space<vmem_shared>>) target_semaphore(%run_scoped3A : memref<!tpu.dma_semaphore, #tpu.memory_space<semaphore_mem>>)
      %dma_wait3A_106 = arith.constant 0 : i32
      %dma_wait3A_107 = tpu.memref_slice %arg12[%add3A_64, %dma_wait3A_106] : memref<10240x72xf32, #tpu.memory_space<vmem_shared>> -> memref<64x72xf32, #tpu.memory_space<vmem_shared>>
      %dma_wait3A_108 = arith.constant 0 : i32
      %dma_wait3A_109 = tpu.memref_slice %arg12[%add3A_64, %dma_wait3A_108] : memref<10240x72xf32, #tpu.memory_space<vmem_shared>> -> memref<64x72xf32, #tpu.memory_space<vmem_shared>>
      tpu.wait_dma2 semaphore(%run_scoped3A : memref<!tpu.dma_semaphore, #tpu.memory_space<semaphore_mem>>) src(%arg11 : memref<64x72xf32, #tpu.memory_space<vmem>>) dst(%dma_wait3A_109 : memref<64x72xf32, #tpu.memory_space<vmem_shared>>)
      tpu.yield
    }) : () -> ()
    %mul3A_65 = arith.constant 640 : i32
    %mul3A_66 = arith.muli %arg1, %mul3A_65 : i32
    %add3A_67 = arith.constant 512 : i32
    %add3A_68 = arith.addi %mul3A_66, %add3A_67 : i32
    "tpu.region"() ({
      %run_scoped3A = tpu.sem_alloc : memref<!tpu.dma_semaphore, #tpu.memory_space<semaphore_mem>>
      %dma_start3A_102 = arith.constant 0 : i32
      %dma_start3A_103 = tpu.memref_slice %arg12[%add3A_68, %dma_start3A_102] : memref<10240x72xf32, #tpu.memory_space<vmem_shared>> -> memref<64x72xf32, #tpu.memory_space<vmem_shared>>
      %dma_start3A_104 = arith.constant 0 : i32
      %dma_start3A_105 = tpu.memref_slice %arg12[%add3A_68, %dma_start3A_104] : memref<10240x72xf32, #tpu.memory_space<vmem_shared>> -> memref<64x72xf32, #tpu.memory_space<vmem_shared>>
      tpu.enqueue_dma source(%arg11 : memref<64x72xf32, #tpu.memory_space<vmem>>) target(%dma_start3A_105 : memref<64x72xf32, #tpu.memory_space<vmem_shared>>) target_semaphore(%run_scoped3A : memref<!tpu.dma_semaphore, #tpu.memory_space<semaphore_mem>>)
      %dma_wait3A_106 = arith.constant 0 : i32
      %dma_wait3A_107 = tpu.memref_slice %arg12[%add3A_68, %dma_wait3A_106] : memref<10240x72xf32, #tpu.memory_space<vmem_shared>> -> memref<64x72xf32, #tpu.memory_space<vmem_shared>>
      %dma_wait3A_108 = arith.constant 0 : i32
      %dma_wait3A_109 = tpu.memref_slice %arg12[%add3A_68, %dma_wait3A_108] : memref<10240x72xf32, #tpu.memory_space<vmem_shared>> -> memref<64x72xf32, #tpu.memory_space<vmem_shared>>
      tpu.wait_dma2 semaphore(%run_scoped3A : memref<!tpu.dma_semaphore, #tpu.memory_space<semaphore_mem>>) src(%arg11 : memref<64x72xf32, #tpu.memory_space<vmem>>) dst(%dma_wait3A_109 : memref<64x72xf32, #tpu.memory_space<vmem_shared>>)
      tpu.yield
    }) : () -> ()
    %mul3A_69 = arith.constant 640 : i32
    %mul3A_70 = arith.muli %arg1, %mul3A_69 : i32
    %add3A_71 = arith.constant 576 : i32
    %add3A_72 = arith.addi %mul3A_70, %add3A_71 : i32
    "tpu.region"() ({
      %run_scoped3A = tpu.sem_alloc : memref<!tpu.dma_semaphore, #tpu.memory_space<semaphore_mem>>
      %dma_start3A_102 = arith.constant 0 : i32
      %dma_start3A_103 = tpu.memref_slice %arg12[%add3A_72, %dma_start3A_102] : memref<10240x72xf32, #tpu.memory_space<vmem_shared>> -> memref<64x72xf32, #tpu.memory_space<vmem_shared>>
      %dma_start3A_104 = arith.constant 0 : i32
      %dma_start3A_105 = tpu.memref_slice %arg12[%add3A_72, %dma_start3A_104] : memref<10240x72xf32, #tpu.memory_space<vmem_shared>> -> memref<64x72xf32, #tpu.memory_space<vmem_shared>>
      tpu.enqueue_dma source(%arg11 : memref<64x72xf32, #tpu.memory_space<vmem>>) target(%dma_start3A_105 : memref<64x72xf32, #tpu.memory_space<vmem_shared>>) target_semaphore(%run_scoped3A : memref<!tpu.dma_semaphore, #tpu.memory_space<semaphore_mem>>)
      %dma_wait3A_106 = arith.constant 0 : i32
      %dma_wait3A_107 = tpu.memref_slice %arg12[%add3A_72, %dma_wait3A_106] : memref<10240x72xf32, #tpu.memory_space<vmem_shared>> -> memref<64x72xf32, #tpu.memory_space<vmem_shared>>
      %dma_wait3A_108 = arith.constant 0 : i32
      %dma_wait3A_109 = tpu.memref_slice %arg12[%add3A_72, %dma_wait3A_108] : memref<10240x72xf32, #tpu.memory_space<vmem_shared>> -> memref<64x72xf32, #tpu.memory_space<vmem_shared>>
      tpu.wait_dma2 semaphore(%run_scoped3A : memref<!tpu.dma_semaphore, #tpu.memory_space<semaphore_mem>>) src(%arg11 : memref<64x72xf32, #tpu.memory_space<vmem>>) dst(%dma_wait3A_109 : memref<64x72xf32, #tpu.memory_space<vmem_shared>>)
      tpu.yield
    }) : () -> ()
    %barrier3A = arith.constant 0 : index
    tpu.barrier barrier_id(%barrier3A)
    %scan3A_73 = arith.constant 0 : i32
    %scan3A_74 = arith.constant 0 : i32
    %scan3A_75 = arith.constant 15 : i32
    %scan3A_76 = arith.addi %scan3A_74, %scan3A_75 : i32
    %scan3A_77 = arith.constant 1 : i32
    %scan3A_78 = scf.for %scan3A_102 = %scan3A_74 to %scan3A_76 step %scan3A_77 iter_args(%scan3A_103 = %scan3A_73) -> (i32)  : i32 {
      %mul3A_104 = arith.constant 2 : i32
      %mul3A_105 = arith.muli %scan3A_102, %mul3A_104 : i32
      %add3A_106 = arith.constant 0 : i32
      %add3A_107 = arith.addi %mul3A_105, %add3A_106 : i32
      %dma_wait3A_108 = arith.constant 0 : i32
      %dma_wait3A_109 = arith.constant 0 : i32
      %dma_wait3A_110 = tpu.memref_slice %arg2[%arg0, %dma_wait3A_108, %dma_wait3A_109] : memref<2x64000x128xf32, #tpu.memory_space<hbm>> -> memref<1x128x72xf32, #tpu.memory_space<hbm>>
      %dma_wait3A_111 = tpu.memref_squeeze %dma_wait3A_110 : memref<1x128x72xf32, #tpu.memory_space<hbm>> -> memref<128x72xf32, #tpu.memory_space<hbm>>
      %dma_wait3A_112 = arith.constant 0 : i32
      %dma_wait3A_113 = arith.constant 0 : i32
      %dma_wait3A_114 = tpu.memref_slice %arg2[%arg0, %dma_wait3A_112, %dma_wait3A_113] : memref<2x64000x128xf32, #tpu.memory_space<hbm>> -> memref<1x128x72xf32, #tpu.memory_space<hbm>>
      %dma_wait3A_115 = tpu.memref_squeeze %dma_wait3A_114 : memref<1x128x72xf32, #tpu.memory_space<hbm>> -> memref<128x72xf32, #tpu.memory_space<hbm>>
      tpu.wait_dma2 semaphore(%arg13 : memref<!tpu.dma_semaphore, #tpu.memory_space<semaphore_mem>>) src(%dma_wait3A_115 : memref<128x72xf32, #tpu.memory_space<hbm>>) dst(%arg5 : memref<128x72xf32, #tpu.memory_space<vmem>>)
      %dma_wait3A_116 = arith.constant 0 : i32
      %dma_wait3A_117 = tpu.memref_slice %arg3[%dma_wait3A_116] : memref<320000xi32, #tpu.memory_space<hbm>> -> memref<128xi32, #tpu.memory_space<hbm>>
      %dma_wait3A_118 = arith.constant 0 : i32
      %dma_wait3A_119 = tpu.memref_slice %arg3[%dma_wait3A_118] : memref<320000xi32, #tpu.memory_space<hbm>> -> memref<128xi32, #tpu.memory_space<hbm>>
      tpu.wait_dma2 semaphore(%arg13 : memref<!tpu.dma_semaphore, #tpu.memory_space<semaphore_mem>>) src(%dma_wait3A_119 : memref<128xi32, #tpu.memory_space<hbm>>) dst(%arg7 : memref<128xi32, #tpu.memory_space<vmem>>)
      "tpu.region"() ({
        %run_scoped3A = tpu.sem_alloc : memref<!tpu.dma_semaphore, #tpu.memory_space<semaphore_mem>>
        %dma_start3A_148 = arith.constant 0 : i32
        %dma_start3A_149 = arith.constant 0 : i32
        %dma_start3A_150 = tpu.memref_slice %arg12[%dma_start3A_148, %dma_start3A_149] : memref<10240x72xf32, #tpu.memory_space<vmem_shared>> -> memref<10240x72xf32, #tpu.memory_space<vmem_shared>>
        tpu.enqueue_indirect_dma source(%arg5 : memref<128x72xf32, #tpu.memory_space<vmem>>) target(%dma_start3A_150 : memref<10240x72xf32, #tpu.memory_space<vmem_shared>>) offsets(%arg7 : memref<128xi32, #tpu.memory_space<vmem>>) semaphore(%run_scoped3A : memref<!tpu.dma_semaphore, #tpu.memory_space<semaphore_mem>>) {add = true}
        %dma_wait3A_151 = arith.constant 0 : i32
        %dma_wait3A_152 = arith.constant 0 : i32
        %dma_wait3A_153 = tpu.memref_slice %arg12[%dma_wait3A_151, %dma_wait3A_152] : memref<10240x72xf32, #tpu.memory_space<vmem_shared>> -> memref<10240x72xf32, #tpu.memory_space<vmem_shared>>
        tpu.wait_indirect_dma semaphore(%run_scoped3A : memref<!tpu.dma_semaphore, #tpu.memory_space<semaphore_mem>>) src(%arg5 : memref<128x72xf32, #tpu.memory_space<vmem>>) dst(%dma_wait3A_153 : memref<10240x72xf32, #tpu.memory_space<vmem_shared>>)
        tpu.yield
      }) : () -> ()
      %add3A_120 = arith.constant 2 : i32
      %add3A_121 = arith.addi %add3A_107, %add3A_120 : i32
      %lt3A = arith.constant 31 : i32
      %lt3A_122 = arith.cmpi slt, %add3A_121, %lt3A : i32
      %convert_element_type3A = arith.extui %lt3A_122 : i1 to i32
      %cond3A = arith.constant 0 : i32
      %cond3A_123 = arith.cmpi ne, %convert_element_type3A, %cond3A : i32
      scf.if %cond3A_123 {
        %add3A_148 = arith.constant 2 : i32
        %add3A_149 = arith.addi %add3A_107, %add3A_148 : i32
        %mul3A_150 = arith.constant 128 : i32
        %mul3A_151 = arith.muli %add3A_149, %mul3A_150 : i32
        %add3A_152 = arith.addi %mul3A_0, %mul3A_151 : i32
        %dma_start3A_153 = arith.constant 0 : i32
        %dma_start3A_154 = tpu.memref_slice %arg2[%arg0, %add3A_152, %dma_start3A_153] : memref<2x64000x128xf32, #tpu.memory_space<hbm>> -> memref<1x128x72xf32, #tpu.memory_space<hbm>>
        %dma_start3A_155 = tpu.memref_squeeze %dma_start3A_154 : memref<1x128x72xf32, #tpu.memory_space<hbm>> -> memref<128x72xf32, #tpu.memory_space<hbm>>
        %dma_start3A_156 = arith.constant 0 : i32
        %dma_start3A_157 = tpu.memref_slice %arg2[%arg0, %add3A_152, %dma_start3A_156] : memref<2x64000x128xf32, #tpu.memory_space<hbm>> -> memref<1x128x72xf32, #tpu.memory_space<hbm>>
        %dma_start3A_158 = tpu.memref_squeeze %dma_start3A_157 : memref<1x128x72xf32, #tpu.memory_space<hbm>> -> memref<128x72xf32, #tpu.memory_space<hbm>>
        tpu.enqueue_dma source(%dma_start3A_158 : memref<128x72xf32, #tpu.memory_space<hbm>>) target(%arg5 : memref<128x72xf32, #tpu.memory_space<vmem>>) target_semaphore(%arg13 : memref<!tpu.dma_semaphore, #tpu.memory_space<semaphore_mem>>)
        %add3A_159 = arith.constant 192000 : i32
        %add3A_160 = arith.addi %add3A_159, %mul3A_0 : i32
        %mul3A_161 = arith.constant 128 : i32
        %mul3A_162 = arith.muli %add3A_149, %mul3A_161 : i32
        %add3A_163 = arith.addi %add3A_160, %mul3A_162 : i32
        %dma_start3A_164 = tpu.memref_slice %arg3[%add3A_163] : memref<320000xi32, #tpu.memory_space<hbm>> -> memref<128xi32, #tpu.memory_space<hbm>>
        %dma_start3A_165 = tpu.memref_slice %arg3[%add3A_163] : memref<320000xi32, #tpu.memory_space<hbm>> -> memref<128xi32, #tpu.memory_space<hbm>>
        tpu.enqueue_dma source(%dma_start3A_165 : memref<128xi32, #tpu.memory_space<hbm>>) target(%arg7 : memref<128xi32, #tpu.memory_space<vmem>>) target_semaphore(%arg13 : memref<!tpu.dma_semaphore, #tpu.memory_space<semaphore_mem>>)
      } else {
      }
      %mul3A_124 = arith.constant 2 : i32
      %mul3A_125 = arith.muli %scan3A_102, %mul3A_124 : i32
      %add3A_126 = arith.constant 1 : i32
      %add3A_127 = arith.addi %mul3A_125, %add3A_126 : i32
      %dma_wait3A_128 = arith.constant 0 : i32
      %dma_wait3A_129 = arith.constant 0 : i32
      %dma_wait3A_130 = tpu.memref_slice %arg2[%arg0, %dma_wait3A_128, %dma_wait3A_129] : memref<2x64000x128xf32, #tpu.memory_space<hbm>> -> memref<1x128x72xf32, #tpu.memory_space<hbm>>
      %dma_wait3A_131 = tpu.memref_squeeze %dma_wait3A_130 : memref<1x128x72xf32, #tpu.memory_space<hbm>> -> memref<128x72xf32, #tpu.memory_space<hbm>>
      %dma_wait3A_132 = arith.constant 0 : i32
      %dma_wait3A_133 = arith.constant 0 : i32
      %dma_wait3A_134 = tpu.memref_slice %arg2[%arg0, %dma_wait3A_132, %dma_wait3A_133] : memref<2x64000x128xf32, #tpu.memory_space<hbm>> -> memref<1x128x72xf32, #tpu.memory_space<hbm>>
      %dma_wait3A_135 = tpu.memref_squeeze %dma_wait3A_134 : memref<1x128x72xf32, #tpu.memory_space<hbm>> -> memref<128x72xf32, #tpu.memory_space<hbm>>
      tpu.wait_dma2 semaphore(%arg14 : memref<!tpu.dma_semaphore, #tpu.memory_space<semaphore_mem>>) src(%dma_wait3A_135 : memref<128x72xf32, #tpu.memory_space<hbm>>) dst(%arg6 : memref<128x72xf32, #tpu.memory_space<vmem>>)
      %dma_wait3A_136 = arith.constant 0 : i32
      %dma_wait3A_137 = tpu.memref_slice %arg3[%dma_wait3A_136] : memref<320000xi32, #tpu.memory_space<hbm>> -> memref<128xi32, #tpu.memory_space<hbm>>
      %dma_wait3A_138 = arith.constant 0 : i32
      %dma_wait3A_139 = tpu.memref_slice %arg3[%dma_wait3A_138] : memref<320000xi32, #tpu.memory_space<hbm>> -> memref<128xi32, #tpu.memory_space<hbm>>
      tpu.wait_dma2 semaphore(%arg14 : memref<!tpu.dma_semaphore, #tpu.memory_space<semaphore_mem>>) src(%dma_wait3A_139 : memref<128xi32, #tpu.memory_space<hbm>>) dst(%arg8 : memref<128xi32, #tpu.memory_space<vmem>>)
      "tpu.region"() ({
        %run_scoped3A = tpu.sem_alloc : memref<!tpu.dma_semaphore, #tpu.memory_space<semaphore_mem>>
        %dma_start3A_148 = arith.constant 0 : i32
        %dma_start3A_149 = arith.constant 0 : i32
        %dma_start3A_150 = tpu.memref_slice %arg12[%dma_start3A_148, %dma_start3A_149] : memref<10240x72xf32, #tpu.memory_space<vmem_shared>> -> memref<10240x72xf32, #tpu.memory_space<vmem_shared>>
        tpu.enqueue_indirect_dma source(%arg6 : memref<128x72xf32, #tpu.memory_space<vmem>>) target(%dma_start3A_150 : memref<10240x72xf32, #tpu.memory_space<vmem_shared>>) offsets(%arg8 : memref<128xi32, #tpu.memory_space<vmem>>) semaphore(%run_scoped3A : memref<!tpu.dma_semaphore, #tpu.memory_space<semaphore_mem>>) {add = true}
        %dma_wait3A_151 = arith.constant 0 : i32
        %dma_wait3A_152 = arith.constant 0 : i32
        %dma_wait3A_153 = tpu.memref_slice %arg12[%dma_wait3A_151, %dma_wait3A_152] : memref<10240x72xf32, #tpu.memory_space<vmem_shared>> -> memref<10240x72xf32, #tpu.memory_space<vmem_shared>>
        tpu.wait_indirect_dma semaphore(%run_scoped3A : memref<!tpu.dma_semaphore, #tpu.memory_space<semaphore_mem>>) src(%arg6 : memref<128x72xf32, #tpu.memory_space<vmem>>) dst(%dma_wait3A_153 : memref<10240x72xf32, #tpu.memory_space<vmem_shared>>)
        tpu.yield
      }) : () -> ()
      %add3A_140 = arith.constant 2 : i32
      %add3A_141 = arith.addi %add3A_127, %add3A_140 : i32
      %lt3A_142 = arith.constant 31 : i32
      %lt3A_143 = arith.cmpi slt, %add3A_141, %lt3A_142 : i32
      %convert_element_type3A_144 = arith.extui %lt3A_143 : i1 to i32
      %cond3A_145 = arith.constant 0 : i32
      %cond3A_146 = arith.cmpi ne, %convert_element_type3A_144, %cond3A_145 : i32
      scf.if %cond3A_146 {
        %add3A_148 = arith.constant 2 : i32
        %add3A_149 = arith.addi %add3A_127, %add3A_148 : i32
        %mul3A_150 = arith.constant 128 : i32
        %mul3A_151 = arith.muli %add3A_149, %mul3A_150 : i32
        %add3A_152 = arith.addi %mul3A_0, %mul3A_151 : i32
        %dma_start3A_153 = arith.constant 0 : i32
        %dma_start3A_154 = tpu.memref_slice %arg2[%arg0, %add3A_152, %dma_start3A_153] : memref<2x64000x128xf32, #tpu.memory_space<hbm>> -> memref<1x128x72xf32, #tpu.memory_space<hbm>>
        %dma_start3A_155 = tpu.memref_squeeze %dma_start3A_154 : memref<1x128x72xf32, #tpu.memory_space<hbm>> -> memref<128x72xf32, #tpu.memory_space<hbm>>
        %dma_start3A_156 = arith.constant 0 : i32
        %dma_start3A_157 = tpu.memref_slice %arg2[%arg0, %add3A_152, %dma_start3A_156] : memref<2x64000x128xf32, #tpu.memory_space<hbm>> -> memref<1x128x72xf32, #tpu.memory_space<hbm>>
        %dma_start3A_158 = tpu.memref_squeeze %dma_start3A_157 : memref<1x128x72xf32, #tpu.memory_space<hbm>> -> memref<128x72xf32, #tpu.memory_space<hbm>>
        tpu.enqueue_dma source(%dma_start3A_158 : memref<128x72xf32, #tpu.memory_space<hbm>>) target(%arg6 : memref<128x72xf32, #tpu.memory_space<vmem>>) target_semaphore(%arg14 : memref<!tpu.dma_semaphore, #tpu.memory_space<semaphore_mem>>)
        %add3A_159 = arith.constant 192000 : i32
        %add3A_160 = arith.addi %add3A_159, %mul3A_0 : i32
        %mul3A_161 = arith.constant 128 : i32
        %mul3A_162 = arith.muli %add3A_149, %mul3A_161 : i32
        %add3A_163 = arith.addi %add3A_160, %mul3A_162 : i32
        %dma_start3A_164 = tpu.memref_slice %arg3[%add3A_163] : memref<320000xi32, #tpu.memory_space<hbm>> -> memref<128xi32, #tpu.memory_space<hbm>>
        %dma_start3A_165 = tpu.memref_slice %arg3[%add3A_163] : memref<320000xi32, #tpu.memory_space<hbm>> -> memref<128xi32, #tpu.memory_space<hbm>>
        tpu.enqueue_dma source(%dma_start3A_165 : memref<128xi32, #tpu.memory_space<hbm>>) target(%arg8 : memref<128xi32, #tpu.memory_space<vmem>>) target_semaphore(%arg14 : memref<!tpu.dma_semaphore, #tpu.memory_space<semaphore_mem>>)
      } else {
      }
      %scan3A_147 = arith.constant 0 : i32
      scf.yield %scan3A_147 : i32
    }
    %scan3A_79 = arith.constant 15 : i32
    %dma_wait3A = arith.constant 0 : i32
    %dma_wait3A_80 = arith.constant 0 : i32
    %dma_wait3A_81 = tpu.memref_slice %arg2[%arg0, %dma_wait3A, %dma_wait3A_80] : memref<2x64000x128xf32, #tpu.memory_space<hbm>> -> memref<1x128x72xf32, #tpu.memory_space<hbm>>
    %dma_wait3A_82 = tpu.memref_squeeze %dma_wait3A_81 : memref<1x128x72xf32, #tpu.memory_space<hbm>> -> memref<128x72xf32, #tpu.memory_space<hbm>>
    %dma_wait3A_83 = arith.constant 0 : i32
    %dma_wait3A_84 = arith.constant 0 : i32
    %dma_wait3A_85 = tpu.memref_slice %arg2[%arg0, %dma_wait3A_83, %dma_wait3A_84] : memref<2x64000x128xf32, #tpu.memory_space<hbm>> -> memref<1x128x72xf32, #tpu.memory_space<hbm>>
    %dma_wait3A_86 = tpu.memref_squeeze %dma_wait3A_85 : memref<1x128x72xf32, #tpu.memory_space<hbm>> -> memref<128x72xf32, #tpu.memory_space<hbm>>
    tpu.wait_dma2 semaphore(%arg13 : memref<!tpu.dma_semaphore, #tpu.memory_space<semaphore_mem>>) src(%dma_wait3A_86 : memref<128x72xf32, #tpu.memory_space<hbm>>) dst(%arg5 : memref<128x72xf32, #tpu.memory_space<vmem>>)
    %dma_wait3A_87 = arith.constant 0 : i32
    %dma_wait3A_88 = tpu.memref_slice %arg3[%dma_wait3A_87] : memref<320000xi32, #tpu.memory_space<hbm>> -> memref<128xi32, #tpu.memory_space<hbm>>
    %dma_wait3A_89 = arith.constant 0 : i32
    %dma_wait3A_90 = tpu.memref_slice %arg3[%dma_wait3A_89] : memref<320000xi32, #tpu.memory_space<hbm>> -> memref<128xi32, #tpu.memory_space<hbm>>
    tpu.wait_dma2 semaphore(%arg13 : memref<!tpu.dma_semaphore, #tpu.memory_space<semaphore_mem>>) src(%dma_wait3A_90 : memref<128xi32, #tpu.memory_space<hbm>>) dst(%arg7 : memref<128xi32, #tpu.memory_space<vmem>>)
    "tpu.region"() ({
      %run_scoped3A = tpu.sem_alloc : memref<!tpu.dma_semaphore, #tpu.memory_space<semaphore_mem>>
      %dma_start3A_102 = arith.constant 0 : i32
      %dma_start3A_103 = arith.constant 0 : i32
      %dma_start3A_104 = tpu.memref_slice %arg12[%dma_start3A_102, %dma_start3A_103] : memref<10240x72xf32, #tpu.memory_space<vmem_shared>> -> memref<10240x72xf32, #tpu.memory_space<vmem_shared>>
      tpu.enqueue_indirect_dma source(%arg5 : memref<128x72xf32, #tpu.memory_space<vmem>>) target(%dma_start3A_104 : memref<10240x72xf32, #tpu.memory_space<vmem_shared>>) offsets(%arg7 : memref<128xi32, #tpu.memory_space<vmem>>) semaphore(%run_scoped3A : memref<!tpu.dma_semaphore, #tpu.memory_space<semaphore_mem>>) {add = true}
      %dma_wait3A_105 = arith.constant 0 : i32
      %dma_wait3A_106 = arith.constant 0 : i32
      %dma_wait3A_107 = tpu.memref_slice %arg12[%dma_wait3A_105, %dma_wait3A_106] : memref<10240x72xf32, #tpu.memory_space<vmem_shared>> -> memref<10240x72xf32, #tpu.memory_space<vmem_shared>>
      tpu.wait_indirect_dma semaphore(%run_scoped3A : memref<!tpu.dma_semaphore, #tpu.memory_space<semaphore_mem>>) src(%arg5 : memref<128x72xf32, #tpu.memory_space<vmem>>) dst(%dma_wait3A_107 : memref<10240x72xf32, #tpu.memory_space<vmem_shared>>)
      tpu.yield
    }) : () -> ()
    %add3A_91 = arith.constant 3968 : i32
    %add3A_92 = arith.addi %mul3A_0, %add3A_91 : i32
    "tpu.region"() ({
      %run_scoped3A = tpu.sem_alloc : memref<!tpu.dma_semaphore, #tpu.memory_space<semaphore_mem>>
      %dma_start3A_102 = arith.constant 0 : i32
      %dma_start3A_103 = tpu.memref_slice %arg2[%arg0, %add3A_92, %dma_start3A_102] : memref<2x64000x128xf32, #tpu.memory_space<hbm>> -> memref<1x32x72xf32, #tpu.memory_space<hbm>>
      %dma_start3A_104 = tpu.memref_squeeze %dma_start3A_103 : memref<1x32x72xf32, #tpu.memory_space<hbm>> -> memref<32x72xf32, #tpu.memory_space<hbm>>
      %dma_start3A_105 = arith.constant 0 : i32
      %dma_start3A_106 = tpu.memref_slice %arg2[%arg0, %add3A_92, %dma_start3A_105] : memref<2x64000x128xf32, #tpu.memory_space<hbm>> -> memref<1x32x72xf32, #tpu.memory_space<hbm>>
      %dma_start3A_107 = tpu.memref_squeeze %dma_start3A_106 : memref<1x32x72xf32, #tpu.memory_space<hbm>> -> memref<32x72xf32, #tpu.memory_space<hbm>>
      tpu.enqueue_dma source(%dma_start3A_107 : memref<32x72xf32, #tpu.memory_space<hbm>>) target(%arg9 : memref<32x72xf32, #tpu.memory_space<vmem>>) target_semaphore(%run_scoped3A : memref<!tpu.dma_semaphore, #tpu.memory_space<semaphore_mem>>)
      %dma_wait3A_108 = arith.constant 0 : i32
      %dma_wait3A_109 = tpu.memref_slice %arg2[%arg0, %add3A_92, %dma_wait3A_108] : memref<2x64000x128xf32, #tpu.memory_space<hbm>> -> memref<1x32x72xf32, #tpu.memory_space<hbm>>
      %dma_wait3A_110 = tpu.memref_squeeze %dma_wait3A_109 : memref<1x32x72xf32, #tpu.memory_space<hbm>> -> memref<32x72xf32, #tpu.memory_space<hbm>>
      %dma_wait3A_111 = arith.constant 0 : i32
      %dma_wait3A_112 = tpu.memref_slice %arg2[%arg0, %add3A_92, %dma_wait3A_111] : memref<2x64000x128xf32, #tpu.memory_space<hbm>> -> memref<1x32x72xf32, #tpu.memory_space<hbm>>
      %dma_wait3A_113 = tpu.memref_squeeze %dma_wait3A_112 : memref<1x32x72xf32, #tpu.memory_space<hbm>> -> memref<32x72xf32, #tpu.memory_space<hbm>>
      tpu.wait_dma2 semaphore(%run_scoped3A : memref<!tpu.dma_semaphore, #tpu.memory_space<semaphore_mem>>) src(%dma_wait3A_113 : memref<32x72xf32, #tpu.memory_space<hbm>>) dst(%arg9 : memref<32x72xf32, #tpu.memory_space<vmem>>)
      tpu.yield
    }) : () -> ()
    %add3A_93 = arith.constant 192000 : i32
    %add3A_94 = arith.addi %add3A_93, %mul3A_0 : i32
    %add3A_95 = arith.constant 3968 : i32
    %add3A_96 = arith.addi %add3A_94, %add3A_95 : i32
    "tpu.region"() ({
      %run_scoped3A = tpu.sem_alloc : memref<!tpu.dma_semaphore, #tpu.memory_space<semaphore_mem>>
      %dma_start3A_102 = tpu.memref_slice %arg3[%add3A_96] : memref<320000xi32, #tpu.memory_space<hbm>> -> memref<32xi32, #tpu.memory_space<hbm>>
      %dma_start3A_103 = tpu.memref_slice %arg3[%add3A_96] : memref<320000xi32, #tpu.memory_space<hbm>> -> memref<32xi32, #tpu.memory_space<hbm>>
      tpu.enqueue_dma source(%dma_start3A_103 : memref<32xi32, #tpu.memory_space<hbm>>) target(%arg10 : memref<32xi32, #tpu.memory_space<vmem>>) target_semaphore(%run_scoped3A : memref<!tpu.dma_semaphore, #tpu.memory_space<semaphore_mem>>)
      %dma_wait3A_104 = tpu.memref_slice %arg3[%add3A_96] : memref<320000xi32, #tpu.memory_space<hbm>> -> memref<32xi32, #tpu.memory_space<hbm>>
      %dma_wait3A_105 = tpu.memref_slice %arg3[%add3A_96] : memref<320000xi32, #tpu.memory_space<hbm>> -> memref<32xi32, #tpu.memory_space<hbm>>
      tpu.wait_dma2 semaphore(%run_scoped3A : memref<!tpu.dma_semaphore, #tpu.memory_space<semaphore_mem>>) src(%dma_wait3A_105 : memref<32xi32, #tpu.memory_space<hbm>>) dst(%arg10 : memref<32xi32, #tpu.memory_space<vmem>>)
      tpu.yield
    }) : () -> ()
    "tpu.region"() ({
      %run_scoped3A = tpu.sem_alloc : memref<!tpu.dma_semaphore, #tpu.memory_space<semaphore_mem>>
      %dma_start3A_102 = arith.constant 0 : i32
      %dma_start3A_103 = arith.constant 0 : i32
      %dma_start3A_104 = tpu.memref_slice %arg12[%dma_start3A_102, %dma_start3A_103] : memref<10240x72xf32, #tpu.memory_space<vmem_shared>> -> memref<10240x72xf32, #tpu.memory_space<vmem_shared>>
      tpu.enqueue_indirect_dma source(%arg9 : memref<32x72xf32, #tpu.memory_space<vmem>>) target(%dma_start3A_104 : memref<10240x72xf32, #tpu.memory_space<vmem_shared>>) offsets(%arg10 : memref<32xi32, #tpu.memory_space<vmem>>) semaphore(%run_scoped3A : memref<!tpu.dma_semaphore, #tpu.memory_space<semaphore_mem>>) {add = true}
      %dma_wait3A_105 = arith.constant 0 : i32
      %dma_wait3A_106 = arith.constant 0 : i32
      %dma_wait3A_107 = tpu.memref_slice %arg12[%dma_wait3A_105, %dma_wait3A_106] : memref<10240x72xf32, #tpu.memory_space<vmem_shared>> -> memref<10240x72xf32, #tpu.memory_space<vmem_shared>>
      tpu.wait_indirect_dma semaphore(%run_scoped3A : memref<!tpu.dma_semaphore, #tpu.memory_space<semaphore_mem>>) src(%arg9 : memref<32x72xf32, #tpu.memory_space<vmem>>) dst(%dma_wait3A_107 : memref<10240x72xf32, #tpu.memory_space<vmem_shared>>)
      tpu.yield
    }) : () -> ()
    %barrier3A_97 = arith.constant 0 : index
    tpu.barrier barrier_id(%barrier3A_97)
    %mul3A_98 = arith.constant 640 : i32
    %mul3A_99 = arith.muli %arg1, %mul3A_98 : i32
    %mul3A_100 = arith.constant 640 : i32
    %mul3A_101 = arith.muli %arg1, %mul3A_100 : i32
    "tpu.region"() ({
      %run_scoped3A = tpu.sem_alloc : memref<!tpu.dma_semaphore, #tpu.memory_space<semaphore_mem>>
      %dma_start3A_102 = arith.constant 0 : i32
      %dma_start3A_103 = tpu.memref_slice %arg4[%arg0, %mul3A_101, %dma_start3A_102] : memref<2x10240x72xf32, #tpu.memory_space<hbm>> -> memref<1x640x72xf32, #tpu.memory_space<hbm>>
      %dma_start3A_104 = tpu.memref_squeeze %dma_start3A_103 : memref<1x640x72xf32, #tpu.memory_space<hbm>> -> memref<640x72xf32, #tpu.memory_space<hbm>>
      %dma_start3A_105 = arith.constant 0 : i32
      %dma_start3A_106 = tpu.memref_slice %arg12[%mul3A_99, %dma_start3A_105] : memref<10240x72xf32, #tpu.memory_space<vmem_shared>> -> memref<640x72xf32, #tpu.memory_space<vmem_shared>>
      tpu.enqueue_dma source(%dma_start3A_106 : memref<640x72xf32, #tpu.memory_space<vmem_shared>>) target(%dma_start3A_104 : memref<640x72xf32, #tpu.memory_space<hbm>>) target_semaphore(%run_scoped3A : memref<!tpu.dma_semaphore, #tpu.memory_space<semaphore_mem>>)
      %dma_wait3A_107 = arith.constant 0 : i32
      %dma_wait3A_108 = tpu.memref_slice %arg4[%arg0, %mul3A_101, %dma_wait3A_107] : memref<2x10240x72xf32, #tpu.memory_space<hbm>> -> memref<1x640x72xf32, #tpu.memory_space<hbm>>
      %dma_wait3A_109 = tpu.memref_squeeze %dma_wait3A_108 : memref<1x640x72xf32, #tpu.memory_space<hbm>> -> memref<640x72xf32, #tpu.memory_space<hbm>>
      %dma_wait3A_110 = arith.constant 0 : i32
      %dma_wait3A_111 = tpu.memref_slice %arg12[%mul3A_99, %dma_wait3A_110] : memref<10240x72xf32, #tpu.memory_space<vmem_shared>> -> memref<640x72xf32, #tpu.memory_space<vmem_shared>>
      tpu.wait_dma2 semaphore(%run_scoped3A : memref<!tpu.dma_semaphore, #tpu.memory_space<semaphore_mem>>) src(%dma_wait3A_111 : memref<640x72xf32, #tpu.memory_space<vmem_shared>>) dst(%dma_wait3A_109 : memref<640x72xf32, #tpu.memory_space<hbm>>)
      tpu.yield
    }) : () -> ()
    return
  }
}

#map = affine_map<(d0, d1) -> (0, 0, 0)>
#map1 = affine_map<(d0, d1) -> (0)>
module attributes {stable_mosaic.version = 14 : i64} {
  func.func @body(%arg0: i32, %arg1: i32, %arg2: memref<2x64000x128xf32, #tpu.memory_space<hbm>>, %arg3: memref<320000xi32, #tpu.memory_space<hbm>>, %arg4: memref<2x10240x72xf32, #tpu.memory_space<hbm>>, %arg5: memref<128x72xf32, #tpu.memory_space<vmem>>, %arg6: memref<128x72xf32, #tpu.memory_space<vmem>>, %arg7: memref<128xi32, #tpu.memory_space<vmem>>, %arg8: memref<128xi32, #tpu.memory_space<vmem>>, %arg9: memref<32x72xf32, #tpu.memory_space<vmem>>, %arg10: memref<32xi32, #tpu.memory_space<vmem>>, %arg11: memref<64x72xf32, #tpu.memory_space<vmem>>, %arg12: memref<10240x72xf32, #tpu.memory_space<vmem_shared>>, %arg13: memref<!tpu.dma_semaphore, #tpu.memory_space<semaphore_mem>>, %arg14: memref<!tpu.dma_semaphore, #tpu.memory_space<semaphore_mem>>) attributes {dimension_semantics = [#tpu.dimension_semantics<core_parallel>, #tpu.dimension_semantics<subcore_parallel>], iteration_bounds = array<i64: 2, 16>, scalar_prefetch = 0 : i64, scratch_operands = 10 : i64, tpu.core_type = #tpu.core_type<sc_vector_subcore>, window_params = [{transform_indices = #map}, {transform_indices = #map1}, {transform_indices = #map}]} {
    %mul3A = arith.constant 4000 : i32
    %mul3A_0 = arith.muli %arg1, %mul3A : i32
    %add3A = arith.constant 0 : i32
    %add3A_1 = arith.addi %mul3A_0, %add3A : i32
    %dma_start3A = arith.constant 0 : i32
    %dma_start3A_2 = tpu.memref_slice %arg2[%arg0, %add3A_1, %dma_start3A] : memref<2x64000x128xf32, #tpu.memory_space<hbm>> -> memref<1x128x72xf32, #tpu.memory_space<hbm>>
    %dma_start3A_3 = tpu.memref_squeeze %dma_start3A_2 : memref<1x128x72xf32, #tpu.memory_space<hbm>> -> memref<128x72xf32, #tpu.memory_space<hbm>>
    %dma_start3A_4 = arith.constant 0 : i32
    %dma_start3A_5 = tpu.memref_slice %arg2[%arg0, %add3A_1, %dma_start3A_4] : memref<2x64000x128xf32, #tpu.memory_space<hbm>> -> memref<1x128x72xf32, #tpu.memory_space<hbm>>
    %dma_start3A_6 = tpu.memref_squeeze %dma_start3A_5 : memref<1x128x72xf32, #tpu.memory_space<hbm>> -> memref<128x72xf32, #tpu.memory_space<hbm>>
    tpu.enqueue_dma source(%dma_start3A_6 : memref<128x72xf32, #tpu.memory_space<hbm>>) target(%arg5 : memref<128x72xf32, #tpu.memory_space<vmem>>) target_semaphore(%arg13 : memref<!tpu.dma_semaphore, #tpu.memory_space<semaphore_mem>>)
    %add3A_7 = arith.constant 128000 : i32
    %add3A_8 = arith.addi %add3A_7, %mul3A_0 : i32
    %add3A_9 = arith.constant 0 : i32
    %add3A_10 = arith.addi %add3A_8, %add3A_9 : i32
    %dma_start3A_11 = tpu.memref_slice %arg3[%add3A_10] : memref<320000xi32, #tpu.memory_space<hbm>> -> memref<128xi32, #tpu.memory_space<hbm>>
    %dma_start3A_12 = tpu.memref_slice %arg3[%add3A_10] : memref<320000xi32, #tpu.memory_space<hbm>> -> memref<128xi32, #tpu.memory_space<hbm>>
    tpu.enqueue_dma source(%dma_start3A_12 : memref<128xi32, #tpu.memory_space<hbm>>) target(%arg7 : memref<128xi32, #tpu.memory_space<vmem>>) target_semaphore(%arg13 : memref<!tpu.dma_semaphore, #tpu.memory_space<semaphore_mem>>)
    %add3A_13 = arith.constant 128 : i32
    %add3A_14 = arith.addi %mul3A_0, %add3A_13 : i32
    %dma_start3A_15 = arith.constant 0 : i32
    %dma_start3A_16 = tpu.memref_slice %arg2[%arg0, %add3A_14, %dma_start3A_15] : memref<2x64000x128xf32, #tpu.memory_space<hbm>> -> memref<1x128x72xf32, #tpu.memory_space<hbm>>
    %dma_start3A_17 = tpu.memref_squeeze %dma_start3A_16 : memref<1x128x72xf32, #tpu.memory_space<hbm>> -> memref<128x72xf32, #tpu.memory_space<hbm>>
    %dma_start3A_18 = arith.constant 0 : i32
    %dma_start3A_19 = tpu.memref_slice %arg2[%arg0, %add3A_14, %dma_start3A_18] : memref<2x64000x128xf32, #tpu.memory_space<hbm>> -> memref<1x128x72xf32, #tpu.memory_space<hbm>>
    %dma_start3A_20 = tpu.memref_squeeze %dma_start3A_19 : memref<1x128x72xf32, #tpu.memory_space<hbm>> -> memref<128x72xf32, #tpu.memory_space<hbm>>
    tpu.enqueue_dma source(%dma_start3A_20 : memref<128x72xf32, #tpu.memory_space<hbm>>) target(%arg6 : memref<128x72xf32, #tpu.memory_space<vmem>>) target_semaphore(%arg14 : memref<!tpu.dma_semaphore, #tpu.memory_space<semaphore_mem>>)
    %add3A_21 = arith.constant 128000 : i32
    %add3A_22 = arith.addi %add3A_21, %mul3A_0 : i32
    %add3A_23 = arith.constant 128 : i32
    %add3A_24 = arith.addi %add3A_22, %add3A_23 : i32
    %dma_start3A_25 = tpu.memref_slice %arg3[%add3A_24] : memref<320000xi32, #tpu.memory_space<hbm>> -> memref<128xi32, #tpu.memory_space<hbm>>
    %dma_start3A_26 = tpu.memref_slice %arg3[%add3A_24] : memref<320000xi32, #tpu.memory_space<hbm>> -> memref<128xi32, #tpu.memory_space<hbm>>
    tpu.enqueue_dma source(%dma_start3A_26 : memref<128xi32, #tpu.memory_space<hbm>>) target(%arg8 : memref<128xi32, #tpu.memory_space<vmem>>) target_semaphore(%arg14 : memref<!tpu.dma_semaphore, #tpu.memory_space<semaphore_mem>>)
    %scan3A = arith.constant 0 : i32
    %scan3A_27 = arith.constant 0 : i32
    %scan3A_28 = arith.constant 64 : i32
    %scan3A_29 = arith.addi %scan3A_27, %scan3A_28 : i32
    %scan3A_30 = arith.constant 1 : i32
    %scan3A_31 = scf.for %scan3A_102 = %scan3A_27 to %scan3A_29 step %scan3A_30 iter_args(%scan3A_103 = %scan3A) -> (i32)  : i32 {
      %broadcast_in_dim3A = arith.constant 0.000000e+00 : f32
      %broadcast_in_dim3A_104 = vector.broadcast %broadcast_in_dim3A : f32 to vector<16xf32>
      %swap3A = arith.index_cast %scan3A_102 : i32 to index
      %swap3A_105 = arith.constant 0 : index
      %swap3A_106 = tpu.vector_load %arg11[%swap3A, %swap3A_105] {strides = array<i32>} : memref<64x72xf32, #tpu.memory_space<vmem>>, vector<1x16xf32>,
      %swap3A_107 = vector.shape_cast %swap3A_106 : vector<1x16xf32> to vector<16xf32>
      %swap3A_108 = vector.shape_cast %broadcast_in_dim3A_104 : vector<16xf32> to vector<1x16xf32>
      tpu.vector_store %arg11[%swap3A, %swap3A_105], %swap3A_108 {strides = array<i32>} : memref<64x72xf32, #tpu.memory_space<vmem>>, vector<1x16xf32>,
      %broadcast_in_dim3A_109 = arith.constant 0.000000e+00 : f32
      %broadcast_in_dim3A_110 = vector.broadcast %broadcast_in_dim3A_109 : f32 to vector<16xf32>
      %swap3A_111 = arith.index_cast %scan3A_102 : i32 to index
      %swap3A_112 = arith.constant 16 : index
      %swap3A_113 = tpu.vector_load %arg11[%swap3A_111, %swap3A_112] {strides = array<i32>} : memref<64x72xf32, #tpu.memory_space<vmem>>, vector<1x16xf32>,
      %swap3A_114 = vector.shape_cast %swap3A_113 : vector<1x16xf32> to vector<16xf32>
      %swap3A_115 = vector.shape_cast %broadcast_in_dim3A_110 : vector<16xf32> to vector<1x16xf32>
      tpu.vector_store %arg11[%swap3A_111, %swap3A_112], %swap3A_115 {strides = array<i32>} : memref<64x72xf32, #tpu.memory_space<vmem>>, vector<1x16xf32>,
      %broadcast_in_dim3A_116 = arith.constant 0.000000e+00 : f32
      %broadcast_in_dim3A_117 = vector.broadcast %broadcast_in_dim3A_116 : f32 to vector<16xf32>
      %swap3A_118 = arith.index_cast %scan3A_102 : i32 to index
      %swap3A_119 = arith.constant 32 : index
      %swap3A_120 = tpu.vector_load %arg11[%swap3A_118, %swap3A_119] {strides = array<i32>} : memref<64x72xf32, #tpu.memory_space<vmem>>, vector<1x16xf32>,
      %swap3A_121 = vector.shape_cast %swap3A_120 : vector<1x16xf32> to vector<16xf32>
      %swap3A_122 = vector.shape_cast %broadcast_in_dim3A_117 : vector<16xf32> to vector<1x16xf32>
      tpu.vector_store %arg11[%swap3A_118, %swap3A_119], %swap3A_122 {strides = array<i32>} : memref<64x72xf32, #tpu.memory_space<vmem>>, vector<1x16xf32>,
      %broadcast_in_dim3A_123 = arith.constant 0.000000e+00 : f32
      %broadcast_in_dim3A_124 = vector.broadcast %broadcast_in_dim3A_123 : f32 to vector<16xf32>
      %swap3A_125 = arith.index_cast %scan3A_102 : i32 to index
      %swap3A_126 = arith.constant 48 : index
      %swap3A_127 = tpu.vector_load %arg11[%swap3A_125, %swap3A_126] {strides = array<i32>} : memref<64x72xf32, #tpu.memory_space<vmem>>, vector<1x16xf32>,
      %swap3A_128 = vector.shape_cast %swap3A_127 : vector<1x16xf32> to vector<16xf32>
      %swap3A_129 = vector.shape_cast %broadcast_in_dim3A_124 : vector<16xf32> to vector<1x16xf32>
      tpu.vector_store %arg11[%swap3A_125, %swap3A_126], %swap3A_129 {strides = array<i32>} : memref<64x72xf32, #tpu.memory_space<vmem>>, vector<1x16xf32>,
      %broadcast_in_dim3A_130 = arith.constant 0.000000e+00 : f32
      %broadcast_in_dim3A_131 = vector.broadcast %broadcast_in_dim3A_130 : f32 to vector<16xf32>
      %swap3A_132 = arith.index_cast %scan3A_102 : i32 to index
      %swap3A_133 = arith.constant 56 : index
      %swap3A_134 = tpu.vector_load %arg11[%swap3A_132, %swap3A_133] {strides = array<i32>} : memref<64x72xf32, #tpu.memory_space<vmem>>, vector<1x16xf32>,
      %swap3A_135 = vector.shape_cast %swap3A_134 : vector<1x16xf32> to vector<16xf32>
      %swap3A_136 = vector.shape_cast %broadcast_in_dim3A_131 : vector<16xf32> to vector<1x16xf32>
      tpu.vector_store %arg11[%swap3A_132, %swap3A_133], %swap3A_136 {strides = array<i32>} : memref<64x72xf32, #tpu.memory_space<vmem>>, vector<1x16xf32>,
      %scan3A_137 = arith.constant 0 : i32
      scf.yield %scan3A_137 : i32
    }
    %scan3A_32 = arith.constant 64 : i32
    %mul3A_33 = arith.constant 640 : i32
    %mul3A_34 = arith.muli %arg1, %mul3A_33 : i32
    %add3A_35 = arith.constant 0 : i32
    %add3A_36 = arith.addi %mul3A_34, %add3A_35 : i32
    "tpu.region"() ({
      %run_scoped3A = tpu.sem_alloc : memref<!tpu.dma_semaphore, #tpu.memory_space<semaphore_mem>>
      %dma_start3A_102 = arith.constant 0 : i32
      %dma_start3A_103 = tpu.memref_slice %arg12[%add3A_36, %dma_start3A_102] : memref<10240x72xf32, #tpu.memory_space<vmem_shared>> -> memref<64x72xf32, #tpu.memory_space<vmem_shared>>
      %dma_start3A_104 = arith.constant 0 : i32
      %dma_start3A_105 = tpu.memref_slice %arg12[%add3A_36, %dma_start3A_104] : memref<10240x72xf32, #tpu.memory_space<vmem_shared>> -> memref<64x72xf32, #tpu.memory_space<vmem_shared>>
      tpu.enqueue_dma source(%arg11 : memref<64x72xf32, #tpu.memory_space<vmem>>) target(%dma_start3A_105 : memref<64x72xf32, #tpu.memory_space<vmem_shared>>) target_semaphore(%run_scoped3A : memref<!tpu.dma_semaphore, #tpu.memory_space<semaphore_mem>>)
      %dma_wait3A_106 = arith.constant 0 : i32
      %dma_wait3A_107 = tpu.memref_slice %arg12[%add3A_36, %dma_wait3A_106] : memref<10240x72xf32, #tpu.memory_space<vmem_shared>> -> memref<64x72xf32, #tpu.memory_space<vmem_shared>>
      %dma_wait3A_108 = arith.constant 0 : i32
      %dma_wait3A_109 = tpu.memref_slice %arg12[%add3A_36, %dma_wait3A_108] : memref<10240x72xf32, #tpu.memory_space<vmem_shared>> -> memref<64x72xf32, #tpu.memory_space<vmem_shared>>
      tpu.wait_dma2 semaphore(%run_scoped3A : memref<!tpu.dma_semaphore, #tpu.memory_space<semaphore_mem>>) src(%arg11 : memref<64x72xf32, #tpu.memory_space<vmem>>) dst(%dma_wait3A_109 : memref<64x72xf32, #tpu.memory_space<vmem_shared>>)
      tpu.yield
    }) : () -> ()
    %mul3A_37 = arith.constant 640 : i32
    %mul3A_38 = arith.muli %arg1, %mul3A_37 : i32
    %add3A_39 = arith.constant 64 : i32
    %add3A_40 = arith.addi %mul3A_38, %add3A_39 : i32
    "tpu.region"() ({
      %run_scoped3A = tpu.sem_alloc : memref<!tpu.dma_semaphore, #tpu.memory_space<semaphore_mem>>
      %dma_start3A_102 = arith.constant 0 : i32
      %dma_start3A_103 = tpu.memref_slice %arg12[%add3A_40, %dma_start3A_102] : memref<10240x72xf32, #tpu.memory_space<vmem_shared>> -> memref<64x72xf32, #tpu.memory_space<vmem_shared>>
      %dma_start3A_104 = arith.constant 0 : i32
      %dma_start3A_105 = tpu.memref_slice %arg12[%add3A_40, %dma_start3A_104] : memref<10240x72xf32, #tpu.memory_space<vmem_shared>> -> memref<64x72xf32, #tpu.memory_space<vmem_shared>>
      tpu.enqueue_dma source(%arg11 : memref<64x72xf32, #tpu.memory_space<vmem>>) target(%dma_start3A_105 : memref<64x72xf32, #tpu.memory_space<vmem_shared>>) target_semaphore(%run_scoped3A : memref<!tpu.dma_semaphore, #tpu.memory_space<semaphore_mem>>)
      %dma_wait3A_106 = arith.constant 0 : i32
      %dma_wait3A_107 = tpu.memref_slice %arg12[%add3A_40, %dma_wait3A_106] : memref<10240x72xf32, #tpu.memory_space<vmem_shared>> -> memref<64x72xf32, #tpu.memory_space<vmem_shared>>
      %dma_wait3A_108 = arith.constant 0 : i32
      %dma_wait3A_109 = tpu.memref_slice %arg12[%add3A_40, %dma_wait3A_108] : memref<10240x72xf32, #tpu.memory_space<vmem_shared>> -> memref<64x72xf32, #tpu.memory_space<vmem_shared>>
      tpu.wait_dma2 semaphore(%run_scoped3A : memref<!tpu.dma_semaphore, #tpu.memory_space<semaphore_mem>>) src(%arg11 : memref<64x72xf32, #tpu.memory_space<vmem>>) dst(%dma_wait3A_109 : memref<64x72xf32, #tpu.memory_space<vmem_shared>>)
      tpu.yield
    }) : () -> ()
    %mul3A_41 = arith.constant 640 : i32
    %mul3A_42 = arith.muli %arg1, %mul3A_41 : i32
    %add3A_43 = arith.constant 128 : i32
    %add3A_44 = arith.addi %mul3A_42, %add3A_43 : i32
    "tpu.region"() ({
      %run_scoped3A = tpu.sem_alloc : memref<!tpu.dma_semaphore, #tpu.memory_space<semaphore_mem>>
      %dma_start3A_102 = arith.constant 0 : i32
      %dma_start3A_103 = tpu.memref_slice %arg12[%add3A_44, %dma_start3A_102] : memref<10240x72xf32, #tpu.memory_space<vmem_shared>> -> memref<64x72xf32, #tpu.memory_space<vmem_shared>>
      %dma_start3A_104 = arith.constant 0 : i32
      %dma_start3A_105 = tpu.memref_slice %arg12[%add3A_44, %dma_start3A_104] : memref<10240x72xf32, #tpu.memory_space<vmem_shared>> -> memref<64x72xf32, #tpu.memory_space<vmem_shared>>
      tpu.enqueue_dma source(%arg11 : memref<64x72xf32, #tpu.memory_space<vmem>>) target(%dma_start3A_105 : memref<64x72xf32, #tpu.memory_space<vmem_shared>>) target_semaphore(%run_scoped3A : memref<!tpu.dma_semaphore, #tpu.memory_space<semaphore_mem>>)
      %dma_wait3A_106 = arith.constant 0 : i32
      %dma_wait3A_107 = tpu.memref_slice %arg12[%add3A_44, %dma_wait3A_106] : memref<10240x72xf32, #tpu.memory_space<vmem_shared>> -> memref<64x72xf32, #tpu.memory_space<vmem_shared>>
      %dma_wait3A_108 = arith.constant 0 : i32
      %dma_wait3A_109 = tpu.memref_slice %arg12[%add3A_44, %dma_wait3A_108] : memref<10240x72xf32, #tpu.memory_space<vmem_shared>> -> memref<64x72xf32, #tpu.memory_space<vmem_shared>>
      tpu.wait_dma2 semaphore(%run_scoped3A : memref<!tpu.dma_semaphore, #tpu.memory_space<semaphore_mem>>) src(%arg11 : memref<64x72xf32, #tpu.memory_space<vmem>>) dst(%dma_wait3A_109 : memref<64x72xf32, #tpu.memory_space<vmem_shared>>)
      tpu.yield
    }) : () -> ()
    %mul3A_45 = arith.constant 640 : i32
    %mul3A_46 = arith.muli %arg1, %mul3A_45 : i32
    %add3A_47 = arith.constant 192 : i32
    %add3A_48 = arith.addi %mul3A_46, %add3A_47 : i32
    "tpu.region"() ({
      %run_scoped3A = tpu.sem_alloc : memref<!tpu.dma_semaphore, #tpu.memory_space<semaphore_mem>>
      %dma_start3A_102 = arith.constant 0 : i32
      %dma_start3A_103 = tpu.memref_slice %arg12[%add3A_48, %dma_start3A_102] : memref<10240x72xf32, #tpu.memory_space<vmem_shared>> -> memref<64x72xf32, #tpu.memory_space<vmem_shared>>
      %dma_start3A_104 = arith.constant 0 : i32
      %dma_start3A_105 = tpu.memref_slice %arg12[%add3A_48, %dma_start3A_104] : memref<10240x72xf32, #tpu.memory_space<vmem_shared>> -> memref<64x72xf32, #tpu.memory_space<vmem_shared>>
      tpu.enqueue_dma source(%arg11 : memref<64x72xf32, #tpu.memory_space<vmem>>) target(%dma_start3A_105 : memref<64x72xf32, #tpu.memory_space<vmem_shared>>) target_semaphore(%run_scoped3A : memref<!tpu.dma_semaphore, #tpu.memory_space<semaphore_mem>>)
      %dma_wait3A_106 = arith.constant 0 : i32
      %dma_wait3A_107 = tpu.memref_slice %arg12[%add3A_48, %dma_wait3A_106] : memref<10240x72xf32, #tpu.memory_space<vmem_shared>> -> memref<64x72xf32, #tpu.memory_space<vmem_shared>>
      %dma_wait3A_108 = arith.constant 0 : i32
      %dma_wait3A_109 = tpu.memref_slice %arg12[%add3A_48, %dma_wait3A_108] : memref<10240x72xf32, #tpu.memory_space<vmem_shared>> -> memref<64x72xf32, #tpu.memory_space<vmem_shared>>
      tpu.wait_dma2 semaphore(%run_scoped3A : memref<!tpu.dma_semaphore, #tpu.memory_space<semaphore_mem>>) src(%arg11 : memref<64x72xf32, #tpu.memory_space<vmem>>) dst(%dma_wait3A_109 : memref<64x72xf32, #tpu.memory_space<vmem_shared>>)
      tpu.yield
    }) : () -> ()
    %mul3A_49 = arith.constant 640 : i32
    %mul3A_50 = arith.muli %arg1, %mul3A_49 : i32
    %add3A_51 = arith.constant 256 : i32
    %add3A_52 = arith.addi %mul3A_50, %add3A_51 : i32
    "tpu.region"() ({
      %run_scoped3A = tpu.sem_alloc : memref<!tpu.dma_semaphore, #tpu.memory_space<semaphore_mem>>
      %dma_start3A_102 = arith.constant 0 : i32
      %dma_start3A_103 = tpu.memref_slice %arg12[%add3A_52, %dma_start3A_102] : memref<10240x72xf32, #tpu.memory_space<vmem_shared>> -> memref<64x72xf32, #tpu.memory_space<vmem_shared>>
      %dma_start3A_104 = arith.constant 0 : i32
      %dma_start3A_105 = tpu.memref_slice %arg12[%add3A_52, %dma_start3A_104] : memref<10240x72xf32, #tpu.memory_space<vmem_shared>> -> memref<64x72xf32, #tpu.memory_space<vmem_shared>>
      tpu.enqueue_dma source(%arg11 : memref<64x72xf32, #tpu.memory_space<vmem>>) target(%dma_start3A_105 : memref<64x72xf32, #tpu.memory_space<vmem_shared>>) target_semaphore(%run_scoped3A : memref<!tpu.dma_semaphore, #tpu.memory_space<semaphore_mem>>)
      %dma_wait3A_106 = arith.constant 0 : i32
      %dma_wait3A_107 = tpu.memref_slice %arg12[%add3A_52, %dma_wait3A_106] : memref<10240x72xf32, #tpu.memory_space<vmem_shared>> -> memref<64x72xf32, #tpu.memory_space<vmem_shared>>
      %dma_wait3A_108 = arith.constant 0 : i32
      %dma_wait3A_109 = tpu.memref_slice %arg12[%add3A_52, %dma_wait3A_108] : memref<10240x72xf32, #tpu.memory_space<vmem_shared>> -> memref<64x72xf32, #tpu.memory_space<vmem_shared>>
      tpu.wait_dma2 semaphore(%run_scoped3A : memref<!tpu.dma_semaphore, #tpu.memory_space<semaphore_mem>>) src(%arg11 : memref<64x72xf32, #tpu.memory_space<vmem>>) dst(%dma_wait3A_109 : memref<64x72xf32, #tpu.memory_space<vmem_shared>>)
      tpu.yield
    }) : () -> ()
    %mul3A_53 = arith.constant 640 : i32
    %mul3A_54 = arith.muli %arg1, %mul3A_53 : i32
    %add3A_55 = arith.constant 320 : i32
    %add3A_56 = arith.addi %mul3A_54, %add3A_55 : i32
    "tpu.region"() ({
      %run_scoped3A = tpu.sem_alloc : memref<!tpu.dma_semaphore, #tpu.memory_space<semaphore_mem>>
      %dma_start3A_102 = arith.constant 0 : i32
      %dma_start3A_103 = tpu.memref_slice %arg12[%add3A_56, %dma_start3A_102] : memref<10240x72xf32, #tpu.memory_space<vmem_shared>> -> memref<64x72xf32, #tpu.memory_space<vmem_shared>>
      %dma_start3A_104 = arith.constant 0 : i32
      %dma_start3A_105 = tpu.memref_slice %arg12[%add3A_56, %dma_start3A_104] : memref<10240x72xf32, #tpu.memory_space<vmem_shared>> -> memref<64x72xf32, #tpu.memory_space<vmem_shared>>
      tpu.enqueue_dma source(%arg11 : memref<64x72xf32, #tpu.memory_space<vmem>>) target(%dma_start3A_105 : memref<64x72xf32, #tpu.memory_space<vmem_shared>>) target_semaphore(%run_scoped3A : memref<!tpu.dma_semaphore, #tpu.memory_space<semaphore_mem>>)
      %dma_wait3A_106 = arith.constant 0 : i32
      %dma_wait3A_107 = tpu.memref_slice %arg12[%add3A_56, %dma_wait3A_106] : memref<10240x72xf32, #tpu.memory_space<vmem_shared>> -> memref<64x72xf32, #tpu.memory_space<vmem_shared>>
      %dma_wait3A_108 = arith.constant 0 : i32
      %dma_wait3A_109 = tpu.memref_slice %arg12[%add3A_56, %dma_wait3A_108] : memref<10240x72xf32, #tpu.memory_space<vmem_shared>> -> memref<64x72xf32, #tpu.memory_space<vmem_shared>>
      tpu.wait_dma2 semaphore(%run_scoped3A : memref<!tpu.dma_semaphore, #tpu.memory_space<semaphore_mem>>) src(%arg11 : memref<64x72xf32, #tpu.memory_space<vmem>>) dst(%dma_wait3A_109 : memref<64x72xf32, #tpu.memory_space<vmem_shared>>)
      tpu.yield
    }) : () -> ()
    %mul3A_57 = arith.constant 640 : i32
    %mul3A_58 = arith.muli %arg1, %mul3A_57 : i32
    %add3A_59 = arith.constant 384 : i32
    %add3A_60 = arith.addi %mul3A_58, %add3A_59 : i32
    "tpu.region"() ({
      %run_scoped3A = tpu.sem_alloc : memref<!tpu.dma_semaphore, #tpu.memory_space<semaphore_mem>>
      %dma_start3A_102 = arith.constant 0 : i32
      %dma_start3A_103 = tpu.memref_slice %arg12[%add3A_60, %dma_start3A_102] : memref<10240x72xf32, #tpu.memory_space<vmem_shared>> -> memref<64x72xf32, #tpu.memory_space<vmem_shared>>
      %dma_start3A_104 = arith.constant 0 : i32
      %dma_start3A_105 = tpu.memref_slice %arg12[%add3A_60, %dma_start3A_104] : memref<10240x72xf32, #tpu.memory_space<vmem_shared>> -> memref<64x72xf32, #tpu.memory_space<vmem_shared>>
      tpu.enqueue_dma source(%arg11 : memref<64x72xf32, #tpu.memory_space<vmem>>) target(%dma_start3A_105 : memref<64x72xf32, #tpu.memory_space<vmem_shared>>) target_semaphore(%run_scoped3A : memref<!tpu.dma_semaphore, #tpu.memory_space<semaphore_mem>>)
      %dma_wait3A_106 = arith.constant 0 : i32
      %dma_wait3A_107 = tpu.memref_slice %arg12[%add3A_60, %dma_wait3A_106] : memref<10240x72xf32, #tpu.memory_space<vmem_shared>> -> memref<64x72xf32, #tpu.memory_space<vmem_shared>>
      %dma_wait3A_108 = arith.constant 0 : i32
      %dma_wait3A_109 = tpu.memref_slice %arg12[%add3A_60, %dma_wait3A_108] : memref<10240x72xf32, #tpu.memory_space<vmem_shared>> -> memref<64x72xf32, #tpu.memory_space<vmem_shared>>
      tpu.wait_dma2 semaphore(%run_scoped3A : memref<!tpu.dma_semaphore, #tpu.memory_space<semaphore_mem>>) src(%arg11 : memref<64x72xf32, #tpu.memory_space<vmem>>) dst(%dma_wait3A_109 : memref<64x72xf32, #tpu.memory_space<vmem_shared>>)
      tpu.yield
    }) : () -> ()
    %mul3A_61 = arith.constant 640 : i32
    %mul3A_62 = arith.muli %arg1, %mul3A_61 : i32
    %add3A_63 = arith.constant 448 : i32
    %add3A_64 = arith.addi %mul3A_62, %add3A_63 : i32
    "tpu.region"() ({
      %run_scoped3A = tpu.sem_alloc : memref<!tpu.dma_semaphore, #tpu.memory_space<semaphore_mem>>
      %dma_start3A_102 = arith.constant 0 : i32
      %dma_start3A_103 = tpu.memref_slice %arg12[%add3A_64, %dma_start3A_102] : memref<10240x72xf32, #tpu.memory_space<vmem_shared>> -> memref<64x72xf32, #tpu.memory_space<vmem_shared>>
      %dma_start3A_104 = arith.constant 0 : i32
      %dma_start3A_105 = tpu.memref_slice %arg12[%add3A_64, %dma_start3A_104] : memref<10240x72xf32, #tpu.memory_space<vmem_shared>> -> memref<64x72xf32, #tpu.memory_space<vmem_shared>>
      tpu.enqueue_dma source(%arg11 : memref<64x72xf32, #tpu.memory_space<vmem>>) target(%dma_start3A_105 : memref<64x72xf32, #tpu.memory_space<vmem_shared>>) target_semaphore(%run_scoped3A : memref<!tpu.dma_semaphore, #tpu.memory_space<semaphore_mem>>)
      %dma_wait3A_106 = arith.constant 0 : i32
      %dma_wait3A_107 = tpu.memref_slice %arg12[%add3A_64, %dma_wait3A_106] : memref<10240x72xf32, #tpu.memory_space<vmem_shared>> -> memref<64x72xf32, #tpu.memory_space<vmem_shared>>
      %dma_wait3A_108 = arith.constant 0 : i32
      %dma_wait3A_109 = tpu.memref_slice %arg12[%add3A_64, %dma_wait3A_108] : memref<10240x72xf32, #tpu.memory_space<vmem_shared>> -> memref<64x72xf32, #tpu.memory_space<vmem_shared>>
      tpu.wait_dma2 semaphore(%run_scoped3A : memref<!tpu.dma_semaphore, #tpu.memory_space<semaphore_mem>>) src(%arg11 : memref<64x72xf32, #tpu.memory_space<vmem>>) dst(%dma_wait3A_109 : memref<64x72xf32, #tpu.memory_space<vmem_shared>>)
      tpu.yield
    }) : () -> ()
    %mul3A_65 = arith.constant 640 : i32
    %mul3A_66 = arith.muli %arg1, %mul3A_65 : i32
    %add3A_67 = arith.constant 512 : i32
    %add3A_68 = arith.addi %mul3A_66, %add3A_67 : i32
    "tpu.region"() ({
      %run_scoped3A = tpu.sem_alloc : memref<!tpu.dma_semaphore, #tpu.memory_space<semaphore_mem>>
      %dma_start3A_102 = arith.constant 0 : i32
      %dma_start3A_103 = tpu.memref_slice %arg12[%add3A_68, %dma_start3A_102] : memref<10240x72xf32, #tpu.memory_space<vmem_shared>> -> memref<64x72xf32, #tpu.memory_space<vmem_shared>>
      %dma_start3A_104 = arith.constant 0 : i32
      %dma_start3A_105 = tpu.memref_slice %arg12[%add3A_68, %dma_start3A_104] : memref<10240x72xf32, #tpu.memory_space<vmem_shared>> -> memref<64x72xf32, #tpu.memory_space<vmem_shared>>
      tpu.enqueue_dma source(%arg11 : memref<64x72xf32, #tpu.memory_space<vmem>>) target(%dma_start3A_105 : memref<64x72xf32, #tpu.memory_space<vmem_shared>>) target_semaphore(%run_scoped3A : memref<!tpu.dma_semaphore, #tpu.memory_space<semaphore_mem>>)
      %dma_wait3A_106 = arith.constant 0 : i32
      %dma_wait3A_107 = tpu.memref_slice %arg12[%add3A_68, %dma_wait3A_106] : memref<10240x72xf32, #tpu.memory_space<vmem_shared>> -> memref<64x72xf32, #tpu.memory_space<vmem_shared>>
      %dma_wait3A_108 = arith.constant 0 : i32
      %dma_wait3A_109 = tpu.memref_slice %arg12[%add3A_68, %dma_wait3A_108] : memref<10240x72xf32, #tpu.memory_space<vmem_shared>> -> memref<64x72xf32, #tpu.memory_space<vmem_shared>>
      tpu.wait_dma2 semaphore(%run_scoped3A : memref<!tpu.dma_semaphore, #tpu.memory_space<semaphore_mem>>) src(%arg11 : memref<64x72xf32, #tpu.memory_space<vmem>>) dst(%dma_wait3A_109 : memref<64x72xf32, #tpu.memory_space<vmem_shared>>)
      tpu.yield
    }) : () -> ()
    %mul3A_69 = arith.constant 640 : i32
    %mul3A_70 = arith.muli %arg1, %mul3A_69 : i32
    %add3A_71 = arith.constant 576 : i32
    %add3A_72 = arith.addi %mul3A_70, %add3A_71 : i32
    "tpu.region"() ({
      %run_scoped3A = tpu.sem_alloc : memref<!tpu.dma_semaphore, #tpu.memory_space<semaphore_mem>>
      %dma_start3A_102 = arith.constant 0 : i32
      %dma_start3A_103 = tpu.memref_slice %arg12[%add3A_72, %dma_start3A_102] : memref<10240x72xf32, #tpu.memory_space<vmem_shared>> -> memref<64x72xf32, #tpu.memory_space<vmem_shared>>
      %dma_start3A_104 = arith.constant 0 : i32
      %dma_start3A_105 = tpu.memref_slice %arg12[%add3A_72, %dma_start3A_104] : memref<10240x72xf32, #tpu.memory_space<vmem_shared>> -> memref<64x72xf32, #tpu.memory_space<vmem_shared>>
      tpu.enqueue_dma source(%arg11 : memref<64x72xf32, #tpu.memory_space<vmem>>) target(%dma_start3A_105 : memref<64x72xf32, #tpu.memory_space<vmem_shared>>) target_semaphore(%run_scoped3A : memref<!tpu.dma_semaphore, #tpu.memory_space<semaphore_mem>>)
      %dma_wait3A_106 = arith.constant 0 : i32
      %dma_wait3A_107 = tpu.memref_slice %arg12[%add3A_72, %dma_wait3A_106] : memref<10240x72xf32, #tpu.memory_space<vmem_shared>> -> memref<64x72xf32, #tpu.memory_space<vmem_shared>>
      %dma_wait3A_108 = arith.constant 0 : i32
      %dma_wait3A_109 = tpu.memref_slice %arg12[%add3A_72, %dma_wait3A_108] : memref<10240x72xf32, #tpu.memory_space<vmem_shared>> -> memref<64x72xf32, #tpu.memory_space<vmem_shared>>
      tpu.wait_dma2 semaphore(%run_scoped3A : memref<!tpu.dma_semaphore, #tpu.memory_space<semaphore_mem>>) src(%arg11 : memref<64x72xf32, #tpu.memory_space<vmem>>) dst(%dma_wait3A_109 : memref<64x72xf32, #tpu.memory_space<vmem_shared>>)
      tpu.yield
    }) : () -> ()
    %barrier3A = arith.constant 0 : index
    tpu.barrier barrier_id(%barrier3A)
    %scan3A_73 = arith.constant 0 : i32
    %scan3A_74 = arith.constant 0 : i32
    %scan3A_75 = arith.constant 15 : i32
    %scan3A_76 = arith.addi %scan3A_74, %scan3A_75 : i32
    %scan3A_77 = arith.constant 1 : i32
    %scan3A_78 = scf.for %scan3A_102 = %scan3A_74 to %scan3A_76 step %scan3A_77 iter_args(%scan3A_103 = %scan3A_73) -> (i32)  : i32 {
      %mul3A_104 = arith.constant 2 : i32
      %mul3A_105 = arith.muli %scan3A_102, %mul3A_104 : i32
      %add3A_106 = arith.constant 0 : i32
      %add3A_107 = arith.addi %mul3A_105, %add3A_106 : i32
      %dma_wait3A_108 = arith.constant 0 : i32
      %dma_wait3A_109 = arith.constant 0 : i32
      %dma_wait3A_110 = tpu.memref_slice %arg2[%arg0, %dma_wait3A_108, %dma_wait3A_109] : memref<2x64000x128xf32, #tpu.memory_space<hbm>> -> memref<1x128x72xf32, #tpu.memory_space<hbm>>
      %dma_wait3A_111 = tpu.memref_squeeze %dma_wait3A_110 : memref<1x128x72xf32, #tpu.memory_space<hbm>> -> memref<128x72xf32, #tpu.memory_space<hbm>>
      %dma_wait3A_112 = arith.constant 0 : i32
      %dma_wait3A_113 = arith.constant 0 : i32
      %dma_wait3A_114 = tpu.memref_slice %arg2[%arg0, %dma_wait3A_112, %dma_wait3A_113] : memref<2x64000x128xf32, #tpu.memory_space<hbm>> -> memref<1x128x72xf32, #tpu.memory_space<hbm>>
      %dma_wait3A_115 = tpu.memref_squeeze %dma_wait3A_114 : memref<1x128x72xf32, #tpu.memory_space<hbm>> -> memref<128x72xf32, #tpu.memory_space<hbm>>
      tpu.wait_dma2 semaphore(%arg13 : memref<!tpu.dma_semaphore, #tpu.memory_space<semaphore_mem>>) src(%dma_wait3A_115 : memref<128x72xf32, #tpu.memory_space<hbm>>) dst(%arg5 : memref<128x72xf32, #tpu.memory_space<vmem>>)
      %dma_wait3A_116 = arith.constant 0 : i32
      %dma_wait3A_117 = tpu.memref_slice %arg3[%dma_wait3A_116] : memref<320000xi32, #tpu.memory_space<hbm>> -> memref<128xi32, #tpu.memory_space<hbm>>
      %dma_wait3A_118 = arith.constant 0 : i32
      %dma_wait3A_119 = tpu.memref_slice %arg3[%dma_wait3A_118] : memref<320000xi32, #tpu.memory_space<hbm>> -> memref<128xi32, #tpu.memory_space<hbm>>
      tpu.wait_dma2 semaphore(%arg13 : memref<!tpu.dma_semaphore, #tpu.memory_space<semaphore_mem>>) src(%dma_wait3A_119 : memref<128xi32, #tpu.memory_space<hbm>>) dst(%arg7 : memref<128xi32, #tpu.memory_space<vmem>>)
      "tpu.region"() ({
        %run_scoped3A = tpu.sem_alloc : memref<!tpu.dma_semaphore, #tpu.memory_space<semaphore_mem>>
        %dma_start3A_148 = arith.constant 0 : i32
        %dma_start3A_149 = arith.constant 0 : i32
        %dma_start3A_150 = tpu.memref_slice %arg12[%dma_start3A_148, %dma_start3A_149] : memref<10240x72xf32, #tpu.memory_space<vmem_shared>> -> memref<10240x72xf32, #tpu.memory_space<vmem_shared>>
        tpu.enqueue_indirect_dma source(%arg5 : memref<128x72xf32, #tpu.memory_space<vmem>>) target(%dma_start3A_150 : memref<10240x72xf32, #tpu.memory_space<vmem_shared>>) offsets(%arg7 : memref<128xi32, #tpu.memory_space<vmem>>) semaphore(%run_scoped3A : memref<!tpu.dma_semaphore, #tpu.memory_space<semaphore_mem>>) {add = true}
        %dma_wait3A_151 = arith.constant 0 : i32
        %dma_wait3A_152 = arith.constant 0 : i32
        %dma_wait3A_153 = tpu.memref_slice %arg12[%dma_wait3A_151, %dma_wait3A_152] : memref<10240x72xf32, #tpu.memory_space<vmem_shared>> -> memref<10240x72xf32, #tpu.memory_space<vmem_shared>>
        tpu.wait_indirect_dma semaphore(%run_scoped3A : memref<!tpu.dma_semaphore, #tpu.memory_space<semaphore_mem>>) src(%arg5 : memref<128x72xf32, #tpu.memory_space<vmem>>) dst(%dma_wait3A_153 : memref<10240x72xf32, #tpu.memory_space<vmem_shared>>)
        tpu.yield
      }) : () -> ()
      %add3A_120 = arith.constant 2 : i32
      %add3A_121 = arith.addi %add3A_107, %add3A_120 : i32
      %lt3A = arith.constant 31 : i32
      %lt3A_122 = arith.cmpi slt, %add3A_121, %lt3A : i32
      %convert_element_type3A = arith.extui %lt3A_122 : i1 to i32
      %cond3A = arith.constant 0 : i32
      %cond3A_123 = arith.cmpi ne, %convert_element_type3A, %cond3A : i32
      scf.if %cond3A_123 {
        %add3A_148 = arith.constant 2 : i32
        %add3A_149 = arith.addi %add3A_107, %add3A_148 : i32
        %mul3A_150 = arith.constant 128 : i32
        %mul3A_151 = arith.muli %add3A_149, %mul3A_150 : i32
        %add3A_152 = arith.addi %mul3A_0, %mul3A_151 : i32
        %dma_start3A_153 = arith.constant 0 : i32
        %dma_start3A_154 = tpu.memref_slice %arg2[%arg0, %add3A_152, %dma_start3A_153] : memref<2x64000x128xf32, #tpu.memory_space<hbm>> -> memref<1x128x72xf32, #tpu.memory_space<hbm>>
        %dma_start3A_155 = tpu.memref_squeeze %dma_start3A_154 : memref<1x128x72xf32, #tpu.memory_space<hbm>> -> memref<128x72xf32, #tpu.memory_space<hbm>>
        %dma_start3A_156 = arith.constant 0 : i32
        %dma_start3A_157 = tpu.memref_slice %arg2[%arg0, %add3A_152, %dma_start3A_156] : memref<2x64000x128xf32, #tpu.memory_space<hbm>> -> memref<1x128x72xf32, #tpu.memory_space<hbm>>
        %dma_start3A_158 = tpu.memref_squeeze %dma_start3A_157 : memref<1x128x72xf32, #tpu.memory_space<hbm>> -> memref<128x72xf32, #tpu.memory_space<hbm>>
        tpu.enqueue_dma source(%dma_start3A_158 : memref<128x72xf32, #tpu.memory_space<hbm>>) target(%arg5 : memref<128x72xf32, #tpu.memory_space<vmem>>) target_semaphore(%arg13 : memref<!tpu.dma_semaphore, #tpu.memory_space<semaphore_mem>>)
        %add3A_159 = arith.constant 128000 : i32
        %add3A_160 = arith.addi %add3A_159, %mul3A_0 : i32
        %mul3A_161 = arith.constant 128 : i32
        %mul3A_162 = arith.muli %add3A_149, %mul3A_161 : i32
        %add3A_163 = arith.addi %add3A_160, %mul3A_162 : i32
        %dma_start3A_164 = tpu.memref_slice %arg3[%add3A_163] : memref<320000xi32, #tpu.memory_space<hbm>> -> memref<128xi32, #tpu.memory_space<hbm>>
        %dma_start3A_165 = tpu.memref_slice %arg3[%add3A_163] : memref<320000xi32, #tpu.memory_space<hbm>> -> memref<128xi32, #tpu.memory_space<hbm>>
        tpu.enqueue_dma source(%dma_start3A_165 : memref<128xi32, #tpu.memory_space<hbm>>) target(%arg7 : memref<128xi32, #tpu.memory_space<vmem>>) target_semaphore(%arg13 : memref<!tpu.dma_semaphore, #tpu.memory_space<semaphore_mem>>)
      } else {
      }
      %mul3A_124 = arith.constant 2 : i32
      %mul3A_125 = arith.muli %scan3A_102, %mul3A_124 : i32
      %add3A_126 = arith.constant 1 : i32
      %add3A_127 = arith.addi %mul3A_125, %add3A_126 : i32
      %dma_wait3A_128 = arith.constant 0 : i32
      %dma_wait3A_129 = arith.constant 0 : i32
      %dma_wait3A_130 = tpu.memref_slice %arg2[%arg0, %dma_wait3A_128, %dma_wait3A_129] : memref<2x64000x128xf32, #tpu.memory_space<hbm>> -> memref<1x128x72xf32, #tpu.memory_space<hbm>>
      %dma_wait3A_131 = tpu.memref_squeeze %dma_wait3A_130 : memref<1x128x72xf32, #tpu.memory_space<hbm>> -> memref<128x72xf32, #tpu.memory_space<hbm>>
      %dma_wait3A_132 = arith.constant 0 : i32
      %dma_wait3A_133 = arith.constant 0 : i32
      %dma_wait3A_134 = tpu.memref_slice %arg2[%arg0, %dma_wait3A_132, %dma_wait3A_133] : memref<2x64000x128xf32, #tpu.memory_space<hbm>> -> memref<1x128x72xf32, #tpu.memory_space<hbm>>
      %dma_wait3A_135 = tpu.memref_squeeze %dma_wait3A_134 : memref<1x128x72xf32, #tpu.memory_space<hbm>> -> memref<128x72xf32, #tpu.memory_space<hbm>>
      tpu.wait_dma2 semaphore(%arg14 : memref<!tpu.dma_semaphore, #tpu.memory_space<semaphore_mem>>) src(%dma_wait3A_135 : memref<128x72xf32, #tpu.memory_space<hbm>>) dst(%arg6 : memref<128x72xf32, #tpu.memory_space<vmem>>)
      %dma_wait3A_136 = arith.constant 0 : i32
      %dma_wait3A_137 = tpu.memref_slice %arg3[%dma_wait3A_136] : memref<320000xi32, #tpu.memory_space<hbm>> -> memref<128xi32, #tpu.memory_space<hbm>>
      %dma_wait3A_138 = arith.constant 0 : i32
      %dma_wait3A_139 = tpu.memref_slice %arg3[%dma_wait3A_138] : memref<320000xi32, #tpu.memory_space<hbm>> -> memref<128xi32, #tpu.memory_space<hbm>>
      tpu.wait_dma2 semaphore(%arg14 : memref<!tpu.dma_semaphore, #tpu.memory_space<semaphore_mem>>) src(%dma_wait3A_139 : memref<128xi32, #tpu.memory_space<hbm>>) dst(%arg8 : memref<128xi32, #tpu.memory_space<vmem>>)
      "tpu.region"() ({
        %run_scoped3A = tpu.sem_alloc : memref<!tpu.dma_semaphore, #tpu.memory_space<semaphore_mem>>
        %dma_start3A_148 = arith.constant 0 : i32
        %dma_start3A_149 = arith.constant 0 : i32
        %dma_start3A_150 = tpu.memref_slice %arg12[%dma_start3A_148, %dma_start3A_149] : memref<10240x72xf32, #tpu.memory_space<vmem_shared>> -> memref<10240x72xf32, #tpu.memory_space<vmem_shared>>
        tpu.enqueue_indirect_dma source(%arg6 : memref<128x72xf32, #tpu.memory_space<vmem>>) target(%dma_start3A_150 : memref<10240x72xf32, #tpu.memory_space<vmem_shared>>) offsets(%arg8 : memref<128xi32, #tpu.memory_space<vmem>>) semaphore(%run_scoped3A : memref<!tpu.dma_semaphore, #tpu.memory_space<semaphore_mem>>) {add = true}
        %dma_wait3A_151 = arith.constant 0 : i32
        %dma_wait3A_152 = arith.constant 0 : i32
        %dma_wait3A_153 = tpu.memref_slice %arg12[%dma_wait3A_151, %dma_wait3A_152] : memref<10240x72xf32, #tpu.memory_space<vmem_shared>> -> memref<10240x72xf32, #tpu.memory_space<vmem_shared>>
        tpu.wait_indirect_dma semaphore(%run_scoped3A : memref<!tpu.dma_semaphore, #tpu.memory_space<semaphore_mem>>) src(%arg6 : memref<128x72xf32, #tpu.memory_space<vmem>>) dst(%dma_wait3A_153 : memref<10240x72xf32, #tpu.memory_space<vmem_shared>>)
        tpu.yield
      }) : () -> ()
      %add3A_140 = arith.constant 2 : i32
      %add3A_141 = arith.addi %add3A_127, %add3A_140 : i32
      %lt3A_142 = arith.constant 31 : i32
      %lt3A_143 = arith.cmpi slt, %add3A_141, %lt3A_142 : i32
      %convert_element_type3A_144 = arith.extui %lt3A_143 : i1 to i32
      %cond3A_145 = arith.constant 0 : i32
      %cond3A_146 = arith.cmpi ne, %convert_element_type3A_144, %cond3A_145 : i32
      scf.if %cond3A_146 {
        %add3A_148 = arith.constant 2 : i32
        %add3A_149 = arith.addi %add3A_127, %add3A_148 : i32
        %mul3A_150 = arith.constant 128 : i32
        %mul3A_151 = arith.muli %add3A_149, %mul3A_150 : i32
        %add3A_152 = arith.addi %mul3A_0, %mul3A_151 : i32
        %dma_start3A_153 = arith.constant 0 : i32
        %dma_start3A_154 = tpu.memref_slice %arg2[%arg0, %add3A_152, %dma_start3A_153] : memref<2x64000x128xf32, #tpu.memory_space<hbm>> -> memref<1x128x72xf32, #tpu.memory_space<hbm>>
        %dma_start3A_155 = tpu.memref_squeeze %dma_start3A_154 : memref<1x128x72xf32, #tpu.memory_space<hbm>> -> memref<128x72xf32, #tpu.memory_space<hbm>>
        %dma_start3A_156 = arith.constant 0 : i32
        %dma_start3A_157 = tpu.memref_slice %arg2[%arg0, %add3A_152, %dma_start3A_156] : memref<2x64000x128xf32, #tpu.memory_space<hbm>> -> memref<1x128x72xf32, #tpu.memory_space<hbm>>
        %dma_start3A_158 = tpu.memref_squeeze %dma_start3A_157 : memref<1x128x72xf32, #tpu.memory_space<hbm>> -> memref<128x72xf32, #tpu.memory_space<hbm>>
        tpu.enqueue_dma source(%dma_start3A_158 : memref<128x72xf32, #tpu.memory_space<hbm>>) target(%arg6 : memref<128x72xf32, #tpu.memory_space<vmem>>) target_semaphore(%arg14 : memref<!tpu.dma_semaphore, #tpu.memory_space<semaphore_mem>>)
        %add3A_159 = arith.constant 128000 : i32
        %add3A_160 = arith.addi %add3A_159, %mul3A_0 : i32
        %mul3A_161 = arith.constant 128 : i32
        %mul3A_162 = arith.muli %add3A_149, %mul3A_161 : i32
        %add3A_163 = arith.addi %add3A_160, %mul3A_162 : i32
        %dma_start3A_164 = tpu.memref_slice %arg3[%add3A_163] : memref<320000xi32, #tpu.memory_space<hbm>> -> memref<128xi32, #tpu.memory_space<hbm>>
        %dma_start3A_165 = tpu.memref_slice %arg3[%add3A_163] : memref<320000xi32, #tpu.memory_space<hbm>> -> memref<128xi32, #tpu.memory_space<hbm>>
        tpu.enqueue_dma source(%dma_start3A_165 : memref<128xi32, #tpu.memory_space<hbm>>) target(%arg8 : memref<128xi32, #tpu.memory_space<vmem>>) target_semaphore(%arg14 : memref<!tpu.dma_semaphore, #tpu.memory_space<semaphore_mem>>)
      } else {
      }
      %scan3A_147 = arith.constant 0 : i32
      scf.yield %scan3A_147 : i32
    }
    %scan3A_79 = arith.constant 15 : i32
    %dma_wait3A = arith.constant 0 : i32
    %dma_wait3A_80 = arith.constant 0 : i32
    %dma_wait3A_81 = tpu.memref_slice %arg2[%arg0, %dma_wait3A, %dma_wait3A_80] : memref<2x64000x128xf32, #tpu.memory_space<hbm>> -> memref<1x128x72xf32, #tpu.memory_space<hbm>>
    %dma_wait3A_82 = tpu.memref_squeeze %dma_wait3A_81 : memref<1x128x72xf32, #tpu.memory_space<hbm>> -> memref<128x72xf32, #tpu.memory_space<hbm>>
    %dma_wait3A_83 = arith.constant 0 : i32
    %dma_wait3A_84 = arith.constant 0 : i32
    %dma_wait3A_85 = tpu.memref_slice %arg2[%arg0, %dma_wait3A_83, %dma_wait3A_84] : memref<2x64000x128xf32, #tpu.memory_space<hbm>> -> memref<1x128x72xf32, #tpu.memory_space<hbm>>
    %dma_wait3A_86 = tpu.memref_squeeze %dma_wait3A_85 : memref<1x128x72xf32, #tpu.memory_space<hbm>> -> memref<128x72xf32, #tpu.memory_space<hbm>>
    tpu.wait_dma2 semaphore(%arg13 : memref<!tpu.dma_semaphore, #tpu.memory_space<semaphore_mem>>) src(%dma_wait3A_86 : memref<128x72xf32, #tpu.memory_space<hbm>>) dst(%arg5 : memref<128x72xf32, #tpu.memory_space<vmem>>)
    %dma_wait3A_87 = arith.constant 0 : i32
    %dma_wait3A_88 = tpu.memref_slice %arg3[%dma_wait3A_87] : memref<320000xi32, #tpu.memory_space<hbm>> -> memref<128xi32, #tpu.memory_space<hbm>>
    %dma_wait3A_89 = arith.constant 0 : i32
    %dma_wait3A_90 = tpu.memref_slice %arg3[%dma_wait3A_89] : memref<320000xi32, #tpu.memory_space<hbm>> -> memref<128xi32, #tpu.memory_space<hbm>>
    tpu.wait_dma2 semaphore(%arg13 : memref<!tpu.dma_semaphore, #tpu.memory_space<semaphore_mem>>) src(%dma_wait3A_90 : memref<128xi32, #tpu.memory_space<hbm>>) dst(%arg7 : memref<128xi32, #tpu.memory_space<vmem>>)
    "tpu.region"() ({
      %run_scoped3A = tpu.sem_alloc : memref<!tpu.dma_semaphore, #tpu.memory_space<semaphore_mem>>
      %dma_start3A_102 = arith.constant 0 : i32
      %dma_start3A_103 = arith.constant 0 : i32
      %dma_start3A_104 = tpu.memref_slice %arg12[%dma_start3A_102, %dma_start3A_103] : memref<10240x72xf32, #tpu.memory_space<vmem_shared>> -> memref<10240x72xf32, #tpu.memory_space<vmem_shared>>
      tpu.enqueue_indirect_dma source(%arg5 : memref<128x72xf32, #tpu.memory_space<vmem>>) target(%dma_start3A_104 : memref<10240x72xf32, #tpu.memory_space<vmem_shared>>) offsets(%arg7 : memref<128xi32, #tpu.memory_space<vmem>>) semaphore(%run_scoped3A : memref<!tpu.dma_semaphore, #tpu.memory_space<semaphore_mem>>) {add = true}
      %dma_wait3A_105 = arith.constant 0 : i32
      %dma_wait3A_106 = arith.constant 0 : i32
      %dma_wait3A_107 = tpu.memref_slice %arg12[%dma_wait3A_105, %dma_wait3A_106] : memref<10240x72xf32, #tpu.memory_space<vmem_shared>> -> memref<10240x72xf32, #tpu.memory_space<vmem_shared>>
      tpu.wait_indirect_dma semaphore(%run_scoped3A : memref<!tpu.dma_semaphore, #tpu.memory_space<semaphore_mem>>) src(%arg5 : memref<128x72xf32, #tpu.memory_space<vmem>>) dst(%dma_wait3A_107 : memref<10240x72xf32, #tpu.memory_space<vmem_shared>>)
      tpu.yield
    }) : () -> ()
    %add3A_91 = arith.constant 3968 : i32
    %add3A_92 = arith.addi %mul3A_0, %add3A_91 : i32
    "tpu.region"() ({
      %run_scoped3A = tpu.sem_alloc : memref<!tpu.dma_semaphore, #tpu.memory_space<semaphore_mem>>
      %dma_start3A_102 = arith.constant 0 : i32
      %dma_start3A_103 = tpu.memref_slice %arg2[%arg0, %add3A_92, %dma_start3A_102] : memref<2x64000x128xf32, #tpu.memory_space<hbm>> -> memref<1x32x72xf32, #tpu.memory_space<hbm>>
      %dma_start3A_104 = tpu.memref_squeeze %dma_start3A_103 : memref<1x32x72xf32, #tpu.memory_space<hbm>> -> memref<32x72xf32, #tpu.memory_space<hbm>>
      %dma_start3A_105 = arith.constant 0 : i32
      %dma_start3A_106 = tpu.memref_slice %arg2[%arg0, %add3A_92, %dma_start3A_105] : memref<2x64000x128xf32, #tpu.memory_space<hbm>> -> memref<1x32x72xf32, #tpu.memory_space<hbm>>
      %dma_start3A_107 = tpu.memref_squeeze %dma_start3A_106 : memref<1x32x72xf32, #tpu.memory_space<hbm>> -> memref<32x72xf32, #tpu.memory_space<hbm>>
      tpu.enqueue_dma source(%dma_start3A_107 : memref<32x72xf32, #tpu.memory_space<hbm>>) target(%arg9 : memref<32x72xf32, #tpu.memory_space<vmem>>) target_semaphore(%run_scoped3A : memref<!tpu.dma_semaphore, #tpu.memory_space<semaphore_mem>>)
      %dma_wait3A_108 = arith.constant 0 : i32
      %dma_wait3A_109 = tpu.memref_slice %arg2[%arg0, %add3A_92, %dma_wait3A_108] : memref<2x64000x128xf32, #tpu.memory_space<hbm>> -> memref<1x32x72xf32, #tpu.memory_space<hbm>>
      %dma_wait3A_110 = tpu.memref_squeeze %dma_wait3A_109 : memref<1x32x72xf32, #tpu.memory_space<hbm>> -> memref<32x72xf32, #tpu.memory_space<hbm>>
      %dma_wait3A_111 = arith.constant 0 : i32
      %dma_wait3A_112 = tpu.memref_slice %arg2[%arg0, %add3A_92, %dma_wait3A_111] : memref<2x64000x128xf32, #tpu.memory_space<hbm>> -> memref<1x32x72xf32, #tpu.memory_space<hbm>>
      %dma_wait3A_113 = tpu.memref_squeeze %dma_wait3A_112 : memref<1x32x72xf32, #tpu.memory_space<hbm>> -> memref<32x72xf32, #tpu.memory_space<hbm>>
      tpu.wait_dma2 semaphore(%run_scoped3A : memref<!tpu.dma_semaphore, #tpu.memory_space<semaphore_mem>>) src(%dma_wait3A_113 : memref<32x72xf32, #tpu.memory_space<hbm>>) dst(%arg9 : memref<32x72xf32, #tpu.memory_space<vmem>>)
      tpu.yield
    }) : () -> ()
    %add3A_93 = arith.constant 128000 : i32
    %add3A_94 = arith.addi %add3A_93, %mul3A_0 : i32
    %add3A_95 = arith.constant 3968 : i32
    %add3A_96 = arith.addi %add3A_94, %add3A_95 : i32
    "tpu.region"() ({
      %run_scoped3A = tpu.sem_alloc : memref<!tpu.dma_semaphore, #tpu.memory_space<semaphore_mem>>
      %dma_start3A_102 = tpu.memref_slice %arg3[%add3A_96] : memref<320000xi32, #tpu.memory_space<hbm>> -> memref<32xi32, #tpu.memory_space<hbm>>
      %dma_start3A_103 = tpu.memref_slice %arg3[%add3A_96] : memref<320000xi32, #tpu.memory_space<hbm>> -> memref<32xi32, #tpu.memory_space<hbm>>
      tpu.enqueue_dma source(%dma_start3A_103 : memref<32xi32, #tpu.memory_space<hbm>>) target(%arg10 : memref<32xi32, #tpu.memory_space<vmem>>) target_semaphore(%run_scoped3A : memref<!tpu.dma_semaphore, #tpu.memory_space<semaphore_mem>>)
      %dma_wait3A_104 = tpu.memref_slice %arg3[%add3A_96] : memref<320000xi32, #tpu.memory_space<hbm>> -> memref<32xi32, #tpu.memory_space<hbm>>
      %dma_wait3A_105 = tpu.memref_slice %arg3[%add3A_96] : memref<320000xi32, #tpu.memory_space<hbm>> -> memref<32xi32, #tpu.memory_space<hbm>>
      tpu.wait_dma2 semaphore(%run_scoped3A : memref<!tpu.dma_semaphore, #tpu.memory_space<semaphore_mem>>) src(%dma_wait3A_105 : memref<32xi32, #tpu.memory_space<hbm>>) dst(%arg10 : memref<32xi32, #tpu.memory_space<vmem>>)
      tpu.yield
    }) : () -> ()
    "tpu.region"() ({
      %run_scoped3A = tpu.sem_alloc : memref<!tpu.dma_semaphore, #tpu.memory_space<semaphore_mem>>
      %dma_start3A_102 = arith.constant 0 : i32
      %dma_start3A_103 = arith.constant 0 : i32
      %dma_start3A_104 = tpu.memref_slice %arg12[%dma_start3A_102, %dma_start3A_103] : memref<10240x72xf32, #tpu.memory_space<vmem_shared>> -> memref<10240x72xf32, #tpu.memory_space<vmem_shared>>
      tpu.enqueue_indirect_dma source(%arg9 : memref<32x72xf32, #tpu.memory_space<vmem>>) target(%dma_start3A_104 : memref<10240x72xf32, #tpu.memory_space<vmem_shared>>) offsets(%arg10 : memref<32xi32, #tpu.memory_space<vmem>>) semaphore(%run_scoped3A : memref<!tpu.dma_semaphore, #tpu.memory_space<semaphore_mem>>) {add = true}
      %dma_wait3A_105 = arith.constant 0 : i32
      %dma_wait3A_106 = arith.constant 0 : i32
      %dma_wait3A_107 = tpu.memref_slice %arg12[%dma_wait3A_105, %dma_wait3A_106] : memref<10240x72xf32, #tpu.memory_space<vmem_shared>> -> memref<10240x72xf32, #tpu.memory_space<vmem_shared>>
      tpu.wait_indirect_dma semaphore(%run_scoped3A : memref<!tpu.dma_semaphore, #tpu.memory_space<semaphore_mem>>) src(%arg9 : memref<32x72xf32, #tpu.memory_space<vmem>>) dst(%dma_wait3A_107 : memref<10240x72xf32, #tpu.memory_space<vmem_shared>>)
      tpu.yield
    }) : () -> ()
    %barrier3A_97 = arith.constant 0 : index
    tpu.barrier barrier_id(%barrier3A_97)
    %mul3A_98 = arith.constant 640 : i32
    %mul3A_99 = arith.muli %arg1, %mul3A_98 : i32
    %mul3A_100 = arith.constant 640 : i32
    %mul3A_101 = arith.muli %arg1, %mul3A_100 : i32
    "tpu.region"() ({
      %run_scoped3A = tpu.sem_alloc : memref<!tpu.dma_semaphore, #tpu.memory_space<semaphore_mem>>
      %dma_start3A_102 = arith.constant 0 : i32
      %dma_start3A_103 = tpu.memref_slice %arg4[%arg0, %mul3A_101, %dma_start3A_102] : memref<2x10240x72xf32, #tpu.memory_space<hbm>> -> memref<1x640x72xf32, #tpu.memory_space<hbm>>
      %dma_start3A_104 = tpu.memref_squeeze %dma_start3A_103 : memref<1x640x72xf32, #tpu.memory_space<hbm>> -> memref<640x72xf32, #tpu.memory_space<hbm>>
      %dma_start3A_105 = arith.constant 0 : i32
      %dma_start3A_106 = tpu.memref_slice %arg12[%mul3A_99, %dma_start3A_105] : memref<10240x72xf32, #tpu.memory_space<vmem_shared>> -> memref<640x72xf32, #tpu.memory_space<vmem_shared>>
      tpu.enqueue_dma source(%dma_start3A_106 : memref<640x72xf32, #tpu.memory_space<vmem_shared>>) target(%dma_start3A_104 : memref<640x72xf32, #tpu.memory_space<hbm>>) target_semaphore(%run_scoped3A : memref<!tpu.dma_semaphore, #tpu.memory_space<semaphore_mem>>)
      %dma_wait3A_107 = arith.constant 0 : i32
      %dma_wait3A_108 = tpu.memref_slice %arg4[%arg0, %mul3A_101, %dma_wait3A_107] : memref<2x10240x72xf32, #tpu.memory_space<hbm>> -> memref<1x640x72xf32, #tpu.memory_space<hbm>>
      %dma_wait3A_109 = tpu.memref_squeeze %dma_wait3A_108 : memref<1x640x72xf32, #tpu.memory_space<hbm>> -> memref<640x72xf32, #tpu.memory_space<hbm>>
      %dma_wait3A_110 = arith.constant 0 : i32
      %dma_wait3A_111 = tpu.memref_slice %arg12[%mul3A_99, %dma_wait3A_110] : memref<10240x72xf32, #tpu.memory_space<vmem_shared>> -> memref<640x72xf32, #tpu.memory_space<vmem_shared>>
      tpu.wait_dma2 semaphore(%run_scoped3A : memref<!tpu.dma_semaphore, #tpu.memory_space<semaphore_mem>>) src(%dma_wait3A_111 : memref<640x72xf32, #tpu.memory_space<vmem_shared>>) dst(%dma_wait3A_109 : memref<640x72xf32, #tpu.memory_space<hbm>>)
      tpu.yield
    }) : () -> ()
    return
  }
}

#map = affine_map<(d0, d1) -> (0, 0, 0)>
#map1 = affine_map<(d0, d1) -> (0)>
module attributes {stable_mosaic.version = 14 : i64} {
  func.func @body(%arg0: i32, %arg1: i32, %arg2: memref<2x64000x128xf32, #tpu.memory_space<hbm>>, %arg3: memref<320000xi32, #tpu.memory_space<hbm>>, %arg4: memref<2x10240x72xf32, #tpu.memory_space<hbm>>, %arg5: memref<128x72xf32, #tpu.memory_space<vmem>>, %arg6: memref<128x72xf32, #tpu.memory_space<vmem>>, %arg7: memref<128xi32, #tpu.memory_space<vmem>>, %arg8: memref<128xi32, #tpu.memory_space<vmem>>, %arg9: memref<32x72xf32, #tpu.memory_space<vmem>>, %arg10: memref<32xi32, #tpu.memory_space<vmem>>, %arg11: memref<64x72xf32, #tpu.memory_space<vmem>>, %arg12: memref<10240x72xf32, #tpu.memory_space<vmem_shared>>, %arg13: memref<!tpu.dma_semaphore, #tpu.memory_space<semaphore_mem>>, %arg14: memref<!tpu.dma_semaphore, #tpu.memory_space<semaphore_mem>>) attributes {dimension_semantics = [#tpu.dimension_semantics<core_parallel>, #tpu.dimension_semantics<subcore_parallel>], iteration_bounds = array<i64: 2, 16>, scalar_prefetch = 0 : i64, scratch_operands = 10 : i64, tpu.core_type = #tpu.core_type<sc_vector_subcore>, window_params = [{transform_indices = #map}, {transform_indices = #map1}, {transform_indices = #map}]} {
    %mul3A = arith.constant 4000 : i32
    %mul3A_0 = arith.muli %arg1, %mul3A : i32
    %add3A = arith.constant 0 : i32
    %add3A_1 = arith.addi %mul3A_0, %add3A : i32
    %dma_start3A = arith.constant 0 : i32
    %dma_start3A_2 = tpu.memref_slice %arg2[%arg0, %add3A_1, %dma_start3A] : memref<2x64000x128xf32, #tpu.memory_space<hbm>> -> memref<1x128x72xf32, #tpu.memory_space<hbm>>
    %dma_start3A_3 = tpu.memref_squeeze %dma_start3A_2 : memref<1x128x72xf32, #tpu.memory_space<hbm>> -> memref<128x72xf32, #tpu.memory_space<hbm>>
    %dma_start3A_4 = arith.constant 0 : i32
    %dma_start3A_5 = tpu.memref_slice %arg2[%arg0, %add3A_1, %dma_start3A_4] : memref<2x64000x128xf32, #tpu.memory_space<hbm>> -> memref<1x128x72xf32, #tpu.memory_space<hbm>>
    %dma_start3A_6 = tpu.memref_squeeze %dma_start3A_5 : memref<1x128x72xf32, #tpu.memory_space<hbm>> -> memref<128x72xf32, #tpu.memory_space<hbm>>
    tpu.enqueue_dma source(%dma_start3A_6 : memref<128x72xf32, #tpu.memory_space<hbm>>) target(%arg5 : memref<128x72xf32, #tpu.memory_space<vmem>>) target_semaphore(%arg13 : memref<!tpu.dma_semaphore, #tpu.memory_space<semaphore_mem>>)
    %add3A_7 = arith.constant 64000 : i32
    %add3A_8 = arith.addi %add3A_7, %mul3A_0 : i32
    %add3A_9 = arith.constant 0 : i32
    %add3A_10 = arith.addi %add3A_8, %add3A_9 : i32
    %dma_start3A_11 = tpu.memref_slice %arg3[%add3A_10] : memref<320000xi32, #tpu.memory_space<hbm>> -> memref<128xi32, #tpu.memory_space<hbm>>
    %dma_start3A_12 = tpu.memref_slice %arg3[%add3A_10] : memref<320000xi32, #tpu.memory_space<hbm>> -> memref<128xi32, #tpu.memory_space<hbm>>
    tpu.enqueue_dma source(%dma_start3A_12 : memref<128xi32, #tpu.memory_space<hbm>>) target(%arg7 : memref<128xi32, #tpu.memory_space<vmem>>) target_semaphore(%arg13 : memref<!tpu.dma_semaphore, #tpu.memory_space<semaphore_mem>>)
    %add3A_13 = arith.constant 128 : i32
    %add3A_14 = arith.addi %mul3A_0, %add3A_13 : i32
    %dma_start3A_15 = arith.constant 0 : i32
    %dma_start3A_16 = tpu.memref_slice %arg2[%arg0, %add3A_14, %dma_start3A_15] : memref<2x64000x128xf32, #tpu.memory_space<hbm>> -> memref<1x128x72xf32, #tpu.memory_space<hbm>>
    %dma_start3A_17 = tpu.memref_squeeze %dma_start3A_16 : memref<1x128x72xf32, #tpu.memory_space<hbm>> -> memref<128x72xf32, #tpu.memory_space<hbm>>
    %dma_start3A_18 = arith.constant 0 : i32
    %dma_start3A_19 = tpu.memref_slice %arg2[%arg0, %add3A_14, %dma_start3A_18] : memref<2x64000x128xf32, #tpu.memory_space<hbm>> -> memref<1x128x72xf32, #tpu.memory_space<hbm>>
    %dma_start3A_20 = tpu.memref_squeeze %dma_start3A_19 : memref<1x128x72xf32, #tpu.memory_space<hbm>> -> memref<128x72xf32, #tpu.memory_space<hbm>>
    tpu.enqueue_dma source(%dma_start3A_20 : memref<128x72xf32, #tpu.memory_space<hbm>>) target(%arg6 : memref<128x72xf32, #tpu.memory_space<vmem>>) target_semaphore(%arg14 : memref<!tpu.dma_semaphore, #tpu.memory_space<semaphore_mem>>)
    %add3A_21 = arith.constant 64000 : i32
    %add3A_22 = arith.addi %add3A_21, %mul3A_0 : i32
    %add3A_23 = arith.constant 128 : i32
    %add3A_24 = arith.addi %add3A_22, %add3A_23 : i32
    %dma_start3A_25 = tpu.memref_slice %arg3[%add3A_24] : memref<320000xi32, #tpu.memory_space<hbm>> -> memref<128xi32, #tpu.memory_space<hbm>>
    %dma_start3A_26 = tpu.memref_slice %arg3[%add3A_24] : memref<320000xi32, #tpu.memory_space<hbm>> -> memref<128xi32, #tpu.memory_space<hbm>>
    tpu.enqueue_dma source(%dma_start3A_26 : memref<128xi32, #tpu.memory_space<hbm>>) target(%arg8 : memref<128xi32, #tpu.memory_space<vmem>>) target_semaphore(%arg14 : memref<!tpu.dma_semaphore, #tpu.memory_space<semaphore_mem>>)
    %scan3A = arith.constant 0 : i32
    %scan3A_27 = arith.constant 0 : i32
    %scan3A_28 = arith.constant 64 : i32
    %scan3A_29 = arith.addi %scan3A_27, %scan3A_28 : i32
    %scan3A_30 = arith.constant 1 : i32
    %scan3A_31 = scf.for %scan3A_102 = %scan3A_27 to %scan3A_29 step %scan3A_30 iter_args(%scan3A_103 = %scan3A) -> (i32)  : i32 {
      %broadcast_in_dim3A = arith.constant 0.000000e+00 : f32
      %broadcast_in_dim3A_104 = vector.broadcast %broadcast_in_dim3A : f32 to vector<16xf32>
      %swap3A = arith.index_cast %scan3A_102 : i32 to index
      %swap3A_105 = arith.constant 0 : index
      %swap3A_106 = tpu.vector_load %arg11[%swap3A, %swap3A_105] {strides = array<i32>} : memref<64x72xf32, #tpu.memory_space<vmem>>, vector<1x16xf32>,
      %swap3A_107 = vector.shape_cast %swap3A_106 : vector<1x16xf32> to vector<16xf32>
      %swap3A_108 = vector.shape_cast %broadcast_in_dim3A_104 : vector<16xf32> to vector<1x16xf32>
      tpu.vector_store %arg11[%swap3A, %swap3A_105], %swap3A_108 {strides = array<i32>} : memref<64x72xf32, #tpu.memory_space<vmem>>, vector<1x16xf32>,
      %broadcast_in_dim3A_109 = arith.constant 0.000000e+00 : f32
      %broadcast_in_dim3A_110 = vector.broadcast %broadcast_in_dim3A_109 : f32 to vector<16xf32>
      %swap3A_111 = arith.index_cast %scan3A_102 : i32 to index
      %swap3A_112 = arith.constant 16 : index
      %swap3A_113 = tpu.vector_load %arg11[%swap3A_111, %swap3A_112] {strides = array<i32>} : memref<64x72xf32, #tpu.memory_space<vmem>>, vector<1x16xf32>,
      %swap3A_114 = vector.shape_cast %swap3A_113 : vector<1x16xf32> to vector<16xf32>
      %swap3A_115 = vector.shape_cast %broadcast_in_dim3A_110 : vector<16xf32> to vector<1x16xf32>
      tpu.vector_store %arg11[%swap3A_111, %swap3A_112], %swap3A_115 {strides = array<i32>} : memref<64x72xf32, #tpu.memory_space<vmem>>, vector<1x16xf32>,
      %broadcast_in_dim3A_116 = arith.constant 0.000000e+00 : f32
      %broadcast_in_dim3A_117 = vector.broadcast %broadcast_in_dim3A_116 : f32 to vector<16xf32>
      %swap3A_118 = arith.index_cast %scan3A_102 : i32 to index
      %swap3A_119 = arith.constant 32 : index
      %swap3A_120 = tpu.vector_load %arg11[%swap3A_118, %swap3A_119] {strides = array<i32>} : memref<64x72xf32, #tpu.memory_space<vmem>>, vector<1x16xf32>,
      %swap3A_121 = vector.shape_cast %swap3A_120 : vector<1x16xf32> to vector<16xf32>
      %swap3A_122 = vector.shape_cast %broadcast_in_dim3A_117 : vector<16xf32> to vector<1x16xf32>
      tpu.vector_store %arg11[%swap3A_118, %swap3A_119], %swap3A_122 {strides = array<i32>} : memref<64x72xf32, #tpu.memory_space<vmem>>, vector<1x16xf32>,
      %broadcast_in_dim3A_123 = arith.constant 0.000000e+00 : f32
      %broadcast_in_dim3A_124 = vector.broadcast %broadcast_in_dim3A_123 : f32 to vector<16xf32>
      %swap3A_125 = arith.index_cast %scan3A_102 : i32 to index
      %swap3A_126 = arith.constant 48 : index
      %swap3A_127 = tpu.vector_load %arg11[%swap3A_125, %swap3A_126] {strides = array<i32>} : memref<64x72xf32, #tpu.memory_space<vmem>>, vector<1x16xf32>,
      %swap3A_128 = vector.shape_cast %swap3A_127 : vector<1x16xf32> to vector<16xf32>
      %swap3A_129 = vector.shape_cast %broadcast_in_dim3A_124 : vector<16xf32> to vector<1x16xf32>
      tpu.vector_store %arg11[%swap3A_125, %swap3A_126], %swap3A_129 {strides = array<i32>} : memref<64x72xf32, #tpu.memory_space<vmem>>, vector<1x16xf32>,
      %broadcast_in_dim3A_130 = arith.constant 0.000000e+00 : f32
      %broadcast_in_dim3A_131 = vector.broadcast %broadcast_in_dim3A_130 : f32 to vector<16xf32>
      %swap3A_132 = arith.index_cast %scan3A_102 : i32 to index
      %swap3A_133 = arith.constant 56 : index
      %swap3A_134 = tpu.vector_load %arg11[%swap3A_132, %swap3A_133] {strides = array<i32>} : memref<64x72xf32, #tpu.memory_space<vmem>>, vector<1x16xf32>,
      %swap3A_135 = vector.shape_cast %swap3A_134 : vector<1x16xf32> to vector<16xf32>
      %swap3A_136 = vector.shape_cast %broadcast_in_dim3A_131 : vector<16xf32> to vector<1x16xf32>
      tpu.vector_store %arg11[%swap3A_132, %swap3A_133], %swap3A_136 {strides = array<i32>} : memref<64x72xf32, #tpu.memory_space<vmem>>, vector<1x16xf32>,
      %scan3A_137 = arith.constant 0 : i32
      scf.yield %scan3A_137 : i32
    }
    %scan3A_32 = arith.constant 64 : i32
    %mul3A_33 = arith.constant 640 : i32
    %mul3A_34 = arith.muli %arg1, %mul3A_33 : i32
    %add3A_35 = arith.constant 0 : i32
    %add3A_36 = arith.addi %mul3A_34, %add3A_35 : i32
    "tpu.region"() ({
      %run_scoped3A = tpu.sem_alloc : memref<!tpu.dma_semaphore, #tpu.memory_space<semaphore_mem>>
      %dma_start3A_102 = arith.constant 0 : i32
      %dma_start3A_103 = tpu.memref_slice %arg12[%add3A_36, %dma_start3A_102] : memref<10240x72xf32, #tpu.memory_space<vmem_shared>> -> memref<64x72xf32, #tpu.memory_space<vmem_shared>>
      %dma_start3A_104 = arith.constant 0 : i32
      %dma_start3A_105 = tpu.memref_slice %arg12[%add3A_36, %dma_start3A_104] : memref<10240x72xf32, #tpu.memory_space<vmem_shared>> -> memref<64x72xf32, #tpu.memory_space<vmem_shared>>
      tpu.enqueue_dma source(%arg11 : memref<64x72xf32, #tpu.memory_space<vmem>>) target(%dma_start3A_105 : memref<64x72xf32, #tpu.memory_space<vmem_shared>>) target_semaphore(%run_scoped3A : memref<!tpu.dma_semaphore, #tpu.memory_space<semaphore_mem>>)
      %dma_wait3A_106 = arith.constant 0 : i32
      %dma_wait3A_107 = tpu.memref_slice %arg12[%add3A_36, %dma_wait3A_106] : memref<10240x72xf32, #tpu.memory_space<vmem_shared>> -> memref<64x72xf32, #tpu.memory_space<vmem_shared>>
      %dma_wait3A_108 = arith.constant 0 : i32
      %dma_wait3A_109 = tpu.memref_slice %arg12[%add3A_36, %dma_wait3A_108] : memref<10240x72xf32, #tpu.memory_space<vmem_shared>> -> memref<64x72xf32, #tpu.memory_space<vmem_shared>>
      tpu.wait_dma2 semaphore(%run_scoped3A : memref<!tpu.dma_semaphore, #tpu.memory_space<semaphore_mem>>) src(%arg11 : memref<64x72xf32, #tpu.memory_space<vmem>>) dst(%dma_wait3A_109 : memref<64x72xf32, #tpu.memory_space<vmem_shared>>)
      tpu.yield
    }) : () -> ()
    %mul3A_37 = arith.constant 640 : i32
    %mul3A_38 = arith.muli %arg1, %mul3A_37 : i32
    %add3A_39 = arith.constant 64 : i32
    %add3A_40 = arith.addi %mul3A_38, %add3A_39 : i32
    "tpu.region"() ({
      %run_scoped3A = tpu.sem_alloc : memref<!tpu.dma_semaphore, #tpu.memory_space<semaphore_mem>>
      %dma_start3A_102 = arith.constant 0 : i32
      %dma_start3A_103 = tpu.memref_slice %arg12[%add3A_40, %dma_start3A_102] : memref<10240x72xf32, #tpu.memory_space<vmem_shared>> -> memref<64x72xf32, #tpu.memory_space<vmem_shared>>
      %dma_start3A_104 = arith.constant 0 : i32
      %dma_start3A_105 = tpu.memref_slice %arg12[%add3A_40, %dma_start3A_104] : memref<10240x72xf32, #tpu.memory_space<vmem_shared>> -> memref<64x72xf32, #tpu.memory_space<vmem_shared>>
      tpu.enqueue_dma source(%arg11 : memref<64x72xf32, #tpu.memory_space<vmem>>) target(%dma_start3A_105 : memref<64x72xf32, #tpu.memory_space<vmem_shared>>) target_semaphore(%run_scoped3A : memref<!tpu.dma_semaphore, #tpu.memory_space<semaphore_mem>>)
      %dma_wait3A_106 = arith.constant 0 : i32
      %dma_wait3A_107 = tpu.memref_slice %arg12[%add3A_40, %dma_wait3A_106] : memref<10240x72xf32, #tpu.memory_space<vmem_shared>> -> memref<64x72xf32, #tpu.memory_space<vmem_shared>>
      %dma_wait3A_108 = arith.constant 0 : i32
      %dma_wait3A_109 = tpu.memref_slice %arg12[%add3A_40, %dma_wait3A_108] : memref<10240x72xf32, #tpu.memory_space<vmem_shared>> -> memref<64x72xf32, #tpu.memory_space<vmem_shared>>
      tpu.wait_dma2 semaphore(%run_scoped3A : memref<!tpu.dma_semaphore, #tpu.memory_space<semaphore_mem>>) src(%arg11 : memref<64x72xf32, #tpu.memory_space<vmem>>) dst(%dma_wait3A_109 : memref<64x72xf32, #tpu.memory_space<vmem_shared>>)
      tpu.yield
    }) : () -> ()
    %mul3A_41 = arith.constant 640 : i32
    %mul3A_42 = arith.muli %arg1, %mul3A_41 : i32
    %add3A_43 = arith.constant 128 : i32
    %add3A_44 = arith.addi %mul3A_42, %add3A_43 : i32
    "tpu.region"() ({
      %run_scoped3A = tpu.sem_alloc : memref<!tpu.dma_semaphore, #tpu.memory_space<semaphore_mem>>
      %dma_start3A_102 = arith.constant 0 : i32
      %dma_start3A_103 = tpu.memref_slice %arg12[%add3A_44, %dma_start3A_102] : memref<10240x72xf32, #tpu.memory_space<vmem_shared>> -> memref<64x72xf32, #tpu.memory_space<vmem_shared>>
      %dma_start3A_104 = arith.constant 0 : i32
      %dma_start3A_105 = tpu.memref_slice %arg12[%add3A_44, %dma_start3A_104] : memref<10240x72xf32, #tpu.memory_space<vmem_shared>> -> memref<64x72xf32, #tpu.memory_space<vmem_shared>>
      tpu.enqueue_dma source(%arg11 : memref<64x72xf32, #tpu.memory_space<vmem>>) target(%dma_start3A_105 : memref<64x72xf32, #tpu.memory_space<vmem_shared>>) target_semaphore(%run_scoped3A : memref<!tpu.dma_semaphore, #tpu.memory_space<semaphore_mem>>)
      %dma_wait3A_106 = arith.constant 0 : i32
      %dma_wait3A_107 = tpu.memref_slice %arg12[%add3A_44, %dma_wait3A_106] : memref<10240x72xf32, #tpu.memory_space<vmem_shared>> -> memref<64x72xf32, #tpu.memory_space<vmem_shared>>
      %dma_wait3A_108 = arith.constant 0 : i32
      %dma_wait3A_109 = tpu.memref_slice %arg12[%add3A_44, %dma_wait3A_108] : memref<10240x72xf32, #tpu.memory_space<vmem_shared>> -> memref<64x72xf32, #tpu.memory_space<vmem_shared>>
      tpu.wait_dma2 semaphore(%run_scoped3A : memref<!tpu.dma_semaphore, #tpu.memory_space<semaphore_mem>>) src(%arg11 : memref<64x72xf32, #tpu.memory_space<vmem>>) dst(%dma_wait3A_109 : memref<64x72xf32, #tpu.memory_space<vmem_shared>>)
      tpu.yield
    }) : () -> ()
    %mul3A_45 = arith.constant 640 : i32
    %mul3A_46 = arith.muli %arg1, %mul3A_45 : i32
    %add3A_47 = arith.constant 192 : i32
    %add3A_48 = arith.addi %mul3A_46, %add3A_47 : i32
    "tpu.region"() ({
      %run_scoped3A = tpu.sem_alloc : memref<!tpu.dma_semaphore, #tpu.memory_space<semaphore_mem>>
      %dma_start3A_102 = arith.constant 0 : i32
      %dma_start3A_103 = tpu.memref_slice %arg12[%add3A_48, %dma_start3A_102] : memref<10240x72xf32, #tpu.memory_space<vmem_shared>> -> memref<64x72xf32, #tpu.memory_space<vmem_shared>>
      %dma_start3A_104 = arith.constant 0 : i32
      %dma_start3A_105 = tpu.memref_slice %arg12[%add3A_48, %dma_start3A_104] : memref<10240x72xf32, #tpu.memory_space<vmem_shared>> -> memref<64x72xf32, #tpu.memory_space<vmem_shared>>
      tpu.enqueue_dma source(%arg11 : memref<64x72xf32, #tpu.memory_space<vmem>>) target(%dma_start3A_105 : memref<64x72xf32, #tpu.memory_space<vmem_shared>>) target_semaphore(%run_scoped3A : memref<!tpu.dma_semaphore, #tpu.memory_space<semaphore_mem>>)
      %dma_wait3A_106 = arith.constant 0 : i32
      %dma_wait3A_107 = tpu.memref_slice %arg12[%add3A_48, %dma_wait3A_106] : memref<10240x72xf32, #tpu.memory_space<vmem_shared>> -> memref<64x72xf32, #tpu.memory_space<vmem_shared>>
      %dma_wait3A_108 = arith.constant 0 : i32
      %dma_wait3A_109 = tpu.memref_slice %arg12[%add3A_48, %dma_wait3A_108] : memref<10240x72xf32, #tpu.memory_space<vmem_shared>> -> memref<64x72xf32, #tpu.memory_space<vmem_shared>>
      tpu.wait_dma2 semaphore(%run_scoped3A : memref<!tpu.dma_semaphore, #tpu.memory_space<semaphore_mem>>) src(%arg11 : memref<64x72xf32, #tpu.memory_space<vmem>>) dst(%dma_wait3A_109 : memref<64x72xf32, #tpu.memory_space<vmem_shared>>)
      tpu.yield
    }) : () -> ()
    %mul3A_49 = arith.constant 640 : i32
    %mul3A_50 = arith.muli %arg1, %mul3A_49 : i32
    %add3A_51 = arith.constant 256 : i32
    %add3A_52 = arith.addi %mul3A_50, %add3A_51 : i32
    "tpu.region"() ({
      %run_scoped3A = tpu.sem_alloc : memref<!tpu.dma_semaphore, #tpu.memory_space<semaphore_mem>>
      %dma_start3A_102 = arith.constant 0 : i32
      %dma_start3A_103 = tpu.memref_slice %arg12[%add3A_52, %dma_start3A_102] : memref<10240x72xf32, #tpu.memory_space<vmem_shared>> -> memref<64x72xf32, #tpu.memory_space<vmem_shared>>
      %dma_start3A_104 = arith.constant 0 : i32
      %dma_start3A_105 = tpu.memref_slice %arg12[%add3A_52, %dma_start3A_104] : memref<10240x72xf32, #tpu.memory_space<vmem_shared>> -> memref<64x72xf32, #tpu.memory_space<vmem_shared>>
      tpu.enqueue_dma source(%arg11 : memref<64x72xf32, #tpu.memory_space<vmem>>) target(%dma_start3A_105 : memref<64x72xf32, #tpu.memory_space<vmem_shared>>) target_semaphore(%run_scoped3A : memref<!tpu.dma_semaphore, #tpu.memory_space<semaphore_mem>>)
      %dma_wait3A_106 = arith.constant 0 : i32
      %dma_wait3A_107 = tpu.memref_slice %arg12[%add3A_52, %dma_wait3A_106] : memref<10240x72xf32, #tpu.memory_space<vmem_shared>> -> memref<64x72xf32, #tpu.memory_space<vmem_shared>>
      %dma_wait3A_108 = arith.constant 0 : i32
      %dma_wait3A_109 = tpu.memref_slice %arg12[%add3A_52, %dma_wait3A_108] : memref<10240x72xf32, #tpu.memory_space<vmem_shared>> -> memref<64x72xf32, #tpu.memory_space<vmem_shared>>
      tpu.wait_dma2 semaphore(%run_scoped3A : memref<!tpu.dma_semaphore, #tpu.memory_space<semaphore_mem>>) src(%arg11 : memref<64x72xf32, #tpu.memory_space<vmem>>) dst(%dma_wait3A_109 : memref<64x72xf32, #tpu.memory_space<vmem_shared>>)
      tpu.yield
    }) : () -> ()
    %mul3A_53 = arith.constant 640 : i32
    %mul3A_54 = arith.muli %arg1, %mul3A_53 : i32
    %add3A_55 = arith.constant 320 : i32
    %add3A_56 = arith.addi %mul3A_54, %add3A_55 : i32
    "tpu.region"() ({
      %run_scoped3A = tpu.sem_alloc : memref<!tpu.dma_semaphore, #tpu.memory_space<semaphore_mem>>
      %dma_start3A_102 = arith.constant 0 : i32
      %dma_start3A_103 = tpu.memref_slice %arg12[%add3A_56, %dma_start3A_102] : memref<10240x72xf32, #tpu.memory_space<vmem_shared>> -> memref<64x72xf32, #tpu.memory_space<vmem_shared>>
      %dma_start3A_104 = arith.constant 0 : i32
      %dma_start3A_105 = tpu.memref_slice %arg12[%add3A_56, %dma_start3A_104] : memref<10240x72xf32, #tpu.memory_space<vmem_shared>> -> memref<64x72xf32, #tpu.memory_space<vmem_shared>>
      tpu.enqueue_dma source(%arg11 : memref<64x72xf32, #tpu.memory_space<vmem>>) target(%dma_start3A_105 : memref<64x72xf32, #tpu.memory_space<vmem_shared>>) target_semaphore(%run_scoped3A : memref<!tpu.dma_semaphore, #tpu.memory_space<semaphore_mem>>)
      %dma_wait3A_106 = arith.constant 0 : i32
      %dma_wait3A_107 = tpu.memref_slice %arg12[%add3A_56, %dma_wait3A_106] : memref<10240x72xf32, #tpu.memory_space<vmem_shared>> -> memref<64x72xf32, #tpu.memory_space<vmem_shared>>
      %dma_wait3A_108 = arith.constant 0 : i32
      %dma_wait3A_109 = tpu.memref_slice %arg12[%add3A_56, %dma_wait3A_108] : memref<10240x72xf32, #tpu.memory_space<vmem_shared>> -> memref<64x72xf32, #tpu.memory_space<vmem_shared>>
      tpu.wait_dma2 semaphore(%run_scoped3A : memref<!tpu.dma_semaphore, #tpu.memory_space<semaphore_mem>>) src(%arg11 : memref<64x72xf32, #tpu.memory_space<vmem>>) dst(%dma_wait3A_109 : memref<64x72xf32, #tpu.memory_space<vmem_shared>>)
      tpu.yield
    }) : () -> ()
    %mul3A_57 = arith.constant 640 : i32
    %mul3A_58 = arith.muli %arg1, %mul3A_57 : i32
    %add3A_59 = arith.constant 384 : i32
    %add3A_60 = arith.addi %mul3A_58, %add3A_59 : i32
    "tpu.region"() ({
      %run_scoped3A = tpu.sem_alloc : memref<!tpu.dma_semaphore, #tpu.memory_space<semaphore_mem>>
      %dma_start3A_102 = arith.constant 0 : i32
      %dma_start3A_103 = tpu.memref_slice %arg12[%add3A_60, %dma_start3A_102] : memref<10240x72xf32, #tpu.memory_space<vmem_shared>> -> memref<64x72xf32, #tpu.memory_space<vmem_shared>>
      %dma_start3A_104 = arith.constant 0 : i32
      %dma_start3A_105 = tpu.memref_slice %arg12[%add3A_60, %dma_start3A_104] : memref<10240x72xf32, #tpu.memory_space<vmem_shared>> -> memref<64x72xf32, #tpu.memory_space<vmem_shared>>
      tpu.enqueue_dma source(%arg11 : memref<64x72xf32, #tpu.memory_space<vmem>>) target(%dma_start3A_105 : memref<64x72xf32, #tpu.memory_space<vmem_shared>>) target_semaphore(%run_scoped3A : memref<!tpu.dma_semaphore, #tpu.memory_space<semaphore_mem>>)
      %dma_wait3A_106 = arith.constant 0 : i32
      %dma_wait3A_107 = tpu.memref_slice %arg12[%add3A_60, %dma_wait3A_106] : memref<10240x72xf32, #tpu.memory_space<vmem_shared>> -> memref<64x72xf32, #tpu.memory_space<vmem_shared>>
      %dma_wait3A_108 = arith.constant 0 : i32
      %dma_wait3A_109 = tpu.memref_slice %arg12[%add3A_60, %dma_wait3A_108] : memref<10240x72xf32, #tpu.memory_space<vmem_shared>> -> memref<64x72xf32, #tpu.memory_space<vmem_shared>>
      tpu.wait_dma2 semaphore(%run_scoped3A : memref<!tpu.dma_semaphore, #tpu.memory_space<semaphore_mem>>) src(%arg11 : memref<64x72xf32, #tpu.memory_space<vmem>>) dst(%dma_wait3A_109 : memref<64x72xf32, #tpu.memory_space<vmem_shared>>)
      tpu.yield
    }) : () -> ()
    %mul3A_61 = arith.constant 640 : i32
    %mul3A_62 = arith.muli %arg1, %mul3A_61 : i32
    %add3A_63 = arith.constant 448 : i32
    %add3A_64 = arith.addi %mul3A_62, %add3A_63 : i32
    "tpu.region"() ({
      %run_scoped3A = tpu.sem_alloc : memref<!tpu.dma_semaphore, #tpu.memory_space<semaphore_mem>>
      %dma_start3A_102 = arith.constant 0 : i32
      %dma_start3A_103 = tpu.memref_slice %arg12[%add3A_64, %dma_start3A_102] : memref<10240x72xf32, #tpu.memory_space<vmem_shared>> -> memref<64x72xf32, #tpu.memory_space<vmem_shared>>
      %dma_start3A_104 = arith.constant 0 : i32
      %dma_start3A_105 = tpu.memref_slice %arg12[%add3A_64, %dma_start3A_104] : memref<10240x72xf32, #tpu.memory_space<vmem_shared>> -> memref<64x72xf32, #tpu.memory_space<vmem_shared>>
      tpu.enqueue_dma source(%arg11 : memref<64x72xf32, #tpu.memory_space<vmem>>) target(%dma_start3A_105 : memref<64x72xf32, #tpu.memory_space<vmem_shared>>) target_semaphore(%run_scoped3A : memref<!tpu.dma_semaphore, #tpu.memory_space<semaphore_mem>>)
      %dma_wait3A_106 = arith.constant 0 : i32
      %dma_wait3A_107 = tpu.memref_slice %arg12[%add3A_64, %dma_wait3A_106] : memref<10240x72xf32, #tpu.memory_space<vmem_shared>> -> memref<64x72xf32, #tpu.memory_space<vmem_shared>>
      %dma_wait3A_108 = arith.constant 0 : i32
      %dma_wait3A_109 = tpu.memref_slice %arg12[%add3A_64, %dma_wait3A_108] : memref<10240x72xf32, #tpu.memory_space<vmem_shared>> -> memref<64x72xf32, #tpu.memory_space<vmem_shared>>
      tpu.wait_dma2 semaphore(%run_scoped3A : memref<!tpu.dma_semaphore, #tpu.memory_space<semaphore_mem>>) src(%arg11 : memref<64x72xf32, #tpu.memory_space<vmem>>) dst(%dma_wait3A_109 : memref<64x72xf32, #tpu.memory_space<vmem_shared>>)
      tpu.yield
    }) : () -> ()
    %mul3A_65 = arith.constant 640 : i32
    %mul3A_66 = arith.muli %arg1, %mul3A_65 : i32
    %add3A_67 = arith.constant 512 : i32
    %add3A_68 = arith.addi %mul3A_66, %add3A_67 : i32
    "tpu.region"() ({
      %run_scoped3A = tpu.sem_alloc : memref<!tpu.dma_semaphore, #tpu.memory_space<semaphore_mem>>
      %dma_start3A_102 = arith.constant 0 : i32
      %dma_start3A_103 = tpu.memref_slice %arg12[%add3A_68, %dma_start3A_102] : memref<10240x72xf32, #tpu.memory_space<vmem_shared>> -> memref<64x72xf32, #tpu.memory_space<vmem_shared>>
      %dma_start3A_104 = arith.constant 0 : i32
      %dma_start3A_105 = tpu.memref_slice %arg12[%add3A_68, %dma_start3A_104] : memref<10240x72xf32, #tpu.memory_space<vmem_shared>> -> memref<64x72xf32, #tpu.memory_space<vmem_shared>>
      tpu.enqueue_dma source(%arg11 : memref<64x72xf32, #tpu.memory_space<vmem>>) target(%dma_start3A_105 : memref<64x72xf32, #tpu.memory_space<vmem_shared>>) target_semaphore(%run_scoped3A : memref<!tpu.dma_semaphore, #tpu.memory_space<semaphore_mem>>)
      %dma_wait3A_106 = arith.constant 0 : i32
      %dma_wait3A_107 = tpu.memref_slice %arg12[%add3A_68, %dma_wait3A_106] : memref<10240x72xf32, #tpu.memory_space<vmem_shared>> -> memref<64x72xf32, #tpu.memory_space<vmem_shared>>
      %dma_wait3A_108 = arith.constant 0 : i32
      %dma_wait3A_109 = tpu.memref_slice %arg12[%add3A_68, %dma_wait3A_108] : memref<10240x72xf32, #tpu.memory_space<vmem_shared>> -> memref<64x72xf32, #tpu.memory_space<vmem_shared>>
      tpu.wait_dma2 semaphore(%run_scoped3A : memref<!tpu.dma_semaphore, #tpu.memory_space<semaphore_mem>>) src(%arg11 : memref<64x72xf32, #tpu.memory_space<vmem>>) dst(%dma_wait3A_109 : memref<64x72xf32, #tpu.memory_space<vmem_shared>>)
      tpu.yield
    }) : () -> ()
    %mul3A_69 = arith.constant 640 : i32
    %mul3A_70 = arith.muli %arg1, %mul3A_69 : i32
    %add3A_71 = arith.constant 576 : i32
    %add3A_72 = arith.addi %mul3A_70, %add3A_71 : i32
    "tpu.region"() ({
      %run_scoped3A = tpu.sem_alloc : memref<!tpu.dma_semaphore, #tpu.memory_space<semaphore_mem>>
      %dma_start3A_102 = arith.constant 0 : i32
      %dma_start3A_103 = tpu.memref_slice %arg12[%add3A_72, %dma_start3A_102] : memref<10240x72xf32, #tpu.memory_space<vmem_shared>> -> memref<64x72xf32, #tpu.memory_space<vmem_shared>>
      %dma_start3A_104 = arith.constant 0 : i32
      %dma_start3A_105 = tpu.memref_slice %arg12[%add3A_72, %dma_start3A_104] : memref<10240x72xf32, #tpu.memory_space<vmem_shared>> -> memref<64x72xf32, #tpu.memory_space<vmem_shared>>
      tpu.enqueue_dma source(%arg11 : memref<64x72xf32, #tpu.memory_space<vmem>>) target(%dma_start3A_105 : memref<64x72xf32, #tpu.memory_space<vmem_shared>>) target_semaphore(%run_scoped3A : memref<!tpu.dma_semaphore, #tpu.memory_space<semaphore_mem>>)
      %dma_wait3A_106 = arith.constant 0 : i32
      %dma_wait3A_107 = tpu.memref_slice %arg12[%add3A_72, %dma_wait3A_106] : memref<10240x72xf32, #tpu.memory_space<vmem_shared>> -> memref<64x72xf32, #tpu.memory_space<vmem_shared>>
      %dma_wait3A_108 = arith.constant 0 : i32
      %dma_wait3A_109 = tpu.memref_slice %arg12[%add3A_72, %dma_wait3A_108] : memref<10240x72xf32, #tpu.memory_space<vmem_shared>> -> memref<64x72xf32, #tpu.memory_space<vmem_shared>>
      tpu.wait_dma2 semaphore(%run_scoped3A : memref<!tpu.dma_semaphore, #tpu.memory_space<semaphore_mem>>) src(%arg11 : memref<64x72xf32, #tpu.memory_space<vmem>>) dst(%dma_wait3A_109 : memref<64x72xf32, #tpu.memory_space<vmem_shared>>)
      tpu.yield
    }) : () -> ()
    %barrier3A = arith.constant 0 : index
    tpu.barrier barrier_id(%barrier3A)
    %scan3A_73 = arith.constant 0 : i32
    %scan3A_74 = arith.constant 0 : i32
    %scan3A_75 = arith.constant 15 : i32
    %scan3A_76 = arith.addi %scan3A_74, %scan3A_75 : i32
    %scan3A_77 = arith.constant 1 : i32
    %scan3A_78 = scf.for %scan3A_102 = %scan3A_74 to %scan3A_76 step %scan3A_77 iter_args(%scan3A_103 = %scan3A_73) -> (i32)  : i32 {
      %mul3A_104 = arith.constant 2 : i32
      %mul3A_105 = arith.muli %scan3A_102, %mul3A_104 : i32
      %add3A_106 = arith.constant 0 : i32
      %add3A_107 = arith.addi %mul3A_105, %add3A_106 : i32
      %dma_wait3A_108 = arith.constant 0 : i32
      %dma_wait3A_109 = arith.constant 0 : i32
      %dma_wait3A_110 = tpu.memref_slice %arg2[%arg0, %dma_wait3A_108, %dma_wait3A_109] : memref<2x64000x128xf32, #tpu.memory_space<hbm>> -> memref<1x128x72xf32, #tpu.memory_space<hbm>>
      %dma_wait3A_111 = tpu.memref_squeeze %dma_wait3A_110 : memref<1x128x72xf32, #tpu.memory_space<hbm>> -> memref<128x72xf32, #tpu.memory_space<hbm>>
      %dma_wait3A_112 = arith.constant 0 : i32
      %dma_wait3A_113 = arith.constant 0 : i32
      %dma_wait3A_114 = tpu.memref_slice %arg2[%arg0, %dma_wait3A_112, %dma_wait3A_113] : memref<2x64000x128xf32, #tpu.memory_space<hbm>> -> memref<1x128x72xf32, #tpu.memory_space<hbm>>
      %dma_wait3A_115 = tpu.memref_squeeze %dma_wait3A_114 : memref<1x128x72xf32, #tpu.memory_space<hbm>> -> memref<128x72xf32, #tpu.memory_space<hbm>>
      tpu.wait_dma2 semaphore(%arg13 : memref<!tpu.dma_semaphore, #tpu.memory_space<semaphore_mem>>) src(%dma_wait3A_115 : memref<128x72xf32, #tpu.memory_space<hbm>>) dst(%arg5 : memref<128x72xf32, #tpu.memory_space<vmem>>)
      %dma_wait3A_116 = arith.constant 0 : i32
      %dma_wait3A_117 = tpu.memref_slice %arg3[%dma_wait3A_116] : memref<320000xi32, #tpu.memory_space<hbm>> -> memref<128xi32, #tpu.memory_space<hbm>>
      %dma_wait3A_118 = arith.constant 0 : i32
      %dma_wait3A_119 = tpu.memref_slice %arg3[%dma_wait3A_118] : memref<320000xi32, #tpu.memory_space<hbm>> -> memref<128xi32, #tpu.memory_space<hbm>>
      tpu.wait_dma2 semaphore(%arg13 : memref<!tpu.dma_semaphore, #tpu.memory_space<semaphore_mem>>) src(%dma_wait3A_119 : memref<128xi32, #tpu.memory_space<hbm>>) dst(%arg7 : memref<128xi32, #tpu.memory_space<vmem>>)
      "tpu.region"() ({
        %run_scoped3A = tpu.sem_alloc : memref<!tpu.dma_semaphore, #tpu.memory_space<semaphore_mem>>
        %dma_start3A_148 = arith.constant 0 : i32
        %dma_start3A_149 = arith.constant 0 : i32
        %dma_start3A_150 = tpu.memref_slice %arg12[%dma_start3A_148, %dma_start3A_149] : memref<10240x72xf32, #tpu.memory_space<vmem_shared>> -> memref<10240x72xf32, #tpu.memory_space<vmem_shared>>
        tpu.enqueue_indirect_dma source(%arg5 : memref<128x72xf32, #tpu.memory_space<vmem>>) target(%dma_start3A_150 : memref<10240x72xf32, #tpu.memory_space<vmem_shared>>) offsets(%arg7 : memref<128xi32, #tpu.memory_space<vmem>>) semaphore(%run_scoped3A : memref<!tpu.dma_semaphore, #tpu.memory_space<semaphore_mem>>) {add = true}
        %dma_wait3A_151 = arith.constant 0 : i32
        %dma_wait3A_152 = arith.constant 0 : i32
        %dma_wait3A_153 = tpu.memref_slice %arg12[%dma_wait3A_151, %dma_wait3A_152] : memref<10240x72xf32, #tpu.memory_space<vmem_shared>> -> memref<10240x72xf32, #tpu.memory_space<vmem_shared>>
        tpu.wait_indirect_dma semaphore(%run_scoped3A : memref<!tpu.dma_semaphore, #tpu.memory_space<semaphore_mem>>) src(%arg5 : memref<128x72xf32, #tpu.memory_space<vmem>>) dst(%dma_wait3A_153 : memref<10240x72xf32, #tpu.memory_space<vmem_shared>>)
        tpu.yield
      }) : () -> ()
      %add3A_120 = arith.constant 2 : i32
      %add3A_121 = arith.addi %add3A_107, %add3A_120 : i32
      %lt3A = arith.constant 31 : i32
      %lt3A_122 = arith.cmpi slt, %add3A_121, %lt3A : i32
      %convert_element_type3A = arith.extui %lt3A_122 : i1 to i32
      %cond3A = arith.constant 0 : i32
      %cond3A_123 = arith.cmpi ne, %convert_element_type3A, %cond3A : i32
      scf.if %cond3A_123 {
        %add3A_148 = arith.constant 2 : i32
        %add3A_149 = arith.addi %add3A_107, %add3A_148 : i32
        %mul3A_150 = arith.constant 128 : i32
        %mul3A_151 = arith.muli %add3A_149, %mul3A_150 : i32
        %add3A_152 = arith.addi %mul3A_0, %mul3A_151 : i32
        %dma_start3A_153 = arith.constant 0 : i32
        %dma_start3A_154 = tpu.memref_slice %arg2[%arg0, %add3A_152, %dma_start3A_153] : memref<2x64000x128xf32, #tpu.memory_space<hbm>> -> memref<1x128x72xf32, #tpu.memory_space<hbm>>
        %dma_start3A_155 = tpu.memref_squeeze %dma_start3A_154 : memref<1x128x72xf32, #tpu.memory_space<hbm>> -> memref<128x72xf32, #tpu.memory_space<hbm>>
        %dma_start3A_156 = arith.constant 0 : i32
        %dma_start3A_157 = tpu.memref_slice %arg2[%arg0, %add3A_152, %dma_start3A_156] : memref<2x64000x128xf32, #tpu.memory_space<hbm>> -> memref<1x128x72xf32, #tpu.memory_space<hbm>>
        %dma_start3A_158 = tpu.memref_squeeze %dma_start3A_157 : memref<1x128x72xf32, #tpu.memory_space<hbm>> -> memref<128x72xf32, #tpu.memory_space<hbm>>
        tpu.enqueue_dma source(%dma_start3A_158 : memref<128x72xf32, #tpu.memory_space<hbm>>) target(%arg5 : memref<128x72xf32, #tpu.memory_space<vmem>>) target_semaphore(%arg13 : memref<!tpu.dma_semaphore, #tpu.memory_space<semaphore_mem>>)
        %add3A_159 = arith.constant 64000 : i32
        %add3A_160 = arith.addi %add3A_159, %mul3A_0 : i32
        %mul3A_161 = arith.constant 128 : i32
        %mul3A_162 = arith.muli %add3A_149, %mul3A_161 : i32
        %add3A_163 = arith.addi %add3A_160, %mul3A_162 : i32
        %dma_start3A_164 = tpu.memref_slice %arg3[%add3A_163] : memref<320000xi32, #tpu.memory_space<hbm>> -> memref<128xi32, #tpu.memory_space<hbm>>
        %dma_start3A_165 = tpu.memref_slice %arg3[%add3A_163] : memref<320000xi32, #tpu.memory_space<hbm>> -> memref<128xi32, #tpu.memory_space<hbm>>
        tpu.enqueue_dma source(%dma_start3A_165 : memref<128xi32, #tpu.memory_space<hbm>>) target(%arg7 : memref<128xi32, #tpu.memory_space<vmem>>) target_semaphore(%arg13 : memref<!tpu.dma_semaphore, #tpu.memory_space<semaphore_mem>>)
      } else {
      }
      %mul3A_124 = arith.constant 2 : i32
      %mul3A_125 = arith.muli %scan3A_102, %mul3A_124 : i32
      %add3A_126 = arith.constant 1 : i32
      %add3A_127 = arith.addi %mul3A_125, %add3A_126 : i32
      %dma_wait3A_128 = arith.constant 0 : i32
      %dma_wait3A_129 = arith.constant 0 : i32
      %dma_wait3A_130 = tpu.memref_slice %arg2[%arg0, %dma_wait3A_128, %dma_wait3A_129] : memref<2x64000x128xf32, #tpu.memory_space<hbm>> -> memref<1x128x72xf32, #tpu.memory_space<hbm>>
      %dma_wait3A_131 = tpu.memref_squeeze %dma_wait3A_130 : memref<1x128x72xf32, #tpu.memory_space<hbm>> -> memref<128x72xf32, #tpu.memory_space<hbm>>
      %dma_wait3A_132 = arith.constant 0 : i32
      %dma_wait3A_133 = arith.constant 0 : i32
      %dma_wait3A_134 = tpu.memref_slice %arg2[%arg0, %dma_wait3A_132, %dma_wait3A_133] : memref<2x64000x128xf32, #tpu.memory_space<hbm>> -> memref<1x128x72xf32, #tpu.memory_space<hbm>>
      %dma_wait3A_135 = tpu.memref_squeeze %dma_wait3A_134 : memref<1x128x72xf32, #tpu.memory_space<hbm>> -> memref<128x72xf32, #tpu.memory_space<hbm>>
      tpu.wait_dma2 semaphore(%arg14 : memref<!tpu.dma_semaphore, #tpu.memory_space<semaphore_mem>>) src(%dma_wait3A_135 : memref<128x72xf32, #tpu.memory_space<hbm>>) dst(%arg6 : memref<128x72xf32, #tpu.memory_space<vmem>>)
      %dma_wait3A_136 = arith.constant 0 : i32
      %dma_wait3A_137 = tpu.memref_slice %arg3[%dma_wait3A_136] : memref<320000xi32, #tpu.memory_space<hbm>> -> memref<128xi32, #tpu.memory_space<hbm>>
      %dma_wait3A_138 = arith.constant 0 : i32
      %dma_wait3A_139 = tpu.memref_slice %arg3[%dma_wait3A_138] : memref<320000xi32, #tpu.memory_space<hbm>> -> memref<128xi32, #tpu.memory_space<hbm>>
      tpu.wait_dma2 semaphore(%arg14 : memref<!tpu.dma_semaphore, #tpu.memory_space<semaphore_mem>>) src(%dma_wait3A_139 : memref<128xi32, #tpu.memory_space<hbm>>) dst(%arg8 : memref<128xi32, #tpu.memory_space<vmem>>)
      "tpu.region"() ({
        %run_scoped3A = tpu.sem_alloc : memref<!tpu.dma_semaphore, #tpu.memory_space<semaphore_mem>>
        %dma_start3A_148 = arith.constant 0 : i32
        %dma_start3A_149 = arith.constant 0 : i32
        %dma_start3A_150 = tpu.memref_slice %arg12[%dma_start3A_148, %dma_start3A_149] : memref<10240x72xf32, #tpu.memory_space<vmem_shared>> -> memref<10240x72xf32, #tpu.memory_space<vmem_shared>>
        tpu.enqueue_indirect_dma source(%arg6 : memref<128x72xf32, #tpu.memory_space<vmem>>) target(%dma_start3A_150 : memref<10240x72xf32, #tpu.memory_space<vmem_shared>>) offsets(%arg8 : memref<128xi32, #tpu.memory_space<vmem>>) semaphore(%run_scoped3A : memref<!tpu.dma_semaphore, #tpu.memory_space<semaphore_mem>>) {add = true}
        %dma_wait3A_151 = arith.constant 0 : i32
        %dma_wait3A_152 = arith.constant 0 : i32
        %dma_wait3A_153 = tpu.memref_slice %arg12[%dma_wait3A_151, %dma_wait3A_152] : memref<10240x72xf32, #tpu.memory_space<vmem_shared>> -> memref<10240x72xf32, #tpu.memory_space<vmem_shared>>
        tpu.wait_indirect_dma semaphore(%run_scoped3A : memref<!tpu.dma_semaphore, #tpu.memory_space<semaphore_mem>>) src(%arg6 : memref<128x72xf32, #tpu.memory_space<vmem>>) dst(%dma_wait3A_153 : memref<10240x72xf32, #tpu.memory_space<vmem_shared>>)
        tpu.yield
      }) : () -> ()
      %add3A_140 = arith.constant 2 : i32
      %add3A_141 = arith.addi %add3A_127, %add3A_140 : i32
      %lt3A_142 = arith.constant 31 : i32
      %lt3A_143 = arith.cmpi slt, %add3A_141, %lt3A_142 : i32
      %convert_element_type3A_144 = arith.extui %lt3A_143 : i1 to i32
      %cond3A_145 = arith.constant 0 : i32
      %cond3A_146 = arith.cmpi ne, %convert_element_type3A_144, %cond3A_145 : i32
      scf.if %cond3A_146 {
        %add3A_148 = arith.constant 2 : i32
        %add3A_149 = arith.addi %add3A_127, %add3A_148 : i32
        %mul3A_150 = arith.constant 128 : i32
        %mul3A_151 = arith.muli %add3A_149, %mul3A_150 : i32
        %add3A_152 = arith.addi %mul3A_0, %mul3A_151 : i32
        %dma_start3A_153 = arith.constant 0 : i32
        %dma_start3A_154 = tpu.memref_slice %arg2[%arg0, %add3A_152, %dma_start3A_153] : memref<2x64000x128xf32, #tpu.memory_space<hbm>> -> memref<1x128x72xf32, #tpu.memory_space<hbm>>
        %dma_start3A_155 = tpu.memref_squeeze %dma_start3A_154 : memref<1x128x72xf32, #tpu.memory_space<hbm>> -> memref<128x72xf32, #tpu.memory_space<hbm>>
        %dma_start3A_156 = arith.constant 0 : i32
        %dma_start3A_157 = tpu.memref_slice %arg2[%arg0, %add3A_152, %dma_start3A_156] : memref<2x64000x128xf32, #tpu.memory_space<hbm>> -> memref<1x128x72xf32, #tpu.memory_space<hbm>>
        %dma_start3A_158 = tpu.memref_squeeze %dma_start3A_157 : memref<1x128x72xf32, #tpu.memory_space<hbm>> -> memref<128x72xf32, #tpu.memory_space<hbm>>
        tpu.enqueue_dma source(%dma_start3A_158 : memref<128x72xf32, #tpu.memory_space<hbm>>) target(%arg6 : memref<128x72xf32, #tpu.memory_space<vmem>>) target_semaphore(%arg14 : memref<!tpu.dma_semaphore, #tpu.memory_space<semaphore_mem>>)
        %add3A_159 = arith.constant 64000 : i32
        %add3A_160 = arith.addi %add3A_159, %mul3A_0 : i32
        %mul3A_161 = arith.constant 128 : i32
        %mul3A_162 = arith.muli %add3A_149, %mul3A_161 : i32
        %add3A_163 = arith.addi %add3A_160, %mul3A_162 : i32
        %dma_start3A_164 = tpu.memref_slice %arg3[%add3A_163] : memref<320000xi32, #tpu.memory_space<hbm>> -> memref<128xi32, #tpu.memory_space<hbm>>
        %dma_start3A_165 = tpu.memref_slice %arg3[%add3A_163] : memref<320000xi32, #tpu.memory_space<hbm>> -> memref<128xi32, #tpu.memory_space<hbm>>
        tpu.enqueue_dma source(%dma_start3A_165 : memref<128xi32, #tpu.memory_space<hbm>>) target(%arg8 : memref<128xi32, #tpu.memory_space<vmem>>) target_semaphore(%arg14 : memref<!tpu.dma_semaphore, #tpu.memory_space<semaphore_mem>>)
      } else {
      }
      %scan3A_147 = arith.constant 0 : i32
      scf.yield %scan3A_147 : i32
    }
    %scan3A_79 = arith.constant 15 : i32
    %dma_wait3A = arith.constant 0 : i32
    %dma_wait3A_80 = arith.constant 0 : i32
    %dma_wait3A_81 = tpu.memref_slice %arg2[%arg0, %dma_wait3A, %dma_wait3A_80] : memref<2x64000x128xf32, #tpu.memory_space<hbm>> -> memref<1x128x72xf32, #tpu.memory_space<hbm>>
    %dma_wait3A_82 = tpu.memref_squeeze %dma_wait3A_81 : memref<1x128x72xf32, #tpu.memory_space<hbm>> -> memref<128x72xf32, #tpu.memory_space<hbm>>
    %dma_wait3A_83 = arith.constant 0 : i32
    %dma_wait3A_84 = arith.constant 0 : i32
    %dma_wait3A_85 = tpu.memref_slice %arg2[%arg0, %dma_wait3A_83, %dma_wait3A_84] : memref<2x64000x128xf32, #tpu.memory_space<hbm>> -> memref<1x128x72xf32, #tpu.memory_space<hbm>>
    %dma_wait3A_86 = tpu.memref_squeeze %dma_wait3A_85 : memref<1x128x72xf32, #tpu.memory_space<hbm>> -> memref<128x72xf32, #tpu.memory_space<hbm>>
    tpu.wait_dma2 semaphore(%arg13 : memref<!tpu.dma_semaphore, #tpu.memory_space<semaphore_mem>>) src(%dma_wait3A_86 : memref<128x72xf32, #tpu.memory_space<hbm>>) dst(%arg5 : memref<128x72xf32, #tpu.memory_space<vmem>>)
    %dma_wait3A_87 = arith.constant 0 : i32
    %dma_wait3A_88 = tpu.memref_slice %arg3[%dma_wait3A_87] : memref<320000xi32, #tpu.memory_space<hbm>> -> memref<128xi32, #tpu.memory_space<hbm>>
    %dma_wait3A_89 = arith.constant 0 : i32
    %dma_wait3A_90 = tpu.memref_slice %arg3[%dma_wait3A_89] : memref<320000xi32, #tpu.memory_space<hbm>> -> memref<128xi32, #tpu.memory_space<hbm>>
    tpu.wait_dma2 semaphore(%arg13 : memref<!tpu.dma_semaphore, #tpu.memory_space<semaphore_mem>>) src(%dma_wait3A_90 : memref<128xi32, #tpu.memory_space<hbm>>) dst(%arg7 : memref<128xi32, #tpu.memory_space<vmem>>)
    "tpu.region"() ({
      %run_scoped3A = tpu.sem_alloc : memref<!tpu.dma_semaphore, #tpu.memory_space<semaphore_mem>>
      %dma_start3A_102 = arith.constant 0 : i32
      %dma_start3A_103 = arith.constant 0 : i32
      %dma_start3A_104 = tpu.memref_slice %arg12[%dma_start3A_102, %dma_start3A_103] : memref<10240x72xf32, #tpu.memory_space<vmem_shared>> -> memref<10240x72xf32, #tpu.memory_space<vmem_shared>>
      tpu.enqueue_indirect_dma source(%arg5 : memref<128x72xf32, #tpu.memory_space<vmem>>) target(%dma_start3A_104 : memref<10240x72xf32, #tpu.memory_space<vmem_shared>>) offsets(%arg7 : memref<128xi32, #tpu.memory_space<vmem>>) semaphore(%run_scoped3A : memref<!tpu.dma_semaphore, #tpu.memory_space<semaphore_mem>>) {add = true}
      %dma_wait3A_105 = arith.constant 0 : i32
      %dma_wait3A_106 = arith.constant 0 : i32
      %dma_wait3A_107 = tpu.memref_slice %arg12[%dma_wait3A_105, %dma_wait3A_106] : memref<10240x72xf32, #tpu.memory_space<vmem_shared>> -> memref<10240x72xf32, #tpu.memory_space<vmem_shared>>
      tpu.wait_indirect_dma semaphore(%run_scoped3A : memref<!tpu.dma_semaphore, #tpu.memory_space<semaphore_mem>>) src(%arg5 : memref<128x72xf32, #tpu.memory_space<vmem>>) dst(%dma_wait3A_107 : memref<10240x72xf32, #tpu.memory_space<vmem_shared>>)
      tpu.yield
    }) : () -> ()
    %add3A_91 = arith.constant 3968 : i32
    %add3A_92 = arith.addi %mul3A_0, %add3A_91 : i32
    "tpu.region"() ({
      %run_scoped3A = tpu.sem_alloc : memref<!tpu.dma_semaphore, #tpu.memory_space<semaphore_mem>>
      %dma_start3A_102 = arith.constant 0 : i32
      %dma_start3A_103 = tpu.memref_slice %arg2[%arg0, %add3A_92, %dma_start3A_102] : memref<2x64000x128xf32, #tpu.memory_space<hbm>> -> memref<1x32x72xf32, #tpu.memory_space<hbm>>
      %dma_start3A_104 = tpu.memref_squeeze %dma_start3A_103 : memref<1x32x72xf32, #tpu.memory_space<hbm>> -> memref<32x72xf32, #tpu.memory_space<hbm>>
      %dma_start3A_105 = arith.constant 0 : i32
      %dma_start3A_106 = tpu.memref_slice %arg2[%arg0, %add3A_92, %dma_start3A_105] : memref<2x64000x128xf32, #tpu.memory_space<hbm>> -> memref<1x32x72xf32, #tpu.memory_space<hbm>>
      %dma_start3A_107 = tpu.memref_squeeze %dma_start3A_106 : memref<1x32x72xf32, #tpu.memory_space<hbm>> -> memref<32x72xf32, #tpu.memory_space<hbm>>
      tpu.enqueue_dma source(%dma_start3A_107 : memref<32x72xf32, #tpu.memory_space<hbm>>) target(%arg9 : memref<32x72xf32, #tpu.memory_space<vmem>>) target_semaphore(%run_scoped3A : memref<!tpu.dma_semaphore, #tpu.memory_space<semaphore_mem>>)
      %dma_wait3A_108 = arith.constant 0 : i32
      %dma_wait3A_109 = tpu.memref_slice %arg2[%arg0, %add3A_92, %dma_wait3A_108] : memref<2x64000x128xf32, #tpu.memory_space<hbm>> -> memref<1x32x72xf32, #tpu.memory_space<hbm>>
      %dma_wait3A_110 = tpu.memref_squeeze %dma_wait3A_109 : memref<1x32x72xf32, #tpu.memory_space<hbm>> -> memref<32x72xf32, #tpu.memory_space<hbm>>
      %dma_wait3A_111 = arith.constant 0 : i32
      %dma_wait3A_112 = tpu.memref_slice %arg2[%arg0, %add3A_92, %dma_wait3A_111] : memref<2x64000x128xf32, #tpu.memory_space<hbm>> -> memref<1x32x72xf32, #tpu.memory_space<hbm>>
      %dma_wait3A_113 = tpu.memref_squeeze %dma_wait3A_112 : memref<1x32x72xf32, #tpu.memory_space<hbm>> -> memref<32x72xf32, #tpu.memory_space<hbm>>
      tpu.wait_dma2 semaphore(%run_scoped3A : memref<!tpu.dma_semaphore, #tpu.memory_space<semaphore_mem>>) src(%dma_wait3A_113 : memref<32x72xf32, #tpu.memory_space<hbm>>) dst(%arg9 : memref<32x72xf32, #tpu.memory_space<vmem>>)
      tpu.yield
    }) : () -> ()
    %add3A_93 = arith.constant 64000 : i32
    %add3A_94 = arith.addi %add3A_93, %mul3A_0 : i32
    %add3A_95 = arith.constant 3968 : i32
    %add3A_96 = arith.addi %add3A_94, %add3A_95 : i32
    "tpu.region"() ({
      %run_scoped3A = tpu.sem_alloc : memref<!tpu.dma_semaphore, #tpu.memory_space<semaphore_mem>>
      %dma_start3A_102 = tpu.memref_slice %arg3[%add3A_96] : memref<320000xi32, #tpu.memory_space<hbm>> -> memref<32xi32, #tpu.memory_space<hbm>>
      %dma_start3A_103 = tpu.memref_slice %arg3[%add3A_96] : memref<320000xi32, #tpu.memory_space<hbm>> -> memref<32xi32, #tpu.memory_space<hbm>>
      tpu.enqueue_dma source(%dma_start3A_103 : memref<32xi32, #tpu.memory_space<hbm>>) target(%arg10 : memref<32xi32, #tpu.memory_space<vmem>>) target_semaphore(%run_scoped3A : memref<!tpu.dma_semaphore, #tpu.memory_space<semaphore_mem>>)
      %dma_wait3A_104 = tpu.memref_slice %arg3[%add3A_96] : memref<320000xi32, #tpu.memory_space<hbm>> -> memref<32xi32, #tpu.memory_space<hbm>>
      %dma_wait3A_105 = tpu.memref_slice %arg3[%add3A_96] : memref<320000xi32, #tpu.memory_space<hbm>> -> memref<32xi32, #tpu.memory_space<hbm>>
      tpu.wait_dma2 semaphore(%run_scoped3A : memref<!tpu.dma_semaphore, #tpu.memory_space<semaphore_mem>>) src(%dma_wait3A_105 : memref<32xi32, #tpu.memory_space<hbm>>) dst(%arg10 : memref<32xi32, #tpu.memory_space<vmem>>)
      tpu.yield
    }) : () -> ()
    "tpu.region"() ({
      %run_scoped3A = tpu.sem_alloc : memref<!tpu.dma_semaphore, #tpu.memory_space<semaphore_mem>>
      %dma_start3A_102 = arith.constant 0 : i32
      %dma_start3A_103 = arith.constant 0 : i32
      %dma_start3A_104 = tpu.memref_slice %arg12[%dma_start3A_102, %dma_start3A_103] : memref<10240x72xf32, #tpu.memory_space<vmem_shared>> -> memref<10240x72xf32, #tpu.memory_space<vmem_shared>>
      tpu.enqueue_indirect_dma source(%arg9 : memref<32x72xf32, #tpu.memory_space<vmem>>) target(%dma_start3A_104 : memref<10240x72xf32, #tpu.memory_space<vmem_shared>>) offsets(%arg10 : memref<32xi32, #tpu.memory_space<vmem>>) semaphore(%run_scoped3A : memref<!tpu.dma_semaphore, #tpu.memory_space<semaphore_mem>>) {add = true}
      %dma_wait3A_105 = arith.constant 0 : i32
      %dma_wait3A_106 = arith.constant 0 : i32
      %dma_wait3A_107 = tpu.memref_slice %arg12[%dma_wait3A_105, %dma_wait3A_106] : memref<10240x72xf32, #tpu.memory_space<vmem_shared>> -> memref<10240x72xf32, #tpu.memory_space<vmem_shared>>
      tpu.wait_indirect_dma semaphore(%run_scoped3A : memref<!tpu.dma_semaphore, #tpu.memory_space<semaphore_mem>>) src(%arg9 : memref<32x72xf32, #tpu.memory_space<vmem>>) dst(%dma_wait3A_107 : memref<10240x72xf32, #tpu.memory_space<vmem_shared>>)
      tpu.yield
    }) : () -> ()
    %barrier3A_97 = arith.constant 0 : index
    tpu.barrier barrier_id(%barrier3A_97)
    %mul3A_98 = arith.constant 640 : i32
    %mul3A_99 = arith.muli %arg1, %mul3A_98 : i32
    %mul3A_100 = arith.constant 640 : i32
    %mul3A_101 = arith.muli %arg1, %mul3A_100 : i32
    "tpu.region"() ({
      %run_scoped3A = tpu.sem_alloc : memref<!tpu.dma_semaphore, #tpu.memory_space<semaphore_mem>>
      %dma_start3A_102 = arith.constant 0 : i32
      %dma_start3A_103 = tpu.memref_slice %arg4[%arg0, %mul3A_101, %dma_start3A_102] : memref<2x10240x72xf32, #tpu.memory_space<hbm>> -> memref<1x640x72xf32, #tpu.memory_space<hbm>>
      %dma_start3A_104 = tpu.memref_squeeze %dma_start3A_103 : memref<1x640x72xf32, #tpu.memory_space<hbm>> -> memref<640x72xf32, #tpu.memory_space<hbm>>
      %dma_start3A_105 = arith.constant 0 : i32
      %dma_start3A_106 = tpu.memref_slice %arg12[%mul3A_99, %dma_start3A_105] : memref<10240x72xf32, #tpu.memory_space<vmem_shared>> -> memref<640x72xf32, #tpu.memory_space<vmem_shared>>
      tpu.enqueue_dma source(%dma_start3A_106 : memref<640x72xf32, #tpu.memory_space<vmem_shared>>) target(%dma_start3A_104 : memref<640x72xf32, #tpu.memory_space<hbm>>) target_semaphore(%run_scoped3A : memref<!tpu.dma_semaphore, #tpu.memory_space<semaphore_mem>>)
      %dma_wait3A_107 = arith.constant 0 : i32
      %dma_wait3A_108 = tpu.memref_slice %arg4[%arg0, %mul3A_101, %dma_wait3A_107] : memref<2x10240x72xf32, #tpu.memory_space<hbm>> -> memref<1x640x72xf32, #tpu.memory_space<hbm>>
      %dma_wait3A_109 = tpu.memref_squeeze %dma_wait3A_108 : memref<1x640x72xf32, #tpu.memory_space<hbm>> -> memref<640x72xf32, #tpu.memory_space<hbm>>
      %dma_wait3A_110 = arith.constant 0 : i32
      %dma_wait3A_111 = tpu.memref_slice %arg12[%mul3A_99, %dma_wait3A_110] : memref<10240x72xf32, #tpu.memory_space<vmem_shared>> -> memref<640x72xf32, #tpu.memory_space<vmem_shared>>
      tpu.wait_dma2 semaphore(%run_scoped3A : memref<!tpu.dma_semaphore, #tpu.memory_space<semaphore_mem>>) src(%dma_wait3A_111 : memref<640x72xf32, #tpu.memory_space<vmem_shared>>) dst(%dma_wait3A_109 : memref<640x72xf32, #tpu.memory_space<hbm>>)
      tpu.yield
    }) : () -> ()
    return
  }
}

#map = affine_map<(d0, d1) -> (0, 0, 0)>
#map1 = affine_map<(d0, d1) -> (0)>
module attributes {stable_mosaic.version = 14 : i64} {
  func.func @body(%arg0: i32, %arg1: i32, %arg2: memref<2x64000x128xf32, #tpu.memory_space<hbm>>, %arg3: memref<320000xi32, #tpu.memory_space<hbm>>, %arg4: memref<2x10240x72xf32, #tpu.memory_space<hbm>>, %arg5: memref<128x72xf32, #tpu.memory_space<vmem>>, %arg6: memref<128x72xf32, #tpu.memory_space<vmem>>, %arg7: memref<128xi32, #tpu.memory_space<vmem>>, %arg8: memref<128xi32, #tpu.memory_space<vmem>>, %arg9: memref<32x72xf32, #tpu.memory_space<vmem>>, %arg10: memref<32xi32, #tpu.memory_space<vmem>>, %arg11: memref<64x72xf32, #tpu.memory_space<vmem>>, %arg12: memref<10240x72xf32, #tpu.memory_space<vmem_shared>>, %arg13: memref<!tpu.dma_semaphore, #tpu.memory_space<semaphore_mem>>, %arg14: memref<!tpu.dma_semaphore, #tpu.memory_space<semaphore_mem>>) attributes {dimension_semantics = [#tpu.dimension_semantics<core_parallel>, #tpu.dimension_semantics<subcore_parallel>], iteration_bounds = array<i64: 2, 16>, scalar_prefetch = 0 : i64, scratch_operands = 10 : i64, tpu.core_type = #tpu.core_type<sc_vector_subcore>, window_params = [{transform_indices = #map}, {transform_indices = #map1}, {transform_indices = #map}]} {
    %mul3A = arith.constant 4000 : i32
    %mul3A_0 = arith.muli %arg1, %mul3A : i32
    %add3A = arith.constant 0 : i32
    %add3A_1 = arith.addi %mul3A_0, %add3A : i32
    %dma_start3A = arith.constant 0 : i32
    %dma_start3A_2 = tpu.memref_slice %arg2[%arg0, %add3A_1, %dma_start3A] : memref<2x64000x128xf32, #tpu.memory_space<hbm>> -> memref<1x128x72xf32, #tpu.memory_space<hbm>>
    %dma_start3A_3 = tpu.memref_squeeze %dma_start3A_2 : memref<1x128x72xf32, #tpu.memory_space<hbm>> -> memref<128x72xf32, #tpu.memory_space<hbm>>
    %dma_start3A_4 = arith.constant 0 : i32
    %dma_start3A_5 = tpu.memref_slice %arg2[%arg0, %add3A_1, %dma_start3A_4] : memref<2x64000x128xf32, #tpu.memory_space<hbm>> -> memref<1x128x72xf32, #tpu.memory_space<hbm>>
    %dma_start3A_6 = tpu.memref_squeeze %dma_start3A_5 : memref<1x128x72xf32, #tpu.memory_space<hbm>> -> memref<128x72xf32, #tpu.memory_space<hbm>>
    tpu.enqueue_dma source(%dma_start3A_6 : memref<128x72xf32, #tpu.memory_space<hbm>>) target(%arg5 : memref<128x72xf32, #tpu.memory_space<vmem>>) target_semaphore(%arg13 : memref<!tpu.dma_semaphore, #tpu.memory_space<semaphore_mem>>)
    %add3A_7 = arith.constant 256000 : i32
    %add3A_8 = arith.addi %add3A_7, %mul3A_0 : i32
    %add3A_9 = arith.constant 0 : i32
    %add3A_10 = arith.addi %add3A_8, %add3A_9 : i32
    %dma_start3A_11 = tpu.memref_slice %arg3[%add3A_10] : memref<320000xi32, #tpu.memory_space<hbm>> -> memref<128xi32, #tpu.memory_space<hbm>>
    %dma_start3A_12 = tpu.memref_slice %arg3[%add3A_10] : memref<320000xi32, #tpu.memory_space<hbm>> -> memref<128xi32, #tpu.memory_space<hbm>>
    tpu.enqueue_dma source(%dma_start3A_12 : memref<128xi32, #tpu.memory_space<hbm>>) target(%arg7 : memref<128xi32, #tpu.memory_space<vmem>>) target_semaphore(%arg13 : memref<!tpu.dma_semaphore, #tpu.memory_space<semaphore_mem>>)
    %add3A_13 = arith.constant 128 : i32
    %add3A_14 = arith.addi %mul3A_0, %add3A_13 : i32
    %dma_start3A_15 = arith.constant 0 : i32
    %dma_start3A_16 = tpu.memref_slice %arg2[%arg0, %add3A_14, %dma_start3A_15] : memref<2x64000x128xf32, #tpu.memory_space<hbm>> -> memref<1x128x72xf32, #tpu.memory_space<hbm>>
    %dma_start3A_17 = tpu.memref_squeeze %dma_start3A_16 : memref<1x128x72xf32, #tpu.memory_space<hbm>> -> memref<128x72xf32, #tpu.memory_space<hbm>>
    %dma_start3A_18 = arith.constant 0 : i32
    %dma_start3A_19 = tpu.memref_slice %arg2[%arg0, %add3A_14, %dma_start3A_18] : memref<2x64000x128xf32, #tpu.memory_space<hbm>> -> memref<1x128x72xf32, #tpu.memory_space<hbm>>
    %dma_start3A_20 = tpu.memref_squeeze %dma_start3A_19 : memref<1x128x72xf32, #tpu.memory_space<hbm>> -> memref<128x72xf32, #tpu.memory_space<hbm>>
    tpu.enqueue_dma source(%dma_start3A_20 : memref<128x72xf32, #tpu.memory_space<hbm>>) target(%arg6 : memref<128x72xf32, #tpu.memory_space<vmem>>) target_semaphore(%arg14 : memref<!tpu.dma_semaphore, #tpu.memory_space<semaphore_mem>>)
    %add3A_21 = arith.constant 256000 : i32
    %add3A_22 = arith.addi %add3A_21, %mul3A_0 : i32
    %add3A_23 = arith.constant 128 : i32
    %add3A_24 = arith.addi %add3A_22, %add3A_23 : i32
    %dma_start3A_25 = tpu.memref_slice %arg3[%add3A_24] : memref<320000xi32, #tpu.memory_space<hbm>> -> memref<128xi32, #tpu.memory_space<hbm>>
    %dma_start3A_26 = tpu.memref_slice %arg3[%add3A_24] : memref<320000xi32, #tpu.memory_space<hbm>> -> memref<128xi32, #tpu.memory_space<hbm>>
    tpu.enqueue_dma source(%dma_start3A_26 : memref<128xi32, #tpu.memory_space<hbm>>) target(%arg8 : memref<128xi32, #tpu.memory_space<vmem>>) target_semaphore(%arg14 : memref<!tpu.dma_semaphore, #tpu.memory_space<semaphore_mem>>)
    %scan3A = arith.constant 0 : i32
    %scan3A_27 = arith.constant 0 : i32
    %scan3A_28 = arith.constant 64 : i32
    %scan3A_29 = arith.addi %scan3A_27, %scan3A_28 : i32
    %scan3A_30 = arith.constant 1 : i32
    %scan3A_31 = scf.for %scan3A_102 = %scan3A_27 to %scan3A_29 step %scan3A_30 iter_args(%scan3A_103 = %scan3A) -> (i32)  : i32 {
      %broadcast_in_dim3A = arith.constant 0.000000e+00 : f32
      %broadcast_in_dim3A_104 = vector.broadcast %broadcast_in_dim3A : f32 to vector<16xf32>
      %swap3A = arith.index_cast %scan3A_102 : i32 to index
      %swap3A_105 = arith.constant 0 : index
      %swap3A_106 = tpu.vector_load %arg11[%swap3A, %swap3A_105] {strides = array<i32>} : memref<64x72xf32, #tpu.memory_space<vmem>>, vector<1x16xf32>,
      %swap3A_107 = vector.shape_cast %swap3A_106 : vector<1x16xf32> to vector<16xf32>
      %swap3A_108 = vector.shape_cast %broadcast_in_dim3A_104 : vector<16xf32> to vector<1x16xf32>
      tpu.vector_store %arg11[%swap3A, %swap3A_105], %swap3A_108 {strides = array<i32>} : memref<64x72xf32, #tpu.memory_space<vmem>>, vector<1x16xf32>,
      %broadcast_in_dim3A_109 = arith.constant 0.000000e+00 : f32
      %broadcast_in_dim3A_110 = vector.broadcast %broadcast_in_dim3A_109 : f32 to vector<16xf32>
      %swap3A_111 = arith.index_cast %scan3A_102 : i32 to index
      %swap3A_112 = arith.constant 16 : index
      %swap3A_113 = tpu.vector_load %arg11[%swap3A_111, %swap3A_112] {strides = array<i32>} : memref<64x72xf32, #tpu.memory_space<vmem>>, vector<1x16xf32>,
      %swap3A_114 = vector.shape_cast %swap3A_113 : vector<1x16xf32> to vector<16xf32>
      %swap3A_115 = vector.shape_cast %broadcast_in_dim3A_110 : vector<16xf32> to vector<1x16xf32>
      tpu.vector_store %arg11[%swap3A_111, %swap3A_112], %swap3A_115 {strides = array<i32>} : memref<64x72xf32, #tpu.memory_space<vmem>>, vector<1x16xf32>,
      %broadcast_in_dim3A_116 = arith.constant 0.000000e+00 : f32
      %broadcast_in_dim3A_117 = vector.broadcast %broadcast_in_dim3A_116 : f32 to vector<16xf32>
      %swap3A_118 = arith.index_cast %scan3A_102 : i32 to index
      %swap3A_119 = arith.constant 32 : index
      %swap3A_120 = tpu.vector_load %arg11[%swap3A_118, %swap3A_119] {strides = array<i32>} : memref<64x72xf32, #tpu.memory_space<vmem>>, vector<1x16xf32>,
      %swap3A_121 = vector.shape_cast %swap3A_120 : vector<1x16xf32> to vector<16xf32>
      %swap3A_122 = vector.shape_cast %broadcast_in_dim3A_117 : vector<16xf32> to vector<1x16xf32>
      tpu.vector_store %arg11[%swap3A_118, %swap3A_119], %swap3A_122 {strides = array<i32>} : memref<64x72xf32, #tpu.memory_space<vmem>>, vector<1x16xf32>,
      %broadcast_in_dim3A_123 = arith.constant 0.000000e+00 : f32
      %broadcast_in_dim3A_124 = vector.broadcast %broadcast_in_dim3A_123 : f32 to vector<16xf32>
      %swap3A_125 = arith.index_cast %scan3A_102 : i32 to index
      %swap3A_126 = arith.constant 48 : index
      %swap3A_127 = tpu.vector_load %arg11[%swap3A_125, %swap3A_126] {strides = array<i32>} : memref<64x72xf32, #tpu.memory_space<vmem>>, vector<1x16xf32>,
      %swap3A_128 = vector.shape_cast %swap3A_127 : vector<1x16xf32> to vector<16xf32>
      %swap3A_129 = vector.shape_cast %broadcast_in_dim3A_124 : vector<16xf32> to vector<1x16xf32>
      tpu.vector_store %arg11[%swap3A_125, %swap3A_126], %swap3A_129 {strides = array<i32>} : memref<64x72xf32, #tpu.memory_space<vmem>>, vector<1x16xf32>,
      %broadcast_in_dim3A_130 = arith.constant 0.000000e+00 : f32
      %broadcast_in_dim3A_131 = vector.broadcast %broadcast_in_dim3A_130 : f32 to vector<16xf32>
      %swap3A_132 = arith.index_cast %scan3A_102 : i32 to index
      %swap3A_133 = arith.constant 56 : index
      %swap3A_134 = tpu.vector_load %arg11[%swap3A_132, %swap3A_133] {strides = array<i32>} : memref<64x72xf32, #tpu.memory_space<vmem>>, vector<1x16xf32>,
      %swap3A_135 = vector.shape_cast %swap3A_134 : vector<1x16xf32> to vector<16xf32>
      %swap3A_136 = vector.shape_cast %broadcast_in_dim3A_131 : vector<16xf32> to vector<1x16xf32>
      tpu.vector_store %arg11[%swap3A_132, %swap3A_133], %swap3A_136 {strides = array<i32>} : memref<64x72xf32, #tpu.memory_space<vmem>>, vector<1x16xf32>,
      %scan3A_137 = arith.constant 0 : i32
      scf.yield %scan3A_137 : i32
    }
    %scan3A_32 = arith.constant 64 : i32
    %mul3A_33 = arith.constant 640 : i32
    %mul3A_34 = arith.muli %arg1, %mul3A_33 : i32
    %add3A_35 = arith.constant 0 : i32
    %add3A_36 = arith.addi %mul3A_34, %add3A_35 : i32
    "tpu.region"() ({
      %run_scoped3A = tpu.sem_alloc : memref<!tpu.dma_semaphore, #tpu.memory_space<semaphore_mem>>
      %dma_start3A_102 = arith.constant 0 : i32
      %dma_start3A_103 = tpu.memref_slice %arg12[%add3A_36, %dma_start3A_102] : memref<10240x72xf32, #tpu.memory_space<vmem_shared>> -> memref<64x72xf32, #tpu.memory_space<vmem_shared>>
      %dma_start3A_104 = arith.constant 0 : i32
      %dma_start3A_105 = tpu.memref_slice %arg12[%add3A_36, %dma_start3A_104] : memref<10240x72xf32, #tpu.memory_space<vmem_shared>> -> memref<64x72xf32, #tpu.memory_space<vmem_shared>>
      tpu.enqueue_dma source(%arg11 : memref<64x72xf32, #tpu.memory_space<vmem>>) target(%dma_start3A_105 : memref<64x72xf32, #tpu.memory_space<vmem_shared>>) target_semaphore(%run_scoped3A : memref<!tpu.dma_semaphore, #tpu.memory_space<semaphore_mem>>)
      %dma_wait3A_106 = arith.constant 0 : i32
      %dma_wait3A_107 = tpu.memref_slice %arg12[%add3A_36, %dma_wait3A_106] : memref<10240x72xf32, #tpu.memory_space<vmem_shared>> -> memref<64x72xf32, #tpu.memory_space<vmem_shared>>
      %dma_wait3A_108 = arith.constant 0 : i32
      %dma_wait3A_109 = tpu.memref_slice %arg12[%add3A_36, %dma_wait3A_108] : memref<10240x72xf32, #tpu.memory_space<vmem_shared>> -> memref<64x72xf32, #tpu.memory_space<vmem_shared>>
      tpu.wait_dma2 semaphore(%run_scoped3A : memref<!tpu.dma_semaphore, #tpu.memory_space<semaphore_mem>>) src(%arg11 : memref<64x72xf32, #tpu.memory_space<vmem>>) dst(%dma_wait3A_109 : memref<64x72xf32, #tpu.memory_space<vmem_shared>>)
      tpu.yield
    }) : () -> ()
    %mul3A_37 = arith.constant 640 : i32
    %mul3A_38 = arith.muli %arg1, %mul3A_37 : i32
    %add3A_39 = arith.constant 64 : i32
    %add3A_40 = arith.addi %mul3A_38, %add3A_39 : i32
    "tpu.region"() ({
      %run_scoped3A = tpu.sem_alloc : memref<!tpu.dma_semaphore, #tpu.memory_space<semaphore_mem>>
      %dma_start3A_102 = arith.constant 0 : i32
      %dma_start3A_103 = tpu.memref_slice %arg12[%add3A_40, %dma_start3A_102] : memref<10240x72xf32, #tpu.memory_space<vmem_shared>> -> memref<64x72xf32, #tpu.memory_space<vmem_shared>>
      %dma_start3A_104 = arith.constant 0 : i32
      %dma_start3A_105 = tpu.memref_slice %arg12[%add3A_40, %dma_start3A_104] : memref<10240x72xf32, #tpu.memory_space<vmem_shared>> -> memref<64x72xf32, #tpu.memory_space<vmem_shared>>
      tpu.enqueue_dma source(%arg11 : memref<64x72xf32, #tpu.memory_space<vmem>>) target(%dma_start3A_105 : memref<64x72xf32, #tpu.memory_space<vmem_shared>>) target_semaphore(%run_scoped3A : memref<!tpu.dma_semaphore, #tpu.memory_space<semaphore_mem>>)
      %dma_wait3A_106 = arith.constant 0 : i32
      %dma_wait3A_107 = tpu.memref_slice %arg12[%add3A_40, %dma_wait3A_106] : memref<10240x72xf32, #tpu.memory_space<vmem_shared>> -> memref<64x72xf32, #tpu.memory_space<vmem_shared>>
      %dma_wait3A_108 = arith.constant 0 : i32
      %dma_wait3A_109 = tpu.memref_slice %arg12[%add3A_40, %dma_wait3A_108] : memref<10240x72xf32, #tpu.memory_space<vmem_shared>> -> memref<64x72xf32, #tpu.memory_space<vmem_shared>>
      tpu.wait_dma2 semaphore(%run_scoped3A : memref<!tpu.dma_semaphore, #tpu.memory_space<semaphore_mem>>) src(%arg11 : memref<64x72xf32, #tpu.memory_space<vmem>>) dst(%dma_wait3A_109 : memref<64x72xf32, #tpu.memory_space<vmem_shared>>)
      tpu.yield
    }) : () -> ()
    %mul3A_41 = arith.constant 640 : i32
    %mul3A_42 = arith.muli %arg1, %mul3A_41 : i32
    %add3A_43 = arith.constant 128 : i32
    %add3A_44 = arith.addi %mul3A_42, %add3A_43 : i32
    "tpu.region"() ({
      %run_scoped3A = tpu.sem_alloc : memref<!tpu.dma_semaphore, #tpu.memory_space<semaphore_mem>>
      %dma_start3A_102 = arith.constant 0 : i32
      %dma_start3A_103 = tpu.memref_slice %arg12[%add3A_44, %dma_start3A_102] : memref<10240x72xf32, #tpu.memory_space<vmem_shared>> -> memref<64x72xf32, #tpu.memory_space<vmem_shared>>
      %dma_start3A_104 = arith.constant 0 : i32
      %dma_start3A_105 = tpu.memref_slice %arg12[%add3A_44, %dma_start3A_104] : memref<10240x72xf32, #tpu.memory_space<vmem_shared>> -> memref<64x72xf32, #tpu.memory_space<vmem_shared>>
      tpu.enqueue_dma source(%arg11 : memref<64x72xf32, #tpu.memory_space<vmem>>) target(%dma_start3A_105 : memref<64x72xf32, #tpu.memory_space<vmem_shared>>) target_semaphore(%run_scoped3A : memref<!tpu.dma_semaphore, #tpu.memory_space<semaphore_mem>>)
      %dma_wait3A_106 = arith.constant 0 : i32
      %dma_wait3A_107 = tpu.memref_slice %arg12[%add3A_44, %dma_wait3A_106] : memref<10240x72xf32, #tpu.memory_space<vmem_shared>> -> memref<64x72xf32, #tpu.memory_space<vmem_shared>>
      %dma_wait3A_108 = arith.constant 0 : i32
      %dma_wait3A_109 = tpu.memref_slice %arg12[%add3A_44, %dma_wait3A_108] : memref<10240x72xf32, #tpu.memory_space<vmem_shared>> -> memref<64x72xf32, #tpu.memory_space<vmem_shared>>
      tpu.wait_dma2 semaphore(%run_scoped3A : memref<!tpu.dma_semaphore, #tpu.memory_space<semaphore_mem>>) src(%arg11 : memref<64x72xf32, #tpu.memory_space<vmem>>) dst(%dma_wait3A_109 : memref<64x72xf32, #tpu.memory_space<vmem_shared>>)
      tpu.yield
    }) : () -> ()
    %mul3A_45 = arith.constant 640 : i32
    %mul3A_46 = arith.muli %arg1, %mul3A_45 : i32
    %add3A_47 = arith.constant 192 : i32
    %add3A_48 = arith.addi %mul3A_46, %add3A_47 : i32
    "tpu.region"() ({
      %run_scoped3A = tpu.sem_alloc : memref<!tpu.dma_semaphore, #tpu.memory_space<semaphore_mem>>
      %dma_start3A_102 = arith.constant 0 : i32
      %dma_start3A_103 = tpu.memref_slice %arg12[%add3A_48, %dma_start3A_102] : memref<10240x72xf32, #tpu.memory_space<vmem_shared>> -> memref<64x72xf32, #tpu.memory_space<vmem_shared>>
      %dma_start3A_104 = arith.constant 0 : i32
      %dma_start3A_105 = tpu.memref_slice %arg12[%add3A_48, %dma_start3A_104] : memref<10240x72xf32, #tpu.memory_space<vmem_shared>> -> memref<64x72xf32, #tpu.memory_space<vmem_shared>>
      tpu.enqueue_dma source(%arg11 : memref<64x72xf32, #tpu.memory_space<vmem>>) target(%dma_start3A_105 : memref<64x72xf32, #tpu.memory_space<vmem_shared>>) target_semaphore(%run_scoped3A : memref<!tpu.dma_semaphore, #tpu.memory_space<semaphore_mem>>)
      %dma_wait3A_106 = arith.constant 0 : i32
      %dma_wait3A_107 = tpu.memref_slice %arg12[%add3A_48, %dma_wait3A_106] : memref<10240x72xf32, #tpu.memory_space<vmem_shared>> -> memref<64x72xf32, #tpu.memory_space<vmem_shared>>
      %dma_wait3A_108 = arith.constant 0 : i32
      %dma_wait3A_109 = tpu.memref_slice %arg12[%add3A_48, %dma_wait3A_108] : memref<10240x72xf32, #tpu.memory_space<vmem_shared>> -> memref<64x72xf32, #tpu.memory_space<vmem_shared>>
      tpu.wait_dma2 semaphore(%run_scoped3A : memref<!tpu.dma_semaphore, #tpu.memory_space<semaphore_mem>>) src(%arg11 : memref<64x72xf32, #tpu.memory_space<vmem>>) dst(%dma_wait3A_109 : memref<64x72xf32, #tpu.memory_space<vmem_shared>>)
      tpu.yield
    }) : () -> ()
    %mul3A_49 = arith.constant 640 : i32
    %mul3A_50 = arith.muli %arg1, %mul3A_49 : i32
    %add3A_51 = arith.constant 256 : i32
    %add3A_52 = arith.addi %mul3A_50, %add3A_51 : i32
    "tpu.region"() ({
      %run_scoped3A = tpu.sem_alloc : memref<!tpu.dma_semaphore, #tpu.memory_space<semaphore_mem>>
      %dma_start3A_102 = arith.constant 0 : i32
      %dma_start3A_103 = tpu.memref_slice %arg12[%add3A_52, %dma_start3A_102] : memref<10240x72xf32, #tpu.memory_space<vmem_shared>> -> memref<64x72xf32, #tpu.memory_space<vmem_shared>>
      %dma_start3A_104 = arith.constant 0 : i32
      %dma_start3A_105 = tpu.memref_slice %arg12[%add3A_52, %dma_start3A_104] : memref<10240x72xf32, #tpu.memory_space<vmem_shared>> -> memref<64x72xf32, #tpu.memory_space<vmem_shared>>
      tpu.enqueue_dma source(%arg11 : memref<64x72xf32, #tpu.memory_space<vmem>>) target(%dma_start3A_105 : memref<64x72xf32, #tpu.memory_space<vmem_shared>>) target_semaphore(%run_scoped3A : memref<!tpu.dma_semaphore, #tpu.memory_space<semaphore_mem>>)
      %dma_wait3A_106 = arith.constant 0 : i32
      %dma_wait3A_107 = tpu.memref_slice %arg12[%add3A_52, %dma_wait3A_106] : memref<10240x72xf32, #tpu.memory_space<vmem_shared>> -> memref<64x72xf32, #tpu.memory_space<vmem_shared>>
      %dma_wait3A_108 = arith.constant 0 : i32
      %dma_wait3A_109 = tpu.memref_slice %arg12[%add3A_52, %dma_wait3A_108] : memref<10240x72xf32, #tpu.memory_space<vmem_shared>> -> memref<64x72xf32, #tpu.memory_space<vmem_shared>>
      tpu.wait_dma2 semaphore(%run_scoped3A : memref<!tpu.dma_semaphore, #tpu.memory_space<semaphore_mem>>) src(%arg11 : memref<64x72xf32, #tpu.memory_space<vmem>>) dst(%dma_wait3A_109 : memref<64x72xf32, #tpu.memory_space<vmem_shared>>)
      tpu.yield
    }) : () -> ()
    %mul3A_53 = arith.constant 640 : i32
    %mul3A_54 = arith.muli %arg1, %mul3A_53 : i32
    %add3A_55 = arith.constant 320 : i32
    %add3A_56 = arith.addi %mul3A_54, %add3A_55 : i32
    "tpu.region"() ({
      %run_scoped3A = tpu.sem_alloc : memref<!tpu.dma_semaphore, #tpu.memory_space<semaphore_mem>>
      %dma_start3A_102 = arith.constant 0 : i32
      %dma_start3A_103 = tpu.memref_slice %arg12[%add3A_56, %dma_start3A_102] : memref<10240x72xf32, #tpu.memory_space<vmem_shared>> -> memref<64x72xf32, #tpu.memory_space<vmem_shared>>
      %dma_start3A_104 = arith.constant 0 : i32
      %dma_start3A_105 = tpu.memref_slice %arg12[%add3A_56, %dma_start3A_104] : memref<10240x72xf32, #tpu.memory_space<vmem_shared>> -> memref<64x72xf32, #tpu.memory_space<vmem_shared>>
      tpu.enqueue_dma source(%arg11 : memref<64x72xf32, #tpu.memory_space<vmem>>) target(%dma_start3A_105 : memref<64x72xf32, #tpu.memory_space<vmem_shared>>) target_semaphore(%run_scoped3A : memref<!tpu.dma_semaphore, #tpu.memory_space<semaphore_mem>>)
      %dma_wait3A_106 = arith.constant 0 : i32
      %dma_wait3A_107 = tpu.memref_slice %arg12[%add3A_56, %dma_wait3A_106] : memref<10240x72xf32, #tpu.memory_space<vmem_shared>> -> memref<64x72xf32, #tpu.memory_space<vmem_shared>>
      %dma_wait3A_108 = arith.constant 0 : i32
      %dma_wait3A_109 = tpu.memref_slice %arg12[%add3A_56, %dma_wait3A_108] : memref<10240x72xf32, #tpu.memory_space<vmem_shared>> -> memref<64x72xf32, #tpu.memory_space<vmem_shared>>
      tpu.wait_dma2 semaphore(%run_scoped3A : memref<!tpu.dma_semaphore, #tpu.memory_space<semaphore_mem>>) src(%arg11 : memref<64x72xf32, #tpu.memory_space<vmem>>) dst(%dma_wait3A_109 : memref<64x72xf32, #tpu.memory_space<vmem_shared>>)
      tpu.yield
    }) : () -> ()
    %mul3A_57 = arith.constant 640 : i32
    %mul3A_58 = arith.muli %arg1, %mul3A_57 : i32
    %add3A_59 = arith.constant 384 : i32
    %add3A_60 = arith.addi %mul3A_58, %add3A_59 : i32
    "tpu.region"() ({
      %run_scoped3A = tpu.sem_alloc : memref<!tpu.dma_semaphore, #tpu.memory_space<semaphore_mem>>
      %dma_start3A_102 = arith.constant 0 : i32
      %dma_start3A_103 = tpu.memref_slice %arg12[%add3A_60, %dma_start3A_102] : memref<10240x72xf32, #tpu.memory_space<vmem_shared>> -> memref<64x72xf32, #tpu.memory_space<vmem_shared>>
      %dma_start3A_104 = arith.constant 0 : i32
      %dma_start3A_105 = tpu.memref_slice %arg12[%add3A_60, %dma_start3A_104] : memref<10240x72xf32, #tpu.memory_space<vmem_shared>> -> memref<64x72xf32, #tpu.memory_space<vmem_shared>>
      tpu.enqueue_dma source(%arg11 : memref<64x72xf32, #tpu.memory_space<vmem>>) target(%dma_start3A_105 : memref<64x72xf32, #tpu.memory_space<vmem_shared>>) target_semaphore(%run_scoped3A : memref<!tpu.dma_semaphore, #tpu.memory_space<semaphore_mem>>)
      %dma_wait3A_106 = arith.constant 0 : i32
      %dma_wait3A_107 = tpu.memref_slice %arg12[%add3A_60, %dma_wait3A_106] : memref<10240x72xf32, #tpu.memory_space<vmem_shared>> -> memref<64x72xf32, #tpu.memory_space<vmem_shared>>
      %dma_wait3A_108 = arith.constant 0 : i32
      %dma_wait3A_109 = tpu.memref_slice %arg12[%add3A_60, %dma_wait3A_108] : memref<10240x72xf32, #tpu.memory_space<vmem_shared>> -> memref<64x72xf32, #tpu.memory_space<vmem_shared>>
      tpu.wait_dma2 semaphore(%run_scoped3A : memref<!tpu.dma_semaphore, #tpu.memory_space<semaphore_mem>>) src(%arg11 : memref<64x72xf32, #tpu.memory_space<vmem>>) dst(%dma_wait3A_109 : memref<64x72xf32, #tpu.memory_space<vmem_shared>>)
      tpu.yield
    }) : () -> ()
    %mul3A_61 = arith.constant 640 : i32
    %mul3A_62 = arith.muli %arg1, %mul3A_61 : i32
    %add3A_63 = arith.constant 448 : i32
    %add3A_64 = arith.addi %mul3A_62, %add3A_63 : i32
    "tpu.region"() ({
      %run_scoped3A = tpu.sem_alloc : memref<!tpu.dma_semaphore, #tpu.memory_space<semaphore_mem>>
      %dma_start3A_102 = arith.constant 0 : i32
      %dma_start3A_103 = tpu.memref_slice %arg12[%add3A_64, %dma_start3A_102] : memref<10240x72xf32, #tpu.memory_space<vmem_shared>> -> memref<64x72xf32, #tpu.memory_space<vmem_shared>>
      %dma_start3A_104 = arith.constant 0 : i32
      %dma_start3A_105 = tpu.memref_slice %arg12[%add3A_64, %dma_start3A_104] : memref<10240x72xf32, #tpu.memory_space<vmem_shared>> -> memref<64x72xf32, #tpu.memory_space<vmem_shared>>
      tpu.enqueue_dma source(%arg11 : memref<64x72xf32, #tpu.memory_space<vmem>>) target(%dma_start3A_105 : memref<64x72xf32, #tpu.memory_space<vmem_shared>>) target_semaphore(%run_scoped3A : memref<!tpu.dma_semaphore, #tpu.memory_space<semaphore_mem>>)
      %dma_wait3A_106 = arith.constant 0 : i32
      %dma_wait3A_107 = tpu.memref_slice %arg12[%add3A_64, %dma_wait3A_106] : memref<10240x72xf32, #tpu.memory_space<vmem_shared>> -> memref<64x72xf32, #tpu.memory_space<vmem_shared>>
      %dma_wait3A_108 = arith.constant 0 : i32
      %dma_wait3A_109 = tpu.memref_slice %arg12[%add3A_64, %dma_wait3A_108] : memref<10240x72xf32, #tpu.memory_space<vmem_shared>> -> memref<64x72xf32, #tpu.memory_space<vmem_shared>>
      tpu.wait_dma2 semaphore(%run_scoped3A : memref<!tpu.dma_semaphore, #tpu.memory_space<semaphore_mem>>) src(%arg11 : memref<64x72xf32, #tpu.memory_space<vmem>>) dst(%dma_wait3A_109 : memref<64x72xf32, #tpu.memory_space<vmem_shared>>)
      tpu.yield
    }) : () -> ()
    %mul3A_65 = arith.constant 640 : i32
    %mul3A_66 = arith.muli %arg1, %mul3A_65 : i32
    %add3A_67 = arith.constant 512 : i32
    %add3A_68 = arith.addi %mul3A_66, %add3A_67 : i32
    "tpu.region"() ({
      %run_scoped3A = tpu.sem_alloc : memref<!tpu.dma_semaphore, #tpu.memory_space<semaphore_mem>>
      %dma_start3A_102 = arith.constant 0 : i32
      %dma_start3A_103 = tpu.memref_slice %arg12[%add3A_68, %dma_start3A_102] : memref<10240x72xf32, #tpu.memory_space<vmem_shared>> -> memref<64x72xf32, #tpu.memory_space<vmem_shared>>
      %dma_start3A_104 = arith.constant 0 : i32
      %dma_start3A_105 = tpu.memref_slice %arg12[%add3A_68, %dma_start3A_104] : memref<10240x72xf32, #tpu.memory_space<vmem_shared>> -> memref<64x72xf32, #tpu.memory_space<vmem_shared>>
      tpu.enqueue_dma source(%arg11 : memref<64x72xf32, #tpu.memory_space<vmem>>) target(%dma_start3A_105 : memref<64x72xf32, #tpu.memory_space<vmem_shared>>) target_semaphore(%run_scoped3A : memref<!tpu.dma_semaphore, #tpu.memory_space<semaphore_mem>>)
      %dma_wait3A_106 = arith.constant 0 : i32
      %dma_wait3A_107 = tpu.memref_slice %arg12[%add3A_68, %dma_wait3A_106] : memref<10240x72xf32, #tpu.memory_space<vmem_shared>> -> memref<64x72xf32, #tpu.memory_space<vmem_shared>>
      %dma_wait3A_108 = arith.constant 0 : i32
      %dma_wait3A_109 = tpu.memref_slice %arg12[%add3A_68, %dma_wait3A_108] : memref<10240x72xf32, #tpu.memory_space<vmem_shared>> -> memref<64x72xf32, #tpu.memory_space<vmem_shared>>
      tpu.wait_dma2 semaphore(%run_scoped3A : memref<!tpu.dma_semaphore, #tpu.memory_space<semaphore_mem>>) src(%arg11 : memref<64x72xf32, #tpu.memory_space<vmem>>) dst(%dma_wait3A_109 : memref<64x72xf32, #tpu.memory_space<vmem_shared>>)
      tpu.yield
    }) : () -> ()
    %mul3A_69 = arith.constant 640 : i32
    %mul3A_70 = arith.muli %arg1, %mul3A_69 : i32
    %add3A_71 = arith.constant 576 : i32
    %add3A_72 = arith.addi %mul3A_70, %add3A_71 : i32
    "tpu.region"() ({
      %run_scoped3A = tpu.sem_alloc : memref<!tpu.dma_semaphore, #tpu.memory_space<semaphore_mem>>
      %dma_start3A_102 = arith.constant 0 : i32
      %dma_start3A_103 = tpu.memref_slice %arg12[%add3A_72, %dma_start3A_102] : memref<10240x72xf32, #tpu.memory_space<vmem_shared>> -> memref<64x72xf32, #tpu.memory_space<vmem_shared>>
      %dma_start3A_104 = arith.constant 0 : i32
      %dma_start3A_105 = tpu.memref_slice %arg12[%add3A_72, %dma_start3A_104] : memref<10240x72xf32, #tpu.memory_space<vmem_shared>> -> memref<64x72xf32, #tpu.memory_space<vmem_shared>>
      tpu.enqueue_dma source(%arg11 : memref<64x72xf32, #tpu.memory_space<vmem>>) target(%dma_start3A_105 : memref<64x72xf32, #tpu.memory_space<vmem_shared>>) target_semaphore(%run_scoped3A : memref<!tpu.dma_semaphore, #tpu.memory_space<semaphore_mem>>)
      %dma_wait3A_106 = arith.constant 0 : i32
      %dma_wait3A_107 = tpu.memref_slice %arg12[%add3A_72, %dma_wait3A_106] : memref<10240x72xf32, #tpu.memory_space<vmem_shared>> -> memref<64x72xf32, #tpu.memory_space<vmem_shared>>
      %dma_wait3A_108 = arith.constant 0 : i32
      %dma_wait3A_109 = tpu.memref_slice %arg12[%add3A_72, %dma_wait3A_108] : memref<10240x72xf32, #tpu.memory_space<vmem_shared>> -> memref<64x72xf32, #tpu.memory_space<vmem_shared>>
      tpu.wait_dma2 semaphore(%run_scoped3A : memref<!tpu.dma_semaphore, #tpu.memory_space<semaphore_mem>>) src(%arg11 : memref<64x72xf32, #tpu.memory_space<vmem>>) dst(%dma_wait3A_109 : memref<64x72xf32, #tpu.memory_space<vmem_shared>>)
      tpu.yield
    }) : () -> ()
    %barrier3A = arith.constant 0 : index
    tpu.barrier barrier_id(%barrier3A)
    %scan3A_73 = arith.constant 0 : i32
    %scan3A_74 = arith.constant 0 : i32
    %scan3A_75 = arith.constant 15 : i32
    %scan3A_76 = arith.addi %scan3A_74, %scan3A_75 : i32
    %scan3A_77 = arith.constant 1 : i32
    %scan3A_78 = scf.for %scan3A_102 = %scan3A_74 to %scan3A_76 step %scan3A_77 iter_args(%scan3A_103 = %scan3A_73) -> (i32)  : i32 {
      %mul3A_104 = arith.constant 2 : i32
      %mul3A_105 = arith.muli %scan3A_102, %mul3A_104 : i32
      %add3A_106 = arith.constant 0 : i32
      %add3A_107 = arith.addi %mul3A_105, %add3A_106 : i32
      %dma_wait3A_108 = arith.constant 0 : i32
      %dma_wait3A_109 = arith.constant 0 : i32
      %dma_wait3A_110 = tpu.memref_slice %arg2[%arg0, %dma_wait3A_108, %dma_wait3A_109] : memref<2x64000x128xf32, #tpu.memory_space<hbm>> -> memref<1x128x72xf32, #tpu.memory_space<hbm>>
      %dma_wait3A_111 = tpu.memref_squeeze %dma_wait3A_110 : memref<1x128x72xf32, #tpu.memory_space<hbm>> -> memref<128x72xf32, #tpu.memory_space<hbm>>
      %dma_wait3A_112 = arith.constant 0 : i32
      %dma_wait3A_113 = arith.constant 0 : i32
      %dma_wait3A_114 = tpu.memref_slice %arg2[%arg0, %dma_wait3A_112, %dma_wait3A_113] : memref<2x64000x128xf32, #tpu.memory_space<hbm>> -> memref<1x128x72xf32, #tpu.memory_space<hbm>>
      %dma_wait3A_115 = tpu.memref_squeeze %dma_wait3A_114 : memref<1x128x72xf32, #tpu.memory_space<hbm>> -> memref<128x72xf32, #tpu.memory_space<hbm>>
      tpu.wait_dma2 semaphore(%arg13 : memref<!tpu.dma_semaphore, #tpu.memory_space<semaphore_mem>>) src(%dma_wait3A_115 : memref<128x72xf32, #tpu.memory_space<hbm>>) dst(%arg5 : memref<128x72xf32, #tpu.memory_space<vmem>>)
      %dma_wait3A_116 = arith.constant 0 : i32
      %dma_wait3A_117 = tpu.memref_slice %arg3[%dma_wait3A_116] : memref<320000xi32, #tpu.memory_space<hbm>> -> memref<128xi32, #tpu.memory_space<hbm>>
      %dma_wait3A_118 = arith.constant 0 : i32
      %dma_wait3A_119 = tpu.memref_slice %arg3[%dma_wait3A_118] : memref<320000xi32, #tpu.memory_space<hbm>> -> memref<128xi32, #tpu.memory_space<hbm>>
      tpu.wait_dma2 semaphore(%arg13 : memref<!tpu.dma_semaphore, #tpu.memory_space<semaphore_mem>>) src(%dma_wait3A_119 : memref<128xi32, #tpu.memory_space<hbm>>) dst(%arg7 : memref<128xi32, #tpu.memory_space<vmem>>)
      "tpu.region"() ({
        %run_scoped3A = tpu.sem_alloc : memref<!tpu.dma_semaphore, #tpu.memory_space<semaphore_mem>>
        %dma_start3A_148 = arith.constant 0 : i32
        %dma_start3A_149 = arith.constant 0 : i32
        %dma_start3A_150 = tpu.memref_slice %arg12[%dma_start3A_148, %dma_start3A_149] : memref<10240x72xf32, #tpu.memory_space<vmem_shared>> -> memref<10240x72xf32, #tpu.memory_space<vmem_shared>>
        tpu.enqueue_indirect_dma source(%arg5 : memref<128x72xf32, #tpu.memory_space<vmem>>) target(%dma_start3A_150 : memref<10240x72xf32, #tpu.memory_space<vmem_shared>>) offsets(%arg7 : memref<128xi32, #tpu.memory_space<vmem>>) semaphore(%run_scoped3A : memref<!tpu.dma_semaphore, #tpu.memory_space<semaphore_mem>>) {add = true}
        %dma_wait3A_151 = arith.constant 0 : i32
        %dma_wait3A_152 = arith.constant 0 : i32
        %dma_wait3A_153 = tpu.memref_slice %arg12[%dma_wait3A_151, %dma_wait3A_152] : memref<10240x72xf32, #tpu.memory_space<vmem_shared>> -> memref<10240x72xf32, #tpu.memory_space<vmem_shared>>
        tpu.wait_indirect_dma semaphore(%run_scoped3A : memref<!tpu.dma_semaphore, #tpu.memory_space<semaphore_mem>>) src(%arg5 : memref<128x72xf32, #tpu.memory_space<vmem>>) dst(%dma_wait3A_153 : memref<10240x72xf32, #tpu.memory_space<vmem_shared>>)
        tpu.yield
      }) : () -> ()
      %add3A_120 = arith.constant 2 : i32
      %add3A_121 = arith.addi %add3A_107, %add3A_120 : i32
      %lt3A = arith.constant 31 : i32
      %lt3A_122 = arith.cmpi slt, %add3A_121, %lt3A : i32
      %convert_element_type3A = arith.extui %lt3A_122 : i1 to i32
      %cond3A = arith.constant 0 : i32
      %cond3A_123 = arith.cmpi ne, %convert_element_type3A, %cond3A : i32
      scf.if %cond3A_123 {
        %add3A_148 = arith.constant 2 : i32
        %add3A_149 = arith.addi %add3A_107, %add3A_148 : i32
        %mul3A_150 = arith.constant 128 : i32
        %mul3A_151 = arith.muli %add3A_149, %mul3A_150 : i32
        %add3A_152 = arith.addi %mul3A_0, %mul3A_151 : i32
        %dma_start3A_153 = arith.constant 0 : i32
        %dma_start3A_154 = tpu.memref_slice %arg2[%arg0, %add3A_152, %dma_start3A_153] : memref<2x64000x128xf32, #tpu.memory_space<hbm>> -> memref<1x128x72xf32, #tpu.memory_space<hbm>>
        %dma_start3A_155 = tpu.memref_squeeze %dma_start3A_154 : memref<1x128x72xf32, #tpu.memory_space<hbm>> -> memref<128x72xf32, #tpu.memory_space<hbm>>
        %dma_start3A_156 = arith.constant 0 : i32
        %dma_start3A_157 = tpu.memref_slice %arg2[%arg0, %add3A_152, %dma_start3A_156] : memref<2x64000x128xf32, #tpu.memory_space<hbm>> -> memref<1x128x72xf32, #tpu.memory_space<hbm>>
        %dma_start3A_158 = tpu.memref_squeeze %dma_start3A_157 : memref<1x128x72xf32, #tpu.memory_space<hbm>> -> memref<128x72xf32, #tpu.memory_space<hbm>>
        tpu.enqueue_dma source(%dma_start3A_158 : memref<128x72xf32, #tpu.memory_space<hbm>>) target(%arg5 : memref<128x72xf32, #tpu.memory_space<vmem>>) target_semaphore(%arg13 : memref<!tpu.dma_semaphore, #tpu.memory_space<semaphore_mem>>)
        %add3A_159 = arith.constant 256000 : i32
        %add3A_160 = arith.addi %add3A_159, %mul3A_0 : i32
        %mul3A_161 = arith.constant 128 : i32
        %mul3A_162 = arith.muli %add3A_149, %mul3A_161 : i32
        %add3A_163 = arith.addi %add3A_160, %mul3A_162 : i32
        %dma_start3A_164 = tpu.memref_slice %arg3[%add3A_163] : memref<320000xi32, #tpu.memory_space<hbm>> -> memref<128xi32, #tpu.memory_space<hbm>>
        %dma_start3A_165 = tpu.memref_slice %arg3[%add3A_163] : memref<320000xi32, #tpu.memory_space<hbm>> -> memref<128xi32, #tpu.memory_space<hbm>>
        tpu.enqueue_dma source(%dma_start3A_165 : memref<128xi32, #tpu.memory_space<hbm>>) target(%arg7 : memref<128xi32, #tpu.memory_space<vmem>>) target_semaphore(%arg13 : memref<!tpu.dma_semaphore, #tpu.memory_space<semaphore_mem>>)
      } else {
      }
      %mul3A_124 = arith.constant 2 : i32
      %mul3A_125 = arith.muli %scan3A_102, %mul3A_124 : i32
      %add3A_126 = arith.constant 1 : i32
      %add3A_127 = arith.addi %mul3A_125, %add3A_126 : i32
      %dma_wait3A_128 = arith.constant 0 : i32
      %dma_wait3A_129 = arith.constant 0 : i32
      %dma_wait3A_130 = tpu.memref_slice %arg2[%arg0, %dma_wait3A_128, %dma_wait3A_129] : memref<2x64000x128xf32, #tpu.memory_space<hbm>> -> memref<1x128x72xf32, #tpu.memory_space<hbm>>
      %dma_wait3A_131 = tpu.memref_squeeze %dma_wait3A_130 : memref<1x128x72xf32, #tpu.memory_space<hbm>> -> memref<128x72xf32, #tpu.memory_space<hbm>>
      %dma_wait3A_132 = arith.constant 0 : i32
      %dma_wait3A_133 = arith.constant 0 : i32
      %dma_wait3A_134 = tpu.memref_slice %arg2[%arg0, %dma_wait3A_132, %dma_wait3A_133] : memref<2x64000x128xf32, #tpu.memory_space<hbm>> -> memref<1x128x72xf32, #tpu.memory_space<hbm>>
      %dma_wait3A_135 = tpu.memref_squeeze %dma_wait3A_134 : memref<1x128x72xf32, #tpu.memory_space<hbm>> -> memref<128x72xf32, #tpu.memory_space<hbm>>
      tpu.wait_dma2 semaphore(%arg14 : memref<!tpu.dma_semaphore, #tpu.memory_space<semaphore_mem>>) src(%dma_wait3A_135 : memref<128x72xf32, #tpu.memory_space<hbm>>) dst(%arg6 : memref<128x72xf32, #tpu.memory_space<vmem>>)
      %dma_wait3A_136 = arith.constant 0 : i32
      %dma_wait3A_137 = tpu.memref_slice %arg3[%dma_wait3A_136] : memref<320000xi32, #tpu.memory_space<hbm>> -> memref<128xi32, #tpu.memory_space<hbm>>
      %dma_wait3A_138 = arith.constant 0 : i32
      %dma_wait3A_139 = tpu.memref_slice %arg3[%dma_wait3A_138] : memref<320000xi32, #tpu.memory_space<hbm>> -> memref<128xi32, #tpu.memory_space<hbm>>
      tpu.wait_dma2 semaphore(%arg14 : memref<!tpu.dma_semaphore, #tpu.memory_space<semaphore_mem>>) src(%dma_wait3A_139 : memref<128xi32, #tpu.memory_space<hbm>>) dst(%arg8 : memref<128xi32, #tpu.memory_space<vmem>>)
      "tpu.region"() ({
        %run_scoped3A = tpu.sem_alloc : memref<!tpu.dma_semaphore, #tpu.memory_space<semaphore_mem>>
        %dma_start3A_148 = arith.constant 0 : i32
        %dma_start3A_149 = arith.constant 0 : i32
        %dma_start3A_150 = tpu.memref_slice %arg12[%dma_start3A_148, %dma_start3A_149] : memref<10240x72xf32, #tpu.memory_space<vmem_shared>> -> memref<10240x72xf32, #tpu.memory_space<vmem_shared>>
        tpu.enqueue_indirect_dma source(%arg6 : memref<128x72xf32, #tpu.memory_space<vmem>>) target(%dma_start3A_150 : memref<10240x72xf32, #tpu.memory_space<vmem_shared>>) offsets(%arg8 : memref<128xi32, #tpu.memory_space<vmem>>) semaphore(%run_scoped3A : memref<!tpu.dma_semaphore, #tpu.memory_space<semaphore_mem>>) {add = true}
        %dma_wait3A_151 = arith.constant 0 : i32
        %dma_wait3A_152 = arith.constant 0 : i32
        %dma_wait3A_153 = tpu.memref_slice %arg12[%dma_wait3A_151, %dma_wait3A_152] : memref<10240x72xf32, #tpu.memory_space<vmem_shared>> -> memref<10240x72xf32, #tpu.memory_space<vmem_shared>>
        tpu.wait_indirect_dma semaphore(%run_scoped3A : memref<!tpu.dma_semaphore, #tpu.memory_space<semaphore_mem>>) src(%arg6 : memref<128x72xf32, #tpu.memory_space<vmem>>) dst(%dma_wait3A_153 : memref<10240x72xf32, #tpu.memory_space<vmem_shared>>)
        tpu.yield
      }) : () -> ()
      %add3A_140 = arith.constant 2 : i32
      %add3A_141 = arith.addi %add3A_127, %add3A_140 : i32
      %lt3A_142 = arith.constant 31 : i32
      %lt3A_143 = arith.cmpi slt, %add3A_141, %lt3A_142 : i32
      %convert_element_type3A_144 = arith.extui %lt3A_143 : i1 to i32
      %cond3A_145 = arith.constant 0 : i32
      %cond3A_146 = arith.cmpi ne, %convert_element_type3A_144, %cond3A_145 : i32
      scf.if %cond3A_146 {
        %add3A_148 = arith.constant 2 : i32
        %add3A_149 = arith.addi %add3A_127, %add3A_148 : i32
        %mul3A_150 = arith.constant 128 : i32
        %mul3A_151 = arith.muli %add3A_149, %mul3A_150 : i32
        %add3A_152 = arith.addi %mul3A_0, %mul3A_151 : i32
        %dma_start3A_153 = arith.constant 0 : i32
        %dma_start3A_154 = tpu.memref_slice %arg2[%arg0, %add3A_152, %dma_start3A_153] : memref<2x64000x128xf32, #tpu.memory_space<hbm>> -> memref<1x128x72xf32, #tpu.memory_space<hbm>>
        %dma_start3A_155 = tpu.memref_squeeze %dma_start3A_154 : memref<1x128x72xf32, #tpu.memory_space<hbm>> -> memref<128x72xf32, #tpu.memory_space<hbm>>
        %dma_start3A_156 = arith.constant 0 : i32
        %dma_start3A_157 = tpu.memref_slice %arg2[%arg0, %add3A_152, %dma_start3A_156] : memref<2x64000x128xf32, #tpu.memory_space<hbm>> -> memref<1x128x72xf32, #tpu.memory_space<hbm>>
        %dma_start3A_158 = tpu.memref_squeeze %dma_start3A_157 : memref<1x128x72xf32, #tpu.memory_space<hbm>> -> memref<128x72xf32, #tpu.memory_space<hbm>>
        tpu.enqueue_dma source(%dma_start3A_158 : memref<128x72xf32, #tpu.memory_space<hbm>>) target(%arg6 : memref<128x72xf32, #tpu.memory_space<vmem>>) target_semaphore(%arg14 : memref<!tpu.dma_semaphore, #tpu.memory_space<semaphore_mem>>)
        %add3A_159 = arith.constant 256000 : i32
        %add3A_160 = arith.addi %add3A_159, %mul3A_0 : i32
        %mul3A_161 = arith.constant 128 : i32
        %mul3A_162 = arith.muli %add3A_149, %mul3A_161 : i32
        %add3A_163 = arith.addi %add3A_160, %mul3A_162 : i32
        %dma_start3A_164 = tpu.memref_slice %arg3[%add3A_163] : memref<320000xi32, #tpu.memory_space<hbm>> -> memref<128xi32, #tpu.memory_space<hbm>>
        %dma_start3A_165 = tpu.memref_slice %arg3[%add3A_163] : memref<320000xi32, #tpu.memory_space<hbm>> -> memref<128xi32, #tpu.memory_space<hbm>>
        tpu.enqueue_dma source(%dma_start3A_165 : memref<128xi32, #tpu.memory_space<hbm>>) target(%arg8 : memref<128xi32, #tpu.memory_space<vmem>>) target_semaphore(%arg14 : memref<!tpu.dma_semaphore, #tpu.memory_space<semaphore_mem>>)
      } else {
      }
      %scan3A_147 = arith.constant 0 : i32
      scf.yield %scan3A_147 : i32
    }
    %scan3A_79 = arith.constant 15 : i32
    %dma_wait3A = arith.constant 0 : i32
    %dma_wait3A_80 = arith.constant 0 : i32
    %dma_wait3A_81 = tpu.memref_slice %arg2[%arg0, %dma_wait3A, %dma_wait3A_80] : memref<2x64000x128xf32, #tpu.memory_space<hbm>> -> memref<1x128x72xf32, #tpu.memory_space<hbm>>
    %dma_wait3A_82 = tpu.memref_squeeze %dma_wait3A_81 : memref<1x128x72xf32, #tpu.memory_space<hbm>> -> memref<128x72xf32, #tpu.memory_space<hbm>>
    %dma_wait3A_83 = arith.constant 0 : i32
    %dma_wait3A_84 = arith.constant 0 : i32
    %dma_wait3A_85 = tpu.memref_slice %arg2[%arg0, %dma_wait3A_83, %dma_wait3A_84] : memref<2x64000x128xf32, #tpu.memory_space<hbm>> -> memref<1x128x72xf32, #tpu.memory_space<hbm>>
    %dma_wait3A_86 = tpu.memref_squeeze %dma_wait3A_85 : memref<1x128x72xf32, #tpu.memory_space<hbm>> -> memref<128x72xf32, #tpu.memory_space<hbm>>
    tpu.wait_dma2 semaphore(%arg13 : memref<!tpu.dma_semaphore, #tpu.memory_space<semaphore_mem>>) src(%dma_wait3A_86 : memref<128x72xf32, #tpu.memory_space<hbm>>) dst(%arg5 : memref<128x72xf32, #tpu.memory_space<vmem>>)
    %dma_wait3A_87 = arith.constant 0 : i32
    %dma_wait3A_88 = tpu.memref_slice %arg3[%dma_wait3A_87] : memref<320000xi32, #tpu.memory_space<hbm>> -> memref<128xi32, #tpu.memory_space<hbm>>
    %dma_wait3A_89 = arith.constant 0 : i32
    %dma_wait3A_90 = tpu.memref_slice %arg3[%dma_wait3A_89] : memref<320000xi32, #tpu.memory_space<hbm>> -> memref<128xi32, #tpu.memory_space<hbm>>
    tpu.wait_dma2 semaphore(%arg13 : memref<!tpu.dma_semaphore, #tpu.memory_space<semaphore_mem>>) src(%dma_wait3A_90 : memref<128xi32, #tpu.memory_space<hbm>>) dst(%arg7 : memref<128xi32, #tpu.memory_space<vmem>>)
    "tpu.region"() ({
      %run_scoped3A = tpu.sem_alloc : memref<!tpu.dma_semaphore, #tpu.memory_space<semaphore_mem>>
      %dma_start3A_102 = arith.constant 0 : i32
      %dma_start3A_103 = arith.constant 0 : i32
      %dma_start3A_104 = tpu.memref_slice %arg12[%dma_start3A_102, %dma_start3A_103] : memref<10240x72xf32, #tpu.memory_space<vmem_shared>> -> memref<10240x72xf32, #tpu.memory_space<vmem_shared>>
      tpu.enqueue_indirect_dma source(%arg5 : memref<128x72xf32, #tpu.memory_space<vmem>>) target(%dma_start3A_104 : memref<10240x72xf32, #tpu.memory_space<vmem_shared>>) offsets(%arg7 : memref<128xi32, #tpu.memory_space<vmem>>) semaphore(%run_scoped3A : memref<!tpu.dma_semaphore, #tpu.memory_space<semaphore_mem>>) {add = true}
      %dma_wait3A_105 = arith.constant 0 : i32
      %dma_wait3A_106 = arith.constant 0 : i32
      %dma_wait3A_107 = tpu.memref_slice %arg12[%dma_wait3A_105, %dma_wait3A_106] : memref<10240x72xf32, #tpu.memory_space<vmem_shared>> -> memref<10240x72xf32, #tpu.memory_space<vmem_shared>>
      tpu.wait_indirect_dma semaphore(%run_scoped3A : memref<!tpu.dma_semaphore, #tpu.memory_space<semaphore_mem>>) src(%arg5 : memref<128x72xf32, #tpu.memory_space<vmem>>) dst(%dma_wait3A_107 : memref<10240x72xf32, #tpu.memory_space<vmem_shared>>)
      tpu.yield
    }) : () -> ()
    %add3A_91 = arith.constant 3968 : i32
    %add3A_92 = arith.addi %mul3A_0, %add3A_91 : i32
    "tpu.region"() ({
      %run_scoped3A = tpu.sem_alloc : memref<!tpu.dma_semaphore, #tpu.memory_space<semaphore_mem>>
      %dma_start3A_102 = arith.constant 0 : i32
      %dma_start3A_103 = tpu.memref_slice %arg2[%arg0, %add3A_92, %dma_start3A_102] : memref<2x64000x128xf32, #tpu.memory_space<hbm>> -> memref<1x32x72xf32, #tpu.memory_space<hbm>>
      %dma_start3A_104 = tpu.memref_squeeze %dma_start3A_103 : memref<1x32x72xf32, #tpu.memory_space<hbm>> -> memref<32x72xf32, #tpu.memory_space<hbm>>
      %dma_start3A_105 = arith.constant 0 : i32
      %dma_start3A_106 = tpu.memref_slice %arg2[%arg0, %add3A_92, %dma_start3A_105] : memref<2x64000x128xf32, #tpu.memory_space<hbm>> -> memref<1x32x72xf32, #tpu.memory_space<hbm>>
      %dma_start3A_107 = tpu.memref_squeeze %dma_start3A_106 : memref<1x32x72xf32, #tpu.memory_space<hbm>> -> memref<32x72xf32, #tpu.memory_space<hbm>>
      tpu.enqueue_dma source(%dma_start3A_107 : memref<32x72xf32, #tpu.memory_space<hbm>>) target(%arg9 : memref<32x72xf32, #tpu.memory_space<vmem>>) target_semaphore(%run_scoped3A : memref<!tpu.dma_semaphore, #tpu.memory_space<semaphore_mem>>)
      %dma_wait3A_108 = arith.constant 0 : i32
      %dma_wait3A_109 = tpu.memref_slice %arg2[%arg0, %add3A_92, %dma_wait3A_108] : memref<2x64000x128xf32, #tpu.memory_space<hbm>> -> memref<1x32x72xf32, #tpu.memory_space<hbm>>
      %dma_wait3A_110 = tpu.memref_squeeze %dma_wait3A_109 : memref<1x32x72xf32, #tpu.memory_space<hbm>> -> memref<32x72xf32, #tpu.memory_space<hbm>>
      %dma_wait3A_111 = arith.constant 0 : i32
      %dma_wait3A_112 = tpu.memref_slice %arg2[%arg0, %add3A_92, %dma_wait3A_111] : memref<2x64000x128xf32, #tpu.memory_space<hbm>> -> memref<1x32x72xf32, #tpu.memory_space<hbm>>
      %dma_wait3A_113 = tpu.memref_squeeze %dma_wait3A_112 : memref<1x32x72xf32, #tpu.memory_space<hbm>> -> memref<32x72xf32, #tpu.memory_space<hbm>>
      tpu.wait_dma2 semaphore(%run_scoped3A : memref<!tpu.dma_semaphore, #tpu.memory_space<semaphore_mem>>) src(%dma_wait3A_113 : memref<32x72xf32, #tpu.memory_space<hbm>>) dst(%arg9 : memref<32x72xf32, #tpu.memory_space<vmem>>)
      tpu.yield
    }) : () -> ()
    %add3A_93 = arith.constant 256000 : i32
    %add3A_94 = arith.addi %add3A_93, %mul3A_0 : i32
    %add3A_95 = arith.constant 3968 : i32
    %add3A_96 = arith.addi %add3A_94, %add3A_95 : i32
    "tpu.region"() ({
      %run_scoped3A = tpu.sem_alloc : memref<!tpu.dma_semaphore, #tpu.memory_space<semaphore_mem>>
      %dma_start3A_102 = tpu.memref_slice %arg3[%add3A_96] : memref<320000xi32, #tpu.memory_space<hbm>> -> memref<32xi32, #tpu.memory_space<hbm>>
      %dma_start3A_103 = tpu.memref_slice %arg3[%add3A_96] : memref<320000xi32, #tpu.memory_space<hbm>> -> memref<32xi32, #tpu.memory_space<hbm>>
      tpu.enqueue_dma source(%dma_start3A_103 : memref<32xi32, #tpu.memory_space<hbm>>) target(%arg10 : memref<32xi32, #tpu.memory_space<vmem>>) target_semaphore(%run_scoped3A : memref<!tpu.dma_semaphore, #tpu.memory_space<semaphore_mem>>)
      %dma_wait3A_104 = tpu.memref_slice %arg3[%add3A_96] : memref<320000xi32, #tpu.memory_space<hbm>> -> memref<32xi32, #tpu.memory_space<hbm>>
      %dma_wait3A_105 = tpu.memref_slice %arg3[%add3A_96] : memref<320000xi32, #tpu.memory_space<hbm>> -> memref<32xi32, #tpu.memory_space<hbm>>
      tpu.wait_dma2 semaphore(%run_scoped3A : memref<!tpu.dma_semaphore, #tpu.memory_space<semaphore_mem>>) src(%dma_wait3A_105 : memref<32xi32, #tpu.memory_space<hbm>>) dst(%arg10 : memref<32xi32, #tpu.memory_space<vmem>>)
      tpu.yield
    }) : () -> ()
    "tpu.region"() ({
      %run_scoped3A = tpu.sem_alloc : memref<!tpu.dma_semaphore, #tpu.memory_space<semaphore_mem>>
      %dma_start3A_102 = arith.constant 0 : i32
      %dma_start3A_103 = arith.constant 0 : i32
      %dma_start3A_104 = tpu.memref_slice %arg12[%dma_start3A_102, %dma_start3A_103] : memref<10240x72xf32, #tpu.memory_space<vmem_shared>> -> memref<10240x72xf32, #tpu.memory_space<vmem_shared>>
      tpu.enqueue_indirect_dma source(%arg9 : memref<32x72xf32, #tpu.memory_space<vmem>>) target(%dma_start3A_104 : memref<10240x72xf32, #tpu.memory_space<vmem_shared>>) offsets(%arg10 : memref<32xi32, #tpu.memory_space<vmem>>) semaphore(%run_scoped3A : memref<!tpu.dma_semaphore, #tpu.memory_space<semaphore_mem>>) {add = true}
      %dma_wait3A_105 = arith.constant 0 : i32
      %dma_wait3A_106 = arith.constant 0 : i32
      %dma_wait3A_107 = tpu.memref_slice %arg12[%dma_wait3A_105, %dma_wait3A_106] : memref<10240x72xf32, #tpu.memory_space<vmem_shared>> -> memref<10240x72xf32, #tpu.memory_space<vmem_shared>>
      tpu.wait_indirect_dma semaphore(%run_scoped3A : memref<!tpu.dma_semaphore, #tpu.memory_space<semaphore_mem>>) src(%arg9 : memref<32x72xf32, #tpu.memory_space<vmem>>) dst(%dma_wait3A_107 : memref<10240x72xf32, #tpu.memory_space<vmem_shared>>)
      tpu.yield
    }) : () -> ()
    %barrier3A_97 = arith.constant 0 : index
    tpu.barrier barrier_id(%barrier3A_97)
    %mul3A_98 = arith.constant 640 : i32
    %mul3A_99 = arith.muli %arg1, %mul3A_98 : i32
    %mul3A_100 = arith.constant 640 : i32
    %mul3A_101 = arith.muli %arg1, %mul3A_100 : i32
    "tpu.region"() ({
      %run_scoped3A = tpu.sem_alloc : memref<!tpu.dma_semaphore, #tpu.memory_space<semaphore_mem>>
      %dma_start3A_102 = arith.constant 0 : i32
      %dma_start3A_103 = tpu.memref_slice %arg4[%arg0, %mul3A_101, %dma_start3A_102] : memref<2x10240x72xf32, #tpu.memory_space<hbm>> -> memref<1x640x72xf32, #tpu.memory_space<hbm>>
      %dma_start3A_104 = tpu.memref_squeeze %dma_start3A_103 : memref<1x640x72xf32, #tpu.memory_space<hbm>> -> memref<640x72xf32, #tpu.memory_space<hbm>>
      %dma_start3A_105 = arith.constant 0 : i32
      %dma_start3A_106 = tpu.memref_slice %arg12[%mul3A_99, %dma_start3A_105] : memref<10240x72xf32, #tpu.memory_space<vmem_shared>> -> memref<640x72xf32, #tpu.memory_space<vmem_shared>>
      tpu.enqueue_dma source(%dma_start3A_106 : memref<640x72xf32, #tpu.memory_space<vmem_shared>>) target(%dma_start3A_104 : memref<640x72xf32, #tpu.memory_space<hbm>>) target_semaphore(%run_scoped3A : memref<!tpu.dma_semaphore, #tpu.memory_space<semaphore_mem>>)
      %dma_wait3A_107 = arith.constant 0 : i32
      %dma_wait3A_108 = tpu.memref_slice %arg4[%arg0, %mul3A_101, %dma_wait3A_107] : memref<2x10240x72xf32, #tpu.memory_space<hbm>> -> memref<1x640x72xf32, #tpu.memory_space<hbm>>
      %dma_wait3A_109 = tpu.memref_squeeze %dma_wait3A_108 : memref<1x640x72xf32, #tpu.memory_space<hbm>> -> memref<640x72xf32, #tpu.memory_space<hbm>>
      %dma_wait3A_110 = arith.constant 0 : i32
      %dma_wait3A_111 = tpu.memref_slice %arg12[%mul3A_99, %dma_wait3A_110] : memref<10240x72xf32, #tpu.memory_space<vmem_shared>> -> memref<640x72xf32, #tpu.memory_space<vmem_shared>>
      tpu.wait_dma2 semaphore(%run_scoped3A : memref<!tpu.dma_semaphore, #tpu.memory_space<semaphore_mem>>) src(%dma_wait3A_111 : memref<640x72xf32, #tpu.memory_space<vmem_shared>>) dst(%dma_wait3A_109 : memref<640x72xf32, #tpu.memory_space<hbm>>)
      tpu.yield
    }) : () -> ()
    return
  }
}

#map = affine_map<(d0, d1) -> (0, 0, 0)>
#map1 = affine_map<(d0, d1) -> (0)>
module attributes {stable_mosaic.version = 14 : i64} {
  func.func @body(%arg0: i32, %arg1: i32, %arg2: memref<2x64000x128xf32, #tpu.memory_space<hbm>>, %arg3: memref<320000xi32, #tpu.memory_space<hbm>>, %arg4: memref<2x10240x72xf32, #tpu.memory_space<hbm>>, %arg5: memref<128x72xf32, #tpu.memory_space<vmem>>, %arg6: memref<128x72xf32, #tpu.memory_space<vmem>>, %arg7: memref<128xi32, #tpu.memory_space<vmem>>, %arg8: memref<128xi32, #tpu.memory_space<vmem>>, %arg9: memref<32x72xf32, #tpu.memory_space<vmem>>, %arg10: memref<32xi32, #tpu.memory_space<vmem>>, %arg11: memref<64x72xf32, #tpu.memory_space<vmem>>, %arg12: memref<10240x72xf32, #tpu.memory_space<vmem_shared>>, %arg13: memref<!tpu.dma_semaphore, #tpu.memory_space<semaphore_mem>>, %arg14: memref<!tpu.dma_semaphore, #tpu.memory_space<semaphore_mem>>) attributes {dimension_semantics = [#tpu.dimension_semantics<core_parallel>, #tpu.dimension_semantics<subcore_parallel>], iteration_bounds = array<i64: 2, 16>, scalar_prefetch = 0 : i64, scratch_operands = 10 : i64, tpu.core_type = #tpu.core_type<sc_vector_subcore>, window_params = [{transform_indices = #map}, {transform_indices = #map1}, {transform_indices = #map}]} {
    %mul3A = arith.constant 4000 : i32
    %mul3A_0 = arith.muli %arg1, %mul3A : i32
    %add3A = arith.constant 0 : i32
    %add3A_1 = arith.addi %mul3A_0, %add3A : i32
    %dma_start3A = arith.constant 0 : i32
    %dma_start3A_2 = tpu.memref_slice %arg2[%arg0, %add3A_1, %dma_start3A] : memref<2x64000x128xf32, #tpu.memory_space<hbm>> -> memref<1x128x72xf32, #tpu.memory_space<hbm>>
    %dma_start3A_3 = tpu.memref_squeeze %dma_start3A_2 : memref<1x128x72xf32, #tpu.memory_space<hbm>> -> memref<128x72xf32, #tpu.memory_space<hbm>>
    %dma_start3A_4 = arith.constant 0 : i32
    %dma_start3A_5 = tpu.memref_slice %arg2[%arg0, %add3A_1, %dma_start3A_4] : memref<2x64000x128xf32, #tpu.memory_space<hbm>> -> memref<1x128x72xf32, #tpu.memory_space<hbm>>
    %dma_start3A_6 = tpu.memref_squeeze %dma_start3A_5 : memref<1x128x72xf32, #tpu.memory_space<hbm>> -> memref<128x72xf32, #tpu.memory_space<hbm>>
    tpu.enqueue_dma source(%dma_start3A_6 : memref<128x72xf32, #tpu.memory_space<hbm>>) target(%arg5 : memref<128x72xf32, #tpu.memory_space<vmem>>) target_semaphore(%arg13 : memref<!tpu.dma_semaphore, #tpu.memory_space<semaphore_mem>>)
    %add3A_7 = arith.constant 0 : i32
    %add3A_8 = arith.addi %add3A_7, %mul3A_0 : i32
    %add3A_9 = arith.constant 0 : i32
    %add3A_10 = arith.addi %add3A_8, %add3A_9 : i32
    %dma_start3A_11 = tpu.memref_slice %arg3[%add3A_10] : memref<320000xi32, #tpu.memory_space<hbm>> -> memref<128xi32, #tpu.memory_space<hbm>>
    %dma_start3A_12 = tpu.memref_slice %arg3[%add3A_10] : memref<320000xi32, #tpu.memory_space<hbm>> -> memref<128xi32, #tpu.memory_space<hbm>>
    tpu.enqueue_dma source(%dma_start3A_12 : memref<128xi32, #tpu.memory_space<hbm>>) target(%arg7 : memref<128xi32, #tpu.memory_space<vmem>>) target_semaphore(%arg13 : memref<!tpu.dma_semaphore, #tpu.memory_space<semaphore_mem>>)
    %add3A_13 = arith.constant 128 : i32
    %add3A_14 = arith.addi %mul3A_0, %add3A_13 : i32
    %dma_start3A_15 = arith.constant 0 : i32
    %dma_start3A_16 = tpu.memref_slice %arg2[%arg0, %add3A_14, %dma_start3A_15] : memref<2x64000x128xf32, #tpu.memory_space<hbm>> -> memref<1x128x72xf32, #tpu.memory_space<hbm>>
    %dma_start3A_17 = tpu.memref_squeeze %dma_start3A_16 : memref<1x128x72xf32, #tpu.memory_space<hbm>> -> memref<128x72xf32, #tpu.memory_space<hbm>>
    %dma_start3A_18 = arith.constant 0 : i32
    %dma_start3A_19 = tpu.memref_slice %arg2[%arg0, %add3A_14, %dma_start3A_18] : memref<2x64000x128xf32, #tpu.memory_space<hbm>> -> memref<1x128x72xf32, #tpu.memory_space<hbm>>
    %dma_start3A_20 = tpu.memref_squeeze %dma_start3A_19 : memref<1x128x72xf32, #tpu.memory_space<hbm>> -> memref<128x72xf32, #tpu.memory_space<hbm>>
    tpu.enqueue_dma source(%dma_start3A_20 : memref<128x72xf32, #tpu.memory_space<hbm>>) target(%arg6 : memref<128x72xf32, #tpu.memory_space<vmem>>) target_semaphore(%arg14 : memref<!tpu.dma_semaphore, #tpu.memory_space<semaphore_mem>>)
    %add3A_21 = arith.constant 0 : i32
    %add3A_22 = arith.addi %add3A_21, %mul3A_0 : i32
    %add3A_23 = arith.constant 128 : i32
    %add3A_24 = arith.addi %add3A_22, %add3A_23 : i32
    %dma_start3A_25 = tpu.memref_slice %arg3[%add3A_24] : memref<320000xi32, #tpu.memory_space<hbm>> -> memref<128xi32, #tpu.memory_space<hbm>>
    %dma_start3A_26 = tpu.memref_slice %arg3[%add3A_24] : memref<320000xi32, #tpu.memory_space<hbm>> -> memref<128xi32, #tpu.memory_space<hbm>>
    tpu.enqueue_dma source(%dma_start3A_26 : memref<128xi32, #tpu.memory_space<hbm>>) target(%arg8 : memref<128xi32, #tpu.memory_space<vmem>>) target_semaphore(%arg14 : memref<!tpu.dma_semaphore, #tpu.memory_space<semaphore_mem>>)
    %scan3A = arith.constant 0 : i32
    %scan3A_27 = arith.constant 0 : i32
    %scan3A_28 = arith.constant 64 : i32
    %scan3A_29 = arith.addi %scan3A_27, %scan3A_28 : i32
    %scan3A_30 = arith.constant 1 : i32
    %scan3A_31 = scf.for %scan3A_102 = %scan3A_27 to %scan3A_29 step %scan3A_30 iter_args(%scan3A_103 = %scan3A) -> (i32)  : i32 {
      %broadcast_in_dim3A = arith.constant 0.000000e+00 : f32
      %broadcast_in_dim3A_104 = vector.broadcast %broadcast_in_dim3A : f32 to vector<16xf32>
      %swap3A = arith.index_cast %scan3A_102 : i32 to index
      %swap3A_105 = arith.constant 0 : index
      %swap3A_106 = tpu.vector_load %arg11[%swap3A, %swap3A_105] {strides = array<i32>} : memref<64x72xf32, #tpu.memory_space<vmem>>, vector<1x16xf32>,
      %swap3A_107 = vector.shape_cast %swap3A_106 : vector<1x16xf32> to vector<16xf32>
      %swap3A_108 = vector.shape_cast %broadcast_in_dim3A_104 : vector<16xf32> to vector<1x16xf32>
      tpu.vector_store %arg11[%swap3A, %swap3A_105], %swap3A_108 {strides = array<i32>} : memref<64x72xf32, #tpu.memory_space<vmem>>, vector<1x16xf32>,
      %broadcast_in_dim3A_109 = arith.constant 0.000000e+00 : f32
      %broadcast_in_dim3A_110 = vector.broadcast %broadcast_in_dim3A_109 : f32 to vector<16xf32>
      %swap3A_111 = arith.index_cast %scan3A_102 : i32 to index
      %swap3A_112 = arith.constant 16 : index
      %swap3A_113 = tpu.vector_load %arg11[%swap3A_111, %swap3A_112] {strides = array<i32>} : memref<64x72xf32, #tpu.memory_space<vmem>>, vector<1x16xf32>,
      %swap3A_114 = vector.shape_cast %swap3A_113 : vector<1x16xf32> to vector<16xf32>
      %swap3A_115 = vector.shape_cast %broadcast_in_dim3A_110 : vector<16xf32> to vector<1x16xf32>
      tpu.vector_store %arg11[%swap3A_111, %swap3A_112], %swap3A_115 {strides = array<i32>} : memref<64x72xf32, #tpu.memory_space<vmem>>, vector<1x16xf32>,
      %broadcast_in_dim3A_116 = arith.constant 0.000000e+00 : f32
      %broadcast_in_dim3A_117 = vector.broadcast %broadcast_in_dim3A_116 : f32 to vector<16xf32>
      %swap3A_118 = arith.index_cast %scan3A_102 : i32 to index
      %swap3A_119 = arith.constant 32 : index
      %swap3A_120 = tpu.vector_load %arg11[%swap3A_118, %swap3A_119] {strides = array<i32>} : memref<64x72xf32, #tpu.memory_space<vmem>>, vector<1x16xf32>,
      %swap3A_121 = vector.shape_cast %swap3A_120 : vector<1x16xf32> to vector<16xf32>
      %swap3A_122 = vector.shape_cast %broadcast_in_dim3A_117 : vector<16xf32> to vector<1x16xf32>
      tpu.vector_store %arg11[%swap3A_118, %swap3A_119], %swap3A_122 {strides = array<i32>} : memref<64x72xf32, #tpu.memory_space<vmem>>, vector<1x16xf32>,
      %broadcast_in_dim3A_123 = arith.constant 0.000000e+00 : f32
      %broadcast_in_dim3A_124 = vector.broadcast %broadcast_in_dim3A_123 : f32 to vector<16xf32>
      %swap3A_125 = arith.index_cast %scan3A_102 : i32 to index
      %swap3A_126 = arith.constant 48 : index
      %swap3A_127 = tpu.vector_load %arg11[%swap3A_125, %swap3A_126] {strides = array<i32>} : memref<64x72xf32, #tpu.memory_space<vmem>>, vector<1x16xf32>,
      %swap3A_128 = vector.shape_cast %swap3A_127 : vector<1x16xf32> to vector<16xf32>
      %swap3A_129 = vector.shape_cast %broadcast_in_dim3A_124 : vector<16xf32> to vector<1x16xf32>
      tpu.vector_store %arg11[%swap3A_125, %swap3A_126], %swap3A_129 {strides = array<i32>} : memref<64x72xf32, #tpu.memory_space<vmem>>, vector<1x16xf32>,
      %broadcast_in_dim3A_130 = arith.constant 0.000000e+00 : f32
      %broadcast_in_dim3A_131 = vector.broadcast %broadcast_in_dim3A_130 : f32 to vector<16xf32>
      %swap3A_132 = arith.index_cast %scan3A_102 : i32 to index
      %swap3A_133 = arith.constant 56 : index
      %swap3A_134 = tpu.vector_load %arg11[%swap3A_132, %swap3A_133] {strides = array<i32>} : memref<64x72xf32, #tpu.memory_space<vmem>>, vector<1x16xf32>,
      %swap3A_135 = vector.shape_cast %swap3A_134 : vector<1x16xf32> to vector<16xf32>
      %swap3A_136 = vector.shape_cast %broadcast_in_dim3A_131 : vector<16xf32> to vector<1x16xf32>
      tpu.vector_store %arg11[%swap3A_132, %swap3A_133], %swap3A_136 {strides = array<i32>} : memref<64x72xf32, #tpu.memory_space<vmem>>, vector<1x16xf32>,
      %scan3A_137 = arith.constant 0 : i32
      scf.yield %scan3A_137 : i32
    }
    %scan3A_32 = arith.constant 64 : i32
    %mul3A_33 = arith.constant 640 : i32
    %mul3A_34 = arith.muli %arg1, %mul3A_33 : i32
    %add3A_35 = arith.constant 0 : i32
    %add3A_36 = arith.addi %mul3A_34, %add3A_35 : i32
    "tpu.region"() ({
      %run_scoped3A = tpu.sem_alloc : memref<!tpu.dma_semaphore, #tpu.memory_space<semaphore_mem>>
      %dma_start3A_102 = arith.constant 0 : i32
      %dma_start3A_103 = tpu.memref_slice %arg12[%add3A_36, %dma_start3A_102] : memref<10240x72xf32, #tpu.memory_space<vmem_shared>> -> memref<64x72xf32, #tpu.memory_space<vmem_shared>>
      %dma_start3A_104 = arith.constant 0 : i32
      %dma_start3A_105 = tpu.memref_slice %arg12[%add3A_36, %dma_start3A_104] : memref<10240x72xf32, #tpu.memory_space<vmem_shared>> -> memref<64x72xf32, #tpu.memory_space<vmem_shared>>
      tpu.enqueue_dma source(%arg11 : memref<64x72xf32, #tpu.memory_space<vmem>>) target(%dma_start3A_105 : memref<64x72xf32, #tpu.memory_space<vmem_shared>>) target_semaphore(%run_scoped3A : memref<!tpu.dma_semaphore, #tpu.memory_space<semaphore_mem>>)
      %dma_wait3A_106 = arith.constant 0 : i32
      %dma_wait3A_107 = tpu.memref_slice %arg12[%add3A_36, %dma_wait3A_106] : memref<10240x72xf32, #tpu.memory_space<vmem_shared>> -> memref<64x72xf32, #tpu.memory_space<vmem_shared>>
      %dma_wait3A_108 = arith.constant 0 : i32
      %dma_wait3A_109 = tpu.memref_slice %arg12[%add3A_36, %dma_wait3A_108] : memref<10240x72xf32, #tpu.memory_space<vmem_shared>> -> memref<64x72xf32, #tpu.memory_space<vmem_shared>>
      tpu.wait_dma2 semaphore(%run_scoped3A : memref<!tpu.dma_semaphore, #tpu.memory_space<semaphore_mem>>) src(%arg11 : memref<64x72xf32, #tpu.memory_space<vmem>>) dst(%dma_wait3A_109 : memref<64x72xf32, #tpu.memory_space<vmem_shared>>)
      tpu.yield
    }) : () -> ()
    %mul3A_37 = arith.constant 640 : i32
    %mul3A_38 = arith.muli %arg1, %mul3A_37 : i32
    %add3A_39 = arith.constant 64 : i32
    %add3A_40 = arith.addi %mul3A_38, %add3A_39 : i32
    "tpu.region"() ({
      %run_scoped3A = tpu.sem_alloc : memref<!tpu.dma_semaphore, #tpu.memory_space<semaphore_mem>>
      %dma_start3A_102 = arith.constant 0 : i32
      %dma_start3A_103 = tpu.memref_slice %arg12[%add3A_40, %dma_start3A_102] : memref<10240x72xf32, #tpu.memory_space<vmem_shared>> -> memref<64x72xf32, #tpu.memory_space<vmem_shared>>
      %dma_start3A_104 = arith.constant 0 : i32
      %dma_start3A_105 = tpu.memref_slice %arg12[%add3A_40, %dma_start3A_104] : memref<10240x72xf32, #tpu.memory_space<vmem_shared>> -> memref<64x72xf32, #tpu.memory_space<vmem_shared>>
      tpu.enqueue_dma source(%arg11 : memref<64x72xf32, #tpu.memory_space<vmem>>) target(%dma_start3A_105 : memref<64x72xf32, #tpu.memory_space<vmem_shared>>) target_semaphore(%run_scoped3A : memref<!tpu.dma_semaphore, #tpu.memory_space<semaphore_mem>>)
      %dma_wait3A_106 = arith.constant 0 : i32
      %dma_wait3A_107 = tpu.memref_slice %arg12[%add3A_40, %dma_wait3A_106] : memref<10240x72xf32, #tpu.memory_space<vmem_shared>> -> memref<64x72xf32, #tpu.memory_space<vmem_shared>>
      %dma_wait3A_108 = arith.constant 0 : i32
      %dma_wait3A_109 = tpu.memref_slice %arg12[%add3A_40, %dma_wait3A_108] : memref<10240x72xf32, #tpu.memory_space<vmem_shared>> -> memref<64x72xf32, #tpu.memory_space<vmem_shared>>
      tpu.wait_dma2 semaphore(%run_scoped3A : memref<!tpu.dma_semaphore, #tpu.memory_space<semaphore_mem>>) src(%arg11 : memref<64x72xf32, #tpu.memory_space<vmem>>) dst(%dma_wait3A_109 : memref<64x72xf32, #tpu.memory_space<vmem_shared>>)
      tpu.yield
    }) : () -> ()
    %mul3A_41 = arith.constant 640 : i32
    %mul3A_42 = arith.muli %arg1, %mul3A_41 : i32
    %add3A_43 = arith.constant 128 : i32
    %add3A_44 = arith.addi %mul3A_42, %add3A_43 : i32
    "tpu.region"() ({
      %run_scoped3A = tpu.sem_alloc : memref<!tpu.dma_semaphore, #tpu.memory_space<semaphore_mem>>
      %dma_start3A_102 = arith.constant 0 : i32
      %dma_start3A_103 = tpu.memref_slice %arg12[%add3A_44, %dma_start3A_102] : memref<10240x72xf32, #tpu.memory_space<vmem_shared>> -> memref<64x72xf32, #tpu.memory_space<vmem_shared>>
      %dma_start3A_104 = arith.constant 0 : i32
      %dma_start3A_105 = tpu.memref_slice %arg12[%add3A_44, %dma_start3A_104] : memref<10240x72xf32, #tpu.memory_space<vmem_shared>> -> memref<64x72xf32, #tpu.memory_space<vmem_shared>>
      tpu.enqueue_dma source(%arg11 : memref<64x72xf32, #tpu.memory_space<vmem>>) target(%dma_start3A_105 : memref<64x72xf32, #tpu.memory_space<vmem_shared>>) target_semaphore(%run_scoped3A : memref<!tpu.dma_semaphore, #tpu.memory_space<semaphore_mem>>)
      %dma_wait3A_106 = arith.constant 0 : i32
      %dma_wait3A_107 = tpu.memref_slice %arg12[%add3A_44, %dma_wait3A_106] : memref<10240x72xf32, #tpu.memory_space<vmem_shared>> -> memref<64x72xf32, #tpu.memory_space<vmem_shared>>
      %dma_wait3A_108 = arith.constant 0 : i32
      %dma_wait3A_109 = tpu.memref_slice %arg12[%add3A_44, %dma_wait3A_108] : memref<10240x72xf32, #tpu.memory_space<vmem_shared>> -> memref<64x72xf32, #tpu.memory_space<vmem_shared>>
      tpu.wait_dma2 semaphore(%run_scoped3A : memref<!tpu.dma_semaphore, #tpu.memory_space<semaphore_mem>>) src(%arg11 : memref<64x72xf32, #tpu.memory_space<vmem>>) dst(%dma_wait3A_109 : memref<64x72xf32, #tpu.memory_space<vmem_shared>>)
      tpu.yield
    }) : () -> ()
    %mul3A_45 = arith.constant 640 : i32
    %mul3A_46 = arith.muli %arg1, %mul3A_45 : i32
    %add3A_47 = arith.constant 192 : i32
    %add3A_48 = arith.addi %mul3A_46, %add3A_47 : i32
    "tpu.region"() ({
      %run_scoped3A = tpu.sem_alloc : memref<!tpu.dma_semaphore, #tpu.memory_space<semaphore_mem>>
      %dma_start3A_102 = arith.constant 0 : i32
      %dma_start3A_103 = tpu.memref_slice %arg12[%add3A_48, %dma_start3A_102] : memref<10240x72xf32, #tpu.memory_space<vmem_shared>> -> memref<64x72xf32, #tpu.memory_space<vmem_shared>>
      %dma_start3A_104 = arith.constant 0 : i32
      %dma_start3A_105 = tpu.memref_slice %arg12[%add3A_48, %dma_start3A_104] : memref<10240x72xf32, #tpu.memory_space<vmem_shared>> -> memref<64x72xf32, #tpu.memory_space<vmem_shared>>
      tpu.enqueue_dma source(%arg11 : memref<64x72xf32, #tpu.memory_space<vmem>>) target(%dma_start3A_105 : memref<64x72xf32, #tpu.memory_space<vmem_shared>>) target_semaphore(%run_scoped3A : memref<!tpu.dma_semaphore, #tpu.memory_space<semaphore_mem>>)
      %dma_wait3A_106 = arith.constant 0 : i32
      %dma_wait3A_107 = tpu.memref_slice %arg12[%add3A_48, %dma_wait3A_106] : memref<10240x72xf32, #tpu.memory_space<vmem_shared>> -> memref<64x72xf32, #tpu.memory_space<vmem_shared>>
      %dma_wait3A_108 = arith.constant 0 : i32
      %dma_wait3A_109 = tpu.memref_slice %arg12[%add3A_48, %dma_wait3A_108] : memref<10240x72xf32, #tpu.memory_space<vmem_shared>> -> memref<64x72xf32, #tpu.memory_space<vmem_shared>>
      tpu.wait_dma2 semaphore(%run_scoped3A : memref<!tpu.dma_semaphore, #tpu.memory_space<semaphore_mem>>) src(%arg11 : memref<64x72xf32, #tpu.memory_space<vmem>>) dst(%dma_wait3A_109 : memref<64x72xf32, #tpu.memory_space<vmem_shared>>)
      tpu.yield
    }) : () -> ()
    %mul3A_49 = arith.constant 640 : i32
    %mul3A_50 = arith.muli %arg1, %mul3A_49 : i32
    %add3A_51 = arith.constant 256 : i32
    %add3A_52 = arith.addi %mul3A_50, %add3A_51 : i32
    "tpu.region"() ({
      %run_scoped3A = tpu.sem_alloc : memref<!tpu.dma_semaphore, #tpu.memory_space<semaphore_mem>>
      %dma_start3A_102 = arith.constant 0 : i32
      %dma_start3A_103 = tpu.memref_slice %arg12[%add3A_52, %dma_start3A_102] : memref<10240x72xf32, #tpu.memory_space<vmem_shared>> -> memref<64x72xf32, #tpu.memory_space<vmem_shared>>
      %dma_start3A_104 = arith.constant 0 : i32
      %dma_start3A_105 = tpu.memref_slice %arg12[%add3A_52, %dma_start3A_104] : memref<10240x72xf32, #tpu.memory_space<vmem_shared>> -> memref<64x72xf32, #tpu.memory_space<vmem_shared>>
      tpu.enqueue_dma source(%arg11 : memref<64x72xf32, #tpu.memory_space<vmem>>) target(%dma_start3A_105 : memref<64x72xf32, #tpu.memory_space<vmem_shared>>) target_semaphore(%run_scoped3A : memref<!tpu.dma_semaphore, #tpu.memory_space<semaphore_mem>>)
      %dma_wait3A_106 = arith.constant 0 : i32
      %dma_wait3A_107 = tpu.memref_slice %arg12[%add3A_52, %dma_wait3A_106] : memref<10240x72xf32, #tpu.memory_space<vmem_shared>> -> memref<64x72xf32, #tpu.memory_space<vmem_shared>>
      %dma_wait3A_108 = arith.constant 0 : i32
      %dma_wait3A_109 = tpu.memref_slice %arg12[%add3A_52, %dma_wait3A_108] : memref<10240x72xf32, #tpu.memory_space<vmem_shared>> -> memref<64x72xf32, #tpu.memory_space<vmem_shared>>
      tpu.wait_dma2 semaphore(%run_scoped3A : memref<!tpu.dma_semaphore, #tpu.memory_space<semaphore_mem>>) src(%arg11 : memref<64x72xf32, #tpu.memory_space<vmem>>) dst(%dma_wait3A_109 : memref<64x72xf32, #tpu.memory_space<vmem_shared>>)
      tpu.yield
    }) : () -> ()
    %mul3A_53 = arith.constant 640 : i32
    %mul3A_54 = arith.muli %arg1, %mul3A_53 : i32
    %add3A_55 = arith.constant 320 : i32
    %add3A_56 = arith.addi %mul3A_54, %add3A_55 : i32
    "tpu.region"() ({
      %run_scoped3A = tpu.sem_alloc : memref<!tpu.dma_semaphore, #tpu.memory_space<semaphore_mem>>
      %dma_start3A_102 = arith.constant 0 : i32
      %dma_start3A_103 = tpu.memref_slice %arg12[%add3A_56, %dma_start3A_102] : memref<10240x72xf32, #tpu.memory_space<vmem_shared>> -> memref<64x72xf32, #tpu.memory_space<vmem_shared>>
      %dma_start3A_104 = arith.constant 0 : i32
      %dma_start3A_105 = tpu.memref_slice %arg12[%add3A_56, %dma_start3A_104] : memref<10240x72xf32, #tpu.memory_space<vmem_shared>> -> memref<64x72xf32, #tpu.memory_space<vmem_shared>>
      tpu.enqueue_dma source(%arg11 : memref<64x72xf32, #tpu.memory_space<vmem>>) target(%dma_start3A_105 : memref<64x72xf32, #tpu.memory_space<vmem_shared>>) target_semaphore(%run_scoped3A : memref<!tpu.dma_semaphore, #tpu.memory_space<semaphore_mem>>)
      %dma_wait3A_106 = arith.constant 0 : i32
      %dma_wait3A_107 = tpu.memref_slice %arg12[%add3A_56, %dma_wait3A_106] : memref<10240x72xf32, #tpu.memory_space<vmem_shared>> -> memref<64x72xf32, #tpu.memory_space<vmem_shared>>
      %dma_wait3A_108 = arith.constant 0 : i32
      %dma_wait3A_109 = tpu.memref_slice %arg12[%add3A_56, %dma_wait3A_108] : memref<10240x72xf32, #tpu.memory_space<vmem_shared>> -> memref<64x72xf32, #tpu.memory_space<vmem_shared>>
      tpu.wait_dma2 semaphore(%run_scoped3A : memref<!tpu.dma_semaphore, #tpu.memory_space<semaphore_mem>>) src(%arg11 : memref<64x72xf32, #tpu.memory_space<vmem>>) dst(%dma_wait3A_109 : memref<64x72xf32, #tpu.memory_space<vmem_shared>>)
      tpu.yield
    }) : () -> ()
    %mul3A_57 = arith.constant 640 : i32
    %mul3A_58 = arith.muli %arg1, %mul3A_57 : i32
    %add3A_59 = arith.constant 384 : i32
    %add3A_60 = arith.addi %mul3A_58, %add3A_59 : i32
    "tpu.region"() ({
      %run_scoped3A = tpu.sem_alloc : memref<!tpu.dma_semaphore, #tpu.memory_space<semaphore_mem>>
      %dma_start3A_102 = arith.constant 0 : i32
      %dma_start3A_103 = tpu.memref_slice %arg12[%add3A_60, %dma_start3A_102] : memref<10240x72xf32, #tpu.memory_space<vmem_shared>> -> memref<64x72xf32, #tpu.memory_space<vmem_shared>>
      %dma_start3A_104 = arith.constant 0 : i32
      %dma_start3A_105 = tpu.memref_slice %arg12[%add3A_60, %dma_start3A_104] : memref<10240x72xf32, #tpu.memory_space<vmem_shared>> -> memref<64x72xf32, #tpu.memory_space<vmem_shared>>
      tpu.enqueue_dma source(%arg11 : memref<64x72xf32, #tpu.memory_space<vmem>>) target(%dma_start3A_105 : memref<64x72xf32, #tpu.memory_space<vmem_shared>>) target_semaphore(%run_scoped3A : memref<!tpu.dma_semaphore, #tpu.memory_space<semaphore_mem>>)
      %dma_wait3A_106 = arith.constant 0 : i32
      %dma_wait3A_107 = tpu.memref_slice %arg12[%add3A_60, %dma_wait3A_106] : memref<10240x72xf32, #tpu.memory_space<vmem_shared>> -> memref<64x72xf32, #tpu.memory_space<vmem_shared>>
      %dma_wait3A_108 = arith.constant 0 : i32
      %dma_wait3A_109 = tpu.memref_slice %arg12[%add3A_60, %dma_wait3A_108] : memref<10240x72xf32, #tpu.memory_space<vmem_shared>> -> memref<64x72xf32, #tpu.memory_space<vmem_shared>>
      tpu.wait_dma2 semaphore(%run_scoped3A : memref<!tpu.dma_semaphore, #tpu.memory_space<semaphore_mem>>) src(%arg11 : memref<64x72xf32, #tpu.memory_space<vmem>>) dst(%dma_wait3A_109 : memref<64x72xf32, #tpu.memory_space<vmem_shared>>)
      tpu.yield
    }) : () -> ()
    %mul3A_61 = arith.constant 640 : i32
    %mul3A_62 = arith.muli %arg1, %mul3A_61 : i32
    %add3A_63 = arith.constant 448 : i32
    %add3A_64 = arith.addi %mul3A_62, %add3A_63 : i32
    "tpu.region"() ({
      %run_scoped3A = tpu.sem_alloc : memref<!tpu.dma_semaphore, #tpu.memory_space<semaphore_mem>>
      %dma_start3A_102 = arith.constant 0 : i32
      %dma_start3A_103 = tpu.memref_slice %arg12[%add3A_64, %dma_start3A_102] : memref<10240x72xf32, #tpu.memory_space<vmem_shared>> -> memref<64x72xf32, #tpu.memory_space<vmem_shared>>
      %dma_start3A_104 = arith.constant 0 : i32
      %dma_start3A_105 = tpu.memref_slice %arg12[%add3A_64, %dma_start3A_104] : memref<10240x72xf32, #tpu.memory_space<vmem_shared>> -> memref<64x72xf32, #tpu.memory_space<vmem_shared>>
      tpu.enqueue_dma source(%arg11 : memref<64x72xf32, #tpu.memory_space<vmem>>) target(%dma_start3A_105 : memref<64x72xf32, #tpu.memory_space<vmem_shared>>) target_semaphore(%run_scoped3A : memref<!tpu.dma_semaphore, #tpu.memory_space<semaphore_mem>>)
      %dma_wait3A_106 = arith.constant 0 : i32
      %dma_wait3A_107 = tpu.memref_slice %arg12[%add3A_64, %dma_wait3A_106] : memref<10240x72xf32, #tpu.memory_space<vmem_shared>> -> memref<64x72xf32, #tpu.memory_space<vmem_shared>>
      %dma_wait3A_108 = arith.constant 0 : i32
      %dma_wait3A_109 = tpu.memref_slice %arg12[%add3A_64, %dma_wait3A_108] : memref<10240x72xf32, #tpu.memory_space<vmem_shared>> -> memref<64x72xf32, #tpu.memory_space<vmem_shared>>
      tpu.wait_dma2 semaphore(%run_scoped3A : memref<!tpu.dma_semaphore, #tpu.memory_space<semaphore_mem>>) src(%arg11 : memref<64x72xf32, #tpu.memory_space<vmem>>) dst(%dma_wait3A_109 : memref<64x72xf32, #tpu.memory_space<vmem_shared>>)
      tpu.yield
    }) : () -> ()
    %mul3A_65 = arith.constant 640 : i32
    %mul3A_66 = arith.muli %arg1, %mul3A_65 : i32
    %add3A_67 = arith.constant 512 : i32
    %add3A_68 = arith.addi %mul3A_66, %add3A_67 : i32
    "tpu.region"() ({
      %run_scoped3A = tpu.sem_alloc : memref<!tpu.dma_semaphore, #tpu.memory_space<semaphore_mem>>
      %dma_start3A_102 = arith.constant 0 : i32
      %dma_start3A_103 = tpu.memref_slice %arg12[%add3A_68, %dma_start3A_102] : memref<10240x72xf32, #tpu.memory_space<vmem_shared>> -> memref<64x72xf32, #tpu.memory_space<vmem_shared>>
      %dma_start3A_104 = arith.constant 0 : i32
      %dma_start3A_105 = tpu.memref_slice %arg12[%add3A_68, %dma_start3A_104] : memref<10240x72xf32, #tpu.memory_space<vmem_shared>> -> memref<64x72xf32, #tpu.memory_space<vmem_shared>>
      tpu.enqueue_dma source(%arg11 : memref<64x72xf32, #tpu.memory_space<vmem>>) target(%dma_start3A_105 : memref<64x72xf32, #tpu.memory_space<vmem_shared>>) target_semaphore(%run_scoped3A : memref<!tpu.dma_semaphore, #tpu.memory_space<semaphore_mem>>)
      %dma_wait3A_106 = arith.constant 0 : i32
      %dma_wait3A_107 = tpu.memref_slice %arg12[%add3A_68, %dma_wait3A_106] : memref<10240x72xf32, #tpu.memory_space<vmem_shared>> -> memref<64x72xf32, #tpu.memory_space<vmem_shared>>
      %dma_wait3A_108 = arith.constant 0 : i32
      %dma_wait3A_109 = tpu.memref_slice %arg12[%add3A_68, %dma_wait3A_108] : memref<10240x72xf32, #tpu.memory_space<vmem_shared>> -> memref<64x72xf32, #tpu.memory_space<vmem_shared>>
      tpu.wait_dma2 semaphore(%run_scoped3A : memref<!tpu.dma_semaphore, #tpu.memory_space<semaphore_mem>>) src(%arg11 : memref<64x72xf32, #tpu.memory_space<vmem>>) dst(%dma_wait3A_109 : memref<64x72xf32, #tpu.memory_space<vmem_shared>>)
      tpu.yield
    }) : () -> ()
    %mul3A_69 = arith.constant 640 : i32
    %mul3A_70 = arith.muli %arg1, %mul3A_69 : i32
    %add3A_71 = arith.constant 576 : i32
    %add3A_72 = arith.addi %mul3A_70, %add3A_71 : i32
    "tpu.region"() ({
      %run_scoped3A = tpu.sem_alloc : memref<!tpu.dma_semaphore, #tpu.memory_space<semaphore_mem>>
      %dma_start3A_102 = arith.constant 0 : i32
      %dma_start3A_103 = tpu.memref_slice %arg12[%add3A_72, %dma_start3A_102] : memref<10240x72xf32, #tpu.memory_space<vmem_shared>> -> memref<64x72xf32, #tpu.memory_space<vmem_shared>>
      %dma_start3A_104 = arith.constant 0 : i32
      %dma_start3A_105 = tpu.memref_slice %arg12[%add3A_72, %dma_start3A_104] : memref<10240x72xf32, #tpu.memory_space<vmem_shared>> -> memref<64x72xf32, #tpu.memory_space<vmem_shared>>
      tpu.enqueue_dma source(%arg11 : memref<64x72xf32, #tpu.memory_space<vmem>>) target(%dma_start3A_105 : memref<64x72xf32, #tpu.memory_space<vmem_shared>>) target_semaphore(%run_scoped3A : memref<!tpu.dma_semaphore, #tpu.memory_space<semaphore_mem>>)
      %dma_wait3A_106 = arith.constant 0 : i32
      %dma_wait3A_107 = tpu.memref_slice %arg12[%add3A_72, %dma_wait3A_106] : memref<10240x72xf32, #tpu.memory_space<vmem_shared>> -> memref<64x72xf32, #tpu.memory_space<vmem_shared>>
      %dma_wait3A_108 = arith.constant 0 : i32
      %dma_wait3A_109 = tpu.memref_slice %arg12[%add3A_72, %dma_wait3A_108] : memref<10240x72xf32, #tpu.memory_space<vmem_shared>> -> memref<64x72xf32, #tpu.memory_space<vmem_shared>>
      tpu.wait_dma2 semaphore(%run_scoped3A : memref<!tpu.dma_semaphore, #tpu.memory_space<semaphore_mem>>) src(%arg11 : memref<64x72xf32, #tpu.memory_space<vmem>>) dst(%dma_wait3A_109 : memref<64x72xf32, #tpu.memory_space<vmem_shared>>)
      tpu.yield
    }) : () -> ()
    %barrier3A = arith.constant 0 : index
    tpu.barrier barrier_id(%barrier3A)
    %scan3A_73 = arith.constant 0 : i32
    %scan3A_74 = arith.constant 0 : i32
    %scan3A_75 = arith.constant 15 : i32
    %scan3A_76 = arith.addi %scan3A_74, %scan3A_75 : i32
    %scan3A_77 = arith.constant 1 : i32
    %scan3A_78 = scf.for %scan3A_102 = %scan3A_74 to %scan3A_76 step %scan3A_77 iter_args(%scan3A_103 = %scan3A_73) -> (i32)  : i32 {
      %mul3A_104 = arith.constant 2 : i32
      %mul3A_105 = arith.muli %scan3A_102, %mul3A_104 : i32
      %add3A_106 = arith.constant 0 : i32
      %add3A_107 = arith.addi %mul3A_105, %add3A_106 : i32
      %dma_wait3A_108 = arith.constant 0 : i32
      %dma_wait3A_109 = arith.constant 0 : i32
      %dma_wait3A_110 = tpu.memref_slice %arg2[%arg0, %dma_wait3A_108, %dma_wait3A_109] : memref<2x64000x128xf32, #tpu.memory_space<hbm>> -> memref<1x128x72xf32, #tpu.memory_space<hbm>>
      %dma_wait3A_111 = tpu.memref_squeeze %dma_wait3A_110 : memref<1x128x72xf32, #tpu.memory_space<hbm>> -> memref<128x72xf32, #tpu.memory_space<hbm>>
      %dma_wait3A_112 = arith.constant 0 : i32
      %dma_wait3A_113 = arith.constant 0 : i32
      %dma_wait3A_114 = tpu.memref_slice %arg2[%arg0, %dma_wait3A_112, %dma_wait3A_113] : memref<2x64000x128xf32, #tpu.memory_space<hbm>> -> memref<1x128x72xf32, #tpu.memory_space<hbm>>
      %dma_wait3A_115 = tpu.memref_squeeze %dma_wait3A_114 : memref<1x128x72xf32, #tpu.memory_space<hbm>> -> memref<128x72xf32, #tpu.memory_space<hbm>>
      tpu.wait_dma2 semaphore(%arg13 : memref<!tpu.dma_semaphore, #tpu.memory_space<semaphore_mem>>) src(%dma_wait3A_115 : memref<128x72xf32, #tpu.memory_space<hbm>>) dst(%arg5 : memref<128x72xf32, #tpu.memory_space<vmem>>)
      %dma_wait3A_116 = arith.constant 0 : i32
      %dma_wait3A_117 = tpu.memref_slice %arg3[%dma_wait3A_116] : memref<320000xi32, #tpu.memory_space<hbm>> -> memref<128xi32, #tpu.memory_space<hbm>>
      %dma_wait3A_118 = arith.constant 0 : i32
      %dma_wait3A_119 = tpu.memref_slice %arg3[%dma_wait3A_118] : memref<320000xi32, #tpu.memory_space<hbm>> -> memref<128xi32, #tpu.memory_space<hbm>>
      tpu.wait_dma2 semaphore(%arg13 : memref<!tpu.dma_semaphore, #tpu.memory_space<semaphore_mem>>) src(%dma_wait3A_119 : memref<128xi32, #tpu.memory_space<hbm>>) dst(%arg7 : memref<128xi32, #tpu.memory_space<vmem>>)
      "tpu.region"() ({
        %run_scoped3A = tpu.sem_alloc : memref<!tpu.dma_semaphore, #tpu.memory_space<semaphore_mem>>
        %dma_start3A_148 = arith.constant 0 : i32
        %dma_start3A_149 = arith.constant 0 : i32
        %dma_start3A_150 = tpu.memref_slice %arg12[%dma_start3A_148, %dma_start3A_149] : memref<10240x72xf32, #tpu.memory_space<vmem_shared>> -> memref<10240x72xf32, #tpu.memory_space<vmem_shared>>
        tpu.enqueue_indirect_dma source(%arg5 : memref<128x72xf32, #tpu.memory_space<vmem>>) target(%dma_start3A_150 : memref<10240x72xf32, #tpu.memory_space<vmem_shared>>) offsets(%arg7 : memref<128xi32, #tpu.memory_space<vmem>>) semaphore(%run_scoped3A : memref<!tpu.dma_semaphore, #tpu.memory_space<semaphore_mem>>) {add = true}
        %dma_wait3A_151 = arith.constant 0 : i32
        %dma_wait3A_152 = arith.constant 0 : i32
        %dma_wait3A_153 = tpu.memref_slice %arg12[%dma_wait3A_151, %dma_wait3A_152] : memref<10240x72xf32, #tpu.memory_space<vmem_shared>> -> memref<10240x72xf32, #tpu.memory_space<vmem_shared>>
        tpu.wait_indirect_dma semaphore(%run_scoped3A : memref<!tpu.dma_semaphore, #tpu.memory_space<semaphore_mem>>) src(%arg5 : memref<128x72xf32, #tpu.memory_space<vmem>>) dst(%dma_wait3A_153 : memref<10240x72xf32, #tpu.memory_space<vmem_shared>>)
        tpu.yield
      }) : () -> ()
      %add3A_120 = arith.constant 2 : i32
      %add3A_121 = arith.addi %add3A_107, %add3A_120 : i32
      %lt3A = arith.constant 31 : i32
      %lt3A_122 = arith.cmpi slt, %add3A_121, %lt3A : i32
      %convert_element_type3A = arith.extui %lt3A_122 : i1 to i32
      %cond3A = arith.constant 0 : i32
      %cond3A_123 = arith.cmpi ne, %convert_element_type3A, %cond3A : i32
      scf.if %cond3A_123 {
        %add3A_148 = arith.constant 2 : i32
        %add3A_149 = arith.addi %add3A_107, %add3A_148 : i32
        %mul3A_150 = arith.constant 128 : i32
        %mul3A_151 = arith.muli %add3A_149, %mul3A_150 : i32
        %add3A_152 = arith.addi %mul3A_0, %mul3A_151 : i32
        %dma_start3A_153 = arith.constant 0 : i32
        %dma_start3A_154 = tpu.memref_slice %arg2[%arg0, %add3A_152, %dma_start3A_153] : memref<2x64000x128xf32, #tpu.memory_space<hbm>> -> memref<1x128x72xf32, #tpu.memory_space<hbm>>
        %dma_start3A_155 = tpu.memref_squeeze %dma_start3A_154 : memref<1x128x72xf32, #tpu.memory_space<hbm>> -> memref<128x72xf32, #tpu.memory_space<hbm>>
        %dma_start3A_156 = arith.constant 0 : i32
        %dma_start3A_157 = tpu.memref_slice %arg2[%arg0, %add3A_152, %dma_start3A_156] : memref<2x64000x128xf32, #tpu.memory_space<hbm>> -> memref<1x128x72xf32, #tpu.memory_space<hbm>>
        %dma_start3A_158 = tpu.memref_squeeze %dma_start3A_157 : memref<1x128x72xf32, #tpu.memory_space<hbm>> -> memref<128x72xf32, #tpu.memory_space<hbm>>
        tpu.enqueue_dma source(%dma_start3A_158 : memref<128x72xf32, #tpu.memory_space<hbm>>) target(%arg5 : memref<128x72xf32, #tpu.memory_space<vmem>>) target_semaphore(%arg13 : memref<!tpu.dma_semaphore, #tpu.memory_space<semaphore_mem>>)
        %add3A_159 = arith.constant 0 : i32
        %add3A_160 = arith.addi %add3A_159, %mul3A_0 : i32
        %mul3A_161 = arith.constant 128 : i32
        %mul3A_162 = arith.muli %add3A_149, %mul3A_161 : i32
        %add3A_163 = arith.addi %add3A_160, %mul3A_162 : i32
        %dma_start3A_164 = tpu.memref_slice %arg3[%add3A_163] : memref<320000xi32, #tpu.memory_space<hbm>> -> memref<128xi32, #tpu.memory_space<hbm>>
        %dma_start3A_165 = tpu.memref_slice %arg3[%add3A_163] : memref<320000xi32, #tpu.memory_space<hbm>> -> memref<128xi32, #tpu.memory_space<hbm>>
        tpu.enqueue_dma source(%dma_start3A_165 : memref<128xi32, #tpu.memory_space<hbm>>) target(%arg7 : memref<128xi32, #tpu.memory_space<vmem>>) target_semaphore(%arg13 : memref<!tpu.dma_semaphore, #tpu.memory_space<semaphore_mem>>)
      } else {
      }
      %mul3A_124 = arith.constant 2 : i32
      %mul3A_125 = arith.muli %scan3A_102, %mul3A_124 : i32
      %add3A_126 = arith.constant 1 : i32
      %add3A_127 = arith.addi %mul3A_125, %add3A_126 : i32
      %dma_wait3A_128 = arith.constant 0 : i32
      %dma_wait3A_129 = arith.constant 0 : i32
      %dma_wait3A_130 = tpu.memref_slice %arg2[%arg0, %dma_wait3A_128, %dma_wait3A_129] : memref<2x64000x128xf32, #tpu.memory_space<hbm>> -> memref<1x128x72xf32, #tpu.memory_space<hbm>>
      %dma_wait3A_131 = tpu.memref_squeeze %dma_wait3A_130 : memref<1x128x72xf32, #tpu.memory_space<hbm>> -> memref<128x72xf32, #tpu.memory_space<hbm>>
      %dma_wait3A_132 = arith.constant 0 : i32
      %dma_wait3A_133 = arith.constant 0 : i32
      %dma_wait3A_134 = tpu.memref_slice %arg2[%arg0, %dma_wait3A_132, %dma_wait3A_133] : memref<2x64000x128xf32, #tpu.memory_space<hbm>> -> memref<1x128x72xf32, #tpu.memory_space<hbm>>
      %dma_wait3A_135 = tpu.memref_squeeze %dma_wait3A_134 : memref<1x128x72xf32, #tpu.memory_space<hbm>> -> memref<128x72xf32, #tpu.memory_space<hbm>>
      tpu.wait_dma2 semaphore(%arg14 : memref<!tpu.dma_semaphore, #tpu.memory_space<semaphore_mem>>) src(%dma_wait3A_135 : memref<128x72xf32, #tpu.memory_space<hbm>>) dst(%arg6 : memref<128x72xf32, #tpu.memory_space<vmem>>)
      %dma_wait3A_136 = arith.constant 0 : i32
      %dma_wait3A_137 = tpu.memref_slice %arg3[%dma_wait3A_136] : memref<320000xi32, #tpu.memory_space<hbm>> -> memref<128xi32, #tpu.memory_space<hbm>>
      %dma_wait3A_138 = arith.constant 0 : i32
      %dma_wait3A_139 = tpu.memref_slice %arg3[%dma_wait3A_138] : memref<320000xi32, #tpu.memory_space<hbm>> -> memref<128xi32, #tpu.memory_space<hbm>>
      tpu.wait_dma2 semaphore(%arg14 : memref<!tpu.dma_semaphore, #tpu.memory_space<semaphore_mem>>) src(%dma_wait3A_139 : memref<128xi32, #tpu.memory_space<hbm>>) dst(%arg8 : memref<128xi32, #tpu.memory_space<vmem>>)
      "tpu.region"() ({
        %run_scoped3A = tpu.sem_alloc : memref<!tpu.dma_semaphore, #tpu.memory_space<semaphore_mem>>
        %dma_start3A_148 = arith.constant 0 : i32
        %dma_start3A_149 = arith.constant 0 : i32
        %dma_start3A_150 = tpu.memref_slice %arg12[%dma_start3A_148, %dma_start3A_149] : memref<10240x72xf32, #tpu.memory_space<vmem_shared>> -> memref<10240x72xf32, #tpu.memory_space<vmem_shared>>
        tpu.enqueue_indirect_dma source(%arg6 : memref<128x72xf32, #tpu.memory_space<vmem>>) target(%dma_start3A_150 : memref<10240x72xf32, #tpu.memory_space<vmem_shared>>) offsets(%arg8 : memref<128xi32, #tpu.memory_space<vmem>>) semaphore(%run_scoped3A : memref<!tpu.dma_semaphore, #tpu.memory_space<semaphore_mem>>) {add = true}
        %dma_wait3A_151 = arith.constant 0 : i32
        %dma_wait3A_152 = arith.constant 0 : i32
        %dma_wait3A_153 = tpu.memref_slice %arg12[%dma_wait3A_151, %dma_wait3A_152] : memref<10240x72xf32, #tpu.memory_space<vmem_shared>> -> memref<10240x72xf32, #tpu.memory_space<vmem_shared>>
        tpu.wait_indirect_dma semaphore(%run_scoped3A : memref<!tpu.dma_semaphore, #tpu.memory_space<semaphore_mem>>) src(%arg6 : memref<128x72xf32, #tpu.memory_space<vmem>>) dst(%dma_wait3A_153 : memref<10240x72xf32, #tpu.memory_space<vmem_shared>>)
        tpu.yield
      }) : () -> ()
      %add3A_140 = arith.constant 2 : i32
      %add3A_141 = arith.addi %add3A_127, %add3A_140 : i32
      %lt3A_142 = arith.constant 31 : i32
      %lt3A_143 = arith.cmpi slt, %add3A_141, %lt3A_142 : i32
      %convert_element_type3A_144 = arith.extui %lt3A_143 : i1 to i32
      %cond3A_145 = arith.constant 0 : i32
      %cond3A_146 = arith.cmpi ne, %convert_element_type3A_144, %cond3A_145 : i32
      scf.if %cond3A_146 {
        %add3A_148 = arith.constant 2 : i32
        %add3A_149 = arith.addi %add3A_127, %add3A_148 : i32
        %mul3A_150 = arith.constant 128 : i32
        %mul3A_151 = arith.muli %add3A_149, %mul3A_150 : i32
        %add3A_152 = arith.addi %mul3A_0, %mul3A_151 : i32
        %dma_start3A_153 = arith.constant 0 : i32
        %dma_start3A_154 = tpu.memref_slice %arg2[%arg0, %add3A_152, %dma_start3A_153] : memref<2x64000x128xf32, #tpu.memory_space<hbm>> -> memref<1x128x72xf32, #tpu.memory_space<hbm>>
        %dma_start3A_155 = tpu.memref_squeeze %dma_start3A_154 : memref<1x128x72xf32, #tpu.memory_space<hbm>> -> memref<128x72xf32, #tpu.memory_space<hbm>>
        %dma_start3A_156 = arith.constant 0 : i32
        %dma_start3A_157 = tpu.memref_slice %arg2[%arg0, %add3A_152, %dma_start3A_156] : memref<2x64000x128xf32, #tpu.memory_space<hbm>> -> memref<1x128x72xf32, #tpu.memory_space<hbm>>
        %dma_start3A_158 = tpu.memref_squeeze %dma_start3A_157 : memref<1x128x72xf32, #tpu.memory_space<hbm>> -> memref<128x72xf32, #tpu.memory_space<hbm>>
        tpu.enqueue_dma source(%dma_start3A_158 : memref<128x72xf32, #tpu.memory_space<hbm>>) target(%arg6 : memref<128x72xf32, #tpu.memory_space<vmem>>) target_semaphore(%arg14 : memref<!tpu.dma_semaphore, #tpu.memory_space<semaphore_mem>>)
        %add3A_159 = arith.constant 0 : i32
        %add3A_160 = arith.addi %add3A_159, %mul3A_0 : i32
        %mul3A_161 = arith.constant 128 : i32
        %mul3A_162 = arith.muli %add3A_149, %mul3A_161 : i32
        %add3A_163 = arith.addi %add3A_160, %mul3A_162 : i32
        %dma_start3A_164 = tpu.memref_slice %arg3[%add3A_163] : memref<320000xi32, #tpu.memory_space<hbm>> -> memref<128xi32, #tpu.memory_space<hbm>>
        %dma_start3A_165 = tpu.memref_slice %arg3[%add3A_163] : memref<320000xi32, #tpu.memory_space<hbm>> -> memref<128xi32, #tpu.memory_space<hbm>>
        tpu.enqueue_dma source(%dma_start3A_165 : memref<128xi32, #tpu.memory_space<hbm>>) target(%arg8 : memref<128xi32, #tpu.memory_space<vmem>>) target_semaphore(%arg14 : memref<!tpu.dma_semaphore, #tpu.memory_space<semaphore_mem>>)
      } else {
      }
      %scan3A_147 = arith.constant 0 : i32
      scf.yield %scan3A_147 : i32
    }
    %scan3A_79 = arith.constant 15 : i32
    %dma_wait3A = arith.constant 0 : i32
    %dma_wait3A_80 = arith.constant 0 : i32
    %dma_wait3A_81 = tpu.memref_slice %arg2[%arg0, %dma_wait3A, %dma_wait3A_80] : memref<2x64000x128xf32, #tpu.memory_space<hbm>> -> memref<1x128x72xf32, #tpu.memory_space<hbm>>
    %dma_wait3A_82 = tpu.memref_squeeze %dma_wait3A_81 : memref<1x128x72xf32, #tpu.memory_space<hbm>> -> memref<128x72xf32, #tpu.memory_space<hbm>>
    %dma_wait3A_83 = arith.constant 0 : i32
    %dma_wait3A_84 = arith.constant 0 : i32
    %dma_wait3A_85 = tpu.memref_slice %arg2[%arg0, %dma_wait3A_83, %dma_wait3A_84] : memref<2x64000x128xf32, #tpu.memory_space<hbm>> -> memref<1x128x72xf32, #tpu.memory_space<hbm>>
    %dma_wait3A_86 = tpu.memref_squeeze %dma_wait3A_85 : memref<1x128x72xf32, #tpu.memory_space<hbm>> -> memref<128x72xf32, #tpu.memory_space<hbm>>
    tpu.wait_dma2 semaphore(%arg13 : memref<!tpu.dma_semaphore, #tpu.memory_space<semaphore_mem>>) src(%dma_wait3A_86 : memref<128x72xf32, #tpu.memory_space<hbm>>) dst(%arg5 : memref<128x72xf32, #tpu.memory_space<vmem>>)
    %dma_wait3A_87 = arith.constant 0 : i32
    %dma_wait3A_88 = tpu.memref_slice %arg3[%dma_wait3A_87] : memref<320000xi32, #tpu.memory_space<hbm>> -> memref<128xi32, #tpu.memory_space<hbm>>
    %dma_wait3A_89 = arith.constant 0 : i32
    %dma_wait3A_90 = tpu.memref_slice %arg3[%dma_wait3A_89] : memref<320000xi32, #tpu.memory_space<hbm>> -> memref<128xi32, #tpu.memory_space<hbm>>
    tpu.wait_dma2 semaphore(%arg13 : memref<!tpu.dma_semaphore, #tpu.memory_space<semaphore_mem>>) src(%dma_wait3A_90 : memref<128xi32, #tpu.memory_space<hbm>>) dst(%arg7 : memref<128xi32, #tpu.memory_space<vmem>>)
    "tpu.region"() ({
      %run_scoped3A = tpu.sem_alloc : memref<!tpu.dma_semaphore, #tpu.memory_space<semaphore_mem>>
      %dma_start3A_102 = arith.constant 0 : i32
      %dma_start3A_103 = arith.constant 0 : i32
      %dma_start3A_104 = tpu.memref_slice %arg12[%dma_start3A_102, %dma_start3A_103] : memref<10240x72xf32, #tpu.memory_space<vmem_shared>> -> memref<10240x72xf32, #tpu.memory_space<vmem_shared>>
      tpu.enqueue_indirect_dma source(%arg5 : memref<128x72xf32, #tpu.memory_space<vmem>>) target(%dma_start3A_104 : memref<10240x72xf32, #tpu.memory_space<vmem_shared>>) offsets(%arg7 : memref<128xi32, #tpu.memory_space<vmem>>) semaphore(%run_scoped3A : memref<!tpu.dma_semaphore, #tpu.memory_space<semaphore_mem>>) {add = true}
      %dma_wait3A_105 = arith.constant 0 : i32
      %dma_wait3A_106 = arith.constant 0 : i32
      %dma_wait3A_107 = tpu.memref_slice %arg12[%dma_wait3A_105, %dma_wait3A_106] : memref<10240x72xf32, #tpu.memory_space<vmem_shared>> -> memref<10240x72xf32, #tpu.memory_space<vmem_shared>>
      tpu.wait_indirect_dma semaphore(%run_scoped3A : memref<!tpu.dma_semaphore, #tpu.memory_space<semaphore_mem>>) src(%arg5 : memref<128x72xf32, #tpu.memory_space<vmem>>) dst(%dma_wait3A_107 : memref<10240x72xf32, #tpu.memory_space<vmem_shared>>)
      tpu.yield
    }) : () -> ()
    %add3A_91 = arith.constant 3968 : i32
    %add3A_92 = arith.addi %mul3A_0, %add3A_91 : i32
    "tpu.region"() ({
      %run_scoped3A = tpu.sem_alloc : memref<!tpu.dma_semaphore, #tpu.memory_space<semaphore_mem>>
      %dma_start3A_102 = arith.constant 0 : i32
      %dma_start3A_103 = tpu.memref_slice %arg2[%arg0, %add3A_92, %dma_start3A_102] : memref<2x64000x128xf32, #tpu.memory_space<hbm>> -> memref<1x32x72xf32, #tpu.memory_space<hbm>>
      %dma_start3A_104 = tpu.memref_squeeze %dma_start3A_103 : memref<1x32x72xf32, #tpu.memory_space<hbm>> -> memref<32x72xf32, #tpu.memory_space<hbm>>
      %dma_start3A_105 = arith.constant 0 : i32
      %dma_start3A_106 = tpu.memref_slice %arg2[%arg0, %add3A_92, %dma_start3A_105] : memref<2x64000x128xf32, #tpu.memory_space<hbm>> -> memref<1x32x72xf32, #tpu.memory_space<hbm>>
      %dma_start3A_107 = tpu.memref_squeeze %dma_start3A_106 : memref<1x32x72xf32, #tpu.memory_space<hbm>> -> memref<32x72xf32, #tpu.memory_space<hbm>>
      tpu.enqueue_dma source(%dma_start3A_107 : memref<32x72xf32, #tpu.memory_space<hbm>>) target(%arg9 : memref<32x72xf32, #tpu.memory_space<vmem>>) target_semaphore(%run_scoped3A : memref<!tpu.dma_semaphore, #tpu.memory_space<semaphore_mem>>)
      %dma_wait3A_108 = arith.constant 0 : i32
      %dma_wait3A_109 = tpu.memref_slice %arg2[%arg0, %add3A_92, %dma_wait3A_108] : memref<2x64000x128xf32, #tpu.memory_space<hbm>> -> memref<1x32x72xf32, #tpu.memory_space<hbm>>
      %dma_wait3A_110 = tpu.memref_squeeze %dma_wait3A_109 : memref<1x32x72xf32, #tpu.memory_space<hbm>> -> memref<32x72xf32, #tpu.memory_space<hbm>>
      %dma_wait3A_111 = arith.constant 0 : i32
      %dma_wait3A_112 = tpu.memref_slice %arg2[%arg0, %add3A_92, %dma_wait3A_111] : memref<2x64000x128xf32, #tpu.memory_space<hbm>> -> memref<1x32x72xf32, #tpu.memory_space<hbm>>
      %dma_wait3A_113 = tpu.memref_squeeze %dma_wait3A_112 : memref<1x32x72xf32, #tpu.memory_space<hbm>> -> memref<32x72xf32, #tpu.memory_space<hbm>>
      tpu.wait_dma2 semaphore(%run_scoped3A : memref<!tpu.dma_semaphore, #tpu.memory_space<semaphore_mem>>) src(%dma_wait3A_113 : memref<32x72xf32, #tpu.memory_space<hbm>>) dst(%arg9 : memref<32x72xf32, #tpu.memory_space<vmem>>)
      tpu.yield
    }) : () -> ()
    %add3A_93 = arith.constant 0 : i32
    %add3A_94 = arith.addi %add3A_93, %mul3A_0 : i32
    %add3A_95 = arith.constant 3968 : i32
    %add3A_96 = arith.addi %add3A_94, %add3A_95 : i32
    "tpu.region"() ({
      %run_scoped3A = tpu.sem_alloc : memref<!tpu.dma_semaphore, #tpu.memory_space<semaphore_mem>>
      %dma_start3A_102 = tpu.memref_slice %arg3[%add3A_96] : memref<320000xi32, #tpu.memory_space<hbm>> -> memref<32xi32, #tpu.memory_space<hbm>>
      %dma_start3A_103 = tpu.memref_slice %arg3[%add3A_96] : memref<320000xi32, #tpu.memory_space<hbm>> -> memref<32xi32, #tpu.memory_space<hbm>>
      tpu.enqueue_dma source(%dma_start3A_103 : memref<32xi32, #tpu.memory_space<hbm>>) target(%arg10 : memref<32xi32, #tpu.memory_space<vmem>>) target_semaphore(%run_scoped3A : memref<!tpu.dma_semaphore, #tpu.memory_space<semaphore_mem>>)
      %dma_wait3A_104 = tpu.memref_slice %arg3[%add3A_96] : memref<320000xi32, #tpu.memory_space<hbm>> -> memref<32xi32, #tpu.memory_space<hbm>>
      %dma_wait3A_105 = tpu.memref_slice %arg3[%add3A_96] : memref<320000xi32, #tpu.memory_space<hbm>> -> memref<32xi32, #tpu.memory_space<hbm>>
      tpu.wait_dma2 semaphore(%run_scoped3A : memref<!tpu.dma_semaphore, #tpu.memory_space<semaphore_mem>>) src(%dma_wait3A_105 : memref<32xi32, #tpu.memory_space<hbm>>) dst(%arg10 : memref<32xi32, #tpu.memory_space<vmem>>)
      tpu.yield
    }) : () -> ()
    "tpu.region"() ({
      %run_scoped3A = tpu.sem_alloc : memref<!tpu.dma_semaphore, #tpu.memory_space<semaphore_mem>>
      %dma_start3A_102 = arith.constant 0 : i32
      %dma_start3A_103 = arith.constant 0 : i32
      %dma_start3A_104 = tpu.memref_slice %arg12[%dma_start3A_102, %dma_start3A_103] : memref<10240x72xf32, #tpu.memory_space<vmem_shared>> -> memref<10240x72xf32, #tpu.memory_space<vmem_shared>>
      tpu.enqueue_indirect_dma source(%arg9 : memref<32x72xf32, #tpu.memory_space<vmem>>) target(%dma_start3A_104 : memref<10240x72xf32, #tpu.memory_space<vmem_shared>>) offsets(%arg10 : memref<32xi32, #tpu.memory_space<vmem>>) semaphore(%run_scoped3A : memref<!tpu.dma_semaphore, #tpu.memory_space<semaphore_mem>>) {add = true}
      %dma_wait3A_105 = arith.constant 0 : i32
      %dma_wait3A_106 = arith.constant 0 : i32
      %dma_wait3A_107 = tpu.memref_slice %arg12[%dma_wait3A_105, %dma_wait3A_106] : memref<10240x72xf32, #tpu.memory_space<vmem_shared>> -> memref<10240x72xf32, #tpu.memory_space<vmem_shared>>
      tpu.wait_indirect_dma semaphore(%run_scoped3A : memref<!tpu.dma_semaphore, #tpu.memory_space<semaphore_mem>>) src(%arg9 : memref<32x72xf32, #tpu.memory_space<vmem>>) dst(%dma_wait3A_107 : memref<10240x72xf32, #tpu.memory_space<vmem_shared>>)
      tpu.yield
    }) : () -> ()
    %barrier3A_97 = arith.constant 0 : index
    tpu.barrier barrier_id(%barrier3A_97)
    %mul3A_98 = arith.constant 640 : i32
    %mul3A_99 = arith.muli %arg1, %mul3A_98 : i32
    %mul3A_100 = arith.constant 640 : i32
    %mul3A_101 = arith.muli %arg1, %mul3A_100 : i32
    "tpu.region"() ({
      %run_scoped3A = tpu.sem_alloc : memref<!tpu.dma_semaphore, #tpu.memory_space<semaphore_mem>>
      %dma_start3A_102 = arith.constant 0 : i32
      %dma_start3A_103 = tpu.memref_slice %arg4[%arg0, %mul3A_101, %dma_start3A_102] : memref<2x10240x72xf32, #tpu.memory_space<hbm>> -> memref<1x640x72xf32, #tpu.memory_space<hbm>>
      %dma_start3A_104 = tpu.memref_squeeze %dma_start3A_103 : memref<1x640x72xf32, #tpu.memory_space<hbm>> -> memref<640x72xf32, #tpu.memory_space<hbm>>
      %dma_start3A_105 = arith.constant 0 : i32
      %dma_start3A_106 = tpu.memref_slice %arg12[%mul3A_99, %dma_start3A_105] : memref<10240x72xf32, #tpu.memory_space<vmem_shared>> -> memref<640x72xf32, #tpu.memory_space<vmem_shared>>
      tpu.enqueue_dma source(%dma_start3A_106 : memref<640x72xf32, #tpu.memory_space<vmem_shared>>) target(%dma_start3A_104 : memref<640x72xf32, #tpu.memory_space<hbm>>) target_semaphore(%run_scoped3A : memref<!tpu.dma_semaphore, #tpu.memory_space<semaphore_mem>>)
      %dma_wait3A_107 = arith.constant 0 : i32
      %dma_wait3A_108 = tpu.memref_slice %arg4[%arg0, %mul3A_101, %dma_wait3A_107] : memref<2x10240x72xf32, #tpu.memory_space<hbm>> -> memref<1x640x72xf32, #tpu.memory_space<hbm>>
      %dma_wait3A_109 = tpu.memref_squeeze %dma_wait3A_108 : memref<1x640x72xf32, #tpu.memory_space<hbm>> -> memref<640x72xf32, #tpu.memory_space<hbm>>
      %dma_wait3A_110 = arith.constant 0 : i32
      %dma_wait3A_111 = tpu.memref_slice %arg12[%mul3A_99, %dma_wait3A_110] : memref<10240x72xf32, #tpu.memory_space<vmem_shared>> -> memref<640x72xf32, #tpu.memory_space<vmem_shared>>
      tpu.wait_dma2 semaphore(%run_scoped3A : memref<!tpu.dma_semaphore, #tpu.memory_space<semaphore_mem>>) src(%dma_wait3A_111 : memref<640x72xf32, #tpu.memory_space<vmem_shared>>) dst(%dma_wait3A_109 : memref<640x72xf32, #tpu.memory_space<hbm>>)
      tpu.yield
    }) : () -> ()
    return
  }
}

module attributes {stable_mosaic.version = 14 : i64} {
  func.func @_edge_kernel(%arg0: i32, %arg1: memref<2000x128xf32, #tpu.memory_space<vmem>>, %arg2: memref<128x128xf32, #tpu.memory_space<vmem>>, %arg3: memref<128x128xf32, #tpu.memory_space<vmem>>, %arg4: memref<128x64xf32, #tpu.memory_space<vmem>>, %arg5: memref<128x64xf32, #tpu.memory_space<vmem>>, %arg6: memref<128x8xf32, #tpu.memory_space<vmem>>, %arg7: memref<8x64xf32, #tpu.memory_space<vmem>>, %arg8: memref<8x64xf32, #tpu.memory_space<vmem>>, %arg9: memref<8x64xf32, #tpu.memory_space<vmem>>, %arg10: memref<8x64xf32, #tpu.memory_space<vmem>>, %arg11: memref<2x2000x128xf32, #tpu.memory_space<vmem>>) attributes {dimension_semantics = [#tpu.dimension_semantics<arbitrary>], iteration_bounds = array<i64: 32>, scalar_prefetch = 0 : i64, scratch_operands = 0 : i64, tpu.core_type = #tpu.core_type<tc>, window_params = [{transform_indices = @transform_0, window_bounds = array<i64: 2000, 128>}, {pipeline_mode = #tpu.pipeline_mode<synchronous>, transform_indices = @transform_1, window_bounds = array<i64: 128, 128>}, {pipeline_mode = #tpu.pipeline_mode<synchronous>, transform_indices = @transform_2, window_bounds = array<i64: 128, 128>}, {pipeline_mode = #tpu.pipeline_mode<synchronous>, transform_indices = @transform_3, window_bounds = array<i64: 128, 64>}, {pipeline_mode = #tpu.pipeline_mode<synchronous>, transform_indices = @transform_4, window_bounds = array<i64: 128, 64>}, {pipeline_mode = #tpu.pipeline_mode<synchronous>, transform_indices = @transform_5, window_bounds = array<i64: 128, 8>}, {pipeline_mode = #tpu.pipeline_mode<synchronous>, transform_indices = @transform_6, window_bounds = array<i64: 8, 64>}, {pipeline_mode = #tpu.pipeline_mode<synchronous>, transform_indices = @transform_7, window_bounds = array<i64: 8, 64>}, {pipeline_mode = #tpu.pipeline_mode<synchronous>, transform_indices = @transform_8, window_bounds = array<i64: 8, 64>}, {pipeline_mode = #tpu.pipeline_mode<synchronous>, transform_indices = @transform_9, window_bounds = array<i64: 8, 64>}, {transform_indices = @transform_10, window_bounds = array<i64: 2, 2000, 128>}]} {
    %get3A = arith.constant 0 : index
    %get3A_0 = arith.constant 0 : index
    %get3A_1 = vector.load %arg1[%get3A, %get3A_0] : memref<2000x128xf32, #tpu.memory_space<vmem>>, vector<2000x128xf32>
    %get3A_2 = arith.constant 0 : index
    %get3A_3 = arith.constant 0 : index
    %get3A_4 = vector.load %arg2[%get3A_2, %get3A_3] : memref<128x128xf32, #tpu.memory_space<vmem>>, vector<128x128xf32>
    %dot_general3A = arith.constant dense<0.000000e+00> : vector<2000x128xf32>
    %dot_general3A_5 = tpu.matmul %get3A_1, %get3A_4, %dot_general3A {dimension_numbers = #tpu.dot_dimension_numbers<[1], [0], [0], [1], [0, 0, 1, 1], [], []>, transpose_lhs_hint = false} : vector<2000x128xf32>, vector<128x128xf32>, vector<2000x128xf32> -> vector<2000x128xf32>
    %get3A_6 = arith.constant 0 : index
    %get3A_7 = arith.constant 0 : index
    %get3A_8 = vector.load %arg3[%get3A_6, %get3A_7] : memref<128x128xf32, #tpu.memory_space<vmem>>, vector<128x128xf32>
    %dot_general3A_9 = arith.constant dense<0.000000e+00> : vector<2000x128xf32>
    %dot_general3A_10 = tpu.matmul %get3A_1, %get3A_8, %dot_general3A_9 {dimension_numbers = #tpu.dot_dimension_numbers<[1], [0], [0], [1], [0, 0, 1, 1], [], []>, transpose_lhs_hint = false} : vector<2000x128xf32>, vector<128x128xf32>, vector<2000x128xf32> -> vector<2000x128xf32>
    %get3A_11 = arith.constant 0 : index
    %get3A_12 = arith.constant 0 : index
    %get3A_13 = vector.load %arg4[%get3A_11, %get3A_12] : memref<128x64xf32, #tpu.memory_space<vmem>>, vector<128x64xf32>
    %dot_general3A_14 = arith.constant dense<0.000000e+00> : vector<2000x64xf32>
    %dot_general3A_15 = tpu.matmul %get3A_1, %get3A_13, %dot_general3A_14 {dimension_numbers = #tpu.dot_dimension_numbers<[1], [0], [0], [1], [0, 0, 1, 1], [], []>, transpose_lhs_hint = false} : vector<2000x128xf32>, vector<128x64xf32>, vector<2000x64xf32> -> vector<2000x64xf32>
    %get3A_16 = arith.constant 0 : index
    %get3A_17 = arith.constant 0 : index
    %get3A_18 = vector.load %arg5[%get3A_16, %get3A_17] : memref<128x64xf32, #tpu.memory_space<vmem>>, vector<128x64xf32>
    %dot_general3A_19 = arith.constant dense<0.000000e+00> : vector<2000x64xf32>
    %dot_general3A_20 = tpu.matmul %get3A_1, %get3A_18, %dot_general3A_19 {dimension_numbers = #tpu.dot_dimension_numbers<[1], [0], [0], [1], [0, 0, 1, 1], [], []>, transpose_lhs_hint = false} : vector<2000x128xf32>, vector<128x64xf32>, vector<2000x64xf32> -> vector<2000x64xf32>
    %mul3A = arith.mulf %dot_general3A_5, %dot_general3A_10 : vector<2000x128xf32>
    %get3A_21 = arith.constant 0 : index
    %get3A_22 = arith.constant 0 : index
    %get3A_23 = vector.load %arg6[%get3A_21, %get3A_22] : memref<128x8xf32, #tpu.memory_space<vmem>>, vector<128x8xf32>
    %dot_general3A_24 = arith.constant dense<0.000000e+00> : vector<2000x8xf32>
    %dot_general3A_25 = tpu.matmul %mul3A, %get3A_23, %dot_general3A_24 {dimension_numbers = #tpu.dot_dimension_numbers<[1], [0], [0], [1], [0, 0, 1, 1], [], []>, transpose_lhs_hint = false} : vector<2000x128xf32>, vector<128x8xf32>, vector<2000x8xf32> -> vector<2000x8xf32>
    %ge3A = arith.constant 0.000000e+00 : f32
    %ge3A_26 = vector.broadcast %ge3A : f32 to vector<2000x8xf32>
    %ge3A_27 = arith.cmpf oge, %dot_general3A_25, %ge3A_26 : vector<2000x8xf32>
    %mul3A_28 = arith.constant 2.000000e-01 : f32
    %mul3A_29 = vector.broadcast %mul3A_28 : f32 to vector<2000x8xf32>
    %mul3A_30 = arith.mulf %mul3A_29, %dot_general3A_25 : vector<2000x8xf32>
    %select_n3A = arith.select %ge3A_27, %dot_general3A_25, %mul3A_30 : vector<2000x8xi1>, vector<2000x8xf32>
    %exp3A = math.exp %select_n3A : vector<2000x8xf32>
    %get3A_31 = arith.constant 0 : index
    %get3A_32 = arith.constant 0 : index
    %get3A_33 = vector.load %arg7[%get3A_31, %get3A_32] : memref<8x64xf32, #tpu.memory_space<vmem>>, vector<8x64xf32>
    %dot_general3A_34 = arith.constant dense<0.000000e+00> : vector<2000x64xf32>
    %dot_general3A_35 = tpu.matmul %exp3A, %get3A_33, %dot_general3A_34 {dimension_numbers = #tpu.dot_dimension_numbers<[1], [0], [0], [1], [0, 0, 1, 1], [], []>, transpose_lhs_hint = false} : vector<2000x8xf32>, vector<8x64xf32>, vector<2000x64xf32> -> vector<2000x64xf32>
    %get3A_36 = arith.constant 0 : index
    %get3A_37 = arith.constant 0 : index
    %get3A_38 = vector.load %arg8[%get3A_36, %get3A_37] : memref<8x64xf32, #tpu.memory_space<vmem>>, vector<8x64xf32>
    %dot_general3A_39 = arith.constant dense<0.000000e+00> : vector<2000x64xf32>
    %dot_general3A_40 = tpu.matmul %exp3A, %get3A_38, %dot_general3A_39 {dimension_numbers = #tpu.dot_dimension_numbers<[1], [0], [0], [1], [0, 0, 1, 1], [], []>, transpose_lhs_hint = false} : vector<2000x8xf32>, vector<8x64xf32>, vector<2000x64xf32> -> vector<2000x64xf32>
    %get3A_41 = arith.constant 0 : index
    %get3A_42 = arith.constant 0 : index
    %get3A_43 = vector.load %arg9[%get3A_41, %get3A_42] : memref<8x64xf32, #tpu.memory_space<vmem>>, vector<8x64xf32>
    %dot_general3A_44 = arith.constant dense<0.000000e+00> : vector<2000x64xf32>
    %dot_general3A_45 = tpu.matmul %exp3A, %get3A_43, %dot_general3A_44 {dimension_numbers = #tpu.dot_dimension_numbers<[1], [0], [0], [1], [0, 0, 1, 1], [], []>, transpose_lhs_hint = false} : vector<2000x8xf32>, vector<8x64xf32>, vector<2000x64xf32> -> vector<2000x64xf32>
    %get3A_46 = arith.constant 0 : index
    %get3A_47 = arith.constant 0 : index
    %get3A_48 = vector.load %arg10[%get3A_46, %get3A_47] : memref<8x64xf32, #tpu.memory_space<vmem>>, vector<8x64xf32>
    %dot_general3A_49 = arith.constant dense<0.000000e+00> : vector<2000x64xf32>
    %dot_general3A_50 = tpu.matmul %exp3A, %get3A_48, %dot_general3A_49 {dimension_numbers = #tpu.dot_dimension_numbers<[1], [0], [0], [1], [0, 0, 1, 1], [], []>, transpose_lhs_hint = false} : vector<2000x8xf32>, vector<8x64xf32>, vector<2000x64xf32> -> vector<2000x64xf32>
    %mul3A_51 = arith.mulf %dot_general3A_15, %dot_general3A_35 : vector<2000x64xf32>
    %concatenate3A = tpu.concatenate %mul3A_51, %dot_general3A_45 in 1 : vector<2000x64xf32>, vector<2000x64xf32> -> vector<2000x128xf32>
    %swap3A = arith.constant 0 : index
    %swap3A_52 = arith.constant 0 : index
    %swap3A_53 = arith.constant 0 : index
    %swap3A_54 = vector.load %arg11[%swap3A, %swap3A_52, %swap3A_53] : memref<2x2000x128xf32, #tpu.memory_space<vmem>>, vector<1x2000x128xf32>
    %swap3A_55 = vector.shape_cast %swap3A_54 : vector<1x2000x128xf32> to vector<2000x128xf32>
    %swap3A_56 = vector.shape_cast %concatenate3A : vector<2000x128xf32> to vector<1x2000x128xf32>
    tpu.vector_store %arg11[%swap3A, %swap3A_52, %swap3A_53], %swap3A_56 {strides = array<i32>} : memref<2x2000x128xf32, #tpu.memory_space<vmem>>, vector<1x2000x128xf32>,
    %mul3A_57 = arith.mulf %dot_general3A_20, %dot_general3A_40 : vector<2000x64xf32>
    %concatenate3A_58 = tpu.concatenate %mul3A_57, %dot_general3A_50 in 1 : vector<2000x64xf32>, vector<2000x64xf32> -> vector<2000x128xf32>
    %swap3A_59 = arith.constant 1 : index
    %swap3A_60 = arith.constant 0 : index
    %swap3A_61 = arith.constant 0 : index
    %swap3A_62 = vector.load %arg11[%swap3A_59, %swap3A_60, %swap3A_61] : memref<2x2000x128xf32, #tpu.memory_space<vmem>>, vector<1x2000x128xf32>
    %swap3A_63 = vector.shape_cast %swap3A_62 : vector<1x2000x128xf32> to vector<2000x128xf32>
    %swap3A_64 = vector.shape_cast %concatenate3A_58 : vector<2000x128xf32> to vector<1x2000x128xf32>
    tpu.vector_store %arg11[%swap3A_59, %swap3A_60, %swap3A_61], %swap3A_64 {strides = array<i32>} : memref<2x2000x128xf32, #tpu.memory_space<vmem>>, vector<1x2000x128xf32>,
    return
  }
  func.func @transform_0(%arg0: i32) -> (i32, i32) {
    %add3A = arith.constant 128 : i32
    %add3A_0 = arith.addi %arg0, %add3A : i32
    %c0_i32 = arith.constant 0 : i32
    %c0_i32_1 = arith.constant 0 : i32
    return %add3A_0, %c0_i32 : i32, i32
  }
  func.func @transform_1(%arg0: i32) -> (i32, i32) {
    %c0_i32 = arith.constant 0 : i32
    %c0_i32_0 = arith.constant 0 : i32
    %c0_i32_1 = arith.constant 0 : i32
    return %c0_i32, %c0_i32_0 : i32, i32
  }
  func.func @transform_2(%arg0: i32) -> (i32, i32) {
    %c0_i32 = arith.constant 0 : i32
    %c0_i32_0 = arith.constant 0 : i32
    %c0_i32_1 = arith.constant 0 : i32
    return %c0_i32, %c0_i32_0 : i32, i32
  }
  func.func @transform_3(%arg0: i32) -> (i32, i32) {
    %c0_i32 = arith.constant 0 : i32
    %c0_i32_0 = arith.constant 0 : i32
    %c0_i32_1 = arith.constant 0 : i32
    return %c0_i32, %c0_i32_0 : i32, i32
  }
  func.func @transform_4(%arg0: i32) -> (i32, i32) {
    %c0_i32 = arith.constant 0 : i32
    %c0_i32_0 = arith.constant 0 : i32
    %c0_i32_1 = arith.constant 0 : i32
    return %c0_i32, %c0_i32_0 : i32, i32
  }
  func.func @transform_5(%arg0: i32) -> (i32, i32) {
    %c0_i32 = arith.constant 0 : i32
    %c0_i32_0 = arith.constant 0 : i32
    %c0_i32_1 = arith.constant 0 : i32
    return %c0_i32, %c0_i32_0 : i32, i32
  }
  func.func @transform_6(%arg0: i32) -> (i32, i32) {
    %c0_i32 = arith.constant 0 : i32
    %c0_i32_0 = arith.constant 0 : i32
    %c0_i32_1 = arith.constant 0 : i32
    return %c0_i32, %c0_i32_0 : i32, i32
  }
  func.func @transform_7(%arg0: i32) -> (i32, i32) {
    %c0_i32 = arith.constant 0 : i32
    %c0_i32_0 = arith.constant 0 : i32
    %c0_i32_1 = arith.constant 0 : i32
    return %c0_i32, %c0_i32_0 : i32, i32
  }
  func.func @transform_8(%arg0: i32) -> (i32, i32) {
    %c0_i32 = arith.constant 0 : i32
    %c0_i32_0 = arith.constant 0 : i32
    %c0_i32_1 = arith.constant 0 : i32
    return %c0_i32, %c0_i32_0 : i32, i32
  }
  func.func @transform_9(%arg0: i32) -> (i32, i32) {
    %c0_i32 = arith.constant 0 : i32
    %c0_i32_0 = arith.constant 0 : i32
    %c0_i32_1 = arith.constant 0 : i32
    return %c0_i32, %c0_i32_0 : i32, i32
  }
  func.func @transform_10(%arg0: i32) -> (i32, i32, i32) {
    %c0_i32 = arith.constant 0 : i32
    %c0_i32_0 = arith.constant 0 : i32
    %c0_i32_1 = arith.constant 0 : i32
    return %c0_i32, %arg0, %c0_i32_0 : i32, i32, i32
  }
}

module attributes {stable_mosaic.version = 14 : i64} {
  func.func @_edge_kernel(%arg0: i32, %arg1: memref<2000x128xf32, #tpu.memory_space<vmem>>, %arg2: memref<128x128xf32, #tpu.memory_space<vmem>>, %arg3: memref<128x128xf32, #tpu.memory_space<vmem>>, %arg4: memref<128x64xf32, #tpu.memory_space<vmem>>, %arg5: memref<128x64xf32, #tpu.memory_space<vmem>>, %arg6: memref<128x8xf32, #tpu.memory_space<vmem>>, %arg7: memref<8x64xf32, #tpu.memory_space<vmem>>, %arg8: memref<8x64xf32, #tpu.memory_space<vmem>>, %arg9: memref<8x64xf32, #tpu.memory_space<vmem>>, %arg10: memref<8x64xf32, #tpu.memory_space<vmem>>, %arg11: memref<2x2000x128xf32, #tpu.memory_space<vmem>>) attributes {dimension_semantics = [#tpu.dimension_semantics<arbitrary>], iteration_bounds = array<i64: 32>, scalar_prefetch = 0 : i64, scratch_operands = 0 : i64, tpu.core_type = #tpu.core_type<tc>, window_params = [{transform_indices = @transform_0, window_bounds = array<i64: 2000, 128>}, {pipeline_mode = #tpu.pipeline_mode<synchronous>, transform_indices = @transform_1, window_bounds = array<i64: 128, 128>}, {pipeline_mode = #tpu.pipeline_mode<synchronous>, transform_indices = @transform_2, window_bounds = array<i64: 128, 128>}, {pipeline_mode = #tpu.pipeline_mode<synchronous>, transform_indices = @transform_3, window_bounds = array<i64: 128, 64>}, {pipeline_mode = #tpu.pipeline_mode<synchronous>, transform_indices = @transform_4, window_bounds = array<i64: 128, 64>}, {pipeline_mode = #tpu.pipeline_mode<synchronous>, transform_indices = @transform_5, window_bounds = array<i64: 128, 8>}, {pipeline_mode = #tpu.pipeline_mode<synchronous>, transform_indices = @transform_6, window_bounds = array<i64: 8, 64>}, {pipeline_mode = #tpu.pipeline_mode<synchronous>, transform_indices = @transform_7, window_bounds = array<i64: 8, 64>}, {pipeline_mode = #tpu.pipeline_mode<synchronous>, transform_indices = @transform_8, window_bounds = array<i64: 8, 64>}, {pipeline_mode = #tpu.pipeline_mode<synchronous>, transform_indices = @transform_9, window_bounds = array<i64: 8, 64>}, {transform_indices = @transform_10, window_bounds = array<i64: 2, 2000, 128>}]} {
    %get3A = arith.constant 0 : index
    %get3A_0 = arith.constant 0 : index
    %get3A_1 = vector.load %arg1[%get3A, %get3A_0] : memref<2000x128xf32, #tpu.memory_space<vmem>>, vector<2000x128xf32>
    %get3A_2 = arith.constant 0 : index
    %get3A_3 = arith.constant 0 : index
    %get3A_4 = vector.load %arg2[%get3A_2, %get3A_3] : memref<128x128xf32, #tpu.memory_space<vmem>>, vector<128x128xf32>
    %dot_general3A = arith.constant dense<0.000000e+00> : vector<2000x128xf32>
    %dot_general3A_5 = tpu.matmul %get3A_1, %get3A_4, %dot_general3A {dimension_numbers = #tpu.dot_dimension_numbers<[1], [0], [0], [1], [0, 0, 1, 1], [], []>, transpose_lhs_hint = false} : vector<2000x128xf32>, vector<128x128xf32>, vector<2000x128xf32> -> vector<2000x128xf32>
    %get3A_6 = arith.constant 0 : index
    %get3A_7 = arith.constant 0 : index
    %get3A_8 = vector.load %arg3[%get3A_6, %get3A_7] : memref<128x128xf32, #tpu.memory_space<vmem>>, vector<128x128xf32>
    %dot_general3A_9 = arith.constant dense<0.000000e+00> : vector<2000x128xf32>
    %dot_general3A_10 = tpu.matmul %get3A_1, %get3A_8, %dot_general3A_9 {dimension_numbers = #tpu.dot_dimension_numbers<[1], [0], [0], [1], [0, 0, 1, 1], [], []>, transpose_lhs_hint = false} : vector<2000x128xf32>, vector<128x128xf32>, vector<2000x128xf32> -> vector<2000x128xf32>
    %get3A_11 = arith.constant 0 : index
    %get3A_12 = arith.constant 0 : index
    %get3A_13 = vector.load %arg4[%get3A_11, %get3A_12] : memref<128x64xf32, #tpu.memory_space<vmem>>, vector<128x64xf32>
    %dot_general3A_14 = arith.constant dense<0.000000e+00> : vector<2000x64xf32>
    %dot_general3A_15 = tpu.matmul %get3A_1, %get3A_13, %dot_general3A_14 {dimension_numbers = #tpu.dot_dimension_numbers<[1], [0], [0], [1], [0, 0, 1, 1], [], []>, transpose_lhs_hint = false} : vector<2000x128xf32>, vector<128x64xf32>, vector<2000x64xf32> -> vector<2000x64xf32>
    %get3A_16 = arith.constant 0 : index
    %get3A_17 = arith.constant 0 : index
    %get3A_18 = vector.load %arg5[%get3A_16, %get3A_17] : memref<128x64xf32, #tpu.memory_space<vmem>>, vector<128x64xf32>
    %dot_general3A_19 = arith.constant dense<0.000000e+00> : vector<2000x64xf32>
    %dot_general3A_20 = tpu.matmul %get3A_1, %get3A_18, %dot_general3A_19 {dimension_numbers = #tpu.dot_dimension_numbers<[1], [0], [0], [1], [0, 0, 1, 1], [], []>, transpose_lhs_hint = false} : vector<2000x128xf32>, vector<128x64xf32>, vector<2000x64xf32> -> vector<2000x64xf32>
    %mul3A = arith.mulf %dot_general3A_5, %dot_general3A_10 : vector<2000x128xf32>
    %get3A_21 = arith.constant 0 : index
    %get3A_22 = arith.constant 0 : index
    %get3A_23 = vector.load %arg6[%get3A_21, %get3A_22] : memref<128x8xf32, #tpu.memory_space<vmem>>, vector<128x8xf32>
    %dot_general3A_24 = arith.constant dense<0.000000e+00> : vector<2000x8xf32>
    %dot_general3A_25 = tpu.matmul %mul3A, %get3A_23, %dot_general3A_24 {dimension_numbers = #tpu.dot_dimension_numbers<[1], [0], [0], [1], [0, 0, 1, 1], [], []>, transpose_lhs_hint = false} : vector<2000x128xf32>, vector<128x8xf32>, vector<2000x8xf32> -> vector<2000x8xf32>
    %ge3A = arith.constant 0.000000e+00 : f32
    %ge3A_26 = vector.broadcast %ge3A : f32 to vector<2000x8xf32>
    %ge3A_27 = arith.cmpf oge, %dot_general3A_25, %ge3A_26 : vector<2000x8xf32>
    %mul3A_28 = arith.constant 2.000000e-01 : f32
    %mul3A_29 = vector.broadcast %mul3A_28 : f32 to vector<2000x8xf32>
    %mul3A_30 = arith.mulf %mul3A_29, %dot_general3A_25 : vector<2000x8xf32>
    %select_n3A = arith.select %ge3A_27, %dot_general3A_25, %mul3A_30 : vector<2000x8xi1>, vector<2000x8xf32>
    %exp3A = math.exp %select_n3A : vector<2000x8xf32>
    %get3A_31 = arith.constant 0 : index
    %get3A_32 = arith.constant 0 : index
    %get3A_33 = vector.load %arg7[%get3A_31, %get3A_32] : memref<8x64xf32, #tpu.memory_space<vmem>>, vector<8x64xf32>
    %dot_general3A_34 = arith.constant dense<0.000000e+00> : vector<2000x64xf32>
    %dot_general3A_35 = tpu.matmul %exp3A, %get3A_33, %dot_general3A_34 {dimension_numbers = #tpu.dot_dimension_numbers<[1], [0], [0], [1], [0, 0, 1, 1], [], []>, transpose_lhs_hint = false} : vector<2000x8xf32>, vector<8x64xf32>, vector<2000x64xf32> -> vector<2000x64xf32>
    %get3A_36 = arith.constant 0 : index
    %get3A_37 = arith.constant 0 : index
    %get3A_38 = vector.load %arg8[%get3A_36, %get3A_37] : memref<8x64xf32, #tpu.memory_space<vmem>>, vector<8x64xf32>
    %dot_general3A_39 = arith.constant dense<0.000000e+00> : vector<2000x64xf32>
    %dot_general3A_40 = tpu.matmul %exp3A, %get3A_38, %dot_general3A_39 {dimension_numbers = #tpu.dot_dimension_numbers<[1], [0], [0], [1], [0, 0, 1, 1], [], []>, transpose_lhs_hint = false} : vector<2000x8xf32>, vector<8x64xf32>, vector<2000x64xf32> -> vector<2000x64xf32>
    %get3A_41 = arith.constant 0 : index
    %get3A_42 = arith.constant 0 : index
    %get3A_43 = vector.load %arg9[%get3A_41, %get3A_42] : memref<8x64xf32, #tpu.memory_space<vmem>>, vector<8x64xf32>
    %dot_general3A_44 = arith.constant dense<0.000000e+00> : vector<2000x64xf32>
    %dot_general3A_45 = tpu.matmul %exp3A, %get3A_43, %dot_general3A_44 {dimension_numbers = #tpu.dot_dimension_numbers<[1], [0], [0], [1], [0, 0, 1, 1], [], []>, transpose_lhs_hint = false} : vector<2000x8xf32>, vector<8x64xf32>, vector<2000x64xf32> -> vector<2000x64xf32>
    %get3A_46 = arith.constant 0 : index
    %get3A_47 = arith.constant 0 : index
    %get3A_48 = vector.load %arg10[%get3A_46, %get3A_47] : memref<8x64xf32, #tpu.memory_space<vmem>>, vector<8x64xf32>
    %dot_general3A_49 = arith.constant dense<0.000000e+00> : vector<2000x64xf32>
    %dot_general3A_50 = tpu.matmul %exp3A, %get3A_48, %dot_general3A_49 {dimension_numbers = #tpu.dot_dimension_numbers<[1], [0], [0], [1], [0, 0, 1, 1], [], []>, transpose_lhs_hint = false} : vector<2000x8xf32>, vector<8x64xf32>, vector<2000x64xf32> -> vector<2000x64xf32>
    %mul3A_51 = arith.mulf %dot_general3A_15, %dot_general3A_35 : vector<2000x64xf32>
    %concatenate3A = tpu.concatenate %mul3A_51, %dot_general3A_45 in 1 : vector<2000x64xf32>, vector<2000x64xf32> -> vector<2000x128xf32>
    %swap3A = arith.constant 0 : index
    %swap3A_52 = arith.constant 0 : index
    %swap3A_53 = arith.constant 0 : index
    %swap3A_54 = vector.load %arg11[%swap3A, %swap3A_52, %swap3A_53] : memref<2x2000x128xf32, #tpu.memory_space<vmem>>, vector<1x2000x128xf32>
    %swap3A_55 = vector.shape_cast %swap3A_54 : vector<1x2000x128xf32> to vector<2000x128xf32>
    %swap3A_56 = vector.shape_cast %concatenate3A : vector<2000x128xf32> to vector<1x2000x128xf32>
    tpu.vector_store %arg11[%swap3A, %swap3A_52, %swap3A_53], %swap3A_56 {strides = array<i32>} : memref<2x2000x128xf32, #tpu.memory_space<vmem>>, vector<1x2000x128xf32>,
    %mul3A_57 = arith.mulf %dot_general3A_20, %dot_general3A_40 : vector<2000x64xf32>
    %concatenate3A_58 = tpu.concatenate %mul3A_57, %dot_general3A_50 in 1 : vector<2000x64xf32>, vector<2000x64xf32> -> vector<2000x128xf32>
    %swap3A_59 = arith.constant 1 : index
    %swap3A_60 = arith.constant 0 : index
    %swap3A_61 = arith.constant 0 : index
    %swap3A_62 = vector.load %arg11[%swap3A_59, %swap3A_60, %swap3A_61] : memref<2x2000x128xf32, #tpu.memory_space<vmem>>, vector<1x2000x128xf32>
    %swap3A_63 = vector.shape_cast %swap3A_62 : vector<1x2000x128xf32> to vector<2000x128xf32>
    %swap3A_64 = vector.shape_cast %concatenate3A_58 : vector<2000x128xf32> to vector<1x2000x128xf32>
    tpu.vector_store %arg11[%swap3A_59, %swap3A_60, %swap3A_61], %swap3A_64 {strides = array<i32>} : memref<2x2000x128xf32, #tpu.memory_space<vmem>>, vector<1x2000x128xf32>,
    return
  }
  func.func @transform_0(%arg0: i32) -> (i32, i32) {
    %add3A = arith.constant 96 : i32
    %add3A_0 = arith.addi %arg0, %add3A : i32
    %c0_i32 = arith.constant 0 : i32
    %c0_i32_1 = arith.constant 0 : i32
    return %add3A_0, %c0_i32 : i32, i32
  }
  func.func @transform_1(%arg0: i32) -> (i32, i32) {
    %c0_i32 = arith.constant 0 : i32
    %c0_i32_0 = arith.constant 0 : i32
    %c0_i32_1 = arith.constant 0 : i32
    return %c0_i32, %c0_i32_0 : i32, i32
  }
  func.func @transform_2(%arg0: i32) -> (i32, i32) {
    %c0_i32 = arith.constant 0 : i32
    %c0_i32_0 = arith.constant 0 : i32
    %c0_i32_1 = arith.constant 0 : i32
    return %c0_i32, %c0_i32_0 : i32, i32
  }
  func.func @transform_3(%arg0: i32) -> (i32, i32) {
    %c0_i32 = arith.constant 0 : i32
    %c0_i32_0 = arith.constant 0 : i32
    %c0_i32_1 = arith.constant 0 : i32
    return %c0_i32, %c0_i32_0 : i32, i32
  }
  func.func @transform_4(%arg0: i32) -> (i32, i32) {
    %c0_i32 = arith.constant 0 : i32
    %c0_i32_0 = arith.constant 0 : i32
    %c0_i32_1 = arith.constant 0 : i32
    return %c0_i32, %c0_i32_0 : i32, i32
  }
  func.func @transform_5(%arg0: i32) -> (i32, i32) {
    %c0_i32 = arith.constant 0 : i32
    %c0_i32_0 = arith.constant 0 : i32
    %c0_i32_1 = arith.constant 0 : i32
    return %c0_i32, %c0_i32_0 : i32, i32
  }
  func.func @transform_6(%arg0: i32) -> (i32, i32) {
    %c0_i32 = arith.constant 0 : i32
    %c0_i32_0 = arith.constant 0 : i32
    %c0_i32_1 = arith.constant 0 : i32
    return %c0_i32, %c0_i32_0 : i32, i32
  }
  func.func @transform_7(%arg0: i32) -> (i32, i32) {
    %c0_i32 = arith.constant 0 : i32
    %c0_i32_0 = arith.constant 0 : i32
    %c0_i32_1 = arith.constant 0 : i32
    return %c0_i32, %c0_i32_0 : i32, i32
  }
  func.func @transform_8(%arg0: i32) -> (i32, i32) {
    %c0_i32 = arith.constant 0 : i32
    %c0_i32_0 = arith.constant 0 : i32
    %c0_i32_1 = arith.constant 0 : i32
    return %c0_i32, %c0_i32_0 : i32, i32
  }
  func.func @transform_9(%arg0: i32) -> (i32, i32) {
    %c0_i32 = arith.constant 0 : i32
    %c0_i32_0 = arith.constant 0 : i32
    %c0_i32_1 = arith.constant 0 : i32
    return %c0_i32, %c0_i32_0 : i32, i32
  }
  func.func @transform_10(%arg0: i32) -> (i32, i32, i32) {
    %c0_i32 = arith.constant 0 : i32
    %c0_i32_0 = arith.constant 0 : i32
    %c0_i32_1 = arith.constant 0 : i32
    return %c0_i32, %arg0, %c0_i32_0 : i32, i32, i32
  }
}

module attributes {stable_mosaic.version = 14 : i64} {
  func.func @_edge_kernel(%arg0: i32, %arg1: memref<2000x128xf32, #tpu.memory_space<vmem>>, %arg2: memref<128x128xf32, #tpu.memory_space<vmem>>, %arg3: memref<128x128xf32, #tpu.memory_space<vmem>>, %arg4: memref<128x64xf32, #tpu.memory_space<vmem>>, %arg5: memref<128x64xf32, #tpu.memory_space<vmem>>, %arg6: memref<128x8xf32, #tpu.memory_space<vmem>>, %arg7: memref<8x64xf32, #tpu.memory_space<vmem>>, %arg8: memref<8x64xf32, #tpu.memory_space<vmem>>, %arg9: memref<8x64xf32, #tpu.memory_space<vmem>>, %arg10: memref<8x64xf32, #tpu.memory_space<vmem>>, %arg11: memref<2x2000x128xf32, #tpu.memory_space<vmem>>) attributes {dimension_semantics = [#tpu.dimension_semantics<arbitrary>], iteration_bounds = array<i64: 32>, scalar_prefetch = 0 : i64, scratch_operands = 0 : i64, tpu.core_type = #tpu.core_type<tc>, window_params = [{transform_indices = @transform_0, window_bounds = array<i64: 2000, 128>}, {pipeline_mode = #tpu.pipeline_mode<synchronous>, transform_indices = @transform_1, window_bounds = array<i64: 128, 128>}, {pipeline_mode = #tpu.pipeline_mode<synchronous>, transform_indices = @transform_2, window_bounds = array<i64: 128, 128>}, {pipeline_mode = #tpu.pipeline_mode<synchronous>, transform_indices = @transform_3, window_bounds = array<i64: 128, 64>}, {pipeline_mode = #tpu.pipeline_mode<synchronous>, transform_indices = @transform_4, window_bounds = array<i64: 128, 64>}, {pipeline_mode = #tpu.pipeline_mode<synchronous>, transform_indices = @transform_5, window_bounds = array<i64: 128, 8>}, {pipeline_mode = #tpu.pipeline_mode<synchronous>, transform_indices = @transform_6, window_bounds = array<i64: 8, 64>}, {pipeline_mode = #tpu.pipeline_mode<synchronous>, transform_indices = @transform_7, window_bounds = array<i64: 8, 64>}, {pipeline_mode = #tpu.pipeline_mode<synchronous>, transform_indices = @transform_8, window_bounds = array<i64: 8, 64>}, {pipeline_mode = #tpu.pipeline_mode<synchronous>, transform_indices = @transform_9, window_bounds = array<i64: 8, 64>}, {transform_indices = @transform_10, window_bounds = array<i64: 2, 2000, 128>}]} {
    %get3A = arith.constant 0 : index
    %get3A_0 = arith.constant 0 : index
    %get3A_1 = vector.load %arg1[%get3A, %get3A_0] : memref<2000x128xf32, #tpu.memory_space<vmem>>, vector<2000x128xf32>
    %get3A_2 = arith.constant 0 : index
    %get3A_3 = arith.constant 0 : index
    %get3A_4 = vector.load %arg2[%get3A_2, %get3A_3] : memref<128x128xf32, #tpu.memory_space<vmem>>, vector<128x128xf32>
    %dot_general3A = arith.constant dense<0.000000e+00> : vector<2000x128xf32>
    %dot_general3A_5 = tpu.matmul %get3A_1, %get3A_4, %dot_general3A {dimension_numbers = #tpu.dot_dimension_numbers<[1], [0], [0], [1], [0, 0, 1, 1], [], []>, transpose_lhs_hint = false} : vector<2000x128xf32>, vector<128x128xf32>, vector<2000x128xf32> -> vector<2000x128xf32>
    %get3A_6 = arith.constant 0 : index
    %get3A_7 = arith.constant 0 : index
    %get3A_8 = vector.load %arg3[%get3A_6, %get3A_7] : memref<128x128xf32, #tpu.memory_space<vmem>>, vector<128x128xf32>
    %dot_general3A_9 = arith.constant dense<0.000000e+00> : vector<2000x128xf32>
    %dot_general3A_10 = tpu.matmul %get3A_1, %get3A_8, %dot_general3A_9 {dimension_numbers = #tpu.dot_dimension_numbers<[1], [0], [0], [1], [0, 0, 1, 1], [], []>, transpose_lhs_hint = false} : vector<2000x128xf32>, vector<128x128xf32>, vector<2000x128xf32> -> vector<2000x128xf32>
    %get3A_11 = arith.constant 0 : index
    %get3A_12 = arith.constant 0 : index
    %get3A_13 = vector.load %arg4[%get3A_11, %get3A_12] : memref<128x64xf32, #tpu.memory_space<vmem>>, vector<128x64xf32>
    %dot_general3A_14 = arith.constant dense<0.000000e+00> : vector<2000x64xf32>
    %dot_general3A_15 = tpu.matmul %get3A_1, %get3A_13, %dot_general3A_14 {dimension_numbers = #tpu.dot_dimension_numbers<[1], [0], [0], [1], [0, 0, 1, 1], [], []>, transpose_lhs_hint = false} : vector<2000x128xf32>, vector<128x64xf32>, vector<2000x64xf32> -> vector<2000x64xf32>
    %get3A_16 = arith.constant 0 : index
    %get3A_17 = arith.constant 0 : index
    %get3A_18 = vector.load %arg5[%get3A_16, %get3A_17] : memref<128x64xf32, #tpu.memory_space<vmem>>, vector<128x64xf32>
    %dot_general3A_19 = arith.constant dense<0.000000e+00> : vector<2000x64xf32>
    %dot_general3A_20 = tpu.matmul %get3A_1, %get3A_18, %dot_general3A_19 {dimension_numbers = #tpu.dot_dimension_numbers<[1], [0], [0], [1], [0, 0, 1, 1], [], []>, transpose_lhs_hint = false} : vector<2000x128xf32>, vector<128x64xf32>, vector<2000x64xf32> -> vector<2000x64xf32>
    %mul3A = arith.mulf %dot_general3A_5, %dot_general3A_10 : vector<2000x128xf32>
    %get3A_21 = arith.constant 0 : index
    %get3A_22 = arith.constant 0 : index
    %get3A_23 = vector.load %arg6[%get3A_21, %get3A_22] : memref<128x8xf32, #tpu.memory_space<vmem>>, vector<128x8xf32>
    %dot_general3A_24 = arith.constant dense<0.000000e+00> : vector<2000x8xf32>
    %dot_general3A_25 = tpu.matmul %mul3A, %get3A_23, %dot_general3A_24 {dimension_numbers = #tpu.dot_dimension_numbers<[1], [0], [0], [1], [0, 0, 1, 1], [], []>, transpose_lhs_hint = false} : vector<2000x128xf32>, vector<128x8xf32>, vector<2000x8xf32> -> vector<2000x8xf32>
    %ge3A = arith.constant 0.000000e+00 : f32
    %ge3A_26 = vector.broadcast %ge3A : f32 to vector<2000x8xf32>
    %ge3A_27 = arith.cmpf oge, %dot_general3A_25, %ge3A_26 : vector<2000x8xf32>
    %mul3A_28 = arith.constant 2.000000e-01 : f32
    %mul3A_29 = vector.broadcast %mul3A_28 : f32 to vector<2000x8xf32>
    %mul3A_30 = arith.mulf %mul3A_29, %dot_general3A_25 : vector<2000x8xf32>
    %select_n3A = arith.select %ge3A_27, %dot_general3A_25, %mul3A_30 : vector<2000x8xi1>, vector<2000x8xf32>
    %exp3A = math.exp %select_n3A : vector<2000x8xf32>
    %get3A_31 = arith.constant 0 : index
    %get3A_32 = arith.constant 0 : index
    %get3A_33 = vector.load %arg7[%get3A_31, %get3A_32] : memref<8x64xf32, #tpu.memory_space<vmem>>, vector<8x64xf32>
    %dot_general3A_34 = arith.constant dense<0.000000e+00> : vector<2000x64xf32>
    %dot_general3A_35 = tpu.matmul %exp3A, %get3A_33, %dot_general3A_34 {dimension_numbers = #tpu.dot_dimension_numbers<[1], [0], [0], [1], [0, 0, 1, 1], [], []>, transpose_lhs_hint = false} : vector<2000x8xf32>, vector<8x64xf32>, vector<2000x64xf32> -> vector<2000x64xf32>
    %get3A_36 = arith.constant 0 : index
    %get3A_37 = arith.constant 0 : index
    %get3A_38 = vector.load %arg8[%get3A_36, %get3A_37] : memref<8x64xf32, #tpu.memory_space<vmem>>, vector<8x64xf32>
    %dot_general3A_39 = arith.constant dense<0.000000e+00> : vector<2000x64xf32>
    %dot_general3A_40 = tpu.matmul %exp3A, %get3A_38, %dot_general3A_39 {dimension_numbers = #tpu.dot_dimension_numbers<[1], [0], [0], [1], [0, 0, 1, 1], [], []>, transpose_lhs_hint = false} : vector<2000x8xf32>, vector<8x64xf32>, vector<2000x64xf32> -> vector<2000x64xf32>
    %get3A_41 = arith.constant 0 : index
    %get3A_42 = arith.constant 0 : index
    %get3A_43 = vector.load %arg9[%get3A_41, %get3A_42] : memref<8x64xf32, #tpu.memory_space<vmem>>, vector<8x64xf32>
    %dot_general3A_44 = arith.constant dense<0.000000e+00> : vector<2000x64xf32>
    %dot_general3A_45 = tpu.matmul %exp3A, %get3A_43, %dot_general3A_44 {dimension_numbers = #tpu.dot_dimension_numbers<[1], [0], [0], [1], [0, 0, 1, 1], [], []>, transpose_lhs_hint = false} : vector<2000x8xf32>, vector<8x64xf32>, vector<2000x64xf32> -> vector<2000x64xf32>
    %get3A_46 = arith.constant 0 : index
    %get3A_47 = arith.constant 0 : index
    %get3A_48 = vector.load %arg10[%get3A_46, %get3A_47] : memref<8x64xf32, #tpu.memory_space<vmem>>, vector<8x64xf32>
    %dot_general3A_49 = arith.constant dense<0.000000e+00> : vector<2000x64xf32>
    %dot_general3A_50 = tpu.matmul %exp3A, %get3A_48, %dot_general3A_49 {dimension_numbers = #tpu.dot_dimension_numbers<[1], [0], [0], [1], [0, 0, 1, 1], [], []>, transpose_lhs_hint = false} : vector<2000x8xf32>, vector<8x64xf32>, vector<2000x64xf32> -> vector<2000x64xf32>
    %mul3A_51 = arith.mulf %dot_general3A_15, %dot_general3A_35 : vector<2000x64xf32>
    %concatenate3A = tpu.concatenate %mul3A_51, %dot_general3A_45 in 1 : vector<2000x64xf32>, vector<2000x64xf32> -> vector<2000x128xf32>
    %swap3A = arith.constant 0 : index
    %swap3A_52 = arith.constant 0 : index
    %swap3A_53 = arith.constant 0 : index
    %swap3A_54 = vector.load %arg11[%swap3A, %swap3A_52, %swap3A_53] : memref<2x2000x128xf32, #tpu.memory_space<vmem>>, vector<1x2000x128xf32>
    %swap3A_55 = vector.shape_cast %swap3A_54 : vector<1x2000x128xf32> to vector<2000x128xf32>
    %swap3A_56 = vector.shape_cast %concatenate3A : vector<2000x128xf32> to vector<1x2000x128xf32>
    tpu.vector_store %arg11[%swap3A, %swap3A_52, %swap3A_53], %swap3A_56 {strides = array<i32>} : memref<2x2000x128xf32, #tpu.memory_space<vmem>>, vector<1x2000x128xf32>,
    %mul3A_57 = arith.mulf %dot_general3A_20, %dot_general3A_40 : vector<2000x64xf32>
    %concatenate3A_58 = tpu.concatenate %mul3A_57, %dot_general3A_50 in 1 : vector<2000x64xf32>, vector<2000x64xf32> -> vector<2000x128xf32>
    %swap3A_59 = arith.constant 1 : index
    %swap3A_60 = arith.constant 0 : index
    %swap3A_61 = arith.constant 0 : index
    %swap3A_62 = vector.load %arg11[%swap3A_59, %swap3A_60, %swap3A_61] : memref<2x2000x128xf32, #tpu.memory_space<vmem>>, vector<1x2000x128xf32>
    %swap3A_63 = vector.shape_cast %swap3A_62 : vector<1x2000x128xf32> to vector<2000x128xf32>
    %swap3A_64 = vector.shape_cast %concatenate3A_58 : vector<2000x128xf32> to vector<1x2000x128xf32>
    tpu.vector_store %arg11[%swap3A_59, %swap3A_60, %swap3A_61], %swap3A_64 {strides = array<i32>} : memref<2x2000x128xf32, #tpu.memory_space<vmem>>, vector<1x2000x128xf32>,
    return
  }
  func.func @transform_0(%arg0: i32) -> (i32, i32) {
    %add3A = arith.constant 64 : i32
    %add3A_0 = arith.addi %arg0, %add3A : i32
    %c0_i32 = arith.constant 0 : i32
    %c0_i32_1 = arith.constant 0 : i32
    return %add3A_0, %c0_i32 : i32, i32
  }
  func.func @transform_1(%arg0: i32) -> (i32, i32) {
    %c0_i32 = arith.constant 0 : i32
    %c0_i32_0 = arith.constant 0 : i32
    %c0_i32_1 = arith.constant 0 : i32
    return %c0_i32, %c0_i32_0 : i32, i32
  }
  func.func @transform_2(%arg0: i32) -> (i32, i32) {
    %c0_i32 = arith.constant 0 : i32
    %c0_i32_0 = arith.constant 0 : i32
    %c0_i32_1 = arith.constant 0 : i32
    return %c0_i32, %c0_i32_0 : i32, i32
  }
  func.func @transform_3(%arg0: i32) -> (i32, i32) {
    %c0_i32 = arith.constant 0 : i32
    %c0_i32_0 = arith.constant 0 : i32
    %c0_i32_1 = arith.constant 0 : i32
    return %c0_i32, %c0_i32_0 : i32, i32
  }
  func.func @transform_4(%arg0: i32) -> (i32, i32) {
    %c0_i32 = arith.constant 0 : i32
    %c0_i32_0 = arith.constant 0 : i32
    %c0_i32_1 = arith.constant 0 : i32
    return %c0_i32, %c0_i32_0 : i32, i32
  }
  func.func @transform_5(%arg0: i32) -> (i32, i32) {
    %c0_i32 = arith.constant 0 : i32
    %c0_i32_0 = arith.constant 0 : i32
    %c0_i32_1 = arith.constant 0 : i32
    return %c0_i32, %c0_i32_0 : i32, i32
  }
  func.func @transform_6(%arg0: i32) -> (i32, i32) {
    %c0_i32 = arith.constant 0 : i32
    %c0_i32_0 = arith.constant 0 : i32
    %c0_i32_1 = arith.constant 0 : i32
    return %c0_i32, %c0_i32_0 : i32, i32
  }
  func.func @transform_7(%arg0: i32) -> (i32, i32) {
    %c0_i32 = arith.constant 0 : i32
    %c0_i32_0 = arith.constant 0 : i32
    %c0_i32_1 = arith.constant 0 : i32
    return %c0_i32, %c0_i32_0 : i32, i32
  }
  func.func @transform_8(%arg0: i32) -> (i32, i32) {
    %c0_i32 = arith.constant 0 : i32
    %c0_i32_0 = arith.constant 0 : i32
    %c0_i32_1 = arith.constant 0 : i32
    return %c0_i32, %c0_i32_0 : i32, i32
  }
  func.func @transform_9(%arg0: i32) -> (i32, i32) {
    %c0_i32 = arith.constant 0 : i32
    %c0_i32_0 = arith.constant 0 : i32
    %c0_i32_1 = arith.constant 0 : i32
    return %c0_i32, %c0_i32_0 : i32, i32
  }
  func.func @transform_10(%arg0: i32) -> (i32, i32, i32) {
    %c0_i32 = arith.constant 0 : i32
    %c0_i32_0 = arith.constant 0 : i32
    %c0_i32_1 = arith.constant 0 : i32
    return %c0_i32, %arg0, %c0_i32_0 : i32, i32, i32
  }
}

module attributes {stable_mosaic.version = 14 : i64} {
  func.func @_edge_kernel(%arg0: i32, %arg1: memref<2000x128xf32, #tpu.memory_space<vmem>>, %arg2: memref<128x128xf32, #tpu.memory_space<vmem>>, %arg3: memref<128x128xf32, #tpu.memory_space<vmem>>, %arg4: memref<128x64xf32, #tpu.memory_space<vmem>>, %arg5: memref<128x64xf32, #tpu.memory_space<vmem>>, %arg6: memref<128x8xf32, #tpu.memory_space<vmem>>, %arg7: memref<8x64xf32, #tpu.memory_space<vmem>>, %arg8: memref<8x64xf32, #tpu.memory_space<vmem>>, %arg9: memref<8x64xf32, #tpu.memory_space<vmem>>, %arg10: memref<8x64xf32, #tpu.memory_space<vmem>>, %arg11: memref<2x2000x128xf32, #tpu.memory_space<vmem>>) attributes {dimension_semantics = [#tpu.dimension_semantics<arbitrary>], iteration_bounds = array<i64: 32>, scalar_prefetch = 0 : i64, scratch_operands = 0 : i64, tpu.core_type = #tpu.core_type<tc>, window_params = [{transform_indices = @transform_0, window_bounds = array<i64: 2000, 128>}, {pipeline_mode = #tpu.pipeline_mode<synchronous>, transform_indices = @transform_1, window_bounds = array<i64: 128, 128>}, {pipeline_mode = #tpu.pipeline_mode<synchronous>, transform_indices = @transform_2, window_bounds = array<i64: 128, 128>}, {pipeline_mode = #tpu.pipeline_mode<synchronous>, transform_indices = @transform_3, window_bounds = array<i64: 128, 64>}, {pipeline_mode = #tpu.pipeline_mode<synchronous>, transform_indices = @transform_4, window_bounds = array<i64: 128, 64>}, {pipeline_mode = #tpu.pipeline_mode<synchronous>, transform_indices = @transform_5, window_bounds = array<i64: 128, 8>}, {pipeline_mode = #tpu.pipeline_mode<synchronous>, transform_indices = @transform_6, window_bounds = array<i64: 8, 64>}, {pipeline_mode = #tpu.pipeline_mode<synchronous>, transform_indices = @transform_7, window_bounds = array<i64: 8, 64>}, {pipeline_mode = #tpu.pipeline_mode<synchronous>, transform_indices = @transform_8, window_bounds = array<i64: 8, 64>}, {pipeline_mode = #tpu.pipeline_mode<synchronous>, transform_indices = @transform_9, window_bounds = array<i64: 8, 64>}, {transform_indices = @transform_10, window_bounds = array<i64: 2, 2000, 128>}]} {
    %get3A = arith.constant 0 : index
    %get3A_0 = arith.constant 0 : index
    %get3A_1 = vector.load %arg1[%get3A, %get3A_0] : memref<2000x128xf32, #tpu.memory_space<vmem>>, vector<2000x128xf32>
    %get3A_2 = arith.constant 0 : index
    %get3A_3 = arith.constant 0 : index
    %get3A_4 = vector.load %arg2[%get3A_2, %get3A_3] : memref<128x128xf32, #tpu.memory_space<vmem>>, vector<128x128xf32>
    %dot_general3A = arith.constant dense<0.000000e+00> : vector<2000x128xf32>
    %dot_general3A_5 = tpu.matmul %get3A_1, %get3A_4, %dot_general3A {dimension_numbers = #tpu.dot_dimension_numbers<[1], [0], [0], [1], [0, 0, 1, 1], [], []>, transpose_lhs_hint = false} : vector<2000x128xf32>, vector<128x128xf32>, vector<2000x128xf32> -> vector<2000x128xf32>
    %get3A_6 = arith.constant 0 : index
    %get3A_7 = arith.constant 0 : index
    %get3A_8 = vector.load %arg3[%get3A_6, %get3A_7] : memref<128x128xf32, #tpu.memory_space<vmem>>, vector<128x128xf32>
    %dot_general3A_9 = arith.constant dense<0.000000e+00> : vector<2000x128xf32>
    %dot_general3A_10 = tpu.matmul %get3A_1, %get3A_8, %dot_general3A_9 {dimension_numbers = #tpu.dot_dimension_numbers<[1], [0], [0], [1], [0, 0, 1, 1], [], []>, transpose_lhs_hint = false} : vector<2000x128xf32>, vector<128x128xf32>, vector<2000x128xf32> -> vector<2000x128xf32>
    %get3A_11 = arith.constant 0 : index
    %get3A_12 = arith.constant 0 : index
    %get3A_13 = vector.load %arg4[%get3A_11, %get3A_12] : memref<128x64xf32, #tpu.memory_space<vmem>>, vector<128x64xf32>
    %dot_general3A_14 = arith.constant dense<0.000000e+00> : vector<2000x64xf32>
    %dot_general3A_15 = tpu.matmul %get3A_1, %get3A_13, %dot_general3A_14 {dimension_numbers = #tpu.dot_dimension_numbers<[1], [0], [0], [1], [0, 0, 1, 1], [], []>, transpose_lhs_hint = false} : vector<2000x128xf32>, vector<128x64xf32>, vector<2000x64xf32> -> vector<2000x64xf32>
    %get3A_16 = arith.constant 0 : index
    %get3A_17 = arith.constant 0 : index
    %get3A_18 = vector.load %arg5[%get3A_16, %get3A_17] : memref<128x64xf32, #tpu.memory_space<vmem>>, vector<128x64xf32>
    %dot_general3A_19 = arith.constant dense<0.000000e+00> : vector<2000x64xf32>
    %dot_general3A_20 = tpu.matmul %get3A_1, %get3A_18, %dot_general3A_19 {dimension_numbers = #tpu.dot_dimension_numbers<[1], [0], [0], [1], [0, 0, 1, 1], [], []>, transpose_lhs_hint = false} : vector<2000x128xf32>, vector<128x64xf32>, vector<2000x64xf32> -> vector<2000x64xf32>
    %mul3A = arith.mulf %dot_general3A_5, %dot_general3A_10 : vector<2000x128xf32>
    %get3A_21 = arith.constant 0 : index
    %get3A_22 = arith.constant 0 : index
    %get3A_23 = vector.load %arg6[%get3A_21, %get3A_22] : memref<128x8xf32, #tpu.memory_space<vmem>>, vector<128x8xf32>
    %dot_general3A_24 = arith.constant dense<0.000000e+00> : vector<2000x8xf32>
    %dot_general3A_25 = tpu.matmul %mul3A, %get3A_23, %dot_general3A_24 {dimension_numbers = #tpu.dot_dimension_numbers<[1], [0], [0], [1], [0, 0, 1, 1], [], []>, transpose_lhs_hint = false} : vector<2000x128xf32>, vector<128x8xf32>, vector<2000x8xf32> -> vector<2000x8xf32>
    %ge3A = arith.constant 0.000000e+00 : f32
    %ge3A_26 = vector.broadcast %ge3A : f32 to vector<2000x8xf32>
    %ge3A_27 = arith.cmpf oge, %dot_general3A_25, %ge3A_26 : vector<2000x8xf32>
    %mul3A_28 = arith.constant 2.000000e-01 : f32
    %mul3A_29 = vector.broadcast %mul3A_28 : f32 to vector<2000x8xf32>
    %mul3A_30 = arith.mulf %mul3A_29, %dot_general3A_25 : vector<2000x8xf32>
    %select_n3A = arith.select %ge3A_27, %dot_general3A_25, %mul3A_30 : vector<2000x8xi1>, vector<2000x8xf32>
    %exp3A = math.exp %select_n3A : vector<2000x8xf32>
    %get3A_31 = arith.constant 0 : index
    %get3A_32 = arith.constant 0 : index
    %get3A_33 = vector.load %arg7[%get3A_31, %get3A_32] : memref<8x64xf32, #tpu.memory_space<vmem>>, vector<8x64xf32>
    %dot_general3A_34 = arith.constant dense<0.000000e+00> : vector<2000x64xf32>
    %dot_general3A_35 = tpu.matmul %exp3A, %get3A_33, %dot_general3A_34 {dimension_numbers = #tpu.dot_dimension_numbers<[1], [0], [0], [1], [0, 0, 1, 1], [], []>, transpose_lhs_hint = false} : vector<2000x8xf32>, vector<8x64xf32>, vector<2000x64xf32> -> vector<2000x64xf32>
    %get3A_36 = arith.constant 0 : index
    %get3A_37 = arith.constant 0 : index
    %get3A_38 = vector.load %arg8[%get3A_36, %get3A_37] : memref<8x64xf32, #tpu.memory_space<vmem>>, vector<8x64xf32>
    %dot_general3A_39 = arith.constant dense<0.000000e+00> : vector<2000x64xf32>
    %dot_general3A_40 = tpu.matmul %exp3A, %get3A_38, %dot_general3A_39 {dimension_numbers = #tpu.dot_dimension_numbers<[1], [0], [0], [1], [0, 0, 1, 1], [], []>, transpose_lhs_hint = false} : vector<2000x8xf32>, vector<8x64xf32>, vector<2000x64xf32> -> vector<2000x64xf32>
    %get3A_41 = arith.constant 0 : index
    %get3A_42 = arith.constant 0 : index
    %get3A_43 = vector.load %arg9[%get3A_41, %get3A_42] : memref<8x64xf32, #tpu.memory_space<vmem>>, vector<8x64xf32>
    %dot_general3A_44 = arith.constant dense<0.000000e+00> : vector<2000x64xf32>
    %dot_general3A_45 = tpu.matmul %exp3A, %get3A_43, %dot_general3A_44 {dimension_numbers = #tpu.dot_dimension_numbers<[1], [0], [0], [1], [0, 0, 1, 1], [], []>, transpose_lhs_hint = false} : vector<2000x8xf32>, vector<8x64xf32>, vector<2000x64xf32> -> vector<2000x64xf32>
    %get3A_46 = arith.constant 0 : index
    %get3A_47 = arith.constant 0 : index
    %get3A_48 = vector.load %arg10[%get3A_46, %get3A_47] : memref<8x64xf32, #tpu.memory_space<vmem>>, vector<8x64xf32>
    %dot_general3A_49 = arith.constant dense<0.000000e+00> : vector<2000x64xf32>
    %dot_general3A_50 = tpu.matmul %exp3A, %get3A_48, %dot_general3A_49 {dimension_numbers = #tpu.dot_dimension_numbers<[1], [0], [0], [1], [0, 0, 1, 1], [], []>, transpose_lhs_hint = false} : vector<2000x8xf32>, vector<8x64xf32>, vector<2000x64xf32> -> vector<2000x64xf32>
    %mul3A_51 = arith.mulf %dot_general3A_15, %dot_general3A_35 : vector<2000x64xf32>
    %concatenate3A = tpu.concatenate %mul3A_51, %dot_general3A_45 in 1 : vector<2000x64xf32>, vector<2000x64xf32> -> vector<2000x128xf32>
    %swap3A = arith.constant 0 : index
    %swap3A_52 = arith.constant 0 : index
    %swap3A_53 = arith.constant 0 : index
    %swap3A_54 = vector.load %arg11[%swap3A, %swap3A_52, %swap3A_53] : memref<2x2000x128xf32, #tpu.memory_space<vmem>>, vector<1x2000x128xf32>
    %swap3A_55 = vector.shape_cast %swap3A_54 : vector<1x2000x128xf32> to vector<2000x128xf32>
    %swap3A_56 = vector.shape_cast %concatenate3A : vector<2000x128xf32> to vector<1x2000x128xf32>
    tpu.vector_store %arg11[%swap3A, %swap3A_52, %swap3A_53], %swap3A_56 {strides = array<i32>} : memref<2x2000x128xf32, #tpu.memory_space<vmem>>, vector<1x2000x128xf32>,
    %mul3A_57 = arith.mulf %dot_general3A_20, %dot_general3A_40 : vector<2000x64xf32>
    %concatenate3A_58 = tpu.concatenate %mul3A_57, %dot_general3A_50 in 1 : vector<2000x64xf32>, vector<2000x64xf32> -> vector<2000x128xf32>
    %swap3A_59 = arith.constant 1 : index
    %swap3A_60 = arith.constant 0 : index
    %swap3A_61 = arith.constant 0 : index
    %swap3A_62 = vector.load %arg11[%swap3A_59, %swap3A_60, %swap3A_61] : memref<2x2000x128xf32, #tpu.memory_space<vmem>>, vector<1x2000x128xf32>
    %swap3A_63 = vector.shape_cast %swap3A_62 : vector<1x2000x128xf32> to vector<2000x128xf32>
    %swap3A_64 = vector.shape_cast %concatenate3A_58 : vector<2000x128xf32> to vector<1x2000x128xf32>
    tpu.vector_store %arg11[%swap3A_59, %swap3A_60, %swap3A_61], %swap3A_64 {strides = array<i32>} : memref<2x2000x128xf32, #tpu.memory_space<vmem>>, vector<1x2000x128xf32>,
    return
  }
  func.func @transform_0(%arg0: i32) -> (i32, i32) {
    %add3A = arith.constant 32 : i32
    %add3A_0 = arith.addi %arg0, %add3A : i32
    %c0_i32 = arith.constant 0 : i32
    %c0_i32_1 = arith.constant 0 : i32
    return %add3A_0, %c0_i32 : i32, i32
  }
  func.func @transform_1(%arg0: i32) -> (i32, i32) {
    %c0_i32 = arith.constant 0 : i32
    %c0_i32_0 = arith.constant 0 : i32
    %c0_i32_1 = arith.constant 0 : i32
    return %c0_i32, %c0_i32_0 : i32, i32
  }
  func.func @transform_2(%arg0: i32) -> (i32, i32) {
    %c0_i32 = arith.constant 0 : i32
    %c0_i32_0 = arith.constant 0 : i32
    %c0_i32_1 = arith.constant 0 : i32
    return %c0_i32, %c0_i32_0 : i32, i32
  }
  func.func @transform_3(%arg0: i32) -> (i32, i32) {
    %c0_i32 = arith.constant 0 : i32
    %c0_i32_0 = arith.constant 0 : i32
    %c0_i32_1 = arith.constant 0 : i32
    return %c0_i32, %c0_i32_0 : i32, i32
  }
  func.func @transform_4(%arg0: i32) -> (i32, i32) {
    %c0_i32 = arith.constant 0 : i32
    %c0_i32_0 = arith.constant 0 : i32
    %c0_i32_1 = arith.constant 0 : i32
    return %c0_i32, %c0_i32_0 : i32, i32
  }
  func.func @transform_5(%arg0: i32) -> (i32, i32) {
    %c0_i32 = arith.constant 0 : i32
    %c0_i32_0 = arith.constant 0 : i32
    %c0_i32_1 = arith.constant 0 : i32
    return %c0_i32, %c0_i32_0 : i32, i32
  }
  func.func @transform_6(%arg0: i32) -> (i32, i32) {
    %c0_i32 = arith.constant 0 : i32
    %c0_i32_0 = arith.constant 0 : i32
    %c0_i32_1 = arith.constant 0 : i32
    return %c0_i32, %c0_i32_0 : i32, i32
  }
  func.func @transform_7(%arg0: i32) -> (i32, i32) {
    %c0_i32 = arith.constant 0 : i32
    %c0_i32_0 = arith.constant 0 : i32
    %c0_i32_1 = arith.constant 0 : i32
    return %c0_i32, %c0_i32_0 : i32, i32
  }
  func.func @transform_8(%arg0: i32) -> (i32, i32) {
    %c0_i32 = arith.constant 0 : i32
    %c0_i32_0 = arith.constant 0 : i32
    %c0_i32_1 = arith.constant 0 : i32
    return %c0_i32, %c0_i32_0 : i32, i32
  }
  func.func @transform_9(%arg0: i32) -> (i32, i32) {
    %c0_i32 = arith.constant 0 : i32
    %c0_i32_0 = arith.constant 0 : i32
    %c0_i32_1 = arith.constant 0 : i32
    return %c0_i32, %c0_i32_0 : i32, i32
  }
  func.func @transform_10(%arg0: i32) -> (i32, i32, i32) {
    %c0_i32 = arith.constant 0 : i32
    %c0_i32_0 = arith.constant 0 : i32
    %c0_i32_1 = arith.constant 0 : i32
    return %c0_i32, %arg0, %c0_i32_0 : i32, i32, i32
  }
}

module attributes {stable_mosaic.version = 14 : i64} {
  func.func @_edge_kernel(%arg0: i32, %arg1: memref<2000x128xf32, #tpu.memory_space<vmem>>, %arg2: memref<128x128xf32, #tpu.memory_space<vmem>>, %arg3: memref<128x128xf32, #tpu.memory_space<vmem>>, %arg4: memref<128x64xf32, #tpu.memory_space<vmem>>, %arg5: memref<128x64xf32, #tpu.memory_space<vmem>>, %arg6: memref<128x8xf32, #tpu.memory_space<vmem>>, %arg7: memref<8x64xf32, #tpu.memory_space<vmem>>, %arg8: memref<8x64xf32, #tpu.memory_space<vmem>>, %arg9: memref<8x64xf32, #tpu.memory_space<vmem>>, %arg10: memref<8x64xf32, #tpu.memory_space<vmem>>, %arg11: memref<2x2000x128xf32, #tpu.memory_space<vmem>>) attributes {dimension_semantics = [#tpu.dimension_semantics<arbitrary>], iteration_bounds = array<i64: 32>, scalar_prefetch = 0 : i64, scratch_operands = 0 : i64, tpu.core_type = #tpu.core_type<tc>, window_params = [{transform_indices = @transform_0, window_bounds = array<i64: 2000, 128>}, {pipeline_mode = #tpu.pipeline_mode<synchronous>, transform_indices = @transform_1, window_bounds = array<i64: 128, 128>}, {pipeline_mode = #tpu.pipeline_mode<synchronous>, transform_indices = @transform_2, window_bounds = array<i64: 128, 128>}, {pipeline_mode = #tpu.pipeline_mode<synchronous>, transform_indices = @transform_3, window_bounds = array<i64: 128, 64>}, {pipeline_mode = #tpu.pipeline_mode<synchronous>, transform_indices = @transform_4, window_bounds = array<i64: 128, 64>}, {pipeline_mode = #tpu.pipeline_mode<synchronous>, transform_indices = @transform_5, window_bounds = array<i64: 128, 8>}, {pipeline_mode = #tpu.pipeline_mode<synchronous>, transform_indices = @transform_6, window_bounds = array<i64: 8, 64>}, {pipeline_mode = #tpu.pipeline_mode<synchronous>, transform_indices = @transform_7, window_bounds = array<i64: 8, 64>}, {pipeline_mode = #tpu.pipeline_mode<synchronous>, transform_indices = @transform_8, window_bounds = array<i64: 8, 64>}, {pipeline_mode = #tpu.pipeline_mode<synchronous>, transform_indices = @transform_9, window_bounds = array<i64: 8, 64>}, {transform_indices = @transform_10, window_bounds = array<i64: 2, 2000, 128>}]} {
    %get3A = arith.constant 0 : index
    %get3A_0 = arith.constant 0 : index
    %get3A_1 = vector.load %arg1[%get3A, %get3A_0] : memref<2000x128xf32, #tpu.memory_space<vmem>>, vector<2000x128xf32>
    %get3A_2 = arith.constant 0 : index
    %get3A_3 = arith.constant 0 : index
    %get3A_4 = vector.load %arg2[%get3A_2, %get3A_3] : memref<128x128xf32, #tpu.memory_space<vmem>>, vector<128x128xf32>
    %dot_general3A = arith.constant dense<0.000000e+00> : vector<2000x128xf32>
    %dot_general3A_5 = tpu.matmul %get3A_1, %get3A_4, %dot_general3A {dimension_numbers = #tpu.dot_dimension_numbers<[1], [0], [0], [1], [0, 0, 1, 1], [], []>, transpose_lhs_hint = false} : vector<2000x128xf32>, vector<128x128xf32>, vector<2000x128xf32> -> vector<2000x128xf32>
    %get3A_6 = arith.constant 0 : index
    %get3A_7 = arith.constant 0 : index
    %get3A_8 = vector.load %arg3[%get3A_6, %get3A_7] : memref<128x128xf32, #tpu.memory_space<vmem>>, vector<128x128xf32>
    %dot_general3A_9 = arith.constant dense<0.000000e+00> : vector<2000x128xf32>
    %dot_general3A_10 = tpu.matmul %get3A_1, %get3A_8, %dot_general3A_9 {dimension_numbers = #tpu.dot_dimension_numbers<[1], [0], [0], [1], [0, 0, 1, 1], [], []>, transpose_lhs_hint = false} : vector<2000x128xf32>, vector<128x128xf32>, vector<2000x128xf32> -> vector<2000x128xf32>
    %get3A_11 = arith.constant 0 : index
    %get3A_12 = arith.constant 0 : index
    %get3A_13 = vector.load %arg4[%get3A_11, %get3A_12] : memref<128x64xf32, #tpu.memory_space<vmem>>, vector<128x64xf32>
    %dot_general3A_14 = arith.constant dense<0.000000e+00> : vector<2000x64xf32>
    %dot_general3A_15 = tpu.matmul %get3A_1, %get3A_13, %dot_general3A_14 {dimension_numbers = #tpu.dot_dimension_numbers<[1], [0], [0], [1], [0, 0, 1, 1], [], []>, transpose_lhs_hint = false} : vector<2000x128xf32>, vector<128x64xf32>, vector<2000x64xf32> -> vector<2000x64xf32>
    %get3A_16 = arith.constant 0 : index
    %get3A_17 = arith.constant 0 : index
    %get3A_18 = vector.load %arg5[%get3A_16, %get3A_17] : memref<128x64xf32, #tpu.memory_space<vmem>>, vector<128x64xf32>
    %dot_general3A_19 = arith.constant dense<0.000000e+00> : vector<2000x64xf32>
    %dot_general3A_20 = tpu.matmul %get3A_1, %get3A_18, %dot_general3A_19 {dimension_numbers = #tpu.dot_dimension_numbers<[1], [0], [0], [1], [0, 0, 1, 1], [], []>, transpose_lhs_hint = false} : vector<2000x128xf32>, vector<128x64xf32>, vector<2000x64xf32> -> vector<2000x64xf32>
    %mul3A = arith.mulf %dot_general3A_5, %dot_general3A_10 : vector<2000x128xf32>
    %get3A_21 = arith.constant 0 : index
    %get3A_22 = arith.constant 0 : index
    %get3A_23 = vector.load %arg6[%get3A_21, %get3A_22] : memref<128x8xf32, #tpu.memory_space<vmem>>, vector<128x8xf32>
    %dot_general3A_24 = arith.constant dense<0.000000e+00> : vector<2000x8xf32>
    %dot_general3A_25 = tpu.matmul %mul3A, %get3A_23, %dot_general3A_24 {dimension_numbers = #tpu.dot_dimension_numbers<[1], [0], [0], [1], [0, 0, 1, 1], [], []>, transpose_lhs_hint = false} : vector<2000x128xf32>, vector<128x8xf32>, vector<2000x8xf32> -> vector<2000x8xf32>
    %ge3A = arith.constant 0.000000e+00 : f32
    %ge3A_26 = vector.broadcast %ge3A : f32 to vector<2000x8xf32>
    %ge3A_27 = arith.cmpf oge, %dot_general3A_25, %ge3A_26 : vector<2000x8xf32>
    %mul3A_28 = arith.constant 2.000000e-01 : f32
    %mul3A_29 = vector.broadcast %mul3A_28 : f32 to vector<2000x8xf32>
    %mul3A_30 = arith.mulf %mul3A_29, %dot_general3A_25 : vector<2000x8xf32>
    %select_n3A = arith.select %ge3A_27, %dot_general3A_25, %mul3A_30 : vector<2000x8xi1>, vector<2000x8xf32>
    %exp3A = math.exp %select_n3A : vector<2000x8xf32>
    %get3A_31 = arith.constant 0 : index
    %get3A_32 = arith.constant 0 : index
    %get3A_33 = vector.load %arg7[%get3A_31, %get3A_32] : memref<8x64xf32, #tpu.memory_space<vmem>>, vector<8x64xf32>
    %dot_general3A_34 = arith.constant dense<0.000000e+00> : vector<2000x64xf32>
    %dot_general3A_35 = tpu.matmul %exp3A, %get3A_33, %dot_general3A_34 {dimension_numbers = #tpu.dot_dimension_numbers<[1], [0], [0], [1], [0, 0, 1, 1], [], []>, transpose_lhs_hint = false} : vector<2000x8xf32>, vector<8x64xf32>, vector<2000x64xf32> -> vector<2000x64xf32>
    %get3A_36 = arith.constant 0 : index
    %get3A_37 = arith.constant 0 : index
    %get3A_38 = vector.load %arg8[%get3A_36, %get3A_37] : memref<8x64xf32, #tpu.memory_space<vmem>>, vector<8x64xf32>
    %dot_general3A_39 = arith.constant dense<0.000000e+00> : vector<2000x64xf32>
    %dot_general3A_40 = tpu.matmul %exp3A, %get3A_38, %dot_general3A_39 {dimension_numbers = #tpu.dot_dimension_numbers<[1], [0], [0], [1], [0, 0, 1, 1], [], []>, transpose_lhs_hint = false} : vector<2000x8xf32>, vector<8x64xf32>, vector<2000x64xf32> -> vector<2000x64xf32>
    %get3A_41 = arith.constant 0 : index
    %get3A_42 = arith.constant 0 : index
    %get3A_43 = vector.load %arg9[%get3A_41, %get3A_42] : memref<8x64xf32, #tpu.memory_space<vmem>>, vector<8x64xf32>
    %dot_general3A_44 = arith.constant dense<0.000000e+00> : vector<2000x64xf32>
    %dot_general3A_45 = tpu.matmul %exp3A, %get3A_43, %dot_general3A_44 {dimension_numbers = #tpu.dot_dimension_numbers<[1], [0], [0], [1], [0, 0, 1, 1], [], []>, transpose_lhs_hint = false} : vector<2000x8xf32>, vector<8x64xf32>, vector<2000x64xf32> -> vector<2000x64xf32>
    %get3A_46 = arith.constant 0 : index
    %get3A_47 = arith.constant 0 : index
    %get3A_48 = vector.load %arg10[%get3A_46, %get3A_47] : memref<8x64xf32, #tpu.memory_space<vmem>>, vector<8x64xf32>
    %dot_general3A_49 = arith.constant dense<0.000000e+00> : vector<2000x64xf32>
    %dot_general3A_50 = tpu.matmul %exp3A, %get3A_48, %dot_general3A_49 {dimension_numbers = #tpu.dot_dimension_numbers<[1], [0], [0], [1], [0, 0, 1, 1], [], []>, transpose_lhs_hint = false} : vector<2000x8xf32>, vector<8x64xf32>, vector<2000x64xf32> -> vector<2000x64xf32>
    %mul3A_51 = arith.mulf %dot_general3A_15, %dot_general3A_35 : vector<2000x64xf32>
    %concatenate3A = tpu.concatenate %mul3A_51, %dot_general3A_45 in 1 : vector<2000x64xf32>, vector<2000x64xf32> -> vector<2000x128xf32>
    %swap3A = arith.constant 0 : index
    %swap3A_52 = arith.constant 0 : index
    %swap3A_53 = arith.constant 0 : index
    %swap3A_54 = vector.load %arg11[%swap3A, %swap3A_52, %swap3A_53] : memref<2x2000x128xf32, #tpu.memory_space<vmem>>, vector<1x2000x128xf32>
    %swap3A_55 = vector.shape_cast %swap3A_54 : vector<1x2000x128xf32> to vector<2000x128xf32>
    %swap3A_56 = vector.shape_cast %concatenate3A : vector<2000x128xf32> to vector<1x2000x128xf32>
    tpu.vector_store %arg11[%swap3A, %swap3A_52, %swap3A_53], %swap3A_56 {strides = array<i32>} : memref<2x2000x128xf32, #tpu.memory_space<vmem>>, vector<1x2000x128xf32>,
    %mul3A_57 = arith.mulf %dot_general3A_20, %dot_general3A_40 : vector<2000x64xf32>
    %concatenate3A_58 = tpu.concatenate %mul3A_57, %dot_general3A_50 in 1 : vector<2000x64xf32>, vector<2000x64xf32> -> vector<2000x128xf32>
    %swap3A_59 = arith.constant 1 : index
    %swap3A_60 = arith.constant 0 : index
    %swap3A_61 = arith.constant 0 : index
    %swap3A_62 = vector.load %arg11[%swap3A_59, %swap3A_60, %swap3A_61] : memref<2x2000x128xf32, #tpu.memory_space<vmem>>, vector<1x2000x128xf32>
    %swap3A_63 = vector.shape_cast %swap3A_62 : vector<1x2000x128xf32> to vector<2000x128xf32>
    %swap3A_64 = vector.shape_cast %concatenate3A_58 : vector<2000x128xf32> to vector<1x2000x128xf32>
    tpu.vector_store %arg11[%swap3A_59, %swap3A_60, %swap3A_61], %swap3A_64 {strides = array<i32>} : memref<2x2000x128xf32, #tpu.memory_space<vmem>>, vector<1x2000x128xf32>,
    return
  }
  func.func @transform_0(%arg0: i32) -> (i32, i32) {
    %add3A = arith.constant 0 : i32
    %add3A_0 = arith.addi %arg0, %add3A : i32
    %c0_i32 = arith.constant 0 : i32
    %c0_i32_1 = arith.constant 0 : i32
    return %add3A_0, %c0_i32 : i32, i32
  }
  func.func @transform_1(%arg0: i32) -> (i32, i32) {
    %c0_i32 = arith.constant 0 : i32
    %c0_i32_0 = arith.constant 0 : i32
    %c0_i32_1 = arith.constant 0 : i32
    return %c0_i32, %c0_i32_0 : i32, i32
  }
  func.func @transform_2(%arg0: i32) -> (i32, i32) {
    %c0_i32 = arith.constant 0 : i32
    %c0_i32_0 = arith.constant 0 : i32
    %c0_i32_1 = arith.constant 0 : i32
    return %c0_i32, %c0_i32_0 : i32, i32
  }
  func.func @transform_3(%arg0: i32) -> (i32, i32) {
    %c0_i32 = arith.constant 0 : i32
    %c0_i32_0 = arith.constant 0 : i32
    %c0_i32_1 = arith.constant 0 : i32
    return %c0_i32, %c0_i32_0 : i32, i32
  }
  func.func @transform_4(%arg0: i32) -> (i32, i32) {
    %c0_i32 = arith.constant 0 : i32
    %c0_i32_0 = arith.constant 0 : i32
    %c0_i32_1 = arith.constant 0 : i32
    return %c0_i32, %c0_i32_0 : i32, i32
  }
  func.func @transform_5(%arg0: i32) -> (i32, i32) {
    %c0_i32 = arith.constant 0 : i32
    %c0_i32_0 = arith.constant 0 : i32
    %c0_i32_1 = arith.constant 0 : i32
    return %c0_i32, %c0_i32_0 : i32, i32
  }
  func.func @transform_6(%arg0: i32) -> (i32, i32) {
    %c0_i32 = arith.constant 0 : i32
    %c0_i32_0 = arith.constant 0 : i32
    %c0_i32_1 = arith.constant 0 : i32
    return %c0_i32, %c0_i32_0 : i32, i32
  }
  func.func @transform_7(%arg0: i32) -> (i32, i32) {
    %c0_i32 = arith.constant 0 : i32
    %c0_i32_0 = arith.constant 0 : i32
    %c0_i32_1 = arith.constant 0 : i32
    return %c0_i32, %c0_i32_0 : i32, i32
  }
  func.func @transform_8(%arg0: i32) -> (i32, i32) {
    %c0_i32 = arith.constant 0 : i32
    %c0_i32_0 = arith.constant 0 : i32
    %c0_i32_1 = arith.constant 0 : i32
    return %c0_i32, %c0_i32_0 : i32, i32
  }
  func.func @transform_9(%arg0: i32) -> (i32, i32) {
    %c0_i32 = arith.constant 0 : i32
    %c0_i32_0 = arith.constant 0 : i32
    %c0_i32_1 = arith.constant 0 : i32
    return %c0_i32, %c0_i32_0 : i32, i32
  }
  func.func @transform_10(%arg0: i32) -> (i32, i32, i32) {
    %c0_i32 = arith.constant 0 : i32
    %c0_i32_0 = arith.constant 0 : i32
    %c0_i32_1 = arith.constant 0 : i32
    return %c0_i32, %arg0, %c0_i32_0 : i32, i32, i32
  }
}

module attributes {stable_mosaic.version = 14 : i64} {
  func.func @_finish_kernel(%arg0: i32, %arg1: memref<2x2000x72xf32, #tpu.memory_space<vmem>>, %arg2: memref<2x2000x72xf32, #tpu.memory_space<vmem>>, %arg3: memref<2x2000x72xf32, #tpu.memory_space<vmem>>, %arg4: memref<2x2000x72xf32, #tpu.memory_space<vmem>>, %arg5: memref<2x2000x72xf32, #tpu.memory_space<vmem>>, %arg6: memref<72x128xf32, #tpu.memory_space<vmem>>, %arg7: memref<72x128xf32, #tpu.memory_space<vmem>>, %arg8: memref<72x128xf32, #tpu.memory_space<vmem>>, %arg9: memref<72x128xf32, #tpu.memory_space<vmem>>, %arg10: memref<128x128xf32, #tpu.memory_space<vmem>>, %arg11: memref<1x128xf32, #tpu.memory_space<vmem>>, %arg12: memref<2000x128xf32, #tpu.memory_space<vmem>>) attributes {dimension_semantics = [#tpu.dimension_semantics<arbitrary>], iteration_bounds = array<i64: 5>, scalar_prefetch = 0 : i64, scratch_operands = 0 : i64, tpu.core_type = #tpu.core_type<tc>, window_params = [{transform_indices = @transform_0, window_bounds = array<i64: 2, 2000, 72>}, {transform_indices = @transform_1, window_bounds = array<i64: 2, 2000, 72>}, {transform_indices = @transform_2, window_bounds = array<i64: 2, 2000, 72>}, {transform_indices = @transform_3, window_bounds = array<i64: 2, 2000, 72>}, {transform_indices = @transform_4, window_bounds = array<i64: 2, 2000, 72>}, {pipeline_mode = #tpu.pipeline_mode<synchronous>, transform_indices = @transform_5, window_bounds = array<i64: 72, 128>}, {pipeline_mode = #tpu.pipeline_mode<synchronous>, transform_indices = @transform_6, window_bounds = array<i64: 72, 128>}, {pipeline_mode = #tpu.pipeline_mode<synchronous>, transform_indices = @transform_7, window_bounds = array<i64: 72, 128>}, {pipeline_mode = #tpu.pipeline_mode<synchronous>, transform_indices = @transform_8, window_bounds = array<i64: 72, 128>}, {pipeline_mode = #tpu.pipeline_mode<synchronous>, transform_indices = @transform_9, window_bounds = array<i64: 128, 128>}, {pipeline_mode = #tpu.pipeline_mode<synchronous>, transform_indices = @transform_10, window_bounds = array<i64: 1, 128>}, {transform_indices = @transform_11, window_bounds = array<i64: 2000, 128>}]} {
    %get3A = arith.constant 0 : index
    %get3A_0 = arith.constant 0 : index
    %get3A_1 = arith.constant 0 : index
    %get3A_2 = vector.load %arg1[%get3A, %get3A_0, %get3A_1] : memref<2x2000x72xf32, #tpu.memory_space<vmem>>, vector<1x2000x72xf32>
    %get3A_3 = vector.shape_cast %get3A_2 : vector<1x2000x72xf32> to vector<2000x72xf32>
    %get3A_4 = arith.constant 1 : index
    %get3A_5 = arith.constant 0 : index
    %get3A_6 = arith.constant 0 : index
    %get3A_7 = vector.load %arg1[%get3A_4, %get3A_5, %get3A_6] : memref<2x2000x72xf32, #tpu.memory_space<vmem>>, vector<1x2000x72xf32>
    %get3A_8 = vector.shape_cast %get3A_7 : vector<1x2000x72xf32> to vector<2000x72xf32>
    %get3A_9 = arith.constant 0 : index
    %get3A_10 = arith.constant 0 : index
    %get3A_11 = arith.constant 0 : index
    %get3A_12 = vector.load %arg2[%get3A_9, %get3A_10, %get3A_11] : memref<2x2000x72xf32, #tpu.memory_space<vmem>>, vector<1x2000x72xf32>
    %get3A_13 = vector.shape_cast %get3A_12 : vector<1x2000x72xf32> to vector<2000x72xf32>
    %add3A = arith.addf %get3A_3, %get3A_13 : vector<2000x72xf32>
    %get3A_14 = arith.constant 1 : index
    %get3A_15 = arith.constant 0 : index
    %get3A_16 = arith.constant 0 : index
    %get3A_17 = vector.load %arg2[%get3A_14, %get3A_15, %get3A_16] : memref<2x2000x72xf32, #tpu.memory_space<vmem>>, vector<1x2000x72xf32>
    %get3A_18 = vector.shape_cast %get3A_17 : vector<1x2000x72xf32> to vector<2000x72xf32>
    %add3A_19 = arith.addf %get3A_8, %get3A_18 : vector<2000x72xf32>
    %get3A_20 = arith.constant 0 : index
    %get3A_21 = arith.constant 0 : index
    %get3A_22 = arith.constant 0 : index
    %get3A_23 = vector.load %arg3[%get3A_20, %get3A_21, %get3A_22] : memref<2x2000x72xf32, #tpu.memory_space<vmem>>, vector<1x2000x72xf32>
    %get3A_24 = vector.shape_cast %get3A_23 : vector<1x2000x72xf32> to vector<2000x72xf32>
    %add3A_25 = arith.addf %add3A, %get3A_24 : vector<2000x72xf32>
    %get3A_26 = arith.constant 1 : index
    %get3A_27 = arith.constant 0 : index
    %get3A_28 = arith.constant 0 : index
    %get3A_29 = vector.load %arg3[%get3A_26, %get3A_27, %get3A_28] : memref<2x2000x72xf32, #tpu.memory_space<vmem>>, vector<1x2000x72xf32>
    %get3A_30 = vector.shape_cast %get3A_29 : vector<1x2000x72xf32> to vector<2000x72xf32>
    %add3A_31 = arith.addf %add3A_19, %get3A_30 : vector<2000x72xf32>
    %get3A_32 = arith.constant 0 : index
    %get3A_33 = arith.constant 0 : index
    %get3A_34 = arith.constant 0 : index
    %get3A_35 = vector.load %arg4[%get3A_32, %get3A_33, %get3A_34] : memref<2x2000x72xf32, #tpu.memory_space<vmem>>, vector<1x2000x72xf32>
    %get3A_36 = vector.shape_cast %get3A_35 : vector<1x2000x72xf32> to vector<2000x72xf32>
    %add3A_37 = arith.addf %add3A_25, %get3A_36 : vector<2000x72xf32>
    %get3A_38 = arith.constant 1 : index
    %get3A_39 = arith.constant 0 : index
    %get3A_40 = arith.constant 0 : index
    %get3A_41 = vector.load %arg4[%get3A_38, %get3A_39, %get3A_40] : memref<2x2000x72xf32, #tpu.memory_space<vmem>>, vector<1x2000x72xf32>
    %get3A_42 = vector.shape_cast %get3A_41 : vector<1x2000x72xf32> to vector<2000x72xf32>
    %add3A_43 = arith.addf %add3A_31, %get3A_42 : vector<2000x72xf32>
    %get3A_44 = arith.constant 0 : index
    %get3A_45 = arith.constant 0 : index
    %get3A_46 = arith.constant 0 : index
    %get3A_47 = vector.load %arg5[%get3A_44, %get3A_45, %get3A_46] : memref<2x2000x72xf32, #tpu.memory_space<vmem>>, vector<1x2000x72xf32>
    %get3A_48 = vector.shape_cast %get3A_47 : vector<1x2000x72xf32> to vector<2000x72xf32>
    %add3A_49 = arith.addf %add3A_37, %get3A_48 : vector<2000x72xf32>
    %get3A_50 = arith.constant 1 : index
    %get3A_51 = arith.constant 0 : index
    %get3A_52 = arith.constant 0 : index
    %get3A_53 = vector.load %arg5[%get3A_50, %get3A_51, %get3A_52] : memref<2x2000x72xf32, #tpu.memory_space<vmem>>, vector<1x2000x72xf32>
    %get3A_54 = vector.shape_cast %get3A_53 : vector<1x2000x72xf32> to vector<2000x72xf32>
    %add3A_55 = arith.addf %add3A_43, %get3A_54 : vector<2000x72xf32>
    %get3A_56 = arith.constant 0 : index
    %get3A_57 = arith.constant 0 : index
    %get3A_58 = vector.load %arg6[%get3A_56, %get3A_57] : memref<72x128xf32, #tpu.memory_space<vmem>>, vector<72x128xf32>
    %dot_general3A = arith.constant dense<0.000000e+00> : vector<2000x128xf32>
    %dot_general3A_59 = tpu.matmul %add3A_49, %get3A_58, %dot_general3A {dimension_numbers = #tpu.dot_dimension_numbers<[1], [0], [0], [1], [0, 0, 1, 1], [], []>, transpose_lhs_hint = false} : vector<2000x72xf32>, vector<72x128xf32>, vector<2000x128xf32> -> vector<2000x128xf32>
    %get3A_60 = arith.constant 0 : index
    %get3A_61 = arith.constant 0 : index
    %get3A_62 = vector.load %arg7[%get3A_60, %get3A_61] : memref<72x128xf32, #tpu.memory_space<vmem>>, vector<72x128xf32>
    %dot_general3A_63 = arith.constant dense<0.000000e+00> : vector<2000x128xf32>
    %dot_general3A_64 = tpu.matmul %add3A_55, %get3A_62, %dot_general3A_63 {dimension_numbers = #tpu.dot_dimension_numbers<[1], [0], [0], [1], [0, 0, 1, 1], [], []>, transpose_lhs_hint = false} : vector<2000x72xf32>, vector<72x128xf32>, vector<2000x128xf32> -> vector<2000x128xf32>
    %add3A_65 = arith.addf %dot_general3A_59, %dot_general3A_64 : vector<2000x128xf32>
    %get3A_66 = arith.constant 0 : index
    %get3A_67 = arith.constant 0 : index
    %get3A_68 = vector.load %arg8[%get3A_66, %get3A_67] : memref<72x128xf32, #tpu.memory_space<vmem>>, vector<72x128xf32>
    %dot_general3A_69 = arith.constant dense<0.000000e+00> : vector<2000x128xf32>
    %dot_general3A_70 = tpu.matmul %add3A_49, %get3A_68, %dot_general3A_69 {dimension_numbers = #tpu.dot_dimension_numbers<[1], [0], [0], [1], [0, 0, 1, 1], [], []>, transpose_lhs_hint = false} : vector<2000x72xf32>, vector<72x128xf32>, vector<2000x128xf32> -> vector<2000x128xf32>
    %get3A_71 = arith.constant 0 : index
    %get3A_72 = arith.constant 0 : index
    %get3A_73 = vector.load %arg9[%get3A_71, %get3A_72] : memref<72x128xf32, #tpu.memory_space<vmem>>, vector<72x128xf32>
    %dot_general3A_74 = arith.constant dense<0.000000e+00> : vector<2000x128xf32>
    %dot_general3A_75 = tpu.matmul %add3A_55, %get3A_73, %dot_general3A_74 {dimension_numbers = #tpu.dot_dimension_numbers<[1], [0], [0], [1], [0, 0, 1, 1], [], []>, transpose_lhs_hint = false} : vector<2000x72xf32>, vector<72x128xf32>, vector<2000x128xf32> -> vector<2000x128xf32>
    %add3A_76 = arith.addf %dot_general3A_70, %dot_general3A_75 : vector<2000x128xf32>
    %gt3A = arith.constant 0.000000e+00 : f32
    %gt3A_77 = vector.broadcast %gt3A : f32 to vector<2000x128xf32>
    %gt3A_78 = arith.cmpf ogt, %add3A_76, %gt3A_77 : vector<2000x128xf32>
    %div3A = arith.divf %add3A_65, %add3A_76 : vector<2000x128xf32>
    %jit3A = arith.constant 0.000000e+00 : f32
    %broadcast_in_dim3A = vector.broadcast %jit3A : f32 to vector<2000x128xf32>
    %select_n3A = arith.select %gt3A_78, %div3A, %broadcast_in_dim3A : vector<2000x128xi1>, vector<2000x128xf32>
    %get3A_79 = arith.constant 0 : index
    %get3A_80 = arith.constant 0 : index
    %get3A_81 = vector.load %arg10[%get3A_79, %get3A_80] : memref<128x128xf32, #tpu.memory_space<vmem>>, vector<128x128xf32>
    %dot_general3A_82 = arith.constant dense<0.000000e+00> : vector<2000x128xf32>
    %dot_general3A_83 = tpu.matmul %select_n3A, %get3A_81, %dot_general3A_82 {dimension_numbers = #tpu.dot_dimension_numbers<[1], [0], [0], [1], [0, 0, 1, 1], [], []>, transpose_lhs_hint = false} : vector<2000x128xf32>, vector<128x128xf32>, vector<2000x128xf32> -> vector<2000x128xf32>
    %get3A_84 = arith.constant 0 : index
    %get3A_85 = arith.constant 0 : index
    %get3A_86 = vector.load %arg11[%get3A_84, %get3A_85] : memref<1x128xf32, #tpu.memory_space<vmem>>, vector<1x128xf32>
    %add3A_87 = vector.broadcast %get3A_86 : vector<1x128xf32> to vector<2000x128xf32>
    %add3A_88 = arith.addf %dot_general3A_83, %add3A_87 : vector<2000x128xf32>
    %swap3A = arith.constant 0 : index
    %swap3A_89 = arith.constant 0 : index
    %swap3A_90 = vector.load %arg12[%swap3A, %swap3A_89] : memref<2000x128xf32, #tpu.memory_space<vmem>>, vector<2000x128xf32>
    tpu.vector_store %arg12[%swap3A, %swap3A_89], %add3A_88 {strides = array<i32>} : memref<2000x128xf32, #tpu.memory_space<vmem>>, vector<2000x128xf32>,
    return
  }
  func.func @transform_0(%arg0: i32) -> (i32, i32, i32) {
    %c0_i32 = arith.constant 0 : i32
    %c0_i32_0 = arith.constant 0 : i32
    %c0_i32_1 = arith.constant 0 : i32
    return %c0_i32, %arg0, %c0_i32_0 : i32, i32, i32
  }
  func.func @transform_1(%arg0: i32) -> (i32, i32, i32) {
    %c0_i32 = arith.constant 0 : i32
    %c0_i32_0 = arith.constant 0 : i32
    %c0_i32_1 = arith.constant 0 : i32
    return %c0_i32, %arg0, %c0_i32_0 : i32, i32, i32
  }
  func.func @transform_2(%arg0: i32) -> (i32, i32, i32) {
    %c0_i32 = arith.constant 0 : i32
    %c0_i32_0 = arith.constant 0 : i32
    %c0_i32_1 = arith.constant 0 : i32
    return %c0_i32, %arg0, %c0_i32_0 : i32, i32, i32
  }
  func.func @transform_3(%arg0: i32) -> (i32, i32, i32) {
    %c0_i32 = arith.constant 0 : i32
    %c0_i32_0 = arith.constant 0 : i32
    %c0_i32_1 = arith.constant 0 : i32
    return %c0_i32, %arg0, %c0_i32_0 : i32, i32, i32
  }
  func.func @transform_4(%arg0: i32) -> (i32, i32, i32) {
    %c0_i32 = arith.constant 0 : i32
    %c0_i32_0 = arith.constant 0 : i32
    %c0_i32_1 = arith.constant 0 : i32
    return %c0_i32, %arg0, %c0_i32_0 : i32, i32, i32
  }
  func.func @transform_5(%arg0: i32) -> (i32, i32) {
    %c0_i32 = arith.constant 0 : i32
    %c0_i32_0 = arith.constant 0 : i32
    %c0_i32_1 = arith.constant 0 : i32
    return %c0_i32, %c0_i32_0 : i32, i32
  }
  func.func @transform_6(%arg0: i32) -> (i32, i32) {
    %c0_i32 = arith.constant 0 : i32
    %c0_i32_0 = arith.constant 0 : i32
    %c0_i32_1 = arith.constant 0 : i32
    return %c0_i32, %c0_i32_0 : i32, i32
  }
  func.func @transform_7(%arg0: i32) -> (i32, i32) {
    %c0_i32 = arith.constant 0 : i32
    %c0_i32_0 = arith.constant 0 : i32
    %c0_i32_1 = arith.constant 0 : i32
    return %c0_i32, %c0_i32_0 : i32, i32
  }
  func.func @transform_8(%arg0: i32) -> (i32, i32) {
    %c0_i32 = arith.constant 0 : i32
    %c0_i32_0 = arith.constant 0 : i32
    %c0_i32_1 = arith.constant 0 : i32
    return %c0_i32, %c0_i32_0 : i32, i32
  }
  func.func @transform_9(%arg0: i32) -> (i32, i32) {
    %c0_i32 = arith.constant 0 : i32
    %c0_i32_0 = arith.constant 0 : i32
    %c0_i32_1 = arith.constant 0 : i32
    return %c0_i32, %c0_i32_0 : i32, i32
  }
  func.func @transform_10(%arg0: i32) -> (i32, i32) {
    %c0_i32 = arith.constant 0 : i32
    %c0_i32_0 = arith.constant 0 : i32
    %c0_i32_1 = arith.constant 0 : i32
    return %c0_i32, %c0_i32_0 : i32, i32
  }
  func.func @transform_11(%arg0: i32) -> (i32, i32) {
    %c0_i32 = arith.constant 0 : i32
    %c0_i32_0 = arith.constant 0 : i32
    return %arg0, %c0_i32 : i32, i32
  }
}

</mosaic_0001>

<sc_bundles>
// kernel: kernel.13.cloned.1.call-start
scs
__scs_entry_jumppad:
0x0: {  	(pc) =	sbr.rel $0x88, $3  }
0x1: {  	(tag) =	ssettag $0x0;
	lr =	simm.s32 $0x1  }
0x2: {  	[smem:$0x3F9A] =	sst lr;
	_ =	strace $0xD0000000  }
0x3: {  	_ = 	snop  }
0x4: {  	_ = 	snop  }
0x5: {  	_ = 	snop  }
0x6: {  	_ = 	snop  }
0x7: {  	_ = 	snop  }
__scs_overlays_trampoline_lowered:
0x8: {  	[smem:$0x3FA9] =	sst s0  }
0x9: {  	[smem:$0x3FAA] =	sst s1  }
0xa: {  	[smem:$0x3FAB] =	sst s2  }
0xb: {  	[smem:$0x3FAC] =	sst s3  }
0xc: {  	[smem:$0x3FAD] =	sst s4  }
0xd: {  	[smem:$0x3FAE] =	sst s5  }
0xe: {  	[smem:$0x3FAF] =	sst s6  }
0xf: {  	[smem:$0x3FB0] =	sst s7  }
0x10: {  	[smem:$0x3FB1] =	sst s8  }
0x11: {  	[smem:$0x3FB2] =	sst s9;
	s0 =	simm.s32 @!p0 $0x0  }
0x12: {  	s1 =	sld [smem:$0x3F98];
	s0 =	simm.s32 @p0 $0x1  }
0x13: {  	[smem:$0x3FB3] =	sst s0;
	s0 =	simm.s32 @!p1 $0x0  }
0x14: {  	s2 =	sld [smem:$0x3F97];
	s0 =	simm.s32 @p1 $0x1  }
0x15: {  	[smem:$0x3FB4] =	sst s0;
	s0 =	simm.s32 @!p2 $0x0  }
0x16: {  	s3 =	sld [smem:$0x3FDB];
	s0 =	simm.s32 @p2 $0x1  }
0x17: {  	s4 =	simm.s32 $0x1BF5;
	[smem:$0x3FB6] =	sst s0  }
0x18: {  	s0 =	sld [smem:$0x3F99];
	_ =	swait.ge [sflag:s4], $0x0  }
0x19: {  	s7 =	sld [smem:$0x3F9A]  }
0x1a: {  	s8 =	sadd.s32 $0xFFFFE003, lr  }
0x1b: {  	s9 =	sadd.s32 $0xFFFFFEF7, lr;
	s5 =	simm.s32 $0xFFFFFFFF;
	p2 =	slt.u32 s8, $0xFFFFF086  }
0x1c: {  	p1 =	slt.u32 s9, $0xF7A;
	s5 =	simm.s32 @!p2 $0x0  }
0x1d: {  	s5 =	simm.s32 @p1 $0x1;
	p0 =	seq.s32 s7, s2  }
0x1e: {  	s7 =	smul.u32 @!p0 $0xF7A, s2;
	p2 =	seq.s32 @!p0 s5, $0x0  }
0x1f: {  	s9 =	smul.u32 $0xF7A, s1;
	s8 =	simm.s32 @!p0 $0x1BF5;
	p2 =	por !p2, p0  }
0x20: {  	[sflag:s8] =	ssyncset.s32 @!p0 $0xFFFFF086;
	s6 =	sadd.s32 @!p0 s3, s7;
	s7 =	simm.s32 @!p0 $0x108  }
0x21: {  	s3 =	sadd.s32 s3, s9;
	s6 =	sadd.s32 @!p0 $0x88, s6;
	s7 =	simm.s32 @p2 $0x1082  }
0x22: {  	[simem:s7], [sflag:s8] =	dma.local @!p0 [hbm:s6], $0xF7A  }
0x23: {  	s9 =	sor.u32 $0xD0000000, s2;
	s6 =	simm.s32 $0x108;
	_ =	swait.ge @!p0 [sflag:s8], $0x0  }
0x24: {  	s3 =	sadd.s32 $0x88, s3;
	s6 =	simm.s32 @!p1 $0x1082;
	[sflag:s4] =	ssyncset.s32 $0xFFFFF086  }
0x25: {  	[simem:s6], [sflag:s4] =	dma.local [hbm:s3], $0xF7A  }
0x26: {  	[smem:$0x3F9A] =	sst s1;
	(tag) =	ssettag s2;
	_ =	strace s9  }
0x27: {  	s1 =	sld [smem:$0x3FAA]  }
0x28: {  	s2 =	sld [smem:$0x3FAB]  }
0x29: {  	s4 =	sld [smem:$0x3FAD]  }
0x2a: {  	p0 =	seq.s32 s5, $0x0;
	s5 =	sld [smem:$0x3FAE]  }
0x2b: {  	s6 =	sld [smem:$0x3FAF]  }
0x2c: {  	s7 =	sld [smem:$0x3FB0]  }
0x2d: {  	s3 =	simm.s32 $0x108;
	s8 =	sld [smem:$0x3FB1]  }
0x2e: {  	s3 =	simm.s32 @!p0 $0x1082;
	s9 =	sld [smem:$0x3FB2]  }
0x2f: {  	lr =	sadd.s32 s0, s3;
	s0 =	sld [smem:$0x3FA9]  }
0x30: {  	s3 =	sld [smem:$0x3FAC]  }
0x31: {  	[smem:$0x3FB5] =	sst s10  }
0x32: {  	s10 =	sld [smem:$0x3FB3];
	_ =	sdelay $0x3  }
0x33: {  	p0 =	seq.s32 s10, $0x1;
	s10 =	sld [smem:$0x3FB5];
	_ =	sdelay $0x3  }
0x34: {  	[smem:$0x3FB5] =	sst s10  }
0x35: {  	s10 =	sld [smem:$0x3FB4];
	_ =	sdelay $0x3  }
0x36: {  	p1 =	seq.s32 s10, $0x1;
	s10 =	sld [smem:$0x3FB5];
	_ =	sdelay $0x3  }
0x37: {  	[smem:$0x3FB5] =	sst s10  }
0x38: {  	s10 =	sld [smem:$0x3FB6]  }
0x39: {  	_ = 	snop;
	(pc) =	sbr.ind lr, $3  }
0x3a: {  	_ = 	snop  }
0x3b: {  	_ = 	snop  }
0x3c: {  	p2 =	seq.s32 s10, $0x1;
	s10 =	sld [smem:$0x3FB5]  }
0x3d: {  	_ =	shalt  }
0x3e: {  	_ =	shalt  }
0x3f: {  	_ =	shalt  }
0x40: {  	_ =	shalt  }
0x41: {  	_ =	shalt  }
0x42: {  	_ =	shalt  }
0x43: {  	_ =	shalt  }
0x44: {  	_ =	shalt  }
0x45: {  	_ =	shalt  }
0x46: {  	_ =	shalt  }
0x47: {  	_ =	shalt  }
0x48: {  	_ =	shalt  }
0x49: {  	_ =	shalt  }
0x4a: {  	_ =	shalt  }
0x4b: {  	_ =	shalt  }
0x4c: {  	_ =	shalt  }
0x4d: {  	_ =	shalt  }
0x4e: {  	_ =	shalt  }
0x4f: {  	_ =	shalt  }
0x50: {  	_ =	shalt  }
0x51: {  	_ =	shalt  }
0x52: {  	_ =	shalt  }
0x53: {  	_ =	shalt  }
0x54: {  	_ =	shalt  }
0x55: {  	_ =	shalt  }
0x56: {  	_ =	shalt  }
0x57: {  	_ =	shalt  }
0x58: {  	_ =	shalt  }
0x59: {  	_ =	shalt  }
0x5a: {  	_ =	shalt  }
0x5b: {  	_ =	shalt  }
0x5c: {  	_ =	shalt  }
0x5d: {  	_ =	shalt  }
0x5e: {  	_ =	shalt  }
0x5f: {  	_ =	shalt  }
0x60: {  	_ =	shalt  }
0x61: {  	_ =	shalt  }
0x62: {  	_ =	shalt  }
0x63: {  	_ =	shalt  }
0x64: {  	_ =	shalt  }
0x65: {  	_ =	shalt  }
0x66: {  	_ =	shalt  }
0x67: {  	_ =	shalt  }
0x68: {  	_ =	shalt  }
0x69: {  	_ =	shalt  }
0x6a: {  	_ =	shalt  }
0x6b: {  	_ =	shalt  }
0x6c: {  	_ =	shalt  }
0x6d: {  	_ =	shalt  }
0x6e: {  	_ =	shalt  }
0x6f: {  	_ =	shalt  }
0x70: {  	_ =	shalt  }
0x71: {  	_ =	shalt  }
0x72: {  	_ =	shalt  }
0x73: {  	_ =	shalt  }
0x74: {  	_ =	shalt  }
0x75: {  	_ =	shalt  }
0x76: {  	_ =	shalt  }
0x77: {  	_ =	shalt  }
0x78: {  	_ =	shalt  }
0x79: {  	_ =	shalt  }
0x7a: {  	_ =	shalt  }
0x7b: {  	_ =	shalt  }
0x7c: {  	_ =	shalt  }
0x7d: {  	_ =	shalt  }
0x7e: {  	_ =	shalt  }
0x7f: {  	_ =	shalt  }
0x80: {  	_ =	shalt  }
0x81: {  	_ =	shalt  }
0x82: {  	_ =	shalt  }
0x83: {  	_ =	shalt  }
0x84: {  	_ =	shalt  }
0x85: {  	_ =	shalt  }
0x86: {  	_ =	shalt  }
0x87: {  	_ =	shalt  }
.Lfunc_end0:
.L_simem_size_0:
called_computation_lowered:
.L_overlay_start_0:
0x88: {  	s2 =	sld [smem:$0x3FD9]  }
0x89: {  	s3 =	sld [smem:$0x3FFE];
	_ =	sdelay $0x1  }
0x8a: {  	s1 =	srdreg.scid  }
0x8b: {  	s0 =	sand.u32 $0x1, s1  }
0x8c: {  	s17 =	sshll.u32 s0, $0xA;
	s2 =	sadd.s32 s3, s2  }
0x8d: {  	s2 =	sadd.s32 s2, s17  }
0x8e: {  	[smem:$0x3FC1] =	sst s2  }
0x8f: {  	_ = 	snop  }
0x90: {  	s18 =	sld [smem:$0x3FC8];
	(tm) =	ssettm $0x1  }
0x91: {  	s19 =	sld [smem:$0x3FFB];
	_ =	sdelay $0x3  }
0x92: {  	_ =	strace s19  }
0x93: {  	s2 =	sld [smem:$0x3FFC];
	_ =	sdelay $0x3  }
0x94: {  	_ =	strace s2  }
0x95: {  	s2 =	sld [smem:$0x3FFD];
	_ =	sdelay $0x3  }
0x96: {  	_ =	strace s2  }
0x97: {  	_ =	strace $0x8FFFFFFF  }
0x98: {  	s20 =	sld [smem:$0x3FDB];
	_ =	sdelay $0x1  }
0x99: {  	s4 =	simm.s32 $_scs_section_size  }
0x9a: {  	s5 =	simm.s32 $_size__tile_overlayer_lowered;
	s6 =	simm.s32 $_tile_overlayer_lowered  }
0x9b: {  	s7 =	simm.s32 $0x1BFF;
	s21 =	sshll.u32 s6, $0x1;
	s4 =	sadd.s32 s4, s20  }
0x9c: {  	s22 =	simm.s32 $0x0;
	s5 =	sshll.u32 s5, $0x1;
	s6 =	sadd.s32 s21, s4  }
0x9d: {  	[timem:s22], [sflag:s7] =	dma.local [hbm:s6], s5  }
0x9e: {  	_ =	swait.ge [sflag:s7], s5  }
0x9f: {  	s5 =	ssub.s32 $0x0, s5;
	[sflag:s7] =	ssyncset.done $0x0  }
0xa0: {  	[sflag:s7] =	ssyncadd.s32 s5;
	_ =	sdelay $0x1  }
0xa1: {  	s23 =	simm.s32 $0x1B8B  }
0xa2: {  	_ =	swait.ge [sflag:s23], $0x1  }
0xa3: {  	[sflag:s23] =	ssyncset.done $0x0  }
0xa4: {  	[sflag:s23] =	ssyncadd.s32 $0xFFFFFFFF  }
0xa5: {  	s5 =	sld [smem:$0x0]  }
0xa6: {  	s6 =	sand.u32 $0xFFFFFFFE, s1  }
0xa7: {  	p0 =	sne.s32 s1, s6  }
0xa8: {  	s6 =	sshll.u32 @p0 s6, $0xE  }
0xa9: {  	s6 =	sadd.s32 @p0 $0x11B8D, s6;
	s7 =	sshll.u32 @p0 s5, $0x11  }
0xaa: {  	s6 =	sor.u32 @p0 s7, s6  }
0xab: {  	[sflag:s6] =	ssyncadd.remote.s32 @p0 $0x1;
	_ =	sdelay $0x1  }
0xac: {  	s6 =	simm.s32 @p0 $0x1B8D  }
0xad: {  	_ =	swait.eq @p0 [sflag:s6], $0x1  }
0xae: {  	[sflag:s6] =	ssyncadd.s32 @p0 $0xFFFFFFFF  }
0xaf: {  	s7 =	sshll.u32 @!p0 s1, $0xE  }
0xb0: {  	s7 =	sor.u32 @!p0 $0x4000, s7;
	s6 =	simm.s32 @!p0 $0x1B8D  }
0xb1: {  	s5 =	sshll.u32 @!p0 s5, $0x11;
	s7 =	sadd.s32 @!p0 $0x11B8D, s7;
	_ =	swait.eq @!p0 [sflag:s6], $0x1  }
0xb2: {  	s5 =	sor.u32 @!p0 s5, s7;
	[sflag:s6] =	ssyncadd.s32 @!p0 $0xFFFFFFFF  }
0xb3: {  	s25 =	simm.s32 $0x1B8E;
	s24 =	sld [smem:$0x3FFE];
	[sflag:s5] =	ssyncadd.remote.s32 @!p0 $0x1  }
0xb4: {  	s26 =	simm.s32 $execute0_lowered;
	[smem:$0x3FD2] =	sst s25  }
0xb5: {  	s6 =	sshll.u32 s26, $0x1;
	_ =	strace $0x80000052;
	[dreg:$0x1] =	wrdreg $0xFFFFFFFF  }
0xb6: {  	s28 =	simm.s32 $_size_execute0_lowered;
	s4 =	sadd.s32 s4, s6;
	[dreg:$0x0] =	wrdreg $0x0  }
0xb7: {  	s6 =	sshll.u32 s28, $0x1;
	[dreg:$0x2] =	wrdreg s4  }
0xb8: {  	[dreg:$0x3] =	wrdreg s6  }
0xb9: {  	[dreg:$0x4] =	wrdreg $0xC0  }
0xba: {  	_ =	task [dreg:s22], $0x5FFFF  }
0xbb: {  	[dreg:$0x1] =	wrdreg $0xFFFFFFFF  }
0xbc: {  	[dreg:$0x0] =	wrdreg $0x60  }
0xbd: {  	[dreg:$0x2] =	wrdreg s24  }
0xbe: {  	[dreg:$0x3] =	wrdreg s18  }
0xbf: {  	[dreg:$0x4] =	wrdreg $0x64200  }
0xc0: {  	[dreg:$0x5] =	wrdreg $0x9  }
0xc1: {  	_ =	task.clear_ibuf [dreg:s22], $0x6FFFF;
	_ =	strace $0x90000052  }
0xc2: {  	s29 =	simm.s32 $0x9;
	_ =	strace $0x80000054  }
0xc3: {  	_ =	swait.ge [sflag:s29], $0x1  }
0xc4: {  	[sflag:s29] =	ssyncadd.s32 $0xFFFFFFFF  }
0xc5: {  	_ =	strace $0x90000054  }
0xc6: {  	_ =	sfence  }
0xc7: {  	s30 =	sld [smem:$0x0];
	_ =	sdelay $0x2  }
0xc8: {  	s31 =	sshll.u32 s1, $0xD;
	s1 =	sshrl.u32 s1, $0x2  }
0xc9: {  	s4 =	sand.u32 $0x4000, s31;
	s1 =	sadd.s32 s1, s30  }
0xca: {  	s0 =	sor.u32 s4, s0;
	s1 =	sshll.u32 s1, $0x11  }
0xcb: {  	s0 =	sor.u32 s1, s0  }
0xcc: {  	s0 =	sadd.s32 $0x8F2B, s0  }
0xcd: {  	[sflag:s0] =	ssyncadd.remote.s32 $0x1  }
0xce: {  	_ =	sfence.sel $0xFFFF  }
0xcf: {  	[dreg:$0x0] =	wrdreg $0xFFFFFFFF;
	(pc) =	sbr.abs _section_cstart, $3  }
0xd0: {  	[dreg:$0x1] =	wrdreg $0xFFFFFFFF  }
0xd1: {  	_ =	task.clear_ibuf [dreg:s22], $0x2FFFF;
	_ =	strace $0x9FFFFFFF  }
0xd2: {  	(tm) =	ssettm $0x7FFFFFFF  }
0xd3: {  	_ =	shalt  }
tec
execute0_lowered:
.L_overlay_start_1:
0x0: {  	(tag) =	ssettag $0x1  }
0x1: {  	s0 =	rddreg [dreg:$0x0]  }
0x2: {  	s1 =	srdreg.scid;
	s15 =	stileid.u32  }
0x3: {  	s5 =	rddreg [dreg:$0x1];
	s6 =	smul.u32 $0xB400, s15  }
0x4: {  	s2 =	rddreg [dreg:$0x2];
	s7 =	smul.u32 $0xFA0, s15  }
0x5: {  	s3 =	simm.s32 $0x0;
	s29 =	simm.s32 $0x48;
	s10 =	smul.u32 $0x7D000, s15  }
0x6: {  	s30 =	simm.s32 $0x80;
	s1 =	sand.u32 $0x1, s1;
	s14 =	smul.u32 $0x2D000, s15  }
0x7: {  	s31 =	simm.s32 $0x4800;
	[smem:$0x7FF] =	sst s3;
	s4 =	smul.u32 $0xB4000, s1  }
0x8: {  	s8 =	smul.u32 $0x7D0000, s1;
	_ =	strace $0x80000053;
	s1 =	ssub.s32 $0x2, s1  }
0x9: {  	s20 =	sshrl.u32 s1, $0x1;
	s11 =	sadd.s32 $0x80, s7;
	s13 =	sshrl.u32 s7, $0x3  }
0xa: {  	s25 =	sshrl.u32 s14, $0x2;
	s17 =	sadd.s32 $0xF80, s7;
	s7 =	sadd.s32 $0xF00, s7  }
0xb: {  	s4 =	sadd.s32 s6, s4;
	s10 =	sadd.s32 s10, s8;
	s1 =	ssub.s32 s1, s20  }
0xc: {  	s12 =	sshll.u32 s11, $0x7;
	s22 =	sadd.s32 s5, s13;
	s24 =	sshrl.u32 s11, $0x3  }
0xd: {  	s26 =	sadd.s32 s25, s2;
	s19 =	sshll.u32 s17, $0x7;
	s20 =	sshll.u32 s7, $0x7  }
0xe: {  	s7 =	sshrl.u32 s7, $0x3;
	s9 =	sshrl.u32 s4, $0x3;
	s4 =	sadd.s32 $0x886C00, s0  }
0xf: {  	s21 =	sshrl.u32 s10, $0x3;
	s12 =	sadd.s32 s8, s12;
	[dreg:$0x5] =	wrdreg s22  }
0x10: {  	s11 =	sadd.s32 $0x1200, s26;
	s13 =	sadd.s32 $0x2400, s26;
	s14 =	sadd.s32 $0x3600, s26  }
0x11: {  	s16 =	sadd.s32 $0x4800, s26;
	s18 =	sadd.s32 $0x5A00, s26;
	[dreg:$0x8] =	wrdreg s11  }
0x12: {  	s22 =	sadd.s32 $0x6C00, s26;
	s7 =	sadd.s32 s5, s7;
	[dreg:$0x9] =	wrdreg s13  }
0x13: {  	s25 =	sadd.s32 $0xC000, s10;
	s28 =	sadd.s32 $0x8000, s10;
	[dreg:$0xa] =	wrdreg s14  }
0x14: {  	s10 =	simm.s32 $0x4900;
	s0 =	sadd.s32 s9, s0;
	[dreg:$0xb] =	wrdreg s16  }
0x15: {  	s9 =	sadd.s32 s4, s21;
	s23 =	sshrl.u32 s12, $0x3;
	[dreg:$0xc] =	wrdreg s18  }
0x16: {  	s12 =	sadd.s32 s8, s19;
	s8 =	sadd.s32 s8, s20;
	[dreg:$0xd] =	wrdreg s22  }
0x17: {  	s21 =	smul.u32 $0x1F4, s15;
	s11 =	sshrl.u32 s17, $0x3;
	[dreg:$0xf] =	wrdreg s7  }
0x18: {  	s19 =	sadd.s32 $0x9000, s26;
	s20 =	sadd.s32 $0xA200, s26;
	s7 =	simm.s32 $0x1  }
0x19: {  	[dreg:$0x4] =	wrdreg s9;
	s9 =	sadd.s32 s4, s23;
	s11 =	sadd.s32 s5, s11  }
0x1a: {  	s23 =	sadd.s32 $0x7E00, s26;
	s22 =	sadd.s32 $0xA7AC00, s0;
	s26 =	sshrl.u32 s8, $0x3  }
0x1b: {  	s0 =	simm.s32 $0x4880;
	s8 =	simm.s32 $0x2;
	[dreg:$0x6] =	wrdreg s9  }
0x1c: {  	s9 =	sadd.s32 s5, s24;
	[dreg:$0xe] =	wrdreg s11;
	s5 =	sadd.s32 s21, s5  }
0x1d: {  	[dreg:$0x10] =	wrdreg s23;
	s24 =	sshrl.u32 s12, $0x3;
	s23 =	smax.u32 s1, $0x1  }
0x1e: {  	s1 =	simm.s32 $0x2400;
	s11 =	simm.s32 $0x5200;
	s12 =	simm.s32 $0x0  }
0x1f: {  	[dreg:$0x7] =	wrdreg s9;
	s9 =	sadd.s32 s6, s2;
	s21 =	sadd.s32 s4, s24  }
0x20: {  	s6 =	sshrl.u32 s25, $0x3;
	s24 =	sadd.s32 s4, s26;
	s16 =	sadd.s32 $0x30, s5  }
0x21: {  	v0 =	vimm.f32 $0.0e+00;
	s5 =	simm.s32 $0x5220;
	s25 =	sadd.s32 s6, s4;
	s6 =	simm.s32 $0x3  }
.LBB2_1:
0x22: {  	s13 =	rddreg [dreg:$0x4]  }
0x23: {  	[tilespmem:s3], [sflag:$0x1] =	stream.strided.gather [hbm4b:s13+s29], $0x2400, s30, s29, $0x38;
	[tilespmem:$0x11820] =	vst v63  }
0x24: {  	s17 =	rddreg [dreg:$0x5]  }
0x25: {  	[tilespmem:s31], [sflag:$0x1] =	stream.linear.gather [hbm4b:s17+s3], $0x80, $0x38;
	[tilespmem:$0x11820] =	vst v63  }
0x26: {  	s18 =	rddreg [dreg:$0x6]  }
0x27: {  	[tilespmem:s1], [sflag:$0x2] =	stream.strided.gather [hbm4b:s18+s29], $0x2400, s30, s29, $0x38;
	[tilespmem:$0x11820] =	vst v63  }
0x28: {  	s26 =	rddreg [dreg:$0x7];
	s13 =	simm.s32 $0x0  }
0x29: {  	[tilespmem:s0], [sflag:$0x2] =	stream.linear.gather [hbm4b:s26+s3], $0x80, $0x38;
	[tilespmem:$0x11820] =	vst v63  }
0x2a: {  	s14 =	simm.s32 $0x120;
	[tilespmem:s13+$0x5240] =	vst v0  }
.LBB2_2:
0x2b: {  	p0 =	sne.s32 s14, $0x46E0;
	[tilespmem:s13+$0x5230] =	vst v0;
	s15 =	smov.u32 s14;
	s14 =	sadd.s32 $0x120, s14  }
.Ltmp0:
0x2c: {  	[tilespmem:s13+$0x5250] =	vst v0;
	(pc) =	sbr.rel @p0 .LBB2_2-.Ltmp0, $4  }
0x2d: {  	[tilespmem:s13+$0x5258] =	vst v0  }
0x2e: {  	[tilespmem:s13+$0x5220] =	vst v0  }
0x2f: {  	s13 =	sshra.s32 s15, $0x2  }
0x30: {  	[tilespmem:s13+$0x5240] =	vst v0  }
0x31: {  	[tilespmem:s13+$0x5230] =	vst v0  }
0x32: {  	[tilespmem:s13+$0x5250] =	vst v0  }
0x33: {  	[tilespmem:s13+$0x5220] =	vst v0  }
0x34: {  	[tilespmem:s13+$0x5258] =	vst v0  }
0x35: {  	[spmem:s9] =	stream.linear.scatter [tilespmem:s5], [sflag:$0x3], $0x1200, $0x38;
	[tilespmem:$0x11820] =	vst v63  }
0x36: {  	_ =	swait.ge [sflag:s6], $0x1200  }
0x37: {  	[sflag:s6] =	ssyncset.done $0x0  }
0x38: {  	s14 =	rddreg [dreg:$0x8];
	[sflag:s6] =	ssyncadd.s32 $0xFFFFEE00  }
0x39: {  	[spmem:s14] =	stream.linear.scatter [tilespmem:s5], [sflag:$0x3], $0x1200, $0x38;
	[tilespmem:$0x11820] =	vst v63  }
0x3a: {  	_ =	swait.ge [sflag:s6], $0x1200  }
0x3b: {  	[sflag:s6] =	ssyncset.done $0x0  }
0x3c: {  	s15 =	rddreg [dreg:$0x9];
	[sflag:s6] =	ssyncadd.s32 $0xFFFFEE00  }
0x3d: {  	[spmem:s15] =	stream.linear.scatter [tilespmem:s5], [sflag:$0x3], $0x1200, $0x38;
	[tilespmem:$0x11820] =	vst v63  }
0x3e: {  	_ =	swait.ge [sflag:s6], $0x1200  }
0x3f: {  	[sflag:s6] =	ssyncset.done $0x0  }
0x40: {  	s17 =	rddreg [dreg:$0xa];
	[sflag:s6] =	ssyncadd.s32 $0xFFFFEE00  }
0x41: {  	[spmem:s17] =	stream.linear.scatter [tilespmem:s5], [sflag:$0x3], $0x1200, $0x38;
	[tilespmem:$0x11820] =	vst v63  }
0x42: {  	_ =	swait.ge [sflag:s6], $0x1200  }
0x43: {  	[sflag:s6] =	ssyncset.done $0x0  }
0x44: {  	s18 =	rddreg [dreg:$0xb];
	[sflag:s6] =	ssyncadd.s32 $0xFFFFEE00  }
0x45: {  	[spmem:s18] =	stream.linear.scatter [tilespmem:s5], [sflag:$0x3], $0x1200, $0x38;
	[tilespmem:$0x11820] =	vst v63  }
0x46: {  	_ =	swait.ge [sflag:s6], $0x1200  }
0x47: {  	[sflag:s6] =	ssyncset.done $0x0  }
0x48: {  	s26 =	rddreg [dreg:$0xc];
	[sflag:s6] =	ssyncadd.s32 $0xFFFFEE00  }
0x49: {  	[spmem:s26] =	stream.linear.scatter [tilespmem:s5], [sflag:$0x3], $0x1200, $0x38;
	[tilespmem:$0x11820] =	vst v63  }
0x4a: {  	_ =	swait.ge [sflag:s6], $0x1200  }
0x4b: {  	[sflag:s6] =	ssyncset.done $0x0  }
0x4c: {  	s14 =	rddreg [dreg:$0xd];
	[sflag:s6] =	ssyncadd.s32 $0xFFFFEE00  }
0x4d: {  	[spmem:s14] =	stream.linear.scatter [tilespmem:s5], [sflag:$0x3], $0x1200, $0x38;
	[tilespmem:$0x11820] =	vst v63  }
0x4e: {  	_ =	swait.ge [sflag:s6], $0x1200  }
0x4f: {  	[sflag:s6] =	ssyncset.done $0x0  }
0x50: {  	s15 =	rddreg [dreg:$0x10];
	[sflag:s6] =	ssyncadd.s32 $0xFFFFEE00  }
0x51: {  	[spmem:s15] =	stream.linear.scatter [tilespmem:s5], [sflag:$0x3], $0x1200, $0x38;
	[tilespmem:$0x11820] =	vst v63  }
0x52: {  	_ =	swait.ge [sflag:s6], $0x1200  }
0x53: {  	[sflag:s6] =	ssyncset.done $0x0  }
0x54: {  	[sflag:s6] =	ssyncadd.s32 $0xFFFFEE00  }
0x55: {  	[spmem:s19] =	stream.linear.scatter [tilespmem:s5], [sflag:$0x3], $0x1200, $0x38;
	[tilespmem:$0x11820] =	vst v63  }
0x56: {  	_ =	swait.ge [sflag:s6], $0x1200  }
0x57: {  	[sflag:s6] =	ssyncset.done $0x0  }
0x58: {  	[sflag:s6] =	ssyncadd.s32 $0xFFFFEE00  }
0x59: {  	[spmem:s20] =	stream.linear.scatter [tilespmem:s5], [sflag:$0x3], $0x1200, $0x38;
	[tilespmem:$0x11820] =	vst v63  }
0x5a: {  	_ =	swait.ge [sflag:s6], $0x1200  }
0x5b: {  	[sflag:s6] =	ssyncset.done $0x0  }
0x5c: {  	[sflag:s6] =	ssyncadd.s32 $0xFFFFEE00  }
0x5d: {  	[bflag:$0x0] =	sbarrier.arrive $0xFFFF  }
0x5e: {  	_ =	swait.ge [sflag:s7], $0x2400  }
0x5f: {  	[sflag:s7] =	ssyncset.done $0x0  }
0x60: {  	[sflag:s7] =	ssyncadd.s32 $0xFFFFDC00  }
0x61: {  	_ =	swait.ge [sflag:s7], $0x80  }
0x62: {  	[sflag:s7] =	ssyncset.done $0x0  }
0x63: {  	[sflag:s7] =	ssyncadd.s32 $0xFFFFFF80  }
0x64: {  	[spmem:s2] =	stream.indirect.scatter.add.f32 [tilespmem:s3], [sflag:$0x3], $0x48, s31, s30, $0xb8;
	[tilespmem:$0x11820] =	vst v63  }
0x65: {  	_ =	swait.ge [sflag:s6], $0x2400  }
0x66: {  	s17 =	sshrl.u32 s28, $0x3;
	[sflag:s6] =	ssyncset.done $0x0  }
0x67: {  	s13 =	sadd.s32 s4, s17;
	[sflag:s6] =	ssyncadd.s32 $0xFFFFDC00  }
0x68: {  	[tilespmem:s3], [sflag:$0x1] =	stream.strided.gather [hbm4b:s13+s29], $0x2400, s30, s29, $0x38;
	[tilespmem:$0x11820] =	vst v63  }
0x69: {  	s18 =	sadd.s32 $0xFFFFFFF0, s16  }
0x6a: {  	[tilespmem:s31], [sflag:$0x1] =	stream.linear.gather [hbm4b:s18+s3], $0x80, $0x38;
	[tilespmem:$0x11820] =	vst v63  }
0x6b: {  	_ =	swait.ge [sflag:s8], $0x2400  }
0x6c: {  	[sflag:s8] =	ssyncset.done $0x0  }
0x6d: {  	[sflag:s8] =	ssyncadd.s32 $0xFFFFDC00  }
0x6e: {  	_ =	swait.ge [sflag:s8], $0x80  }
0x6f: {  	[sflag:s8] =	ssyncset.done $0x0  }
0x70: {  	[sflag:s8] =	ssyncadd.s32 $0xFFFFFF80  }
0x71: {  	[spmem:s2] =	stream.indirect.scatter.add.f32 [tilespmem:s1], [sflag:$0x3], $0x48, s0, s30, $0xb8;
	[tilespmem:$0x11820] =	vst v63  }
0x72: {  	_ =	swait.ge [sflag:s6], $0x2400  }
0x73: {  	[sflag:s6] =	ssyncset.done $0x0  }
0x74: {  	s26 =	sadd.s32 $0x0, s25;
	s14 =	sadd.s32 $0x20, s16;
	[sflag:s6] =	ssyncadd.s32 $0xFFFFDC00  }
0x75: {  	[tilespmem:s1], [sflag:$0x2] =	stream.strided.gather [hbm4b:s26+s29], $0x2400, s30, s29, $0x38;
	[tilespmem:$0x11820] =	vst v63  }
0x76: {  	s15 =	sadd.s32 $0x8000, s28;
	s13 =	simm.s32 $0x1000;
	s26 =	smov.u32 s16  }
.LBB2_4:
0x77: {  	[tilespmem:s0], [sflag:$0x2] =	stream.linear.gather [hbm4b:s26+s3], $0x80, $0x38;
	[tilespmem:$0x11820] =	vst v63  }
0x78: {  	s17 =	smov.u32 s13;
	s26 =	smov.u32 s14  }
0x79: {  	p0 =	sne.s32 s13, $0xD000;
	s13 =	sadd.s32 $0x1000, s13;
	_ =	swait.ge [sflag:s7], $0x2400  }
0x7a: {  	[sflag:s7] =	ssyncset.done $0x0  }
0x7b: {  	[sflag:s7] =	ssyncadd.s32 $0xFFFFDC00  }
0x7c: {  	_ =	swait.ge [sflag:s7], $0x80  }
0x7d: {  	[sflag:s7] =	ssyncset.done $0x0  }
0x7e: {  	[sflag:s7] =	ssyncadd.s32 $0xFFFFFF80  }
0x7f: {  	[spmem:s2] =	stream.indirect.scatter.add.f32 [tilespmem:s3], [sflag:$0x3], $0x48, s31, s30, $0xb8;
	[tilespmem:$0x11820] =	vst v63  }
0x80: {  	_ =	swait.ge [sflag:s6], $0x2400  }
0x81: {  	s18 =	sshrl.u32 s15, $0x3;
	[sflag:s6] =	ssyncset.done $0x0  }
0x82: {  	s18 =	sadd.s32 s4, s18;
	[sflag:s6] =	ssyncadd.s32 $0xFFFFDC00  }
0x83: {  	[tilespmem:s3], [sflag:$0x1] =	stream.strided.gather [hbm4b:s18+s29], $0x2400, s30, s29, $0x38;
	[tilespmem:$0x11820] =	vst v63  }
0x84: {  	s18 =	sadd.s32 $0xFFFFFFF0, s14  }
0x85: {  	[tilespmem:s31], [sflag:$0x1] =	stream.linear.gather [hbm4b:s18+s3], $0x80, $0x38;
	[tilespmem:$0x11820] =	vst v63  }
0x86: {  	_ =	swait.ge [sflag:s8], $0x2400  }
0x87: {  	[sflag:s8] =	ssyncset.done $0x0  }
0x88: {  	[sflag:s8] =	ssyncadd.s32 $0xFFFFDC00  }
0x89: {  	_ =	swait.ge [sflag:s8], $0x80  }
0x8a: {  	[sflag:s8] =	ssyncset.done $0x0  }
0x8b: {  	[sflag:s8] =	ssyncadd.s32 $0xFFFFFF80  }
0x8c: {  	[spmem:s2] =	stream.indirect.scatter.add.f32 [tilespmem:s1], [sflag:$0x3], $0x48, s0, s30, $0xb8;
	[tilespmem:$0x11820] =	vst v63  }
.Ltmp1:
0x8d: {  	_ =	swait.ge [sflag:s6], $0x2400;
	(pc) =	sbr.rel @p0 .LBB2_4-.Ltmp1, $4  }
0x8e: {  	[sflag:s6] =	ssyncset.done $0x0  }
0x8f: {  	s17 =	sadd.s32 s17, s25;
	[sflag:s6] =	ssyncadd.s32 $0xFFFFDC00  }
0x90: {  	[tilespmem:s1], [sflag:$0x2] =	stream.strided.gather [hbm4b:s17+s29], $0x2400, s30, s29, $0x38;
	[tilespmem:$0x11820] =	vst v63  }
0x91: {  	s15 =	sadd.s32 $0x8000, s15;
	s14 =	sadd.s32 $0x20, s14  }
0x92: {  	[tilespmem:s0], [sflag:$0x2] =	stream.linear.gather [hbm4b:s26+s3], $0x80, $0x38;
	[tilespmem:$0x11820] =	vst v63  }
0x93: {  	_ =	swait.ge [sflag:s7], $0x2400  }
0x94: {  	[sflag:s7] =	ssyncset.done $0x0  }
0x95: {  	[sflag:s7] =	ssyncadd.s32 $0xFFFFDC00  }
0x96: {  	_ =	swait.ge [sflag:s7], $0x80  }
0x97: {  	[sflag:s7] =	ssyncset.done $0x0  }
0x98: {  	[sflag:s7] =	ssyncadd.s32 $0xFFFFFF80  }
0x99: {  	[spmem:s2] =	stream.indirect.scatter.add.f32 [tilespmem:s3], [sflag:$0x3], $0x48, s31, s30, $0xb8;
	[tilespmem:$0x11820] =	vst v63  }
0x9a: {  	_ =	swait.ge [sflag:s6], $0x2400  }
0x9b: {  	[sflag:s6] =	ssyncset.done $0x0  }
0x9c: {  	[sflag:s6] =	ssyncadd.s32 $0xFFFFDC00  }
0x9d: {  	[tilespmem:s3], [sflag:$0x1] =	stream.strided.gather [hbm4b:s24+s29], $0x2400, s30, s29, $0x38;
	[tilespmem:$0x11820] =	vst v63  }
0x9e: {  	s13 =	rddreg [dreg:$0xf]  }
0x9f: {  	[tilespmem:s31], [sflag:$0x1] =	stream.linear.gather [hbm4b:s13+s3], $0x80, $0x38;
	[tilespmem:$0x11820] =	vst v63  }
0xa0: {  	_ =	swait.ge [sflag:s8], $0x2400  }
0xa1: {  	[sflag:s8] =	ssyncset.done $0x0  }
0xa2: {  	[sflag:s8] =	ssyncadd.s32 $0xFFFFDC00  }
0xa3: {  	_ =	swait.ge [sflag:s8], $0x80  }
0xa4: {  	[sflag:s8] =	ssyncset.done $0x0  }
0xa5: {  	[sflag:s8] =	ssyncadd.s32 $0xFFFFFF80  }
0xa6: {  	[spmem:s2] =	stream.indirect.scatter.add.f32 [tilespmem:s1], [sflag:$0x3], $0x48, s0, s30, $0xb8;
	[tilespmem:$0x11820] =	vst v63  }
0xa7: {  	_ =	swait.ge [sflag:s6], $0x2400  }
0xa8: {  	[sflag:s6] =	ssyncset.done $0x0  }
0xa9: {  	[sflag:s6] =	ssyncadd.s32 $0xFFFFDC00  }
0xaa: {  	_ =	swait.ge [sflag:s7], $0x2400  }
0xab: {  	[sflag:s7] =	ssyncset.done $0x0  }
0xac: {  	[sflag:s7] =	ssyncadd.s32 $0xFFFFDC00  }
0xad: {  	_ =	swait.ge [sflag:s7], $0x80  }
0xae: {  	[sflag:s7] =	ssyncset.done $0x0  }
0xaf: {  	[sflag:s7] =	ssyncadd.s32 $0xFFFFFF80  }
0xb0: {  	[spmem:s2] =	stream.indirect.scatter.add.f32 [tilespmem:s3], [sflag:$0x3], $0x48, s31, s30, $0xb8;
	[tilespmem:$0x11820] =	vst v63  }
0xb1: {  	_ =	swait.ge [sflag:s6], $0x2400  }
0xb2: {  	[sflag:s6] =	ssyncset.done $0x0  }
0xb3: {  	[sflag:s6] =	ssyncadd.s32 $0xFFFFDC00  }
0xb4: {  	[tilespmem:s10], [sflag:$0x3] =	stream.strided.gather [hbm4b:s21+s29], $0x900, s30, s29, $0x38;
	[tilespmem:$0x11820] =	vst v63  }
0xb5: {  	_ =	swait.ge [sflag:s6], $0x900  }
0xb6: {  	[sflag:s6] =	ssyncset.done $0x0  }
0xb7: {  	s17 =	rddreg [dreg:$0xe];
	[sflag:s6] =	ssyncadd.s32 $0xFFFFF700  }
0xb8: {  	[tilespmem:s11], [sflag:$0x3] =	stream.linear.gather [hbm4b:s17+s3], $0x20, $0x38;
	[tilespmem:$0x11820] =	vst v63  }
0xb9: {  	_ =	swait.ge [sflag:s6], $0x20  }
0xba: {  	[sflag:s6] =	ssyncset.done $0x0  }
0xbb: {  	s18 =	simm.s32 $0x20;
	[sflag:s6] =	ssyncadd.s32 $0xFFFFFFE0  }
0xbc: {  	[spmem:s2] =	stream.indirect.scatter.add.f32 [tilespmem:s10], [sflag:$0x3], $0x48, s11, s18, $0xb8;
	[tilespmem:$0x11820] =	vst v63  }
0xbd: {  	s26 =	stileid.u32;
	_ =	swait.ge [sflag:s6], $0x900  }
0xbe: {  	s14 =	sshrl.u32 s9, $0x3;
	s12 =	sadd.s32 $0x1, s12;
	[sflag:s6] =	ssyncset.done $0x0  }
0xbf: {  	p0 =	sne.s32 s12, s23;
	s13 =	sshll.u32 s26, $0x6;
	[sflag:s6] =	ssyncadd.s32 $0xFFFFF700  }
.Ltmp2:
0xc0: {  	s13 =	sor.u32 $0x1C03, s13;
	[bflag:$0x0] =	sbarrier.arrive $0xFFFF;
	(pc) =	sbr.rel @p0 .LBB2_1-.Ltmp2, $4  }
0xc1: {  	[hbm:s22], [sflag:s13] =	dma.local [spmem:s14], $0x1680  }
0xc2: {  	_ =	swait.ge [sflag:s6], $0x1680  }
0xc3: {  	[sflag:s6] =	ssyncset.done $0x0  }
0xc4: {  	[sflag:s6] =	ssyncadd.s32 $0xFFFFE980  }
0xc5: {  	_ =	sfence.sel $0x180000  }
0xc6: {  	[bflag:$0x0] =	sbarrier.arrive $0xFFFF  }
0xc7: {  	_ =	strace $0x90000053  }
0xc8: {  	s0 =	stileid.u32;
	[bflag:$0x2] =	sbarrier.arrive $0xFFFF  }
0xc9: {  	p0 =	sne.s32 s0, $0x0;
	s0 =	rddreg [dreg:$0x3]  }
0xca: {  	s0 =	sadd.s32 @!p0 $0x100000, s0  }
0xcb: {  	[sflag:s0] =	ssyncadd.tile.s32 @!p0 $0x1;
	_ =	shalt  }
.Lfunc_end2:
_tile_overlayer_lowered:
.L_overlay_start_2:
0xcc: {  	(tag) =	ssettag $0x2  }
0xcd: {  	s0 =	rddreg [dreg:$0x0];
	s2 =	stileid.u32  }
0xce: {  	s1 =	rddreg [dreg:$0x1];
	p0 =	sne.s32 s2, $0x0  }
0xcf: {  	s3 =	rddreg [dreg:$0x2];
	[bflag:$0x3] =	sbarrier.arrive $0xFFFF;
	s2 =	simm.s32 @!p0 $0x1C03  }
0xd0: {  	[timem:s3], [sflag:s2] =	dma.local @!p0 [hbm:s0], s1  }
0xd1: {  	s0 =	simm.s32 @!p0 $0x3  }
0xd2: {  	_ =	swait.ge @!p0 [sflag:s0], s1  }
0xd3: {  	s1 =	ssub.s32 @!p0 $0x0, s1;
	[sflag:s0] =	ssyncset.done @!p0 $0x0  }
0xd4: {  	[sflag:s0] =	ssyncadd.s32 @!p0 s1  }
0xd5: {  	[bflag:$0x3] =	sbarrier.arrive $0xFFFF  }
0xd6: {  	_ =	shalt  }

// kernel: kernel.16.cloned.1.call-start
scs
__scs_entry_jumppad:
0x0: {  	(pc) =	sbr.rel $0x88, $3  }
0x1: {  	(tag) =	ssettag $0x0;
	lr =	simm.s32 $0x1  }
0x2: {  	[smem:$0x3F9A] =	sst lr;
	_ =	strace $0xD0000000  }
0x3: {  	_ = 	snop  }
0x4: {  	_ = 	snop  }
0x5: {  	_ = 	snop  }
0x6: {  	_ = 	snop  }
0x7: {  	_ = 	snop  }
__scs_overlays_trampoline_lowered:
0x8: {  	[smem:$0x3FA9] =	sst s0  }
0x9: {  	[smem:$0x3FAA] =	sst s1  }
0xa: {  	[smem:$0x3FAB] =	sst s2  }
0xb: {  	[smem:$0x3FAC] =	sst s3  }
0xc: {  	[smem:$0x3FAD] =	sst s4  }
0xd: {  	[smem:$0x3FAE] =	sst s5  }
0xe: {  	[smem:$0x3FAF] =	sst s6  }
0xf: {  	[smem:$0x3FB0] =	sst s7  }
0x10: {  	[smem:$0x3FB1] =	sst s8  }
0x11: {  	[smem:$0x3FB2] =	sst s9;
	s0 =	simm.s32 @!p0 $0x0  }
0x12: {  	s1 =	sld [smem:$0x3F98];
	s0 =	simm.s32 @p0 $0x1  }
0x13: {  	[smem:$0x3FB3] =	sst s0;
	s0 =	simm.s32 @!p1 $0x0  }
0x14: {  	s2 =	sld [smem:$0x3F97];
	s0 =	simm.s32 @p1 $0x1  }
0x15: {  	[smem:$0x3FB4] =	sst s0;
	s0 =	simm.s32 @!p2 $0x0  }
0x16: {  	s3 =	sld [smem:$0x3FDB];
	s0 =	simm.s32 @p2 $0x1  }
0x17: {  	s4 =	simm.s32 $0x1BF5;
	[smem:$0x3FB6] =	sst s0  }
0x18: {  	s0 =	sld [smem:$0x3F99];
	_ =	swait.ge [sflag:s4], $0x0  }
0x19: {  	s7 =	sld [smem:$0x3F9A]  }
0x1a: {  	s8 =	sadd.s32 $0xFFFFE003, lr  }
0x1b: {  	s9 =	sadd.s32 $0xFFFFFEF7, lr;
	s5 =	simm.s32 $0xFFFFFFFF;
	p2 =	slt.u32 s8, $0xFFFFF086  }
0x1c: {  	p1 =	slt.u32 s9, $0xF7A;
	s5 =	simm.s32 @!p2 $0x0  }
0x1d: {  	s5 =	simm.s32 @p1 $0x1;
	p0 =	seq.s32 s7, s2  }
0x1e: {  	s7 =	smul.u32 @!p0 $0xF7A, s2;
	p2 =	seq.s32 @!p0 s5, $0x0  }
0x1f: {  	s9 =	smul.u32 $0xF7A, s1;
	s8 =	simm.s32 @!p0 $0x1BF5;
	p2 =	por !p2, p0  }
0x20: {  	[sflag:s8] =	ssyncset.s32 @!p0 $0xFFFFF086;
	s6 =	sadd.s32 @!p0 s3, s7;
	s7 =	simm.s32 @!p0 $0x108  }
0x21: {  	s3 =	sadd.s32 s3, s9;
	s6 =	sadd.s32 @!p0 $0x88, s6;
	s7 =	simm.s32 @p2 $0x1082  }
0x22: {  	[simem:s7], [sflag:s8] =	dma.local @!p0 [hbm:s6], $0xF7A  }
0x23: {  	s9 =	sor.u32 $0xD0000000, s2;
	s6 =	simm.s32 $0x108;
	_ =	swait.ge @!p0 [sflag:s8], $0x0  }
0x24: {  	s3 =	sadd.s32 $0x88, s3;
	s6 =	simm.s32 @!p1 $0x1082;
	[sflag:s4] =	ssyncset.s32 $0xFFFFF086  }
0x25: {  	[simem:s6], [sflag:s4] =	dma.local [hbm:s3], $0xF7A  }
0x26: {  	[smem:$0x3F9A] =	sst s1;
	(tag) =	ssettag s2;
	_ =	strace s9  }
0x27: {  	s1 =	sld [smem:$0x3FAA]  }
0x28: {  	s2 =	sld [smem:$0x3FAB]  }
0x29: {  	s4 =	sld [smem:$0x3FAD]  }
0x2a: {  	p0 =	seq.s32 s5, $0x0;
	s5 =	sld [smem:$0x3FAE]  }
0x2b: {  	s6 =	sld [smem:$0x3FAF]  }
0x2c: {  	s7 =	sld [smem:$0x3FB0]  }
0x2d: {  	s3 =	simm.s32 $0x108;
	s8 =	sld [smem:$0x3FB1]  }
0x2e: {  	s3 =	simm.s32 @!p0 $0x1082;
	s9 =	sld [smem:$0x3FB2]  }
0x2f: {  	lr =	sadd.s32 s0, s3;
	s0 =	sld [smem:$0x3FA9]  }
0x30: {  	s3 =	sld [smem:$0x3FAC]  }
0x31: {  	[smem:$0x3FB5] =	sst s10  }
0x32: {  	s10 =	sld [smem:$0x3FB3];
	_ =	sdelay $0x3  }
0x33: {  	p0 =	seq.s32 s10, $0x1;
	s10 =	sld [smem:$0x3FB5];
	_ =	sdelay $0x3  }
0x34: {  	[smem:$0x3FB5] =	sst s10  }
0x35: {  	s10 =	sld [smem:$0x3FB4];
	_ =	sdelay $0x3  }
0x36: {  	p1 =	seq.s32 s10, $0x1;
	s10 =	sld [smem:$0x3FB5];
	_ =	sdelay $0x3  }
0x37: {  	[smem:$0x3FB5] =	sst s10  }
0x38: {  	s10 =	sld [smem:$0x3FB6]  }
0x39: {  	_ = 	snop;
	(pc) =	sbr.ind lr, $3  }
0x3a: {  	_ = 	snop  }
0x3b: {  	_ = 	snop  }
0x3c: {  	p2 =	seq.s32 s10, $0x1;
	s10 =	sld [smem:$0x3FB5]  }
0x3d: {  	_ =	shalt  }
0x3e: {  	_ =	shalt  }
0x3f: {  	_ =	shalt  }
0x40: {  	_ =	shalt  }
0x41: {  	_ =	shalt  }
0x42: {  	_ =	shalt  }
0x43: {  	_ =	shalt  }
0x44: {  	_ =	shalt  }
0x45: {  	_ =	shalt  }
0x46: {  	_ =	shalt  }
0x47: {  	_ =	shalt  }
0x48: {  	_ =	shalt  }
0x49: {  	_ =	shalt  }
0x4a: {  	_ =	shalt  }
0x4b: {  	_ =	shalt  }
0x4c: {  	_ =	shalt  }
0x4d: {  	_ =	shalt  }
0x4e: {  	_ =	shalt  }
0x4f: {  	_ =	shalt  }
0x50: {  	_ =	shalt  }
0x51: {  	_ =	shalt  }
0x52: {  	_ =	shalt  }
0x53: {  	_ =	shalt  }
0x54: {  	_ =	shalt  }
0x55: {  	_ =	shalt  }
0x56: {  	_ =	shalt  }
0x57: {  	_ =	shalt  }
0x58: {  	_ =	shalt  }
0x59: {  	_ =	shalt  }
0x5a: {  	_ =	shalt  }
0x5b: {  	_ =	shalt  }
0x5c: {  	_ =	shalt  }
0x5d: {  	_ =	shalt  }
0x5e: {  	_ =	shalt  }
0x5f: {  	_ =	shalt  }
0x60: {  	_ =	shalt  }
0x61: {  	_ =	shalt  }
0x62: {  	_ =	shalt  }
0x63: {  	_ =	shalt  }
0x64: {  	_ =	shalt  }
0x65: {  	_ =	shalt  }
0x66: {  	_ =	shalt  }
0x67: {  	_ =	shalt  }
0x68: {  	_ =	shalt  }
0x69: {  	_ =	shalt  }
0x6a: {  	_ =	shalt  }
0x6b: {  	_ =	shalt  }
0x6c: {  	_ =	shalt  }
0x6d: {  	_ =	shalt  }
0x6e: {  	_ =	shalt  }
0x6f: {  	_ =	shalt  }
0x70: {  	_ =	shalt  }
0x71: {  	_ =	shalt  }
0x72: {  	_ =	shalt  }
0x73: {  	_ =	shalt  }
0x74: {  	_ =	shalt  }
0x75: {  	_ =	shalt  }
0x76: {  	_ =	shalt  }
0x77: {  	_ =	shalt  }
0x78: {  	_ =	shalt  }
0x79: {  	_ =	shalt  }
0x7a: {  	_ =	shalt  }
0x7b: {  	_ =	shalt  }
0x7c: {  	_ =	shalt  }
0x7d: {  	_ =	shalt  }
0x7e: {  	_ =	shalt  }
0x7f: {  	_ =	shalt  }
0x80: {  	_ =	shalt  }
0x81: {  	_ =	shalt  }
0x82: {  	_ =	shalt  }
0x83: {  	_ =	shalt  }
0x84: {  	_ =	shalt  }
0x85: {  	_ =	shalt  }
0x86: {  	_ =	shalt  }
0x87: {  	_ =	shalt  }
.Lfunc_end0:
.L_simem_size_0:
called_computation.1_lowered:
.L_overlay_start_0:
0x88: {  	s2 =	sld [smem:$0x3FD9]  }
0x89: {  	s3 =	sld [smem:$0x3FFE];
	_ =	sdelay $0x1  }
0x8a: {  	s1 =	srdreg.scid  }
0x8b: {  	s0 =	sand.u32 $0x1, s1  }
0x8c: {  	s17 =	sshll.u32 s0, $0xA;
	s2 =	sadd.s32 s3, s2  }
0x8d: {  	s2 =	sadd.s32 s2, s17  }
0x8e: {  	[smem:$0x3FC1] =	sst s2  }
0x8f: {  	_ = 	snop  }
0x90: {  	s18 =	sld [smem:$0x3FC8];
	(tm) =	ssettm $0x1  }
0x91: {  	s19 =	sld [smem:$0x3FFB];
	_ =	sdelay $0x3  }
0x92: {  	_ =	strace s19  }
0x93: {  	s2 =	sld [smem:$0x3FFC];
	_ =	sdelay $0x3  }
0x94: {  	_ =	strace s2  }
0x95: {  	s2 =	sld [smem:$0x3FFD];
	_ =	sdelay $0x3  }
0x96: {  	_ =	strace s2  }
0x97: {  	_ =	strace $0x8FFFFFFF  }
0x98: {  	s20 =	sld [smem:$0x3FDB];
	_ =	sdelay $0x1  }
0x99: {  	s4 =	simm.s32 $_scs_section_size  }
0x9a: {  	s5 =	simm.s32 $_size__tile_overlayer_lowered;
	s6 =	simm.s32 $_tile_overlayer_lowered  }
0x9b: {  	s7 =	simm.s32 $0x1BFF;
	s21 =	sshll.u32 s6, $0x1;
	s4 =	sadd.s32 s4, s20  }
0x9c: {  	s22 =	simm.s32 $0x0;
	s5 =	sshll.u32 s5, $0x1;
	s6 =	sadd.s32 s21, s4  }
0x9d: {  	[timem:s22], [sflag:s7] =	dma.local [hbm:s6], s5  }
0x9e: {  	_ =	swait.ge [sflag:s7], s5  }
0x9f: {  	s5 =	ssub.s32 $0x0, s5;
	[sflag:s7] =	ssyncset.done $0x0  }
0xa0: {  	[sflag:s7] =	ssyncadd.s32 s5;
	_ =	sdelay $0x1  }
0xa1: {  	s23 =	simm.s32 $0x1B8B  }
0xa2: {  	_ =	swait.ge [sflag:s23], $0x1  }
0xa3: {  	[sflag:s23] =	ssyncset.done $0x0  }
0xa4: {  	[sflag:s23] =	ssyncadd.s32 $0xFFFFFFFF  }
0xa5: {  	s5 =	sld [smem:$0x0]  }
0xa6: {  	s6 =	sand.u32 $0xFFFFFFFE, s1  }
0xa7: {  	p0 =	sne.s32 s1, s6  }
0xa8: {  	s6 =	sshll.u32 @p0 s6, $0xE  }
0xa9: {  	s6 =	sadd.s32 @p0 $0x11B8D, s6;
	s7 =	sshll.u32 @p0 s5, $0x11  }
0xaa: {  	s6 =	sor.u32 @p0 s7, s6  }
0xab: {  	[sflag:s6] =	ssyncadd.remote.s32 @p0 $0x1;
	_ =	sdelay $0x1  }
0xac: {  	s6 =	simm.s32 @p0 $0x1B8D  }
0xad: {  	_ =	swait.eq @p0 [sflag:s6], $0x1  }
0xae: {  	[sflag:s6] =	ssyncadd.s32 @p0 $0xFFFFFFFF  }
0xaf: {  	s7 =	sshll.u32 @!p0 s1, $0xE  }
0xb0: {  	s7 =	sor.u32 @!p0 $0x4000, s7;
	s6 =	simm.s32 @!p0 $0x1B8D  }
0xb1: {  	s5 =	sshll.u32 @!p0 s5, $0x11;
	s7 =	sadd.s32 @!p0 $0x11B8D, s7;
	_ =	swait.eq @!p0 [sflag:s6], $0x1  }
0xb2: {  	s5 =	sor.u32 @!p0 s5, s7;
	[sflag:s6] =	ssyncadd.s32 @!p0 $0xFFFFFFFF  }
0xb3: {  	s25 =	simm.s32 $0x1B8E;
	s24 =	sld [smem:$0x3FFE];
	[sflag:s5] =	ssyncadd.remote.s32 @!p0 $0x1  }
0xb4: {  	s26 =	simm.s32 $execute0_lowered;
	[smem:$0x3FD2] =	sst s25  }
0xb5: {  	s6 =	sshll.u32 s26, $0x1;
	_ =	strace $0x80000049;
	[dreg:$0x1] =	wrdreg $0xFFFFFFFF  }
0xb6: {  	s28 =	simm.s32 $_size_execute0_lowered;
	s4 =	sadd.s32 s4, s6;
	[dreg:$0x0] =	wrdreg $0x0  }
0xb7: {  	s6 =	sshll.u32 s28, $0x1;
	[dreg:$0x2] =	wrdreg s4  }
0xb8: {  	[dreg:$0x3] =	wrdreg s6  }
0xb9: {  	[dreg:$0x4] =	wrdreg $0xC0  }
0xba: {  	_ =	task [dreg:s22], $0x5FFFF  }
0xbb: {  	[dreg:$0x1] =	wrdreg $0xFFFFFFFF  }
0xbc: {  	[dreg:$0x0] =	wrdreg $0x60  }
0xbd: {  	[dreg:$0x2] =	wrdreg s24  }
0xbe: {  	[dreg:$0x3] =	wrdreg s18  }
0xbf: {  	[dreg:$0x4] =	wrdreg $0x64200  }
0xc0: {  	[dreg:$0x5] =	wrdreg $0xA  }
0xc1: {  	_ =	task.clear_ibuf [dreg:s22], $0x6FFFF;
	_ =	strace $0x90000049  }
0xc2: {  	s29 =	simm.s32 $0xA;
	_ =	strace $0x8000004B  }
0xc3: {  	_ =	swait.ge [sflag:s29], $0x1  }
0xc4: {  	[sflag:s29] =	ssyncadd.s32 $0xFFFFFFFF  }
0xc5: {  	_ =	strace $0x9000004B  }
0xc6: {  	_ =	sfence  }
0xc7: {  	s30 =	sld [smem:$0x0];
	_ =	sdelay $0x2  }
0xc8: {  	s31 =	sshll.u32 s1, $0xD;
	s1 =	sshrl.u32 s1, $0x2  }
0xc9: {  	s4 =	sand.u32 $0x4000, s31;
	s1 =	sadd.s32 s1, s30  }
0xca: {  	s0 =	sor.u32 s4, s0;
	s1 =	sshll.u32 s1, $0x11  }
0xcb: {  	s0 =	sor.u32 s1, s0  }
0xcc: {  	s0 =	sadd.s32 $0x8F2B, s0  }
0xcd: {  	[sflag:s0] =	ssyncadd.remote.s32 $0x1  }
0xce: {  	_ =	sfence.sel $0xFFFF  }
0xcf: {  	[dreg:$0x0] =	wrdreg $0xFFFFFFFF;
	(pc) =	sbr.abs _section_cstart, $3  }
0xd0: {  	[dreg:$0x1] =	wrdreg $0xFFFFFFFF  }
0xd1: {  	_ =	task.clear_ibuf [dreg:s22], $0x2FFFF;
	_ =	strace $0x9FFFFFFF  }
0xd2: {  	(tm) =	ssettm $0x7FFFFFFF  }
0xd3: {  	_ =	shalt  }
tec
execute0_lowered:
.L_overlay_start_1:
0x0: {  	(tag) =	ssettag $0x1  }
0x1: {  	s0 =	rddreg [dreg:$0x0]  }
0x2: {  	s1 =	rddreg [dreg:$0x1];
	s12 =	stileid.u32  }
0x3: {  	s3 =	srdreg.scid;
	s6 =	smul.u32 $0xB400, s12  }
0x4: {  	s2 =	rddreg [dreg:$0x2];
	s7 =	smul.u32 $0xFA0, s12  }
0x5: {  	s29 =	simm.s32 $0x48;
	s30 =	simm.s32 $0x80;
	s10 =	smul.u32 $0x7D000, s12  }
0x6: {  	s4 =	sand.u32 $0x1, s3;
	s3 =	simm.s32 $0x0;
	s23 =	smul.u32 $0x2D000, s12  }
0x7: {  	s31 =	simm.s32 $0x4800;
	s5 =	smul.u32 $0xB4000, s4;
	[smem:$0x7FF] =	sst s3  }
0x8: {  	s8 =	smul.u32 $0x7D0000, s4;
	s9 =	ssub.s32 $0x2, s4;
	s4 =	sadd.s32 $0x223C00, s0  }
0x9: {  	_ =	strace $0x8000004A;
	s22 =	sshrl.u32 s9, $0x1;
	s7 =	sshrl.u32 s7, $0x3  }
0xa: {  	s26 =	sshrl.u32 s23, $0x2;
	s23 =	smul.u32 $0x1F4, s12;
	s7 =	sadd.s32 s1, s7  }
0xb: {  	s12 =	simm.s32 $0x5200;
	s5 =	sadd.s32 s6, s5;
	s25 =	sadd.s32 $0x1F40, s7  }
0xc: {  	s15 =	sadd.s32 s26, s2;
	s14 =	sadd.s32 $0x1F50, s7;
	[dreg:$0x4] =	wrdreg s25  }
0xd: {  	s8 =	sadd.s32 s10, s8;
	s16 =	sadd.s32 $0x1200, s15;
	[dreg:$0x6] =	wrdreg s14  }
0xe: {  	s11 =	ssub.s32 s9, s22;
	s17 =	sadd.s32 $0x2400, s15;
	[dreg:$0x7] =	wrdreg s16  }
0xf: {  	s9 =	sadd.s32 s6, s2;
	s18 =	sadd.s32 $0x3600, s15;
	[dreg:$0x8] =	wrdreg s17  }
0x10: {  	s6 =	simm.s32 $0x5220;
	s19 =	sadd.s32 $0x4800, s15;
	[dreg:$0x9] =	wrdreg s18  }
0x11: {  	s5 =	sshrl.u32 s5, $0x3;
	s20 =	sadd.s32 $0x5A00, s15;
	[dreg:$0xa] =	wrdreg s19  }
0x12: {  	s24 =	sshrl.u32 s8, $0x3;
	s21 =	sadd.s32 $0x6C00, s15;
	[dreg:$0xb] =	wrdreg s20  }
0x13: {  	s22 =	sadd.s32 $0x7E00, s15;
	s10 =	sadd.s32 $0xA200, s15;
	[dreg:$0xc] =	wrdreg s21  }
0x14: {  	s26 =	sadd.s32 $0xC000, s8;
	s0 =	sadd.s32 s5, s0;
	[dreg:$0xd] =	wrdreg s22  }
0x15: {  	s5 =	sadd.s32 s4, s24;
	s24 =	sadd.s32 $0x9000, s15;
	[dreg:$0xf] =	wrdreg s10  }
0x16: {  	s19 =	sadd.s32 $0x2130, s7;
	s25 =	sadd.s32 s23, s1;
	s21 =	smax.u32 s11, $0x1  }
0x17: {  	s22 =	sadd.s32 $0x2120, s7;
	s1 =	sshrl.u32 s26, $0x3;
	s7 =	simm.s32 $0x3  }
0x18: {  	s10 =	simm.s32 $0x2;
	s11 =	simm.s32 $0x4900;
	s13 =	sadd.s32 $0x800, s5  }
0x19: {  	[dreg:$0xe] =	wrdreg s24;
	s20 =	sadd.s32 $0x417C00, s0;
	s23 =	sadd.s32 $0x1F60, s25  }
0x1a: {  	s24 =	sadd.s32 $0x8000, s8;
	s25 =	sadd.s32 s1, s4;
	s26 =	sadd.s32 $0xF800, s5  }
0x1b: {  	s28 =	sadd.s32 $0xF000, s5;
	s1 =	simm.s32 $0x2400;
	s0 =	simm.s32 $0x4880  }
0x1c: {  	v0 =	vimm.f32 $0.0e+00;
	s8 =	simm.s32 $0x1;
	[dreg:$0x5] =	wrdreg s13;
	s13 =	simm.s32 $0x0  }
.LBB2_1:
0x1d: {  	[tilespmem:s3], [sflag:$0x1] =	stream.strided.gather [hbm4b:s5+s29], $0x2400, s30, s29, $0x38;
	[tilespmem:$0x11820] =	vst v63  }
0x1e: {  	s14 =	rddreg [dreg:$0x4]  }
0x1f: {  	[tilespmem:s31], [sflag:$0x1] =	stream.linear.gather [hbm4b:s14+s3], $0x80, $0x38;
	[tilespmem:$0x11820] =	vst v63  }
0x20: {  	s17 =	rddreg [dreg:$0x5]  }
0x21: {  	[tilespmem:s1], [sflag:$0x2] =	stream.strided.gather [hbm4b:s17+s29], $0x2400, s30, s29, $0x38;
	[tilespmem:$0x11820] =	vst v63  }
0x22: {  	s18 =	rddreg [dreg:$0x6];
	s14 =	simm.s32 $0x0  }
0x23: {  	[tilespmem:s0], [sflag:$0x2] =	stream.linear.gather [hbm4b:s18+s3], $0x80, $0x38;
	[tilespmem:$0x11820] =	vst v63  }
0x24: {  	s15 =	simm.s32 $0x120;
	[tilespmem:s14+$0x5240] =	vst v0  }
.LBB2_2:
0x25: {  	p0 =	sne.s32 s15, $0x46E0;
	[tilespmem:s14+$0x5230] =	vst v0;
	s16 =	smov.u32 s15;
	s15 =	sadd.s32 $0x120, s15  }
.Ltmp0:
0x26: {  	[tilespmem:s14+$0x5250] =	vst v0;
	(pc) =	sbr.rel @p0 .LBB2_2-.Ltmp0, $4  }
0x27: {  	[tilespmem:s14+$0x5258] =	vst v0  }
0x28: {  	[tilespmem:s14+$0x5220] =	vst v0  }
0x29: {  	s14 =	sshra.s32 s16, $0x2  }
0x2a: {  	[tilespmem:s14+$0x5240] =	vst v0  }
0x2b: {  	[tilespmem:s14+$0x5230] =	vst v0  }
0x2c: {  	[tilespmem:s14+$0x5250] =	vst v0  }
0x2d: {  	[tilespmem:s14+$0x5220] =	vst v0  }
0x2e: {  	[tilespmem:s14+$0x5258] =	vst v0  }
0x2f: {  	[spmem:s9] =	stream.linear.scatter [tilespmem:s6], [sflag:$0x3], $0x1200, $0x38;
	[tilespmem:$0x11820] =	vst v63  }
0x30: {  	_ =	swait.ge [sflag:s7], $0x1200  }
0x31: {  	[sflag:s7] =	ssyncset.done $0x0  }
0x32: {  	s16 =	rddreg [dreg:$0x7];
	[sflag:s7] =	ssyncadd.s32 $0xFFFFEE00  }
0x33: {  	[spmem:s16] =	stream.linear.scatter [tilespmem:s6], [sflag:$0x3], $0x1200, $0x38;
	[tilespmem:$0x11820] =	vst v63  }
0x34: {  	_ =	swait.ge [sflag:s7], $0x1200  }
0x35: {  	[sflag:s7] =	ssyncset.done $0x0  }
0x36: {  	s17 =	rddreg [dreg:$0x8];
	[sflag:s7] =	ssyncadd.s32 $0xFFFFEE00  }
0x37: {  	[spmem:s17] =	stream.linear.scatter [tilespmem:s6], [sflag:$0x3], $0x1200, $0x38;
	[tilespmem:$0x11820] =	vst v63  }
0x38: {  	_ =	swait.ge [sflag:s7], $0x1200  }
0x39: {  	[sflag:s7] =	ssyncset.done $0x0  }
0x3a: {  	s18 =	rddreg [dreg:$0x9];
	[sflag:s7] =	ssyncadd.s32 $0xFFFFEE00  }
0x3b: {  	[spmem:s18] =	stream.linear.scatter [tilespmem:s6], [sflag:$0x3], $0x1200, $0x38;
	[tilespmem:$0x11820] =	vst v63  }
0x3c: {  	_ =	swait.ge [sflag:s7], $0x1200  }
0x3d: {  	[sflag:s7] =	ssyncset.done $0x0  }
0x3e: {  	s15 =	rddreg [dreg:$0xa];
	[sflag:s7] =	ssyncadd.s32 $0xFFFFEE00  }
0x3f: {  	[spmem:s15] =	stream.linear.scatter [tilespmem:s6], [sflag:$0x3], $0x1200, $0x38;
	[tilespmem:$0x11820] =	vst v63  }
0x40: {  	_ =	swait.ge [sflag:s7], $0x1200  }
0x41: {  	[sflag:s7] =	ssyncset.done $0x0  }
0x42: {  	s16 =	rddreg [dreg:$0xb];
	[sflag:s7] =	ssyncadd.s32 $0xFFFFEE00  }
0x43: {  	[spmem:s16] =	stream.linear.scatter [tilespmem:s6], [sflag:$0x3], $0x1200, $0x38;
	[tilespmem:$0x11820] =	vst v63  }
0x44: {  	_ =	swait.ge [sflag:s7], $0x1200  }
0x45: {  	[sflag:s7] =	ssyncset.done $0x0  }
0x46: {  	s17 =	rddreg [dreg:$0xc];
	[sflag:s7] =	ssyncadd.s32 $0xFFFFEE00  }
0x47: {  	[spmem:s17] =	stream.linear.scatter [tilespmem:s6], [sflag:$0x3], $0x1200, $0x38;
	[tilespmem:$0x11820] =	vst v63  }
0x48: {  	_ =	swait.ge [sflag:s7], $0x1200  }
0x49: {  	[sflag:s7] =	ssyncset.done $0x0  }
0x4a: {  	s18 =	rddreg [dreg:$0xd];
	[sflag:s7] =	ssyncadd.s32 $0xFFFFEE00  }
0x4b: {  	[spmem:s18] =	stream.linear.scatter [tilespmem:s6], [sflag:$0x3], $0x1200, $0x38;
	[tilespmem:$0x11820] =	vst v63  }
0x4c: {  	_ =	swait.ge [sflag:s7], $0x1200  }
0x4d: {  	[sflag:s7] =	ssyncset.done $0x0  }
0x4e: {  	s15 =	rddreg [dreg:$0xe];
	[sflag:s7] =	ssyncadd.s32 $0xFFFFEE00  }
0x4f: {  	[spmem:s15] =	stream.linear.scatter [tilespmem:s6], [sflag:$0x3], $0x1200, $0x38;
	[tilespmem:$0x11820] =	vst v63  }
0x50: {  	_ =	swait.ge [sflag:s7], $0x1200  }
0x51: {  	[sflag:s7] =	ssyncset.done $0x0  }
0x52: {  	s16 =	rddreg [dreg:$0xf];
	[sflag:s7] =	ssyncadd.s32 $0xFFFFEE00  }
0x53: {  	[spmem:s16] =	stream.linear.scatter [tilespmem:s6], [sflag:$0x3], $0x1200, $0x38;
	[tilespmem:$0x11820] =	vst v63  }
0x54: {  	_ =	swait.ge [sflag:s7], $0x1200  }
0x55: {  	[sflag:s7] =	ssyncset.done $0x0  }
0x56: {  	[sflag:s7] =	ssyncadd.s32 $0xFFFFEE00  }
0x57: {  	[bflag:$0x0] =	sbarrier.arrive $0xFFFF  }
0x58: {  	_ =	swait.ge [sflag:s8], $0x2400  }
0x59: {  	[sflag:s8] =	ssyncset.done $0x0  }
0x5a: {  	[sflag:s8] =	ssyncadd.s32 $0xFFFFDC00  }
0x5b: {  	_ =	swait.ge [sflag:s8], $0x80  }
0x5c: {  	[sflag:s8] =	ssyncset.done $0x0  }
0x5d: {  	[sflag:s8] =	ssyncadd.s32 $0xFFFFFF80  }
0x5e: {  	[spmem:s2] =	stream.indirect.scatter.add.f32 [tilespmem:s3], [sflag:$0x3], $0x48, s31, s30, $0xb8;
	[tilespmem:$0x11820] =	vst v63  }
0x5f: {  	_ =	swait.ge [sflag:s7], $0x2400  }
0x60: {  	s17 =	sshrl.u32 s24, $0x3;
	[sflag:s7] =	ssyncset.done $0x0  }
0x61: {  	s14 =	sadd.s32 s4, s17;
	[sflag:s7] =	ssyncadd.s32 $0xFFFFDC00  }
0x62: {  	[tilespmem:s3], [sflag:$0x1] =	stream.strided.gather [hbm4b:s14+s29], $0x2400, s30, s29, $0x38;
	[tilespmem:$0x11820] =	vst v63  }
0x63: {  	_ = 	snop  }
0x64: {  	[tilespmem:s31], [sflag:$0x1] =	stream.linear.gather [hbm4b:s23+s3], $0x80, $0x38;
	[tilespmem:$0x11820] =	vst v63  }
0x65: {  	_ =	swait.ge [sflag:s10], $0x2400  }
0x66: {  	[sflag:s10] =	ssyncset.done $0x0  }
0x67: {  	[sflag:s10] =	ssyncadd.s32 $0xFFFFDC00  }
0x68: {  	_ =	swait.ge [sflag:s10], $0x80  }
0x69: {  	[sflag:s10] =	ssyncset.done $0x0  }
0x6a: {  	[sflag:s10] =	ssyncadd.s32 $0xFFFFFF80  }
0x6b: {  	[spmem:s2] =	stream.indirect.scatter.add.f32 [tilespmem:s1], [sflag:$0x3], $0x48, s0, s30, $0xb8;
	[tilespmem:$0x11820] =	vst v63  }
0x6c: {  	s17 =	sadd.s32 $0x10, s23;
	_ =	swait.ge [sflag:s7], $0x2400  }
0x6d: {  	s18 =	sadd.s32 $0x0, s25;
	s15 =	sadd.s32 $0x20, s23;
	[sflag:s7] =	ssyncset.done $0x0  }
0x6e: {  	s16 =	sadd.s32 $0x8000, s24;
	s14 =	simm.s32 $0x1000;
	[sflag:s7] =	ssyncadd.s32 $0xFFFFDC00  }
0x6f: {  	[tilespmem:s1], [sflag:$0x2] =	stream.strided.gather [hbm4b:s18+s29], $0x2400, s30, s29, $0x38;
	[tilespmem:$0x11820] =	vst v63  }
.LBB2_4:
0x70: {  	[tilespmem:s0], [sflag:$0x2] =	stream.linear.gather [hbm4b:s17+s3], $0x80, $0x38;
	[tilespmem:$0x11820] =	vst v63  }
0x71: {  	s17 =	smov.u32 s14  }
0x72: {  	p0 =	sne.s32 s14, $0xD000;
	s14 =	sadd.s32 $0x1000, s14;
	_ =	swait.ge [sflag:s8], $0x2400  }
0x73: {  	[sflag:s8] =	ssyncset.done $0x0  }
0x74: {  	[sflag:s8] =	ssyncadd.s32 $0xFFFFDC00  }
0x75: {  	_ =	swait.ge [sflag:s8], $0x80  }
0x76: {  	[sflag:s8] =	ssyncset.done $0x0  }
0x77: {  	[sflag:s8] =	ssyncadd.s32 $0xFFFFFF80  }
0x78: {  	[spmem:s2] =	stream.indirect.scatter.add.f32 [tilespmem:s3], [sflag:$0x3], $0x48, s31, s30, $0xb8;
	[tilespmem:$0x11820] =	vst v63  }
0x79: {  	_ =	swait.ge [sflag:s7], $0x2400  }
0x7a: {  	s18 =	sshrl.u32 s16, $0x3;
	[sflag:s7] =	ssyncset.done $0x0  }
0x7b: {  	s18 =	sadd.s32 s4, s18;
	[sflag:s7] =	ssyncadd.s32 $0xFFFFDC00  }
0x7c: {  	[tilespmem:s3], [sflag:$0x1] =	stream.strided.gather [hbm4b:s18+s29], $0x2400, s30, s29, $0x38;
	[tilespmem:$0x11820] =	vst v63  }
0x7d: {  	_ = 	snop  }
0x7e: {  	[tilespmem:s31], [sflag:$0x1] =	stream.linear.gather [hbm4b:s15+s3], $0x80, $0x38;
	[tilespmem:$0x11820] =	vst v63  }
0x7f: {  	_ =	swait.ge [sflag:s10], $0x2400  }
0x80: {  	[sflag:s10] =	ssyncset.done $0x0  }
0x81: {  	[sflag:s10] =	ssyncadd.s32 $0xFFFFDC00  }
0x82: {  	_ =	swait.ge [sflag:s10], $0x80  }
0x83: {  	[sflag:s10] =	ssyncset.done $0x0  }
0x84: {  	[sflag:s10] =	ssyncadd.s32 $0xFFFFFF80  }
0x85: {  	[spmem:s2] =	stream.indirect.scatter.add.f32 [tilespmem:s1], [sflag:$0x3], $0x48, s0, s30, $0xb8;
	[tilespmem:$0x11820] =	vst v63  }
.Ltmp1:
0x86: {  	_ =	swait.ge [sflag:s7], $0x2400;
	(pc) =	sbr.rel @p0 .LBB2_4-.Ltmp1, $4  }
0x87: {  	[sflag:s7] =	ssyncset.done $0x0  }
0x88: {  	s17 =	sadd.s32 s17, s25;
	[sflag:s7] =	ssyncadd.s32 $0xFFFFDC00  }
0x89: {  	[tilespmem:s1], [sflag:$0x2] =	stream.strided.gather [hbm4b:s17+s29], $0x2400, s30, s29, $0x38;
	[tilespmem:$0x11820] =	vst v63  }
0x8a: {  	s16 =	sadd.s32 $0x8000, s16;
	s17 =	sadd.s32 $0x10, s15;
	s15 =	sadd.s32 $0x20, s15  }
0x8b: {  	[tilespmem:s0], [sflag:$0x2] =	stream.linear.gather [hbm4b:s17+s3], $0x80, $0x38;
	[tilespmem:$0x11820] =	vst v63  }
0x8c: {  	_ =	swait.ge [sflag:s8], $0x2400  }
0x8d: {  	[sflag:s8] =	ssyncset.done $0x0  }
0x8e: {  	[sflag:s8] =	ssyncadd.s32 $0xFFFFDC00  }
0x8f: {  	_ =	swait.ge [sflag:s8], $0x80  }
0x90: {  	[sflag:s8] =	ssyncset.done $0x0  }
0x91: {  	[sflag:s8] =	ssyncadd.s32 $0xFFFFFF80  }
0x92: {  	[spmem:s2] =	stream.indirect.scatter.add.f32 [tilespmem:s3], [sflag:$0x3], $0x48, s31, s30, $0xb8;
	[tilespmem:$0x11820] =	vst v63  }
0x93: {  	_ =	swait.ge [sflag:s7], $0x2400  }
0x94: {  	[sflag:s7] =	ssyncset.done $0x0  }
0x95: {  	[sflag:s7] =	ssyncadd.s32 $0xFFFFDC00  }
0x96: {  	[tilespmem:s3], [sflag:$0x1] =	stream.strided.gather [hbm4b:s28+s29], $0x2400, s30, s29, $0x38;
	[tilespmem:$0x11820] =	vst v63  }
0x97: {  	_ = 	snop  }
0x98: {  	[tilespmem:s31], [sflag:$0x1] =	stream.linear.gather [hbm4b:s22+s3], $0x80, $0x38;
	[tilespmem:$0x11820] =	vst v63  }
0x99: {  	_ =	swait.ge [sflag:s10], $0x2400  }
0x9a: {  	[sflag:s10] =	ssyncset.done $0x0  }
0x9b: {  	[sflag:s10] =	ssyncadd.s32 $0xFFFFDC00  }
0x9c: {  	_ =	swait.ge [sflag:s10], $0x80  }
0x9d: {  	[sflag:s10] =	ssyncset.done $0x0  }
0x9e: {  	[sflag:s10] =	ssyncadd.s32 $0xFFFFFF80  }
0x9f: {  	[spmem:s2] =	stream.indirect.scatter.add.f32 [tilespmem:s1], [sflag:$0x3], $0x48, s0, s30, $0xb8;
	[tilespmem:$0x11820] =	vst v63  }
0xa0: {  	_ =	swait.ge [sflag:s7], $0x2400  }
0xa1: {  	[sflag:s7] =	ssyncset.done $0x0  }
0xa2: {  	[sflag:s7] =	ssyncadd.s32 $0xFFFFDC00  }
0xa3: {  	_ =	swait.ge [sflag:s8], $0x2400  }
0xa4: {  	[sflag:s8] =	ssyncset.done $0x0  }
0xa5: {  	[sflag:s8] =	ssyncadd.s32 $0xFFFFDC00  }
0xa6: {  	_ =	swait.ge [sflag:s8], $0x80  }
0xa7: {  	[sflag:s8] =	ssyncset.done $0x0  }
0xa8: {  	[sflag:s8] =	ssyncadd.s32 $0xFFFFFF80  }
0xa9: {  	[spmem:s2] =	stream.indirect.scatter.add.f32 [tilespmem:s3], [sflag:$0x3], $0x48, s31, s30, $0xb8;
	[tilespmem:$0x11820] =	vst v63  }
0xaa: {  	_ =	swait.ge [sflag:s7], $0x2400  }
0xab: {  	[sflag:s7] =	ssyncset.done $0x0  }
0xac: {  	[sflag:s7] =	ssyncadd.s32 $0xFFFFDC00  }
0xad: {  	[tilespmem:s11], [sflag:$0x3] =	stream.strided.gather [hbm4b:s26+s29], $0x900, s30, s29, $0x38;
	[tilespmem:$0x11820] =	vst v63  }
0xae: {  	_ =	swait.ge [sflag:s7], $0x900  }
0xaf: {  	[sflag:s7] =	ssyncset.done $0x0  }
0xb0: {  	[sflag:s7] =	ssyncadd.s32 $0xFFFFF700  }
0xb1: {  	[tilespmem:s12], [sflag:$0x3] =	stream.linear.gather [hbm4b:s19+s3], $0x20, $0x38;
	[tilespmem:$0x11820] =	vst v63  }
0xb2: {  	_ =	swait.ge [sflag:s7], $0x20  }
0xb3: {  	[sflag:s7] =	ssyncset.done $0x0  }
0xb4: {  	s14 =	simm.s32 $0x20;
	[sflag:s7] =	ssyncadd.s32 $0xFFFFFFE0  }
0xb5: {  	[spmem:s2] =	stream.indirect.scatter.add.f32 [tilespmem:s11], [sflag:$0x3], $0x48, s12, s14, $0xb8;
	[tilespmem:$0x11820] =	vst v63  }
0xb6: {  	s18 =	stileid.u32;
	_ =	swait.ge [sflag:s7], $0x900  }
0xb7: {  	s15 =	sshrl.u32 s9, $0x3;
	s13 =	sadd.s32 $0x1, s13;
	[sflag:s7] =	ssyncset.done $0x0  }
0xb8: {  	p0 =	sne.s32 s13, s21;
	s14 =	sshll.u32 s18, $0x6;
	[sflag:s7] =	ssyncadd.s32 $0xFFFFF700  }
.Ltmp2:
0xb9: {  	s14 =	sor.u32 $0x1C03, s14;
	[bflag:$0x0] =	sbarrier.arrive $0xFFFF;
	(pc) =	sbr.rel @p0 .LBB2_1-.Ltmp2, $4  }
0xba: {  	[hbm:s20], [sflag:s14] =	dma.local [spmem:s15], $0x1680  }
0xbb: {  	_ =	swait.ge [sflag:s7], $0x1680  }
0xbc: {  	[sflag:s7] =	ssyncset.done $0x0  }
0xbd: {  	[sflag:s7] =	ssyncadd.s32 $0xFFFFE980  }
0xbe: {  	_ =	sfence.sel $0x180000  }
0xbf: {  	[bflag:$0x0] =	sbarrier.arrive $0xFFFF  }
0xc0: {  	_ =	strace $0x9000004A  }
0xc1: {  	s0 =	stileid.u32;
	[bflag:$0x2] =	sbarrier.arrive $0xFFFF  }
0xc2: {  	p0 =	sne.s32 s0, $0x0;
	s0 =	rddreg [dreg:$0x3]  }
0xc3: {  	s0 =	sadd.s32 @!p0 $0x100000, s0  }
0xc4: {  	[sflag:s0] =	ssyncadd.tile.s32 @!p0 $0x1;
	_ =	shalt  }
.Lfunc_end2:
_tile_overlayer_lowered:
.L_overlay_start_2:
0xc5: {  	(tag) =	ssettag $0x2  }
0xc6: {  	s0 =	rddreg [dreg:$0x0];
	s2 =	stileid.u32  }
0xc7: {  	s1 =	rddreg [dreg:$0x1];
	p0 =	sne.s32 s2, $0x0  }
0xc8: {  	s3 =	rddreg [dreg:$0x2];
	[bflag:$0x3] =	sbarrier.arrive $0xFFFF;
	s2 =	simm.s32 @!p0 $0x1C03  }
0xc9: {  	[timem:s3], [sflag:s2] =	dma.local @!p0 [hbm:s0], s1  }
0xca: {  	s0 =	simm.s32 @!p0 $0x3  }
0xcb: {  	_ =	swait.ge @!p0 [sflag:s0], s1  }
0xcc: {  	s1 =	ssub.s32 @!p0 $0x0, s1;
	[sflag:s0] =	ssyncset.done @!p0 $0x0  }
0xcd: {  	[sflag:s0] =	ssyncadd.s32 @!p0 s1  }
0xce: {  	[bflag:$0x3] =	sbarrier.arrive $0xFFFF  }
0xcf: {  	_ =	shalt  }

// kernel: kernel.19.cloned.1.call-start
scs
__scs_entry_jumppad:
0x0: {  	(pc) =	sbr.rel $0x88, $3  }
0x1: {  	(tag) =	ssettag $0x0;
	lr =	simm.s32 $0x1  }
0x2: {  	[smem:$0x3F9A] =	sst lr;
	_ =	strace $0xD0000000  }
0x3: {  	_ = 	snop  }
0x4: {  	_ = 	snop  }
0x5: {  	_ = 	snop  }
0x6: {  	_ = 	snop  }
0x7: {  	_ = 	snop  }
__scs_overlays_trampoline_lowered:
0x8: {  	[smem:$0x3FA9] =	sst s0  }
0x9: {  	[smem:$0x3FAA] =	sst s1  }
0xa: {  	[smem:$0x3FAB] =	sst s2  }
0xb: {  	[smem:$0x3FAC] =	sst s3  }
0xc: {  	[smem:$0x3FAD] =	sst s4  }
0xd: {  	[smem:$0x3FAE] =	sst s5  }
0xe: {  	[smem:$0x3FAF] =	sst s6  }
0xf: {  	[smem:$0x3FB0] =	sst s7  }
0x10: {  	[smem:$0x3FB1] =	sst s8  }
0x11: {  	[smem:$0x3FB2] =	sst s9;
	s0 =	simm.s32 @!p0 $0x0  }
0x12: {  	s1 =	sld [smem:$0x3F98];
	s0 =	simm.s32 @p0 $0x1  }
0x13: {  	[smem:$0x3FB3] =	sst s0;
	s0 =	simm.s32 @!p1 $0x0  }
0x14: {  	s2 =	sld [smem:$0x3F97];
	s0 =	simm.s32 @p1 $0x1  }
0x15: {  	[smem:$0x3FB4] =	sst s0;
	s0 =	simm.s32 @!p2 $0x0  }
0x16: {  	s3 =	sld [smem:$0x3FDB];
	s0 =	simm.s32 @p2 $0x1  }
0x17: {  	s4 =	simm.s32 $0x1BF5;
	[smem:$0x3FB6] =	sst s0  }
0x18: {  	s0 =	sld [smem:$0x3F99];
	_ =	swait.ge [sflag:s4], $0x0  }
0x19: {  	s7 =	sld [smem:$0x3F9A]  }
0x1a: {  	s8 =	sadd.s32 $0xFFFFE003, lr  }
0x1b: {  	s9 =	sadd.s32 $0xFFFFFEF7, lr;
	s5 =	simm.s32 $0xFFFFFFFF;
	p2 =	slt.u32 s8, $0xFFFFF086  }
0x1c: {  	p1 =	slt.u32 s9, $0xF7A;
	s5 =	simm.s32 @!p2 $0x0  }
0x1d: {  	s5 =	simm.s32 @p1 $0x1;
	p0 =	seq.s32 s7, s2  }
0x1e: {  	s7 =	smul.u32 @!p0 $0xF7A, s2;
	p2 =	seq.s32 @!p0 s5, $0x0  }
0x1f: {  	s9 =	smul.u32 $0xF7A, s1;
	s8 =	simm.s32 @!p0 $0x1BF5;
	p2 =	por !p2, p0  }
0x20: {  	[sflag:s8] =	ssyncset.s32 @!p0 $0xFFFFF086;
	s6 =	sadd.s32 @!p0 s3, s7;
	s7 =	simm.s32 @!p0 $0x108  }
0x21: {  	s3 =	sadd.s32 s3, s9;
	s6 =	sadd.s32 @!p0 $0x88, s6;
	s7 =	simm.s32 @p2 $0x1082  }
0x22: {  	[simem:s7], [sflag:s8] =	dma.local @!p0 [hbm:s6], $0xF7A  }
0x23: {  	s9 =	sor.u32 $0xD0000000, s2;
	s6 =	simm.s32 $0x108;
	_ =	swait.ge @!p0 [sflag:s8], $0x0  }
0x24: {  	s3 =	sadd.s32 $0x88, s3;
	s6 =	simm.s32 @!p1 $0x1082;
	[sflag:s4] =	ssyncset.s32 $0xFFFFF086  }
0x25: {  	[simem:s6], [sflag:s4] =	dma.local [hbm:s3], $0xF7A  }
0x26: {  	[smem:$0x3F9A] =	sst s1;
	(tag) =	ssettag s2;
	_ =	strace s9  }
0x27: {  	s1 =	sld [smem:$0x3FAA]  }
0x28: {  	s2 =	sld [smem:$0x3FAB]  }
0x29: {  	s4 =	sld [smem:$0x3FAD]  }
0x2a: {  	p0 =	seq.s32 s5, $0x0;
	s5 =	sld [smem:$0x3FAE]  }
0x2b: {  	s6 =	sld [smem:$0x3FAF]  }
0x2c: {  	s7 =	sld [smem:$0x3FB0]  }
0x2d: {  	s3 =	simm.s32 $0x108;
	s8 =	sld [smem:$0x3FB1]  }
0x2e: {  	s3 =	simm.s32 @!p0 $0x1082;
	s9 =	sld [smem:$0x3FB2]  }
0x2f: {  	lr =	sadd.s32 s0, s3;
	s0 =	sld [smem:$0x3FA9]  }
0x30: {  	s3 =	sld [smem:$0x3FAC]  }
0x31: {  	[smem:$0x3FB5] =	sst s10  }
0x32: {  	s10 =	sld [smem:$0x3FB3];
	_ =	sdelay $0x3  }
0x33: {  	p0 =	seq.s32 s10, $0x1;
	s10 =	sld [smem:$0x3FB5];
	_ =	sdelay $0x3  }
0x34: {  	[smem:$0x3FB5] =	sst s10  }
0x35: {  	s10 =	sld [smem:$0x3FB4];
	_ =	sdelay $0x3  }
0x36: {  	p1 =	seq.s32 s10, $0x1;
	s10 =	sld [smem:$0x3FB5];
	_ =	sdelay $0x3  }
0x37: {  	[smem:$0x3FB5] =	sst s10  }
0x38: {  	s10 =	sld [smem:$0x3FB6]  }
0x39: {  	_ = 	snop;
	(pc) =	sbr.ind lr, $3  }
0x3a: {  	_ = 	snop  }
0x3b: {  	_ = 	snop  }
0x3c: {  	p2 =	seq.s32 s10, $0x1;
	s10 =	sld [smem:$0x3FB5]  }
0x3d: {  	_ =	shalt  }
0x3e: {  	_ =	shalt  }
0x3f: {  	_ =	shalt  }
0x40: {  	_ =	shalt  }
0x41: {  	_ =	shalt  }
0x42: {  	_ =	shalt  }
0x43: {  	_ =	shalt  }
0x44: {  	_ =	shalt  }
0x45: {  	_ =	shalt  }
0x46: {  	_ =	shalt  }
0x47: {  	_ =	shalt  }
0x48: {  	_ =	shalt  }
0x49: {  	_ =	shalt  }
0x4a: {  	_ =	shalt  }
0x4b: {  	_ =	shalt  }
0x4c: {  	_ =	shalt  }
0x4d: {  	_ =	shalt  }
0x4e: {  	_ =	shalt  }
0x4f: {  	_ =	shalt  }
0x50: {  	_ =	shalt  }
0x51: {  	_ =	shalt  }
0x52: {  	_ =	shalt  }
0x53: {  	_ =	shalt  }
0x54: {  	_ =	shalt  }
0x55: {  	_ =	shalt  }
0x56: {  	_ =	shalt  }
0x57: {  	_ =	shalt  }
0x58: {  	_ =	shalt  }
0x59: {  	_ =	shalt  }
0x5a: {  	_ =	shalt  }
0x5b: {  	_ =	shalt  }
0x5c: {  	_ =	shalt  }
0x5d: {  	_ =	shalt  }
0x5e: {  	_ =	shalt  }
0x5f: {  	_ =	shalt  }
0x60: {  	_ =	shalt  }
0x61: {  	_ =	shalt  }
0x62: {  	_ =	shalt  }
0x63: {  	_ =	shalt  }
0x64: {  	_ =	shalt  }
0x65: {  	_ =	shalt  }
0x66: {  	_ =	shalt  }
0x67: {  	_ =	shalt  }
0x68: {  	_ =	shalt  }
0x69: {  	_ =	shalt  }
0x6a: {  	_ =	shalt  }
0x6b: {  	_ =	shalt  }
0x6c: {  	_ =	shalt  }
0x6d: {  	_ =	shalt  }
0x6e: {  	_ =	shalt  }
0x6f: {  	_ =	shalt  }
0x70: {  	_ =	shalt  }
0x71: {  	_ =	shalt  }
0x72: {  	_ =	shalt  }
0x73: {  	_ =	shalt  }
0x74: {  	_ =	shalt  }
0x75: {  	_ =	shalt  }
0x76: {  	_ =	shalt  }
0x77: {  	_ =	shalt  }
0x78: {  	_ =	shalt  }
0x79: {  	_ =	shalt  }
0x7a: {  	_ =	shalt  }
0x7b: {  	_ =	shalt  }
0x7c: {  	_ =	shalt  }
0x7d: {  	_ =	shalt  }
0x7e: {  	_ =	shalt  }
0x7f: {  	_ =	shalt  }
0x80: {  	_ =	shalt  }
0x81: {  	_ =	shalt  }
0x82: {  	_ =	shalt  }
0x83: {  	_ =	shalt  }
0x84: {  	_ =	shalt  }
0x85: {  	_ =	shalt  }
0x86: {  	_ =	shalt  }
0x87: {  	_ =	shalt  }
.Lfunc_end0:
.L_simem_size_0:
called_computation.2_lowered:
.L_overlay_start_0:
0x88: {  	s2 =	sld [smem:$0x3FD9]  }
0x89: {  	s3 =	sld [smem:$0x3FFE];
	_ =	sdelay $0x1  }
0x8a: {  	s1 =	srdreg.scid  }
0x8b: {  	s0 =	sand.u32 $0x1, s1  }
0x8c: {  	s17 =	sshll.u32 s0, $0xA;
	s2 =	sadd.s32 s3, s2  }
0x8d: {  	s2 =	sadd.s32 s2, s17  }
0x8e: {  	[smem:$0x3FC1] =	sst s2  }
0x8f: {  	_ = 	snop  }
0x90: {  	s18 =	sld [smem:$0x3FC8];
	(tm) =	ssettm $0x1  }
0x91: {  	s19 =	sld [smem:$0x3FFB];
	_ =	sdelay $0x3  }
0x92: {  	_ =	strace s19  }
0x93: {  	s2 =	sld [smem:$0x3FFC];
	_ =	sdelay $0x3  }
0x94: {  	_ =	strace s2  }
0x95: {  	s2 =	sld [smem:$0x3FFD];
	_ =	sdelay $0x3  }
0x96: {  	_ =	strace s2  }
0x97: {  	_ =	strace $0x8FFFFFFF  }
0x98: {  	s20 =	sld [smem:$0x3FDB];
	_ =	sdelay $0x1  }
0x99: {  	s4 =	simm.s32 $_scs_section_size  }
0x9a: {  	s5 =	simm.s32 $_size__tile_overlayer_lowered;
	s6 =	simm.s32 $_tile_overlayer_lowered  }
0x9b: {  	s7 =	simm.s32 $0x1BFF;
	s21 =	sshll.u32 s6, $0x1;
	s4 =	sadd.s32 s4, s20  }
0x9c: {  	s22 =	simm.s32 $0x0;
	s5 =	sshll.u32 s5, $0x1;
	s6 =	sadd.s32 s21, s4  }
0x9d: {  	[timem:s22], [sflag:s7] =	dma.local [hbm:s6], s5  }
0x9e: {  	_ =	swait.ge [sflag:s7], s5  }
0x9f: {  	s5 =	ssub.s32 $0x0, s5;
	[sflag:s7] =	ssyncset.done $0x0  }
0xa0: {  	[sflag:s7] =	ssyncadd.s32 s5;
	_ =	sdelay $0x1  }
0xa1: {  	s23 =	simm.s32 $0x1B8B  }
0xa2: {  	_ =	swait.ge [sflag:s23], $0x1  }
0xa3: {  	[sflag:s23] =	ssyncset.done $0x0  }
0xa4: {  	[sflag:s23] =	ssyncadd.s32 $0xFFFFFFFF  }
0xa5: {  	s5 =	sld [smem:$0x0]  }
0xa6: {  	s6 =	sand.u32 $0xFFFFFFFE, s1  }
0xa7: {  	p0 =	sne.s32 s1, s6  }
0xa8: {  	s6 =	sshll.u32 @p0 s6, $0xE  }
0xa9: {  	s6 =	sadd.s32 @p0 $0x11B8D, s6;
	s7 =	sshll.u32 @p0 s5, $0x11  }
0xaa: {  	s6 =	sor.u32 @p0 s7, s6  }
0xab: {  	[sflag:s6] =	ssyncadd.remote.s32 @p0 $0x1;
	_ =	sdelay $0x1  }
0xac: {  	s6 =	simm.s32 @p0 $0x1B8D  }
0xad: {  	_ =	swait.eq @p0 [sflag:s6], $0x1  }
0xae: {  	[sflag:s6] =	ssyncadd.s32 @p0 $0xFFFFFFFF  }
0xaf: {  	s7 =	sshll.u32 @!p0 s1, $0xE  }
0xb0: {  	s7 =	sor.u32 @!p0 $0x4000, s7;
	s6 =	simm.s32 @!p0 $0x1B8D  }
0xb1: {  	s5 =	sshll.u32 @!p0 s5, $0x11;
	s7 =	sadd.s32 @!p0 $0x11B8D, s7;
	_ =	swait.eq @!p0 [sflag:s6], $0x1  }
0xb2: {  	s5 =	sor.u32 @!p0 s5, s7;
	[sflag:s6] =	ssyncadd.s32 @!p0 $0xFFFFFFFF  }
0xb3: {  	s25 =	simm.s32 $0x1B8E;
	s24 =	sld [smem:$0x3FFE];
	[sflag:s5] =	ssyncadd.remote.s32 @!p0 $0x1  }
0xb4: {  	s26 =	simm.s32 $execute0_lowered;
	[smem:$0x3FD2] =	sst s25  }
0xb5: {  	s6 =	sshll.u32 s26, $0x1;
	_ =	strace $0x8000004F;
	[dreg:$0x1] =	wrdreg $0xFFFFFFFF  }
0xb6: {  	s28 =	simm.s32 $_size_execute0_lowered;
	s4 =	sadd.s32 s4, s6;
	[dreg:$0x0] =	wrdreg $0x0  }
0xb7: {  	s6 =	sshll.u32 s28, $0x1;
	[dreg:$0x2] =	wrdreg s4  }
0xb8: {  	[dreg:$0x3] =	wrdreg s6  }
0xb9: {  	[dreg:$0x4] =	wrdreg $0xC0  }
0xba: {  	_ =	task [dreg:s22], $0x5FFFF  }
0xbb: {  	[dreg:$0x1] =	wrdreg $0xFFFFFFFF  }
0xbc: {  	[dreg:$0x0] =	wrdreg $0x60  }
0xbd: {  	[dreg:$0x2] =	wrdreg s24  }
0xbe: {  	[dreg:$0x3] =	wrdreg s18  }
0xbf: {  	[dreg:$0x4] =	wrdreg $0x64200  }
0xc0: {  	[dreg:$0x5] =	wrdreg $0xB  }
0xc1: {  	_ =	task.clear_ibuf [dreg:s22], $0x6FFFF;
	_ =	strace $0x9000004F  }
0xc2: {  	s29 =	simm.s32 $0xB;
	_ =	strace $0x80000051  }
0xc3: {  	_ =	swait.ge [sflag:s29], $0x1  }
0xc4: {  	[sflag:s29] =	ssyncadd.s32 $0xFFFFFFFF  }
0xc5: {  	_ =	strace $0x90000051  }
0xc6: {  	_ =	sfence  }
0xc7: {  	s30 =	sld [smem:$0x0];
	_ =	sdelay $0x2  }
0xc8: {  	s31 =	sshll.u32 s1, $0xD;
	s1 =	sshrl.u32 s1, $0x2  }
0xc9: {  	s4 =	sand.u32 $0x4000, s31;
	s1 =	sadd.s32 s1, s30  }
0xca: {  	s0 =	sor.u32 s4, s0;
	s1 =	sshll.u32 s1, $0x11  }
0xcb: {  	s0 =	sor.u32 s1, s0  }
0xcc: {  	s0 =	sadd.s32 $0x8F2B, s0  }
0xcd: {  	[sflag:s0] =	ssyncadd.remote.s32 $0x1  }
0xce: {  	_ =	sfence.sel $0xFFFF  }
0xcf: {  	[dreg:$0x0] =	wrdreg $0xFFFFFFFF;
	(pc) =	sbr.abs _section_cstart, $3  }
0xd0: {  	[dreg:$0x1] =	wrdreg $0xFFFFFFFF  }
0xd1: {  	_ =	task.clear_ibuf [dreg:s22], $0x2FFFF;
	_ =	strace $0x9FFFFFFF  }
0xd2: {  	(tm) =	ssettm $0x7FFFFFFF  }
0xd3: {  	_ =	shalt  }
tec
execute0_lowered:
.L_overlay_start_1:
0x0: {  	(tag) =	ssettag $0x1  }
0x1: {  	s0 =	rddreg [dreg:$0x0]  }
0x2: {  	s1 =	rddreg [dreg:$0x1];
	s12 =	stileid.u32  }
0x3: {  	s3 =	srdreg.scid;
	s6 =	smul.u32 $0xB400, s12  }
0x4: {  	s2 =	rddreg [dreg:$0x2];
	s7 =	smul.u32 $0xFA0, s12  }
0x5: {  	s29 =	simm.s32 $0x48;
	s30 =	simm.s32 $0x80;
	s10 =	smul.u32 $0x7D000, s12  }
0x6: {  	s4 =	sand.u32 $0x1, s3;
	s3 =	simm.s32 $0x0;
	s23 =	smul.u32 $0x2D000, s12  }
0x7: {  	s31 =	simm.s32 $0x4800;
	s5 =	smul.u32 $0xB4000, s4;
	[smem:$0x7FF] =	sst s3  }
0x8: {  	s8 =	smul.u32 $0x7D0000, s4;
	s9 =	ssub.s32 $0x2, s4;
	s4 =	sadd.s32 $0x665C00, s0  }
0x9: {  	_ =	strace $0x80000050;
	s22 =	sshrl.u32 s9, $0x1;
	s7 =	sshrl.u32 s7, $0x3  }
0xa: {  	s26 =	sshrl.u32 s23, $0x2;
	s23 =	smul.u32 $0x1F4, s12;
	s7 =	sadd.s32 s1, s7  }
0xb: {  	s12 =	simm.s32 $0x5200;
	s5 =	sadd.s32 s6, s5;
	s25 =	sadd.s32 $0x3E80, s7  }
0xc: {  	s15 =	sadd.s32 s26, s2;
	s14 =	sadd.s32 $0x3E90, s7;
	[dreg:$0x4] =	wrdreg s25  }
0xd: {  	s8 =	sadd.s32 s10, s8;
	s16 =	sadd.s32 $0x1200, s15;
	[dreg:$0x6] =	wrdreg s14  }
0xe: {  	s11 =	ssub.s32 s9, s22;
	s17 =	sadd.s32 $0x2400, s15;
	[dreg:$0x7] =	wrdreg s16  }
0xf: {  	s9 =	sadd.s32 s6, s2;
	s18 =	sadd.s32 $0x3600, s15;
	[dreg:$0x8] =	wrdreg s17  }
0x10: {  	s6 =	simm.s32 $0x5220;
	s19 =	sadd.s32 $0x4800, s15;
	[dreg:$0x9] =	wrdreg s18  }
0x11: {  	s5 =	sshrl.u32 s5, $0x3;
	s20 =	sadd.s32 $0x5A00, s15;
	[dreg:$0xa] =	wrdreg s19  }
0x12: {  	s24 =	sshrl.u32 s8, $0x3;
	s21 =	sadd.s32 $0x6C00, s15;
	[dreg:$0xb] =	wrdreg s20  }
0x13: {  	s22 =	sadd.s32 $0x7E00, s15;
	s10 =	sadd.s32 $0xA200, s15;
	[dreg:$0xc] =	wrdreg s21  }
0x14: {  	s26 =	sadd.s32 $0xC000, s8;
	s0 =	sadd.s32 s5, s0;
	[dreg:$0xd] =	wrdreg s22  }
0x15: {  	s5 =	sadd.s32 s4, s24;
	s24 =	sadd.s32 $0x9000, s15;
	[dreg:$0xf] =	wrdreg s10  }
0x16: {  	s19 =	sadd.s32 $0x4070, s7;
	s25 =	sadd.s32 s23, s1;
	s21 =	smax.u32 s11, $0x1  }
0x17: {  	s22 =	sadd.s32 $0x4060, s7;
	s1 =	sshrl.u32 s26, $0x3;
	s7 =	simm.s32 $0x3  }
0x18: {  	s10 =	simm.s32 $0x2;
	s11 =	simm.s32 $0x4900;
	s13 =	sadd.s32 $0x800, s5  }
0x19: {  	[dreg:$0xe] =	wrdreg s24;
	s20 =	sadd.s32 $0x859C00, s0;
	s23 =	sadd.s32 $0x3EA0, s25  }
0x1a: {  	s24 =	sadd.s32 $0x8000, s8;
	s25 =	sadd.s32 s1, s4;
	s26 =	sadd.s32 $0xF800, s5  }
0x1b: {  	s28 =	sadd.s32 $0xF000, s5;
	s1 =	simm.s32 $0x2400;
	s0 =	simm.s32 $0x4880  }
0x1c: {  	v0 =	vimm.f32 $0.0e+00;
	s8 =	simm.s32 $0x1;
	[dreg:$0x5] =	wrdreg s13;
	s13 =	simm.s32 $0x0  }
.LBB2_1:
0x1d: {  	[tilespmem:s3], [sflag:$0x1] =	stream.strided.gather [hbm4b:s5+s29], $0x2400, s30, s29, $0x38;
	[tilespmem:$0x11820] =	vst v63  }
0x1e: {  	s14 =	rddreg [dreg:$0x4]  }
0x1f: {  	[tilespmem:s31], [sflag:$0x1] =	stream.linear.gather [hbm4b:s14+s3], $0x80, $0x38;
	[tilespmem:$0x11820] =	vst v63  }
0x20: {  	s17 =	rddreg [dreg:$0x5]  }
0x21: {  	[tilespmem:s1], [sflag:$0x2] =	stream.strided.gather [hbm4b:s17+s29], $0x2400, s30, s29, $0x38;
	[tilespmem:$0x11820] =	vst v63  }
0x22: {  	s18 =	rddreg [dreg:$0x6];
	s14 =	simm.s32 $0x0  }
0x23: {  	[tilespmem:s0], [sflag:$0x2] =	stream.linear.gather [hbm4b:s18+s3], $0x80, $0x38;
	[tilespmem:$0x11820] =	vst v63  }
0x24: {  	s15 =	simm.s32 $0x120;
	[tilespmem:s14+$0x5240] =	vst v0  }
.LBB2_2:
0x25: {  	p0 =	sne.s32 s15, $0x46E0;
	[tilespmem:s14+$0x5230] =	vst v0;
	s16 =	smov.u32 s15;
	s15 =	sadd.s32 $0x120, s15  }
.Ltmp0:
0x26: {  	[tilespmem:s14+$0x5250] =	vst v0;
	(pc) =	sbr.rel @p0 .LBB2_2-.Ltmp0, $4  }
0x27: {  	[tilespmem:s14+$0x5258] =	vst v0  }
0x28: {  	[tilespmem:s14+$0x5220] =	vst v0  }
0x29: {  	s14 =	sshra.s32 s16, $0x2  }
0x2a: {  	[tilespmem:s14+$0x5240] =	vst v0  }
0x2b: {  	[tilespmem:s14+$0x5230] =	vst v0  }
0x2c: {  	[tilespmem:s14+$0x5250] =	vst v0  }
0x2d: {  	[tilespmem:s14+$0x5220] =	vst v0  }
0x2e: {  	[tilespmem:s14+$0x5258] =	vst v0  }
0x2f: {  	[spmem:s9] =	stream.linear.scatter [tilespmem:s6], [sflag:$0x3], $0x1200, $0x38;
	[tilespmem:$0x11820] =	vst v63  }
0x30: {  	_ =	swait.ge [sflag:s7], $0x1200  }
0x31: {  	[sflag:s7] =	ssyncset.done $0x0  }
0x32: {  	s16 =	rddreg [dreg:$0x7];
	[sflag:s7] =	ssyncadd.s32 $0xFFFFEE00  }
0x33: {  	[spmem:s16] =	stream.linear.scatter [tilespmem:s6], [sflag:$0x3], $0x1200, $0x38;
	[tilespmem:$0x11820] =	vst v63  }
0x34: {  	_ =	swait.ge [sflag:s7], $0x1200  }
0x35: {  	[sflag:s7] =	ssyncset.done $0x0  }
0x36: {  	s17 =	rddreg [dreg:$0x8];
	[sflag:s7] =	ssyncadd.s32 $0xFFFFEE00  }
0x37: {  	[spmem:s17] =	stream.linear.scatter [tilespmem:s6], [sflag:$0x3], $0x1200, $0x38;
	[tilespmem:$0x11820] =	vst v63  }
0x38: {  	_ =	swait.ge [sflag:s7], $0x1200  }
0x39: {  	[sflag:s7] =	ssyncset.done $0x0  }
0x3a: {  	s18 =	rddreg [dreg:$0x9];
	[sflag:s7] =	ssyncadd.s32 $0xFFFFEE00  }
0x3b: {  	[spmem:s18] =	stream.linear.scatter [tilespmem:s6], [sflag:$0x3], $0x1200, $0x38;
	[tilespmem:$0x11820] =	vst v63  }
0x3c: {  	_ =	swait.ge [sflag:s7], $0x1200  }
0x3d: {  	[sflag:s7] =	ssyncset.done $0x0  }
0x3e: {  	s15 =	rddreg [dreg:$0xa];
	[sflag:s7] =	ssyncadd.s32 $0xFFFFEE00  }
0x3f: {  	[spmem:s15] =	stream.linear.scatter [tilespmem:s6], [sflag:$0x3], $0x1200, $0x38;
	[tilespmem:$0x11820] =	vst v63  }
0x40: {  	_ =	swait.ge [sflag:s7], $0x1200  }
0x41: {  	[sflag:s7] =	ssyncset.done $0x0  }
0x42: {  	s16 =	rddreg [dreg:$0xb];
	[sflag:s7] =	ssyncadd.s32 $0xFFFFEE00  }
0x43: {  	[spmem:s16] =	stream.linear.scatter [tilespmem:s6], [sflag:$0x3], $0x1200, $0x38;
	[tilespmem:$0x11820] =	vst v63  }
0x44: {  	_ =	swait.ge [sflag:s7], $0x1200  }
0x45: {  	[sflag:s7] =	ssyncset.done $0x0  }
0x46: {  	s17 =	rddreg [dreg:$0xc];
	[sflag:s7] =	ssyncadd.s32 $0xFFFFEE00  }
0x47: {  	[spmem:s17] =	stream.linear.scatter [tilespmem:s6], [sflag:$0x3], $0x1200, $0x38;
	[tilespmem:$0x11820] =	vst v63  }
0x48: {  	_ =	swait.ge [sflag:s7], $0x1200  }
0x49: {  	[sflag:s7] =	ssyncset.done $0x0  }
0x4a: {  	s18 =	rddreg [dreg:$0xd];
	[sflag:s7] =	ssyncadd.s32 $0xFFFFEE00  }
0x4b: {  	[spmem:s18] =	stream.linear.scatter [tilespmem:s6], [sflag:$0x3], $0x1200, $0x38;
	[tilespmem:$0x11820] =	vst v63  }
0x4c: {  	_ =	swait.ge [sflag:s7], $0x1200  }
0x4d: {  	[sflag:s7] =	ssyncset.done $0x0  }
0x4e: {  	s15 =	rddreg [dreg:$0xe];
	[sflag:s7] =	ssyncadd.s32 $0xFFFFEE00  }
0x4f: {  	[spmem:s15] =	stream.linear.scatter [tilespmem:s6], [sflag:$0x3], $0x1200, $0x38;
	[tilespmem:$0x11820] =	vst v63  }
0x50: {  	_ =	swait.ge [sflag:s7], $0x1200  }
0x51: {  	[sflag:s7] =	ssyncset.done $0x0  }
0x52: {  	s16 =	rddreg [dreg:$0xf];
	[sflag:s7] =	ssyncadd.s32 $0xFFFFEE00  }
0x53: {  	[spmem:s16] =	stream.linear.scatter [tilespmem:s6], [sflag:$0x3], $0x1200, $0x38;
	[tilespmem:$0x11820] =	vst v63  }
0x54: {  	_ =	swait.ge [sflag:s7], $0x1200  }
0x55: {  	[sflag:s7] =	ssyncset.done $0x0  }
0x56: {  	[sflag:s7] =	ssyncadd.s32 $0xFFFFEE00  }
0x57: {  	[bflag:$0x0] =	sbarrier.arrive $0xFFFF  }
0x58: {  	_ =	swait.ge [sflag:s8], $0x2400  }
0x59: {  	[sflag:s8] =	ssyncset.done $0x0  }
0x5a: {  	[sflag:s8] =	ssyncadd.s32 $0xFFFFDC00  }
0x5b: {  	_ =	swait.ge [sflag:s8], $0x80  }
0x5c: {  	[sflag:s8] =	ssyncset.done $0x0  }
0x5d: {  	[sflag:s8] =	ssyncadd.s32 $0xFFFFFF80  }
0x5e: {  	[spmem:s2] =	stream.indirect.scatter.add.f32 [tilespmem:s3], [sflag:$0x3], $0x48, s31, s30, $0xb8;
	[tilespmem:$0x11820] =	vst v63  }
0x5f: {  	_ =	swait.ge [sflag:s7], $0x2400  }
0x60: {  	s17 =	sshrl.u32 s24, $0x3;
	[sflag:s7] =	ssyncset.done $0x0  }
0x61: {  	s14 =	sadd.s32 s4, s17;
	[sflag:s7] =	ssyncadd.s32 $0xFFFFDC00  }
0x62: {  	[tilespmem:s3], [sflag:$0x1] =	stream.strided.gather [hbm4b:s14+s29], $0x2400, s30, s29, $0x38;
	[tilespmem:$0x11820] =	vst v63  }
0x63: {  	_ = 	snop  }
0x64: {  	[tilespmem:s31], [sflag:$0x1] =	stream.linear.gather [hbm4b:s23+s3], $0x80, $0x38;
	[tilespmem:$0x11820] =	vst v63  }
0x65: {  	_ =	swait.ge [sflag:s10], $0x2400  }
0x66: {  	[sflag:s10] =	ssyncset.done $0x0  }
0x67: {  	[sflag:s10] =	ssyncadd.s32 $0xFFFFDC00  }
0x68: {  	_ =	swait.ge [sflag:s10], $0x80  }
0x69: {  	[sflag:s10] =	ssyncset.done $0x0  }
0x6a: {  	[sflag:s10] =	ssyncadd.s32 $0xFFFFFF80  }
0x6b: {  	[spmem:s2] =	stream.indirect.scatter.add.f32 [tilespmem:s1], [sflag:$0x3], $0x48, s0, s30, $0xb8;
	[tilespmem:$0x11820] =	vst v63  }
0x6c: {  	s17 =	sadd.s32 $0x10, s23;
	_ =	swait.ge [sflag:s7], $0x2400  }
0x6d: {  	s18 =	sadd.s32 $0x0, s25;
	s15 =	sadd.s32 $0x20, s23;
	[sflag:s7] =	ssyncset.done $0x0  }
0x6e: {  	s16 =	sadd.s32 $0x8000, s24;
	s14 =	simm.s32 $0x1000;
	[sflag:s7] =	ssyncadd.s32 $0xFFFFDC00  }
0x6f: {  	[tilespmem:s1], [sflag:$0x2] =	stream.strided.gather [hbm4b:s18+s29], $0x2400, s30, s29, $0x38;
	[tilespmem:$0x11820] =	vst v63  }
.LBB2_4:
0x70: {  	[tilespmem:s0], [sflag:$0x2] =	stream.linear.gather [hbm4b:s17+s3], $0x80, $0x38;
	[tilespmem:$0x11820] =	vst v63  }
0x71: {  	s17 =	smov.u32 s14  }
0x72: {  	p0 =	sne.s32 s14, $0xD000;
	s14 =	sadd.s32 $0x1000, s14;
	_ =	swait.ge [sflag:s8], $0x2400  }
0x73: {  	[sflag:s8] =	ssyncset.done $0x0  }
0x74: {  	[sflag:s8] =	ssyncadd.s32 $0xFFFFDC00  }
0x75: {  	_ =	swait.ge [sflag:s8], $0x80  }
0x76: {  	[sflag:s8] =	ssyncset.done $0x0  }
0x77: {  	[sflag:s8] =	ssyncadd.s32 $0xFFFFFF80  }
0x78: {  	[spmem:s2] =	stream.indirect.scatter.add.f32 [tilespmem:s3], [sflag:$0x3], $0x48, s31, s30, $0xb8;
	[tilespmem:$0x11820] =	vst v63  }
0x79: {  	_ =	swait.ge [sflag:s7], $0x2400  }
0x7a: {  	s18 =	sshrl.u32 s16, $0x3;
	[sflag:s7] =	ssyncset.done $0x0  }
0x7b: {  	s18 =	sadd.s32 s4, s18;
	[sflag:s7] =	ssyncadd.s32 $0xFFFFDC00  }
0x7c: {  	[tilespmem:s3], [sflag:$0x1] =	stream.strided.gather [hbm4b:s18+s29], $0x2400, s30, s29, $0x38;
	[tilespmem:$0x11820] =	vst v63  }
0x7d: {  	_ = 	snop  }
0x7e: {  	[tilespmem:s31], [sflag:$0x1] =	stream.linear.gather [hbm4b:s15+s3], $0x80, $0x38;
	[tilespmem:$0x11820] =	vst v63  }
0x7f: {  	_ =	swait.ge [sflag:s10], $0x2400  }
0x80: {  	[sflag:s10] =	ssyncset.done $0x0  }
0x81: {  	[sflag:s10] =	ssyncadd.s32 $0xFFFFDC00  }
0x82: {  	_ =	swait.ge [sflag:s10], $0x80  }
0x83: {  	[sflag:s10] =	ssyncset.done $0x0  }
0x84: {  	[sflag:s10] =	ssyncadd.s32 $0xFFFFFF80  }
0x85: {  	[spmem:s2] =	stream.indirect.scatter.add.f32 [tilespmem:s1], [sflag:$0x3], $0x48, s0, s30, $0xb8;
	[tilespmem:$0x11820] =	vst v63  }
.Ltmp1:
0x86: {  	_ =	swait.ge [sflag:s7], $0x2400;
	(pc) =	sbr.rel @p0 .LBB2_4-.Ltmp1, $4  }
0x87: {  	[sflag:s7] =	ssyncset.done $0x0  }
0x88: {  	s17 =	sadd.s32 s17, s25;
	[sflag:s7] =	ssyncadd.s32 $0xFFFFDC00  }
0x89: {  	[tilespmem:s1], [sflag:$0x2] =	stream.strided.gather [hbm4b:s17+s29], $0x2400, s30, s29, $0x38;
	[tilespmem:$0x11820] =	vst v63  }
0x8a: {  	s16 =	sadd.s32 $0x8000, s16;
	s17 =	sadd.s32 $0x10, s15;
	s15 =	sadd.s32 $0x20, s15  }
0x8b: {  	[tilespmem:s0], [sflag:$0x2] =	stream.linear.gather [hbm4b:s17+s3], $0x80, $0x38;
	[tilespmem:$0x11820] =	vst v63  }
0x8c: {  	_ =	swait.ge [sflag:s8], $0x2400  }
0x8d: {  	[sflag:s8] =	ssyncset.done $0x0  }
0x8e: {  	[sflag:s8] =	ssyncadd.s32 $0xFFFFDC00  }
0x8f: {  	_ =	swait.ge [sflag:s8], $0x80  }
0x90: {  	[sflag:s8] =	ssyncset.done $0x0  }
0x91: {  	[sflag:s8] =	ssyncadd.s32 $0xFFFFFF80  }
0x92: {  	[spmem:s2] =	stream.indirect.scatter.add.f32 [tilespmem:s3], [sflag:$0x3], $0x48, s31, s30, $0xb8;
	[tilespmem:$0x11820] =	vst v63  }
0x93: {  	_ =	swait.ge [sflag:s7], $0x2400  }
0x94: {  	[sflag:s7] =	ssyncset.done $0x0  }
0x95: {  	[sflag:s7] =	ssyncadd.s32 $0xFFFFDC00  }
0x96: {  	[tilespmem:s3], [sflag:$0x1] =	stream.strided.gather [hbm4b:s28+s29], $0x2400, s30, s29, $0x38;
	[tilespmem:$0x11820] =	vst v63  }
0x97: {  	_ = 	snop  }
0x98: {  	[tilespmem:s31], [sflag:$0x1] =	stream.linear.gather [hbm4b:s22+s3], $0x80, $0x38;
	[tilespmem:$0x11820] =	vst v63  }
0x99: {  	_ =	swait.ge [sflag:s10], $0x2400  }
0x9a: {  	[sflag:s10] =	ssyncset.done $0x0  }
0x9b: {  	[sflag:s10] =	ssyncadd.s32 $0xFFFFDC00  }
0x9c: {  	_ =	swait.ge [sflag:s10], $0x80  }
0x9d: {  	[sflag:s10] =	ssyncset.done $0x0  }
0x9e: {  	[sflag:s10] =	ssyncadd.s32 $0xFFFFFF80  }
0x9f: {  	[spmem:s2] =	stream.indirect.scatter.add.f32 [tilespmem:s1], [sflag:$0x3], $0x48, s0, s30, $0xb8;
	[tilespmem:$0x11820] =	vst v63  }
0xa0: {  	_ =	swait.ge [sflag:s7], $0x2400  }
0xa1: {  	[sflag:s7] =	ssyncset.done $0x0  }
0xa2: {  	[sflag:s7] =	ssyncadd.s32 $0xFFFFDC00  }
0xa3: {  	_ =	swait.ge [sflag:s8], $0x2400  }
0xa4: {  	[sflag:s8] =	ssyncset.done $0x0  }
0xa5: {  	[sflag:s8] =	ssyncadd.s32 $0xFFFFDC00  }
0xa6: {  	_ =	swait.ge [sflag:s8], $0x80  }
0xa7: {  	[sflag:s8] =	ssyncset.done $0x0  }
0xa8: {  	[sflag:s8] =	ssyncadd.s32 $0xFFFFFF80  }
0xa9: {  	[spmem:s2] =	stream.indirect.scatter.add.f32 [tilespmem:s3], [sflag:$0x3], $0x48, s31, s30, $0xb8;
	[tilespmem:$0x11820] =	vst v63  }
0xaa: {  	_ =	swait.ge [sflag:s7], $0x2400  }
0xab: {  	[sflag:s7] =	ssyncset.done $0x0  }
0xac: {  	[sflag:s7] =	ssyncadd.s32 $0xFFFFDC00  }
0xad: {  	[tilespmem:s11], [sflag:$0x3] =	stream.strided.gather [hbm4b:s26+s29], $0x900, s30, s29, $0x38;
	[tilespmem:$0x11820] =	vst v63  }
0xae: {  	_ =	swait.ge [sflag:s7], $0x900  }
0xaf: {  	[sflag:s7] =	ssyncset.done $0x0  }
0xb0: {  	[sflag:s7] =	ssyncadd.s32 $0xFFFFF700  }
0xb1: {  	[tilespmem:s12], [sflag:$0x3] =	stream.linear.gather [hbm4b:s19+s3], $0x20, $0x38;
	[tilespmem:$0x11820] =	vst v63  }
0xb2: {  	_ =	swait.ge [sflag:s7], $0x20  }
0xb3: {  	[sflag:s7] =	ssyncset.done $0x0  }
0xb4: {  	s14 =	simm.s32 $0x20;
	[sflag:s7] =	ssyncadd.s32 $0xFFFFFFE0  }
0xb5: {  	[spmem:s2] =	stream.indirect.scatter.add.f32 [tilespmem:s11], [sflag:$0x3], $0x48, s12, s14, $0xb8;
	[tilespmem:$0x11820] =	vst v63  }
0xb6: {  	s18 =	stileid.u32;
	_ =	swait.ge [sflag:s7], $0x900  }
0xb7: {  	s15 =	sshrl.u32 s9, $0x3;
	s13 =	sadd.s32 $0x1, s13;
	[sflag:s7] =	ssyncset.done $0x0  }
0xb8: {  	p0 =	sne.s32 s13, s21;
	s14 =	sshll.u32 s18, $0x6;
	[sflag:s7] =	ssyncadd.s32 $0xFFFFF700  }
.Ltmp2:
0xb9: {  	s14 =	sor.u32 $0x1C03, s14;
	[bflag:$0x0] =	sbarrier.arrive $0xFFFF;
	(pc) =	sbr.rel @p0 .LBB2_1-.Ltmp2, $4  }
0xba: {  	[hbm:s20], [sflag:s14] =	dma.local [spmem:s15], $0x1680  }
0xbb: {  	_ =	swait.ge [sflag:s7], $0x1680  }
0xbc: {  	[sflag:s7] =	ssyncset.done $0x0  }
0xbd: {  	[sflag:s7] =	ssyncadd.s32 $0xFFFFE980  }
0xbe: {  	_ =	sfence.sel $0x180000  }
0xbf: {  	[bflag:$0x0] =	sbarrier.arrive $0xFFFF  }
0xc0: {  	_ =	strace $0x90000050  }
0xc1: {  	s0 =	stileid.u32;
	[bflag:$0x2] =	sbarrier.arrive $0xFFFF  }
0xc2: {  	p0 =	sne.s32 s0, $0x0;
	s0 =	rddreg [dreg:$0x3]  }
0xc3: {  	s0 =	sadd.s32 @!p0 $0x100000, s0  }
0xc4: {  	[sflag:s0] =	ssyncadd.tile.s32 @!p0 $0x1;
	_ =	shalt  }
.Lfunc_end2:
_tile_overlayer_lowered:
.L_overlay_start_2:
0xc5: {  	(tag) =	ssettag $0x2  }
0xc6: {  	s0 =	rddreg [dreg:$0x0];
	s2 =	stileid.u32  }
0xc7: {  	s1 =	rddreg [dreg:$0x1];
	p0 =	sne.s32 s2, $0x0  }
0xc8: {  	s3 =	rddreg [dreg:$0x2];
	[bflag:$0x3] =	sbarrier.arrive $0xFFFF;
	s2 =	simm.s32 @!p0 $0x1C03  }
0xc9: {  	[timem:s3], [sflag:s2] =	dma.local @!p0 [hbm:s0], s1  }
0xca: {  	s0 =	simm.s32 @!p0 $0x3  }
0xcb: {  	_ =	swait.ge @!p0 [sflag:s0], s1  }
0xcc: {  	s1 =	ssub.s32 @!p0 $0x0, s1;
	[sflag:s0] =	ssyncset.done @!p0 $0x0  }
0xcd: {  	[sflag:s0] =	ssyncadd.s32 @!p0 s1  }
0xce: {  	[bflag:$0x3] =	sbarrier.arrive $0xFFFF  }
0xcf: {  	_ =	shalt  }

// kernel: kernel.22.cloned.1.call-start
scs
__scs_entry_jumppad:
0x0: {  	(pc) =	sbr.rel $0x88, $3  }
0x1: {  	(tag) =	ssettag $0x0;
	lr =	simm.s32 $0x1  }
0x2: {  	[smem:$0x3F9A] =	sst lr;
	_ =	strace $0xD0000000  }
0x3: {  	_ = 	snop  }
0x4: {  	_ = 	snop  }
0x5: {  	_ = 	snop  }
0x6: {  	_ = 	snop  }
0x7: {  	_ = 	snop  }
__scs_overlays_trampoline_lowered:
0x8: {  	[smem:$0x3FA9] =	sst s0  }
0x9: {  	[smem:$0x3FAA] =	sst s1  }
0xa: {  	[smem:$0x3FAB] =	sst s2  }
0xb: {  	[smem:$0x3FAC] =	sst s3  }
0xc: {  	[smem:$0x3FAD] =	sst s4  }
0xd: {  	[smem:$0x3FAE] =	sst s5  }
0xe: {  	[smem:$0x3FAF] =	sst s6  }
0xf: {  	[smem:$0x3FB0] =	sst s7  }
0x10: {  	[smem:$0x3FB1] =	sst s8  }
0x11: {  	[smem:$0x3FB2] =	sst s9;
	s0 =	simm.s32 @!p0 $0x0  }
0x12: {  	s1 =	sld [smem:$0x3F98];
	s0 =	simm.s32 @p0 $0x1  }
0x13: {  	[smem:$0x3FB3] =	sst s0;
	s0 =	simm.s32 @!p1 $0x0  }
0x14: {  	s2 =	sld [smem:$0x3F97];
	s0 =	simm.s32 @p1 $0x1  }
0x15: {  	[smem:$0x3FB4] =	sst s0;
	s0 =	simm.s32 @!p2 $0x0  }
0x16: {  	s3 =	sld [smem:$0x3FDB];
	s0 =	simm.s32 @p2 $0x1  }
0x17: {  	s4 =	simm.s32 $0x1BF5;
	[smem:$0x3FB6] =	sst s0  }
0x18: {  	s0 =	sld [smem:$0x3F99];
	_ =	swait.ge [sflag:s4], $0x0  }
0x19: {  	s7 =	sld [smem:$0x3F9A]  }
0x1a: {  	s8 =	sadd.s32 $0xFFFFE003, lr  }
0x1b: {  	s9 =	sadd.s32 $0xFFFFFEF7, lr;
	s5 =	simm.s32 $0xFFFFFFFF;
	p2 =	slt.u32 s8, $0xFFFFF086  }
0x1c: {  	p1 =	slt.u32 s9, $0xF7A;
	s5 =	simm.s32 @!p2 $0x0  }
0x1d: {  	s5 =	simm.s32 @p1 $0x1;
	p0 =	seq.s32 s7, s2  }
0x1e: {  	s7 =	smul.u32 @!p0 $0xF7A, s2;
	p2 =	seq.s32 @!p0 s5, $0x0  }
0x1f: {  	s9 =	smul.u32 $0xF7A, s1;
	s8 =	simm.s32 @!p0 $0x1BF5;
	p2 =	por !p2, p0  }
0x20: {  	[sflag:s8] =	ssyncset.s32 @!p0 $0xFFFFF086;
	s6 =	sadd.s32 @!p0 s3, s7;
	s7 =	simm.s32 @!p0 $0x108  }
0x21: {  	s3 =	sadd.s32 s3, s9;
	s6 =	sadd.s32 @!p0 $0x88, s6;
	s7 =	simm.s32 @p2 $0x1082  }
0x22: {  	[simem:s7], [sflag:s8] =	dma.local @!p0 [hbm:s6], $0xF7A  }
0x23: {  	s9 =	sor.u32 $0xD0000000, s2;
	s6 =	simm.s32 $0x108;
	_ =	swait.ge @!p0 [sflag:s8], $0x0  }
0x24: {  	s3 =	sadd.s32 $0x88, s3;
	s6 =	simm.s32 @!p1 $0x1082;
	[sflag:s4] =	ssyncset.s32 $0xFFFFF086  }
0x25: {  	[simem:s6], [sflag:s4] =	dma.local [hbm:s3], $0xF7A  }
0x26: {  	[smem:$0x3F9A] =	sst s1;
	(tag) =	ssettag s2;
	_ =	strace s9  }
0x27: {  	s1 =	sld [smem:$0x3FAA]  }
0x28: {  	s2 =	sld [smem:$0x3FAB]  }
0x29: {  	s4 =	sld [smem:$0x3FAD]  }
0x2a: {  	p0 =	seq.s32 s5, $0x0;
	s5 =	sld [smem:$0x3FAE]  }
0x2b: {  	s6 =	sld [smem:$0x3FAF]  }
0x2c: {  	s7 =	sld [smem:$0x3FB0]  }
0x2d: {  	s3 =	simm.s32 $0x108;
	s8 =	sld [smem:$0x3FB1]  }
0x2e: {  	s3 =	simm.s32 @!p0 $0x1082;
	s9 =	sld [smem:$0x3FB2]  }
0x2f: {  	lr =	sadd.s32 s0, s3;
	s0 =	sld [smem:$0x3FA9]  }
0x30: {  	s3 =	sld [smem:$0x3FAC]  }
0x31: {  	[smem:$0x3FB5] =	sst s10  }
0x32: {  	s10 =	sld [smem:$0x3FB3];
	_ =	sdelay $0x3  }
0x33: {  	p0 =	seq.s32 s10, $0x1;
	s10 =	sld [smem:$0x3FB5];
	_ =	sdelay $0x3  }
0x34: {  	[smem:$0x3FB5] =	sst s10  }
0x35: {  	s10 =	sld [smem:$0x3FB4];
	_ =	sdelay $0x3  }
0x36: {  	p1 =	seq.s32 s10, $0x1;
	s10 =	sld [smem:$0x3FB5];
	_ =	sdelay $0x3  }
0x37: {  	[smem:$0x3FB5] =	sst s10  }
0x38: {  	s10 =	sld [smem:$0x3FB6]  }
0x39: {  	_ = 	snop;
	(pc) =	sbr.ind lr, $3  }
0x3a: {  	_ = 	snop  }
0x3b: {  	_ = 	snop  }
0x3c: {  	p2 =	seq.s32 s10, $0x1;
	s10 =	sld [smem:$0x3FB5]  }
0x3d: {  	_ =	shalt  }
0x3e: {  	_ =	shalt  }
0x3f: {  	_ =	shalt  }
0x40: {  	_ =	shalt  }
0x41: {  	_ =	shalt  }
0x42: {  	_ =	shalt  }
0x43: {  	_ =	shalt  }
0x44: {  	_ =	shalt  }
0x45: {  	_ =	shalt  }
0x46: {  	_ =	shalt  }
0x47: {  	_ =	shalt  }
0x48: {  	_ =	shalt  }
0x49: {  	_ =	shalt  }
0x4a: {  	_ =	shalt  }
0x4b: {  	_ =	shalt  }
0x4c: {  	_ =	shalt  }
0x4d: {  	_ =	shalt  }
0x4e: {  	_ =	shalt  }
0x4f: {  	_ =	shalt  }
0x50: {  	_ =	shalt  }
0x51: {  	_ =	shalt  }
0x52: {  	_ =	shalt  }
0x53: {  	_ =	shalt  }
0x54: {  	_ =	shalt  }
0x55: {  	_ =	shalt  }
0x56: {  	_ =	shalt  }
0x57: {  	_ =	shalt  }
0x58: {  	_ =	shalt  }
0x59: {  	_ =	shalt  }
0x5a: {  	_ =	shalt  }
0x5b: {  	_ =	shalt  }
0x5c: {  	_ =	shalt  }
0x5d: {  	_ =	shalt  }
0x5e: {  	_ =	shalt  }
0x5f: {  	_ =	shalt  }
0x60: {  	_ =	shalt  }
0x61: {  	_ =	shalt  }
0x62: {  	_ =	shalt  }
0x63: {  	_ =	shalt  }
0x64: {  	_ =	shalt  }
0x65: {  	_ =	shalt  }
0x66: {  	_ =	shalt  }
0x67: {  	_ =	shalt  }
0x68: {  	_ =	shalt  }
0x69: {  	_ =	shalt  }
0x6a: {  	_ =	shalt  }
0x6b: {  	_ =	shalt  }
0x6c: {  	_ =	shalt  }
0x6d: {  	_ =	shalt  }
0x6e: {  	_ =	shalt  }
0x6f: {  	_ =	shalt  }
0x70: {  	_ =	shalt  }
0x71: {  	_ =	shalt  }
0x72: {  	_ =	shalt  }
0x73: {  	_ =	shalt  }
0x74: {  	_ =	shalt  }
0x75: {  	_ =	shalt  }
0x76: {  	_ =	shalt  }
0x77: {  	_ =	shalt  }
0x78: {  	_ =	shalt  }
0x79: {  	_ =	shalt  }
0x7a: {  	_ =	shalt  }
0x7b: {  	_ =	shalt  }
0x7c: {  	_ =	shalt  }
0x7d: {  	_ =	shalt  }
0x7e: {  	_ =	shalt  }
0x7f: {  	_ =	shalt  }
0x80: {  	_ =	shalt  }
0x81: {  	_ =	shalt  }
0x82: {  	_ =	shalt  }
0x83: {  	_ =	shalt  }
0x84: {  	_ =	shalt  }
0x85: {  	_ =	shalt  }
0x86: {  	_ =	shalt  }
0x87: {  	_ =	shalt  }
.Lfunc_end0:
.L_simem_size_0:
called_computation.3_lowered:
.L_overlay_start_0:
0x88: {  	s2 =	sld [smem:$0x3FD9]  }
0x89: {  	s3 =	sld [smem:$0x3FFE];
	_ =	sdelay $0x1  }
0x8a: {  	s1 =	srdreg.scid  }
0x8b: {  	s0 =	sand.u32 $0x1, s1  }
0x8c: {  	s17 =	sshll.u32 s0, $0xA;
	s2 =	sadd.s32 s3, s2  }
0x8d: {  	s2 =	sadd.s32 s2, s17  }
0x8e: {  	[smem:$0x3FC1] =	sst s2  }
0x8f: {  	_ = 	snop  }
0x90: {  	s18 =	sld [smem:$0x3FC8];
	(tm) =	ssettm $0x1  }
0x91: {  	s19 =	sld [smem:$0x3FFB];
	_ =	sdelay $0x3  }
0x92: {  	_ =	strace s19  }
0x93: {  	s2 =	sld [smem:$0x3FFC];
	_ =	sdelay $0x3  }
0x94: {  	_ =	strace s2  }
0x95: {  	s2 =	sld [smem:$0x3FFD];
	_ =	sdelay $0x3  }
0x96: {  	_ =	strace s2  }
0x97: {  	_ =	strace $0x8FFFFFFF  }
0x98: {  	s20 =	sld [smem:$0x3FDB];
	_ =	sdelay $0x1  }
0x99: {  	s4 =	simm.s32 $_scs_section_size  }
0x9a: {  	s5 =	simm.s32 $_size__tile_overlayer_lowered;
	s6 =	simm.s32 $_tile_overlayer_lowered  }
0x9b: {  	s7 =	simm.s32 $0x1BFF;
	s21 =	sshll.u32 s6, $0x1;
	s4 =	sadd.s32 s4, s20  }
0x9c: {  	s22 =	simm.s32 $0x0;
	s5 =	sshll.u32 s5, $0x1;
	s6 =	sadd.s32 s21, s4  }
0x9d: {  	[timem:s22], [sflag:s7] =	dma.local [hbm:s6], s5  }
0x9e: {  	_ =	swait.ge [sflag:s7], s5  }
0x9f: {  	s5 =	ssub.s32 $0x0, s5;
	[sflag:s7] =	ssyncset.done $0x0  }
0xa0: {  	[sflag:s7] =	ssyncadd.s32 s5;
	_ =	sdelay $0x1  }
0xa1: {  	s23 =	simm.s32 $0x1B8B  }
0xa2: {  	_ =	swait.ge [sflag:s23], $0x1  }
0xa3: {  	[sflag:s23] =	ssyncset.done $0x0  }
0xa4: {  	[sflag:s23] =	ssyncadd.s32 $0xFFFFFFFF  }
0xa5: {  	s5 =	sld [smem:$0x0]  }
0xa6: {  	s6 =	sand.u32 $0xFFFFFFFE, s1  }
0xa7: {  	p0 =	sne.s32 s1, s6  }
0xa8: {  	s6 =	sshll.u32 @p0 s6, $0xE  }
0xa9: {  	s6 =	sadd.s32 @p0 $0x11B8D, s6;
	s7 =	sshll.u32 @p0 s5, $0x11  }
0xaa: {  	s6 =	sor.u32 @p0 s7, s6  }
0xab: {  	[sflag:s6] =	ssyncadd.remote.s32 @p0 $0x1;
	_ =	sdelay $0x1  }
0xac: {  	s6 =	simm.s32 @p0 $0x1B8D  }
0xad: {  	_ =	swait.eq @p0 [sflag:s6], $0x1  }
0xae: {  	[sflag:s6] =	ssyncadd.s32 @p0 $0xFFFFFFFF  }
0xaf: {  	s7 =	sshll.u32 @!p0 s1, $0xE  }
0xb0: {  	s7 =	sor.u32 @!p0 $0x4000, s7;
	s6 =	simm.s32 @!p0 $0x1B8D  }
0xb1: {  	s5 =	sshll.u32 @!p0 s5, $0x11;
	s7 =	sadd.s32 @!p0 $0x11B8D, s7;
	_ =	swait.eq @!p0 [sflag:s6], $0x1  }
0xb2: {  	s5 =	sor.u32 @!p0 s5, s7;
	[sflag:s6] =	ssyncadd.s32 @!p0 $0xFFFFFFFF  }
0xb3: {  	s25 =	simm.s32 $0x1B8E;
	s24 =	sld [smem:$0x3FFE];
	[sflag:s5] =	ssyncadd.remote.s32 @!p0 $0x1  }
0xb4: {  	s26 =	simm.s32 $execute0_lowered;
	[smem:$0x3FD2] =	sst s25  }
0xb5: {  	s6 =	sshll.u32 s26, $0x1;
	_ =	strace $0x8000004C;
	[dreg:$0x1] =	wrdreg $0xFFFFFFFF  }
0xb6: {  	s28 =	simm.s32 $_size_execute0_lowered;
	s4 =	sadd.s32 s4, s6;
	[dreg:$0x0] =	wrdreg $0x0  }
0xb7: {  	s6 =	sshll.u32 s28, $0x1;
	[dreg:$0x2] =	wrdreg s4  }
0xb8: {  	[dreg:$0x3] =	wrdreg s6  }
0xb9: {  	[dreg:$0x4] =	wrdreg $0xC0  }
0xba: {  	_ =	task [dreg:s22], $0x5FFFF  }
0xbb: {  	[dreg:$0x1] =	wrdreg $0xFFFFFFFF  }
0xbc: {  	[dreg:$0x0] =	wrdreg $0x60  }
0xbd: {  	[dreg:$0x2] =	wrdreg s24  }
0xbe: {  	[dreg:$0x3] =	wrdreg s18  }
0xbf: {  	[dreg:$0x4] =	wrdreg $0x64200  }
0xc0: {  	[dreg:$0x5] =	wrdreg $0xC  }
0xc1: {  	_ =	task.clear_ibuf [dreg:s22], $0x6FFFF;
	_ =	strace $0x9000004C  }
0xc2: {  	s29 =	simm.s32 $0xC;
	_ =	strace $0x8000004E  }
0xc3: {  	_ =	swait.ge [sflag:s29], $0x1  }
0xc4: {  	[sflag:s29] =	ssyncadd.s32 $0xFFFFFFFF  }
0xc5: {  	_ =	strace $0x9000004E  }
0xc6: {  	_ =	sfence  }
0xc7: {  	s30 =	sld [smem:$0x0];
	_ =	sdelay $0x2  }
0xc8: {  	s31 =	sshll.u32 s1, $0xD;
	s1 =	sshrl.u32 s1, $0x2  }
0xc9: {  	s4 =	sand.u32 $0x4000, s31;
	s1 =	sadd.s32 s1, s30  }
0xca: {  	s0 =	sor.u32 s4, s0;
	s1 =	sshll.u32 s1, $0x11  }
0xcb: {  	s0 =	sor.u32 s1, s0  }
0xcc: {  	s0 =	sadd.s32 $0x8F2B, s0  }
0xcd: {  	[sflag:s0] =	ssyncadd.remote.s32 $0x1  }
0xce: {  	_ =	sfence.sel $0xFFFF  }
0xcf: {  	[dreg:$0x0] =	wrdreg $0xFFFFFFFF;
	(pc) =	sbr.abs _section_cstart, $3  }
0xd0: {  	[dreg:$0x1] =	wrdreg $0xFFFFFFFF  }
0xd1: {  	_ =	task.clear_ibuf [dreg:s22], $0x2FFFF;
	_ =	strace $0x9FFFFFFF  }
0xd2: {  	(tm) =	ssettm $0x7FFFFFFF  }
0xd3: {  	_ =	shalt  }
tec
execute0_lowered:
.L_overlay_start_1:
0x0: {  	(tag) =	ssettag $0x1  }
0x1: {  	s0 =	rddreg [dreg:$0x0]  }
0x2: {  	s1 =	rddreg [dreg:$0x1];
	s12 =	stileid.u32  }
0x3: {  	s3 =	srdreg.scid;
	s6 =	smul.u32 $0xB400, s12  }
0x4: {  	s2 =	rddreg [dreg:$0x2];
	s7 =	smul.u32 $0xFA0, s12  }
0x5: {  	s29 =	simm.s32 $0x48;
	s30 =	simm.s32 $0x80;
	s10 =	smul.u32 $0x7D000, s12  }
0x6: {  	s4 =	sand.u32 $0x1, s3;
	s3 =	simm.s32 $0x0;
	s23 =	smul.u32 $0x2D000, s12  }
0x7: {  	s31 =	simm.s32 $0x4800;
	s5 =	smul.u32 $0xB4000, s4;
	[smem:$0x7FF] =	sst s3  }
0x8: {  	s8 =	smul.u32 $0x7D0000, s4;
	s9 =	ssub.s32 $0x2, s4;
	s4 =	sadd.s32 $0x444C00, s0  }
0x9: {  	_ =	strace $0x8000004D;
	s22 =	sshrl.u32 s9, $0x1;
	s7 =	sshrl.u32 s7, $0x3  }
0xa: {  	s26 =	sshrl.u32 s23, $0x2;
	s23 =	smul.u32 $0x1F4, s12;
	s7 =	sadd.s32 s1, s7  }
0xb: {  	s12 =	simm.s32 $0x5200;
	s5 =	sadd.s32 s6, s5;
	s25 =	sadd.s32 $0x5DC0, s7  }
0xc: {  	s15 =	sadd.s32 s26, s2;
	s14 =	sadd.s32 $0x5DD0, s7;
	[dreg:$0x4] =	wrdreg s25  }
0xd: {  	s8 =	sadd.s32 s10, s8;
	s16 =	sadd.s32 $0x1200, s15;
	[dreg:$0x6] =	wrdreg s14  }
0xe: {  	s11 =	ssub.s32 s9, s22;
	s17 =	sadd.s32 $0x2400, s15;
	[dreg:$0x7] =	wrdreg s16  }
0xf: {  	s9 =	sadd.s32 s6, s2;
	s18 =	sadd.s32 $0x3600, s15;
	[dreg:$0x8] =	wrdreg s17  }
0x10: {  	s6 =	simm.s32 $0x5220;
	s19 =	sadd.s32 $0x4800, s15;
	[dreg:$0x9] =	wrdreg s18  }
0x11: {  	s5 =	sshrl.u32 s5, $0x3;
	s20 =	sadd.s32 $0x5A00, s15;
	[dreg:$0xa] =	wrdreg s19  }
0x12: {  	s24 =	sshrl.u32 s8, $0x3;
	s21 =	sadd.s32 $0x6C00, s15;
	[dreg:$0xb] =	wrdreg s20  }
0x13: {  	s22 =	sadd.s32 $0x7E00, s15;
	s10 =	sadd.s32 $0xA200, s15;
	[dreg:$0xc] =	wrdreg s21  }
0x14: {  	s26 =	sadd.s32 $0xC000, s8;
	s0 =	sadd.s32 s5, s0;
	[dreg:$0xd] =	wrdreg s22  }
0x15: {  	s5 =	sadd.s32 s4, s24;
	s24 =	sadd.s32 $0x9000, s15;
	[dreg:$0xf] =	wrdreg s10  }
0x16: {  	s19 =	sadd.s32 $0x5FB0, s7;
	s25 =	sadd.s32 s23, s1;
	s21 =	smax.u32 s11, $0x1  }
0x17: {  	s22 =	sadd.s32 $0x5FA0, s7;
	s1 =	sshrl.u32 s26, $0x3;
	s7 =	simm.s32 $0x3  }
0x18: {  	s10 =	simm.s32 $0x2;
	s11 =	simm.s32 $0x4900;
	s13 =	sadd.s32 $0x800, s5  }
0x19: {  	[dreg:$0xe] =	wrdreg s24;
	s20 =	sadd.s32 $0x638C00, s0;
	s23 =	sadd.s32 $0x5DE0, s25  }
0x1a: {  	s24 =	sadd.s32 $0x8000, s8;
	s25 =	sadd.s32 s1, s4;
	s26 =	sadd.s32 $0xF800, s5  }
0x1b: {  	s28 =	sadd.s32 $0xF000, s5;
	s1 =	simm.s32 $0x2400;
	s0 =	simm.s32 $0x4880  }
0x1c: {  	v0 =	vimm.f32 $0.0e+00;
	s8 =	simm.s32 $0x1;
	[dreg:$0x5] =	wrdreg s13;
	s13 =	simm.s32 $0x0  }
.LBB2_1:
0x1d: {  	[tilespmem:s3], [sflag:$0x1] =	stream.strided.gather [hbm4b:s5+s29], $0x2400, s30, s29, $0x38;
	[tilespmem:$0x11820] =	vst v63  }
0x1e: {  	s14 =	rddreg [dreg:$0x4]  }
0x1f: {  	[tilespmem:s31], [sflag:$0x1] =	stream.linear.gather [hbm4b:s14+s3], $0x80, $0x38;
	[tilespmem:$0x11820] =	vst v63  }
0x20: {  	s17 =	rddreg [dreg:$0x5]  }
0x21: {  	[tilespmem:s1], [sflag:$0x2] =	stream.strided.gather [hbm4b:s17+s29], $0x2400, s30, s29, $0x38;
	[tilespmem:$0x11820] =	vst v63  }
0x22: {  	s18 =	rddreg [dreg:$0x6];
	s14 =	simm.s32 $0x0  }
0x23: {  	[tilespmem:s0], [sflag:$0x2] =	stream.linear.gather [hbm4b:s18+s3], $0x80, $0x38;
	[tilespmem:$0x11820] =	vst v63  }
0x24: {  	s15 =	simm.s32 $0x120;
	[tilespmem:s14+$0x5240] =	vst v0  }
.LBB2_2:
0x25: {  	p0 =	sne.s32 s15, $0x46E0;
	[tilespmem:s14+$0x5230] =	vst v0;
	s16 =	smov.u32 s15;
	s15 =	sadd.s32 $0x120, s15  }
.Ltmp0:
0x26: {  	[tilespmem:s14+$0x5250] =	vst v0;
	(pc) =	sbr.rel @p0 .LBB2_2-.Ltmp0, $4  }
0x27: {  	[tilespmem:s14+$0x5258] =	vst v0  }
0x28: {  	[tilespmem:s14+$0x5220] =	vst v0  }
0x29: {  	s14 =	sshra.s32 s16, $0x2  }
0x2a: {  	[tilespmem:s14+$0x5240] =	vst v0  }
0x2b: {  	[tilespmem:s14+$0x5230] =	vst v0  }
0x2c: {  	[tilespmem:s14+$0x5250] =	vst v0  }
0x2d: {  	[tilespmem:s14+$0x5220] =	vst v0  }
0x2e: {  	[tilespmem:s14+$0x5258] =	vst v0  }
0x2f: {  	[spmem:s9] =	stream.linear.scatter [tilespmem:s6], [sflag:$0x3], $0x1200, $0x38;
	[tilespmem:$0x11820] =	vst v63  }
0x30: {  	_ =	swait.ge [sflag:s7], $0x1200  }
0x31: {  	[sflag:s7] =	ssyncset.done $0x0  }
0x32: {  	s16 =	rddreg [dreg:$0x7];
	[sflag:s7] =	ssyncadd.s32 $0xFFFFEE00  }
0x33: {  	[spmem:s16] =	stream.linear.scatter [tilespmem:s6], [sflag:$0x3], $0x1200, $0x38;
	[tilespmem:$0x11820] =	vst v63  }
0x34: {  	_ =	swait.ge [sflag:s7], $0x1200  }
0x35: {  	[sflag:s7] =	ssyncset.done $0x0  }
0x36: {  	s17 =	rddreg [dreg:$0x8];
	[sflag:s7] =	ssyncadd.s32 $0xFFFFEE00  }
0x37: {  	[spmem:s17] =	stream.linear.scatter [tilespmem:s6], [sflag:$0x3], $0x1200, $0x38;
	[tilespmem:$0x11820] =	vst v63  }
0x38: {  	_ =	swait.ge [sflag:s7], $0x1200  }
0x39: {  	[sflag:s7] =	ssyncset.done $0x0  }
0x3a: {  	s18 =	rddreg [dreg:$0x9];
	[sflag:s7] =	ssyncadd.s32 $0xFFFFEE00  }
0x3b: {  	[spmem:s18] =	stream.linear.scatter [tilespmem:s6], [sflag:$0x3], $0x1200, $0x38;
	[tilespmem:$0x11820] =	vst v63  }
0x3c: {  	_ =	swait.ge [sflag:s7], $0x1200  }
0x3d: {  	[sflag:s7] =	ssyncset.done $0x0  }
0x3e: {  	s15 =	rddreg [dreg:$0xa];
	[sflag:s7] =	ssyncadd.s32 $0xFFFFEE00  }
0x3f: {  	[spmem:s15] =	stream.linear.scatter [tilespmem:s6], [sflag:$0x3], $0x1200, $0x38;
	[tilespmem:$0x11820] =	vst v63  }
0x40: {  	_ =	swait.ge [sflag:s7], $0x1200  }
0x41: {  	[sflag:s7] =	ssyncset.done $0x0  }
0x42: {  	s16 =	rddreg [dreg:$0xb];
	[sflag:s7] =	ssyncadd.s32 $0xFFFFEE00  }
0x43: {  	[spmem:s16] =	stream.linear.scatter [tilespmem:s6], [sflag:$0x3], $0x1200, $0x38;
	[tilespmem:$0x11820] =	vst v63  }
0x44: {  	_ =	swait.ge [sflag:s7], $0x1200  }
0x45: {  	[sflag:s7] =	ssyncset.done $0x0  }
0x46: {  	s17 =	rddreg [dreg:$0xc];
	[sflag:s7] =	ssyncadd.s32 $0xFFFFEE00  }
0x47: {  	[spmem:s17] =	stream.linear.scatter [tilespmem:s6], [sflag:$0x3], $0x1200, $0x38;
	[tilespmem:$0x11820] =	vst v63  }
0x48: {  	_ =	swait.ge [sflag:s7], $0x1200  }
0x49: {  	[sflag:s7] =	ssyncset.done $0x0  }
0x4a: {  	s18 =	rddreg [dreg:$0xd];
	[sflag:s7] =	ssyncadd.s32 $0xFFFFEE00  }
0x4b: {  	[spmem:s18] =	stream.linear.scatter [tilespmem:s6], [sflag:$0x3], $0x1200, $0x38;
	[tilespmem:$0x11820] =	vst v63  }
0x4c: {  	_ =	swait.ge [sflag:s7], $0x1200  }
0x4d: {  	[sflag:s7] =	ssyncset.done $0x0  }
0x4e: {  	s15 =	rddreg [dreg:$0xe];
	[sflag:s7] =	ssyncadd.s32 $0xFFFFEE00  }
0x4f: {  	[spmem:s15] =	stream.linear.scatter [tilespmem:s6], [sflag:$0x3], $0x1200, $0x38;
	[tilespmem:$0x11820] =	vst v63  }
0x50: {  	_ =	swait.ge [sflag:s7], $0x1200  }
0x51: {  	[sflag:s7] =	ssyncset.done $0x0  }
0x52: {  	s16 =	rddreg [dreg:$0xf];
	[sflag:s7] =	ssyncadd.s32 $0xFFFFEE00  }
0x53: {  	[spmem:s16] =	stream.linear.scatter [tilespmem:s6], [sflag:$0x3], $0x1200, $0x38;
	[tilespmem:$0x11820] =	vst v63  }
0x54: {  	_ =	swait.ge [sflag:s7], $0x1200  }
0x55: {  	[sflag:s7] =	ssyncset.done $0x0  }
0x56: {  	[sflag:s7] =	ssyncadd.s32 $0xFFFFEE00  }
0x57: {  	[bflag:$0x0] =	sbarrier.arrive $0xFFFF  }
0x58: {  	_ =	swait.ge [sflag:s8], $0x2400  }
0x59: {  	[sflag:s8] =	ssyncset.done $0x0  }
0x5a: {  	[sflag:s8] =	ssyncadd.s32 $0xFFFFDC00  }
0x5b: {  	_ =	swait.ge [sflag:s8], $0x80  }
0x5c: {  	[sflag:s8] =	ssyncset.done $0x0  }
0x5d: {  	[sflag:s8] =	ssyncadd.s32 $0xFFFFFF80  }
0x5e: {  	[spmem:s2] =	stream.indirect.scatter.add.f32 [tilespmem:s3], [sflag:$0x3], $0x48, s31, s30, $0xb8;
	[tilespmem:$0x11820] =	vst v63  }
0x5f: {  	_ =	swait.ge [sflag:s7], $0x2400  }
0x60: {  	s17 =	sshrl.u32 s24, $0x3;
	[sflag:s7] =	ssyncset.done $0x0  }
0x61: {  	s14 =	sadd.s32 s4, s17;
	[sflag:s7] =	ssyncadd.s32 $0xFFFFDC00  }
0x62: {  	[tilespmem:s3], [sflag:$0x1] =	stream.strided.gather [hbm4b:s14+s29], $0x2400, s30, s29, $0x38;
	[tilespmem:$0x11820] =	vst v63  }
0x63: {  	_ = 	snop  }
0x64: {  	[tilespmem:s31], [sflag:$0x1] =	stream.linear.gather [hbm4b:s23+s3], $0x80, $0x38;
	[tilespmem:$0x11820] =	vst v63  }
0x65: {  	_ =	swait.ge [sflag:s10], $0x2400  }
0x66: {  	[sflag:s10] =	ssyncset.done $0x0  }
0x67: {  	[sflag:s10] =	ssyncadd.s32 $0xFFFFDC00  }
0x68: {  	_ =	swait.ge [sflag:s10], $0x80  }
0x69: {  	[sflag:s10] =	ssyncset.done $0x0  }
0x6a: {  	[sflag:s10] =	ssyncadd.s32 $0xFFFFFF80  }
0x6b: {  	[spmem:s2] =	stream.indirect.scatter.add.f32 [tilespmem:s1], [sflag:$0x3], $0x48, s0, s30, $0xb8;
	[tilespmem:$0x11820] =	vst v63  }
0x6c: {  	s17 =	sadd.s32 $0x10, s23;
	_ =	swait.ge [sflag:s7], $0x2400  }
0x6d: {  	s18 =	sadd.s32 $0x0, s25;
	s15 =	sadd.s32 $0x20, s23;
	[sflag:s7] =	ssyncset.done $0x0  }
0x6e: {  	s16 =	sadd.s32 $0x8000, s24;
	s14 =	simm.s32 $0x1000;
	[sflag:s7] =	ssyncadd.s32 $0xFFFFDC00  }
0x6f: {  	[tilespmem:s1], [sflag:$0x2] =	stream.strided.gather [hbm4b:s18+s29], $0x2400, s30, s29, $0x38;
	[tilespmem:$0x11820] =	vst v63  }
.LBB2_4:
0x70: {  	[tilespmem:s0], [sflag:$0x2] =	stream.linear.gather [hbm4b:s17+s3], $0x80, $0x38;
	[tilespmem:$0x11820] =	vst v63  }
0x71: {  	s17 =	smov.u32 s14  }
0x72: {  	p0 =	sne.s32 s14, $0xD000;
	s14 =	sadd.s32 $0x1000, s14;
	_ =	swait.ge [sflag:s8], $0x2400  }
0x73: {  	[sflag:s8] =	ssyncset.done $0x0  }
0x74: {  	[sflag:s8] =	ssyncadd.s32 $0xFFFFDC00  }
0x75: {  	_ =	swait.ge [sflag:s8], $0x80  }
0x76: {  	[sflag:s8] =	ssyncset.done $0x0  }
0x77: {  	[sflag:s8] =	ssyncadd.s32 $0xFFFFFF80  }
0x78: {  	[spmem:s2] =	stream.indirect.scatter.add.f32 [tilespmem:s3], [sflag:$0x3], $0x48, s31, s30, $0xb8;
	[tilespmem:$0x11820] =	vst v63  }
0x79: {  	_ =	swait.ge [sflag:s7], $0x2400  }
0x7a: {  	s18 =	sshrl.u32 s16, $0x3;
	[sflag:s7] =	ssyncset.done $0x0  }
0x7b: {  	s18 =	sadd.s32 s4, s18;
	[sflag:s7] =	ssyncadd.s32 $0xFFFFDC00  }
0x7c: {  	[tilespmem:s3], [sflag:$0x1] =	stream.strided.gather [hbm4b:s18+s29], $0x2400, s30, s29, $0x38;
	[tilespmem:$0x11820] =	vst v63  }
0x7d: {  	_ = 	snop  }
0x7e: {  	[tilespmem:s31], [sflag:$0x1] =	stream.linear.gather [hbm4b:s15+s3], $0x80, $0x38;
	[tilespmem:$0x11820] =	vst v63  }
0x7f: {  	_ =	swait.ge [sflag:s10], $0x2400  }
0x80: {  	[sflag:s10] =	ssyncset.done $0x0  }
0x81: {  	[sflag:s10] =	ssyncadd.s32 $0xFFFFDC00  }
0x82: {  	_ =	swait.ge [sflag:s10], $0x80  }
0x83: {  	[sflag:s10] =	ssyncset.done $0x0  }
0x84: {  	[sflag:s10] =	ssyncadd.s32 $0xFFFFFF80  }
0x85: {  	[spmem:s2] =	stream.indirect.scatter.add.f32 [tilespmem:s1], [sflag:$0x3], $0x48, s0, s30, $0xb8;
	[tilespmem:$0x11820] =	vst v63  }
.Ltmp1:
0x86: {  	_ =	swait.ge [sflag:s7], $0x2400;
	(pc) =	sbr.rel @p0 .LBB2_4-.Ltmp1, $4  }
0x87: {  	[sflag:s7] =	ssyncset.done $0x0  }
0x88: {  	s17 =	sadd.s32 s17, s25;
	[sflag:s7] =	ssyncadd.s32 $0xFFFFDC00  }
0x89: {  	[tilespmem:s1], [sflag:$0x2] =	stream.strided.gather [hbm4b:s17+s29], $0x2400, s30, s29, $0x38;
	[tilespmem:$0x11820] =	vst v63  }
0x8a: {  	s16 =	sadd.s32 $0x8000, s16;
	s17 =	sadd.s32 $0x10, s15;
	s15 =	sadd.s32 $0x20, s15  }
0x8b: {  	[tilespmem:s0], [sflag:$0x2] =	stream.linear.gather [hbm4b:s17+s3], $0x80, $0x38;
	[tilespmem:$0x11820] =	vst v63  }
0x8c: {  	_ =	swait.ge [sflag:s8], $0x2400  }
0x8d: {  	[sflag:s8] =	ssyncset.done $0x0  }
0x8e: {  	[sflag:s8] =	ssyncadd.s32 $0xFFFFDC00  }
0x8f: {  	_ =	swait.ge [sflag:s8], $0x80  }
0x90: {  	[sflag:s8] =	ssyncset.done $0x0  }
0x91: {  	[sflag:s8] =	ssyncadd.s32 $0xFFFFFF80  }
0x92: {  	[spmem:s2] =	stream.indirect.scatter.add.f32 [tilespmem:s3], [sflag:$0x3], $0x48, s31, s30, $0xb8;
	[tilespmem:$0x11820] =	vst v63  }
0x93: {  	_ =	swait.ge [sflag:s7], $0x2400  }
0x94: {  	[sflag:s7] =	ssyncset.done $0x0  }
0x95: {  	[sflag:s7] =	ssyncadd.s32 $0xFFFFDC00  }
0x96: {  	[tilespmem:s3], [sflag:$0x1] =	stream.strided.gather [hbm4b:s28+s29], $0x2400, s30, s29, $0x38;
	[tilespmem:$0x11820] =	vst v63  }
0x97: {  	_ = 	snop  }
0x98: {  	[tilespmem:s31], [sflag:$0x1] =	stream.linear.gather [hbm4b:s22+s3], $0x80, $0x38;
	[tilespmem:$0x11820] =	vst v63  }
0x99: {  	_ =	swait.ge [sflag:s10], $0x2400  }
0x9a: {  	[sflag:s10] =	ssyncset.done $0x0  }
0x9b: {  	[sflag:s10] =	ssyncadd.s32 $0xFFFFDC00  }
0x9c: {  	_ =	swait.ge [sflag:s10], $0x80  }
0x9d: {  	[sflag:s10] =	ssyncset.done $0x0  }
0x9e: {  	[sflag:s10] =	ssyncadd.s32 $0xFFFFFF80  }
0x9f: {  	[spmem:s2] =	stream.indirect.scatter.add.f32 [tilespmem:s1], [sflag:$0x3], $0x48, s0, s30, $0xb8;
	[tilespmem:$0x11820] =	vst v63  }
0xa0: {  	_ =	swait.ge [sflag:s7], $0x2400  }
0xa1: {  	[sflag:s7] =	ssyncset.done $0x0  }
0xa2: {  	[sflag:s7] =	ssyncadd.s32 $0xFFFFDC00  }
0xa3: {  	_ =	swait.ge [sflag:s8], $0x2400  }
0xa4: {  	[sflag:s8] =	ssyncset.done $0x0  }
0xa5: {  	[sflag:s8] =	ssyncadd.s32 $0xFFFFDC00  }
0xa6: {  	_ =	swait.ge [sflag:s8], $0x80  }
0xa7: {  	[sflag:s8] =	ssyncset.done $0x0  }
0xa8: {  	[sflag:s8] =	ssyncadd.s32 $0xFFFFFF80  }
0xa9: {  	[spmem:s2] =	stream.indirect.scatter.add.f32 [tilespmem:s3], [sflag:$0x3], $0x48, s31, s30, $0xb8;
	[tilespmem:$0x11820] =	vst v63  }
0xaa: {  	_ =	swait.ge [sflag:s7], $0x2400  }
0xab: {  	[sflag:s7] =	ssyncset.done $0x0  }
0xac: {  	[sflag:s7] =	ssyncadd.s32 $0xFFFFDC00  }
0xad: {  	[tilespmem:s11], [sflag:$0x3] =	stream.strided.gather [hbm4b:s26+s29], $0x900, s30, s29, $0x38;
	[tilespmem:$0x11820] =	vst v63  }
0xae: {  	_ =	swait.ge [sflag:s7], $0x900  }
0xaf: {  	[sflag:s7] =	ssyncset.done $0x0  }
0xb0: {  	[sflag:s7] =	ssyncadd.s32 $0xFFFFF700  }
0xb1: {  	[tilespmem:s12], [sflag:$0x3] =	stream.linear.gather [hbm4b:s19+s3], $0x20, $0x38;
	[tilespmem:$0x11820] =	vst v63  }
0xb2: {  	_ =	swait.ge [sflag:s7], $0x20  }
0xb3: {  	[sflag:s7] =	ssyncset.done $0x0  }
0xb4: {  	s14 =	simm.s32 $0x20;
	[sflag:s7] =	ssyncadd.s32 $0xFFFFFFE0  }
0xb5: {  	[spmem:s2] =	stream.indirect.scatter.add.f32 [tilespmem:s11], [sflag:$0x3], $0x48, s12, s14, $0xb8;
	[tilespmem:$0x11820] =	vst v63  }
0xb6: {  	s18 =	stileid.u32;
	_ =	swait.ge [sflag:s7], $0x900  }
0xb7: {  	s15 =	sshrl.u32 s9, $0x3;
	s13 =	sadd.s32 $0x1, s13;
	[sflag:s7] =	ssyncset.done $0x0  }
0xb8: {  	p0 =	sne.s32 s13, s21;
	s14 =	sshll.u32 s18, $0x6;
	[sflag:s7] =	ssyncadd.s32 $0xFFFFF700  }
.Ltmp2:
0xb9: {  	s14 =	sor.u32 $0x1C03, s14;
	[bflag:$0x0] =	sbarrier.arrive $0xFFFF;
	(pc) =	sbr.rel @p0 .LBB2_1-.Ltmp2, $4  }
0xba: {  	[hbm:s20], [sflag:s14] =	dma.local [spmem:s15], $0x1680  }
0xbb: {  	_ =	swait.ge [sflag:s7], $0x1680  }
0xbc: {  	[sflag:s7] =	ssyncset.done $0x0  }
0xbd: {  	[sflag:s7] =	ssyncadd.s32 $0xFFFFE980  }
0xbe: {  	_ =	sfence.sel $0x180000  }
0xbf: {  	[bflag:$0x0] =	sbarrier.arrive $0xFFFF  }
0xc0: {  	_ =	strace $0x9000004D  }
0xc1: {  	s0 =	stileid.u32;
	[bflag:$0x2] =	sbarrier.arrive $0xFFFF  }
0xc2: {  	p0 =	sne.s32 s0, $0x0;
	s0 =	rddreg [dreg:$0x3]  }
0xc3: {  	s0 =	sadd.s32 @!p0 $0x100000, s0  }
0xc4: {  	[sflag:s0] =	ssyncadd.tile.s32 @!p0 $0x1;
	_ =	shalt  }
.Lfunc_end2:
_tile_overlayer_lowered:
.L_overlay_start_2:
0xc5: {  	(tag) =	ssettag $0x2  }
0xc6: {  	s0 =	rddreg [dreg:$0x0];
	s2 =	stileid.u32  }
0xc7: {  	s1 =	rddreg [dreg:$0x1];
	p0 =	sne.s32 s2, $0x0  }
0xc8: {  	s3 =	rddreg [dreg:$0x2];
	[bflag:$0x3] =	sbarrier.arrive $0xFFFF;
	s2 =	simm.s32 @!p0 $0x1C03  }
0xc9: {  	[timem:s3], [sflag:s2] =	dma.local @!p0 [hbm:s0], s1  }
0xca: {  	s0 =	simm.s32 @!p0 $0x3  }
0xcb: {  	_ =	swait.ge @!p0 [sflag:s0], s1  }
0xcc: {  	s1 =	ssub.s32 @!p0 $0x0, s1;
	[sflag:s0] =	ssyncset.done @!p0 $0x0  }
0xcd: {  	[sflag:s0] =	ssyncadd.s32 @!p0 s1  }
0xce: {  	[bflag:$0x3] =	sbarrier.arrive $0xFFFF  }
0xcf: {  	_ =	shalt  }

// kernel: kernel.25.cloned.1.call-start
scs
__scs_entry_jumppad:
0x0: {  	(pc) =	sbr.rel $0x88, $3  }
0x1: {  	(tag) =	ssettag $0x0;
	lr =	simm.s32 $0x1  }
0x2: {  	[smem:$0x3F9A] =	sst lr;
	_ =	strace $0xD0000000  }
0x3: {  	_ = 	snop  }
0x4: {  	_ = 	snop  }
0x5: {  	_ = 	snop  }
0x6: {  	_ = 	snop  }
0x7: {  	_ = 	snop  }
__scs_overlays_trampoline_lowered:
0x8: {  	[smem:$0x3FA9] =	sst s0  }
0x9: {  	[smem:$0x3FAA] =	sst s1  }
0xa: {  	[smem:$0x3FAB] =	sst s2  }
0xb: {  	[smem:$0x3FAC] =	sst s3  }
0xc: {  	[smem:$0x3FAD] =	sst s4  }
0xd: {  	[smem:$0x3FAE] =	sst s5  }
0xe: {  	[smem:$0x3FAF] =	sst s6  }
0xf: {  	[smem:$0x3FB0] =	sst s7  }
0x10: {  	[smem:$0x3FB1] =	sst s8  }
0x11: {  	[smem:$0x3FB2] =	sst s9;
	s0 =	simm.s32 @!p0 $0x0  }
0x12: {  	s1 =	sld [smem:$0x3F98];
	s0 =	simm.s32 @p0 $0x1  }
0x13: {  	[smem:$0x3FB3] =	sst s0;
	s0 =	simm.s32 @!p1 $0x0  }
0x14: {  	s2 =	sld [smem:$0x3F97];
	s0 =	simm.s32 @p1 $0x1  }
0x15: {  	[smem:$0x3FB4] =	sst s0;
	s0 =	simm.s32 @!p2 $0x0  }
0x16: {  	s3 =	sld [smem:$0x3FDB];
	s0 =	simm.s32 @p2 $0x1  }
0x17: {  	s4 =	simm.s32 $0x1BF5;
	[smem:$0x3FB6] =	sst s0  }
0x18: {  	s0 =	sld [smem:$0x3F99];
	_ =	swait.ge [sflag:s4], $0x0  }
0x19: {  	s7 =	sld [smem:$0x3F9A]  }
0x1a: {  	s8 =	sadd.s32 $0xFFFFE003, lr  }
0x1b: {  	s9 =	sadd.s32 $0xFFFFFEF7, lr;
	s5 =	simm.s32 $0xFFFFFFFF;
	p2 =	slt.u32 s8, $0xFFFFF086  }
0x1c: {  	p1 =	slt.u32 s9, $0xF7A;
	s5 =	simm.s32 @!p2 $0x0  }
0x1d: {  	s5 =	simm.s32 @p1 $0x1;
	p0 =	seq.s32 s7, s2  }
0x1e: {  	s7 =	smul.u32 @!p0 $0xF7A, s2;
	p2 =	seq.s32 @!p0 s5, $0x0  }
0x1f: {  	s9 =	smul.u32 $0xF7A, s1;
	s8 =	simm.s32 @!p0 $0x1BF5;
	p2 =	por !p2, p0  }
0x20: {  	[sflag:s8] =	ssyncset.s32 @!p0 $0xFFFFF086;
	s6 =	sadd.s32 @!p0 s3, s7;
	s7 =	simm.s32 @!p0 $0x108  }
0x21: {  	s3 =	sadd.s32 s3, s9;
	s6 =	sadd.s32 @!p0 $0x88, s6;
	s7 =	simm.s32 @p2 $0x1082  }
0x22: {  	[simem:s7], [sflag:s8] =	dma.local @!p0 [hbm:s6], $0xF7A  }
0x23: {  	s9 =	sor.u32 $0xD0000000, s2;
	s6 =	simm.s32 $0x108;
	_ =	swait.ge @!p0 [sflag:s8], $0x0  }
0x24: {  	s3 =	sadd.s32 $0x88, s3;
	s6 =	simm.s32 @!p1 $0x1082;
	[sflag:s4] =	ssyncset.s32 $0xFFFFF086  }
0x25: {  	[simem:s6], [sflag:s4] =	dma.local [hbm:s3], $0xF7A  }
0x26: {  	[smem:$0x3F9A] =	sst s1;
	(tag) =	ssettag s2;
	_ =	strace s9  }
0x27: {  	s1 =	sld [smem:$0x3FAA]  }
0x28: {  	s2 =	sld [smem:$0x3FAB]  }
0x29: {  	s4 =	sld [smem:$0x3FAD]  }
0x2a: {  	p0 =	seq.s32 s5, $0x0;
	s5 =	sld [smem:$0x3FAE]  }
0x2b: {  	s6 =	sld [smem:$0x3FAF]  }
0x2c: {  	s7 =	sld [smem:$0x3FB0]  }
0x2d: {  	s3 =	simm.s32 $0x108;
	s8 =	sld [smem:$0x3FB1]  }
0x2e: {  	s3 =	simm.s32 @!p0 $0x1082;
	s9 =	sld [smem:$0x3FB2]  }
0x2f: {  	lr =	sadd.s32 s0, s3;
	s0 =	sld [smem:$0x3FA9]  }
0x30: {  	s3 =	sld [smem:$0x3FAC]  }
0x31: {  	[smem:$0x3FB5] =	sst s10  }
0x32: {  	s10 =	sld [smem:$0x3FB3];
	_ =	sdelay $0x3  }
0x33: {  	p0 =	seq.s32 s10, $0x1;
	s10 =	sld [smem:$0x3FB5];
	_ =	sdelay $0x3  }
0x34: {  	[smem:$0x3FB5] =	sst s10  }
0x35: {  	s10 =	sld [smem:$0x3FB4];
	_ =	sdelay $0x3  }
0x36: {  	p1 =	seq.s32 s10, $0x1;
	s10 =	sld [smem:$0x3FB5];
	_ =	sdelay $0x3  }
0x37: {  	[smem:$0x3FB5] =	sst s10  }
0x38: {  	s10 =	sld [smem:$0x3FB6]  }
0x39: {  	_ = 	snop;
	(pc) =	sbr.ind lr, $3  }
0x3a: {  	_ = 	snop  }
0x3b: {  	_ = 	snop  }
0x3c: {  	p2 =	seq.s32 s10, $0x1;
	s10 =	sld [smem:$0x3FB5]  }
0x3d: {  	_ =	shalt  }
0x3e: {  	_ =	shalt  }
0x3f: {  	_ =	shalt  }
0x40: {  	_ =	shalt  }
0x41: {  	_ =	shalt  }
0x42: {  	_ =	shalt  }
0x43: {  	_ =	shalt  }
0x44: {  	_ =	shalt  }
0x45: {  	_ =	shalt  }
0x46: {  	_ =	shalt  }
0x47: {  	_ =	shalt  }
0x48: {  	_ =	shalt  }
0x49: {  	_ =	shalt  }
0x4a: {  	_ =	shalt  }
0x4b: {  	_ =	shalt  }
0x4c: {  	_ =	shalt  }
0x4d: {  	_ =	shalt  }
0x4e: {  	_ =	shalt  }
0x4f: {  	_ =	shalt  }
0x50: {  	_ =	shalt  }
0x51: {  	_ =	shalt  }
0x52: {  	_ =	shalt  }
0x53: {  	_ =	shalt  }
0x54: {  	_ =	shalt  }
0x55: {  	_ =	shalt  }
0x56: {  	_ =	shalt  }
0x57: {  	_ =	shalt  }
0x58: {  	_ =	shalt  }
0x59: {  	_ =	shalt  }
0x5a: {  	_ =	shalt  }
0x5b: {  	_ =	shalt  }
0x5c: {  	_ =	shalt  }
0x5d: {  	_ =	shalt  }
0x5e: {  	_ =	shalt  }
0x5f: {  	_ =	shalt  }
0x60: {  	_ =	shalt  }
0x61: {  	_ =	shalt  }
0x62: {  	_ =	shalt  }
0x63: {  	_ =	shalt  }
0x64: {  	_ =	shalt  }
0x65: {  	_ =	shalt  }
0x66: {  	_ =	shalt  }
0x67: {  	_ =	shalt  }
0x68: {  	_ =	shalt  }
0x69: {  	_ =	shalt  }
0x6a: {  	_ =	shalt  }
0x6b: {  	_ =	shalt  }
0x6c: {  	_ =	shalt  }
0x6d: {  	_ =	shalt  }
0x6e: {  	_ =	shalt  }
0x6f: {  	_ =	shalt  }
0x70: {  	_ =	shalt  }
0x71: {  	_ =	shalt  }
0x72: {  	_ =	shalt  }
0x73: {  	_ =	shalt  }
0x74: {  	_ =	shalt  }
0x75: {  	_ =	shalt  }
0x76: {  	_ =	shalt  }
0x77: {  	_ =	shalt  }
0x78: {  	_ =	shalt  }
0x79: {  	_ =	shalt  }
0x7a: {  	_ =	shalt  }
0x7b: {  	_ =	shalt  }
0x7c: {  	_ =	shalt  }
0x7d: {  	_ =	shalt  }
0x7e: {  	_ =	shalt  }
0x7f: {  	_ =	shalt  }
0x80: {  	_ =	shalt  }
0x81: {  	_ =	shalt  }
0x82: {  	_ =	shalt  }
0x83: {  	_ =	shalt  }
0x84: {  	_ =	shalt  }
0x85: {  	_ =	shalt  }
0x86: {  	_ =	shalt  }
0x87: {  	_ =	shalt  }
.Lfunc_end0:
.L_simem_size_0:
called_computation.4_lowered:
.L_overlay_start_0:
0x88: {  	s2 =	sld [smem:$0x3FD9]  }
0x89: {  	s3 =	sld [smem:$0x3FFE];
	_ =	sdelay $0x1  }
0x8a: {  	s1 =	srdreg.scid  }
0x8b: {  	s0 =	sand.u32 $0x1, s1  }
0x8c: {  	s17 =	sshll.u32 s0, $0xA;
	s2 =	sadd.s32 s3, s2  }
0x8d: {  	s2 =	sadd.s32 s2, s17  }
0x8e: {  	[smem:$0x3FC1] =	sst s2  }
0x8f: {  	_ = 	snop  }
0x90: {  	s2 =	sld [smem:$0x3FC8];
	(tm) =	ssettm $0x1  }
0x91: {  	s18 =	sld [smem:$0x3FFB];
	_ =	sdelay $0x3  }
0x92: {  	_ =	strace s18  }
0x93: {  	s3 =	sld [smem:$0x3FFC];
	_ =	sdelay $0x3  }
0x94: {  	_ =	strace s3  }
0x95: {  	s3 =	sld [smem:$0x3FFD];
	_ =	sdelay $0x3  }
0x96: {  	_ =	strace s3  }
0x97: {  	_ =	strace $0x8FFFFFFF  }
0x98: {  	s19 =	sld [smem:$0x3FDB];
	_ =	sdelay $0x1  }
0x99: {  	s4 =	simm.s32 $_scs_section_size  }
0x9a: {  	s5 =	simm.s32 $_size__tile_overlayer_lowered;
	s6 =	simm.s32 $_tile_overlayer_lowered  }
0x9b: {  	s22 =	simm.s32 $0x1BFF;
	s21 =	sshll.u32 s6, $0x1;
	s3 =	sadd.s32 s4, s19  }
0x9c: {  	s7 =	simm.s32 $0x0;
	s20 =	sshll.u32 s5, $0x1;
	s5 =	sadd.s32 s21, s3  }
0x9d: {  	[timem:s7], [sflag:s22] =	dma.local [hbm:s5], s20  }
0x9e: {  	_ =	swait.ge [sflag:s22], s20  }
0x9f: {  	s4 =	ssub.s32 $0x0, s20;
	[sflag:s22] =	ssyncset.done $0x0  }
0xa0: {  	[sflag:s22] =	ssyncadd.s32 s4;
	_ =	sdelay $0x1  }
0xa1: {  	s23 =	simm.s32 $0x1B8B  }
0xa2: {  	_ =	swait.ge [sflag:s23], $0x1  }
0xa3: {  	[sflag:s23] =	ssyncset.done $0x0  }
0xa4: {  	s25 =	simm.s32 $0x1B8E;
	s24 =	sld [smem:$0x3FFE];
	[sflag:s23] =	ssyncadd.s32 $0xFFFFFFFF  }
0xa5: {  	s26 =	simm.s32 $execute0_lowered;
	[smem:$0x3FD2] =	sst s25  }
0xa6: {  	s5 =	sshll.u32 s26, $0x1;
	_ =	strace $0x80000046;
	[dreg:$0x1] =	wrdreg $0xFFFFFFFF  }
0xa7: {  	s28 =	simm.s32 $_size_execute0_lowered;
	s3 =	sadd.s32 s3, s5;
	[dreg:$0x0] =	wrdreg $0x0  }
0xa8: {  	s5 =	sshll.u32 s28, $0x1;
	[dreg:$0x2] =	wrdreg s3  }
0xa9: {  	[dreg:$0x3] =	wrdreg s5  }
0xaa: {  	[dreg:$0x4] =	wrdreg $0xC0  }
0xab: {  	_ =	task [dreg:s7], $0x5FFFF  }
0xac: {  	[dreg:$0x1] =	wrdreg $0xFFFFFFFF  }
0xad: {  	[dreg:$0x0] =	wrdreg $0x60  }
0xae: {  	[dreg:$0x2] =	wrdreg s24  }
0xaf: {  	[dreg:$0x3] =	wrdreg s2  }
0xb0: {  	[dreg:$0x4] =	wrdreg $0x64200  }
0xb1: {  	[dreg:$0x5] =	wrdreg $0xD  }
0xb2: {  	_ =	task.clear_ibuf [dreg:s7], $0x6FFFF;
	_ =	strace $0x90000046  }
0xb3: {  	s29 =	simm.s32 $0xD;
	_ =	strace $0x80000048  }
0xb4: {  	_ =	swait.ge [sflag:s29], $0x1  }
0xb5: {  	[sflag:s29] =	ssyncadd.s32 $0xFFFFFFFF  }
0xb6: {  	_ =	strace $0x90000048  }
0xb7: {  	_ =	sfence  }
0xb8: {  	s30 =	sld [smem:$0x0];
	_ =	sdelay $0x2  }
0xb9: {  	s31 =	sshll.u32 s1, $0xD;
	s1 =	sshrl.u32 s1, $0x2  }
0xba: {  	s3 =	sand.u32 $0x4000, s31;
	s1 =	sadd.s32 s1, s30  }
0xbb: {  	s0 =	sor.u32 s3, s0;
	s1 =	sshll.u32 s1, $0x11  }
0xbc: {  	s0 =	sor.u32 s1, s0  }
0xbd: {  	s0 =	sadd.s32 $0x8F2B, s0  }
0xbe: {  	[sflag:s0] =	ssyncadd.remote.s32 $0x1  }
0xbf: {  	_ =	sfence.sel $0xFFFF  }
0xc0: {  	[dreg:$0x0] =	wrdreg $0xFFFFFFFF;
	(pc) =	sbr.abs _section_cstart, $3  }
0xc1: {  	[dreg:$0x1] =	wrdreg $0xFFFFFFFF  }
0xc2: {  	_ =	task.clear_ibuf [dreg:s7], $0x2FFFF;
	_ =	strace $0x9FFFFFFF  }
0xc3: {  	(tm) =	ssettm $0x7FFFFFFF  }
tec
execute0_lowered:
.L_overlay_start_1:
0x0: {  	(tag) =	ssettag $0x1  }
0x1: {  	s0 =	rddreg [dreg:$0x0]  }
0x2: {  	s1 =	rddreg [dreg:$0x1];
	s12 =	stileid.u32  }
0x3: {  	s3 =	srdreg.scid;
	s6 =	smul.u32 $0xB400, s12  }
0x4: {  	s2 =	rddreg [dreg:$0x2];
	s7 =	smul.u32 $0xFA0, s12  }
0x5: {  	s29 =	simm.s32 $0x48;
	s30 =	simm.s32 $0x80;
	s10 =	smul.u32 $0x7D000, s12  }
0x6: {  	s4 =	sand.u32 $0x1, s3;
	s3 =	simm.s32 $0x0;
	s23 =	smul.u32 $0x2D000, s12  }
0x7: {  	s31 =	simm.s32 $0x4800;
	s5 =	smul.u32 $0xB4000, s4;
	[smem:$0x7FF] =	sst s3  }
0x8: {  	s8 =	smul.u32 $0x7D0000, s4;
	s9 =	ssub.s32 $0x2, s4;
	s4 =	sadd.s32 $0x2C00, s0  }
0x9: {  	_ =	strace $0x80000047;
	s22 =	sshrl.u32 s9, $0x1;
	s7 =	sshrl.u32 s7, $0x3  }
0xa: {  	s26 =	sshrl.u32 s23, $0x2;
	s23 =	smul.u32 $0x1F4, s12;
	s7 =	sadd.s32 s1, s7  }
0xb: {  	s12 =	simm.s32 $0x5200;
	s5 =	sadd.s32 s6, s5;
	s25 =	sadd.s32 $0x7D00, s7  }
0xc: {  	s15 =	sadd.s32 s26, s2;
	s14 =	sadd.s32 $0x7D10, s7;
	[dreg:$0x4] =	wrdreg s25  }
0xd: {  	s8 =	sadd.s32 s10, s8;
	s16 =	sadd.s32 $0x1200, s15;
	[dreg:$0x6] =	wrdreg s14  }
0xe: {  	s11 =	ssub.s32 s9, s22;
	s17 =	sadd.s32 $0x2400, s15;
	[dreg:$0x7] =	wrdreg s16  }
0xf: {  	s9 =	sadd.s32 s6, s2;
	s18 =	sadd.s32 $0x3600, s15;
	[dreg:$0x8] =	wrdreg s17  }
0x10: {  	s6 =	simm.s32 $0x5220;
	s19 =	sadd.s32 $0x4800, s15;
	[dreg:$0x9] =	wrdreg s18  }
0x11: {  	s5 =	sshrl.u32 s5, $0x3;
	s20 =	sadd.s32 $0x5A00, s15;
	[dreg:$0xa] =	wrdreg s19  }
0x12: {  	s24 =	sshrl.u32 s8, $0x3;
	s21 =	sadd.s32 $0x6C00, s15;
	[dreg:$0xb] =	wrdreg s20  }
0x13: {  	s22 =	sadd.s32 $0x7E00, s15;
	s10 =	sadd.s32 $0xA200, s15;
	[dreg:$0xc] =	wrdreg s21  }
0x14: {  	s26 =	sadd.s32 $0xC000, s8;
	s0 =	sadd.s32 s5, s0;
	[dreg:$0xd] =	wrdreg s22  }
0x15: {  	s5 =	sadd.s32 s4, s24;
	s24 =	sadd.s32 $0x9000, s15;
	[dreg:$0xf] =	wrdreg s10  }
0x16: {  	s19 =	sadd.s32 $0x7EF0, s7;
	s25 =	sadd.s32 s23, s1;
	s21 =	smax.u32 s11, $0x1  }
0x17: {  	s22 =	sadd.s32 $0x7EE0, s7;
	s1 =	sshrl.u32 s26, $0x3;
	s7 =	simm.s32 $0x3  }
0x18: {  	s10 =	simm.s32 $0x2;
	s11 =	simm.s32 $0x4900;
	s13 =	sadd.s32 $0x800, s5  }
0x19: {  	[dreg:$0xe] =	wrdreg s24;
	s20 =	sadd.s32 $0x1F6C00, s0;
	s23 =	sadd.s32 $0x7D20, s25  }
0x1a: {  	s24 =	sadd.s32 $0x8000, s8;
	s25 =	sadd.s32 s1, s4;
	s26 =	sadd.s32 $0xF800, s5  }
0x1b: {  	s28 =	sadd.s32 $0xF000, s5;
	s1 =	simm.s32 $0x2400;
	s0 =	simm.s32 $0x4880  }
0x1c: {  	v0 =	vimm.f32 $0.0e+00;
	s8 =	simm.s32 $0x1;
	[dreg:$0x5] =	wrdreg s13;
	s13 =	simm.s32 $0x0  }
.LBB2_1:
0x1d: {  	[tilespmem:s3], [sflag:$0x1] =	stream.strided.gather [hbm4b:s5+s29], $0x2400, s30, s29, $0x38;
	[tilespmem:$0x11820] =	vst v63  }
0x1e: {  	s14 =	rddreg [dreg:$0x4]  }
0x1f: {  	[tilespmem:s31], [sflag:$0x1] =	stream.linear.gather [hbm4b:s14+s3], $0x80, $0x38;
	[tilespmem:$0x11820] =	vst v63  }
0x20: {  	s17 =	rddreg [dreg:$0x5]  }
0x21: {  	[tilespmem:s1], [sflag:$0x2] =	stream.strided.gather [hbm4b:s17+s29], $0x2400, s30, s29, $0x38;
	[tilespmem:$0x11820] =	vst v63  }
0x22: {  	s18 =	rddreg [dreg:$0x6];
	s14 =	simm.s32 $0x0  }
0x23: {  	[tilespmem:s0], [sflag:$0x2] =	stream.linear.gather [hbm4b:s18+s3], $0x80, $0x38;
	[tilespmem:$0x11820] =	vst v63  }
0x24: {  	s15 =	simm.s32 $0x120;
	[tilespmem:s14+$0x5240] =	vst v0  }
.LBB2_2:
0x25: {  	p0 =	sne.s32 s15, $0x46E0;
	[tilespmem:s14+$0x5230] =	vst v0;
	s16 =	smov.u32 s15;
	s15 =	sadd.s32 $0x120, s15  }
.Ltmp0:
0x26: {  	[tilespmem:s14+$0x5250] =	vst v0;
	(pc) =	sbr.rel @p0 .LBB2_2-.Ltmp0, $4  }
0x27: {  	[tilespmem:s14+$0x5258] =	vst v0  }
0x28: {  	[tilespmem:s14+$0x5220] =	vst v0  }
0x29: {  	s14 =	sshra.s32 s16, $0x2  }
0x2a: {  	[tilespmem:s14+$0x5240] =	vst v0  }
0x2b: {  	[tilespmem:s14+$0x5230] =	vst v0  }
0x2c: {  	[tilespmem:s14+$0x5250] =	vst v0  }
0x2d: {  	[tilespmem:s14+$0x5220] =	vst v0  }
0x2e: {  	[tilespmem:s14+$0x5258] =	vst v0  }
0x2f: {  	[spmem:s9] =	stream.linear.scatter [tilespmem:s6], [sflag:$0x3], $0x1200, $0x38;
	[tilespmem:$0x11820] =	vst v63  }
0x30: {  	_ =	swait.ge [sflag:s7], $0x1200  }
0x31: {  	[sflag:s7] =	ssyncset.done $0x0  }
0x32: {  	s16 =	rddreg [dreg:$0x7];
	[sflag:s7] =	ssyncadd.s32 $0xFFFFEE00  }
0x33: {  	[spmem:s16] =	stream.linear.scatter [tilespmem:s6], [sflag:$0x3], $0x1200, $0x38;
	[tilespmem:$0x11820] =	vst v63  }
0x34: {  	_ =	swait.ge [sflag:s7], $0x1200  }
0x35: {  	[sflag:s7] =	ssyncset.done $0x0  }
0x36: {  	s17 =	rddreg [dreg:$0x8];
	[sflag:s7] =	ssyncadd.s32 $0xFFFFEE00  }
0x37: {  	[spmem:s17] =	stream.linear.scatter [tilespmem:s6], [sflag:$0x3], $0x1200, $0x38;
	[tilespmem:$0x11820] =	vst v63  }
0x38: {  	_ =	swait.ge [sflag:s7], $0x1200  }
0x39: {  	[sflag:s7] =	ssyncset.done $0x0  }
0x3a: {  	s18 =	rddreg [dreg:$0x9];
	[sflag:s7] =	ssyncadd.s32 $0xFFFFEE00  }
0x3b: {  	[spmem:s18] =	stream.linear.scatter [tilespmem:s6], [sflag:$0x3], $0x1200, $0x38;
	[tilespmem:$0x11820] =	vst v63  }
0x3c: {  	_ =	swait.ge [sflag:s7], $0x1200  }
0x3d: {  	[sflag:s7] =	ssyncset.done $0x0  }
0x3e: {  	s15 =	rddreg [dreg:$0xa];
	[sflag:s7] =	ssyncadd.s32 $0xFFFFEE00  }
0x3f: {  	[spmem:s15] =	stream.linear.scatter [tilespmem:s6], [sflag:$0x3], $0x1200, $0x38;
	[tilespmem:$0x11820] =	vst v63  }
0x40: {  	_ =	swait.ge [sflag:s7], $0x1200  }
0x41: {  	[sflag:s7] =	ssyncset.done $0x0  }
0x42: {  	s16 =	rddreg [dreg:$0xb];
	[sflag:s7] =	ssyncadd.s32 $0xFFFFEE00  }
0x43: {  	[spmem:s16] =	stream.linear.scatter [tilespmem:s6], [sflag:$0x3], $0x1200, $0x38;
	[tilespmem:$0x11820] =	vst v63  }
0x44: {  	_ =	swait.ge [sflag:s7], $0x1200  }
0x45: {  	[sflag:s7] =	ssyncset.done $0x0  }
0x46: {  	s17 =	rddreg [dreg:$0xc];
	[sflag:s7] =	ssyncadd.s32 $0xFFFFEE00  }
0x47: {  	[spmem:s17] =	stream.linear.scatter [tilespmem:s6], [sflag:$0x3], $0x1200, $0x38;
	[tilespmem:$0x11820] =	vst v63  }
0x48: {  	_ =	swait.ge [sflag:s7], $0x1200  }
0x49: {  	[sflag:s7] =	ssyncset.done $0x0  }
0x4a: {  	s18 =	rddreg [dreg:$0xd];
	[sflag:s7] =	ssyncadd.s32 $0xFFFFEE00  }
0x4b: {  	[spmem:s18] =	stream.linear.scatter [tilespmem:s6], [sflag:$0x3], $0x1200, $0x38;
	[tilespmem:$0x11820] =	vst v63  }
0x4c: {  	_ =	swait.ge [sflag:s7], $0x1200  }
0x4d: {  	[sflag:s7] =	ssyncset.done $0x0  }
0x4e: {  	s15 =	rddreg [dreg:$0xe];
	[sflag:s7] =	ssyncadd.s32 $0xFFFFEE00  }
0x4f: {  	[spmem:s15] =	stream.linear.scatter [tilespmem:s6], [sflag:$0x3], $0x1200, $0x38;
	[tilespmem:$0x11820] =	vst v63  }
0x50: {  	_ =	swait.ge [sflag:s7], $0x1200  }
0x51: {  	[sflag:s7] =	ssyncset.done $0x0  }
0x52: {  	s16 =	rddreg [dreg:$0xf];
	[sflag:s7] =	ssyncadd.s32 $0xFFFFEE00  }
0x53: {  	[spmem:s16] =	stream.linear.scatter [tilespmem:s6], [sflag:$0x3], $0x1200, $0x38;
	[tilespmem:$0x11820] =	vst v63  }
0x54: {  	_ =	swait.ge [sflag:s7], $0x1200  }
0x55: {  	[sflag:s7] =	ssyncset.done $0x0  }
0x56: {  	[sflag:s7] =	ssyncadd.s32 $0xFFFFEE00  }
0x57: {  	[bflag:$0x0] =	sbarrier.arrive $0xFFFF  }
0x58: {  	_ =	swait.ge [sflag:s8], $0x2400  }
0x59: {  	[sflag:s8] =	ssyncset.done $0x0  }
0x5a: {  	[sflag:s8] =	ssyncadd.s32 $0xFFFFDC00  }
0x5b: {  	_ =	swait.ge [sflag:s8], $0x80  }
0x5c: {  	[sflag:s8] =	ssyncset.done $0x0  }
0x5d: {  	[sflag:s8] =	ssyncadd.s32 $0xFFFFFF80  }
0x5e: {  	[spmem:s2] =	stream.indirect.scatter.add.f32 [tilespmem:s3], [sflag:$0x3], $0x48, s31, s30, $0xb8;
	[tilespmem:$0x11820] =	vst v63  }
0x5f: {  	_ =	swait.ge [sflag:s7], $0x2400  }
0x60: {  	s17 =	sshrl.u32 s24, $0x3;
	[sflag:s7] =	ssyncset.done $0x0  }
0x61: {  	s14 =	sadd.s32 s4, s17;
	[sflag:s7] =	ssyncadd.s32 $0xFFFFDC00  }
0x62: {  	[tilespmem:s3], [sflag:$0x1] =	stream.strided.gather [hbm4b:s14+s29], $0x2400, s30, s29, $0x38;
	[tilespmem:$0x11820] =	vst v63  }
0x63: {  	_ = 	snop  }
0x64: {  	[tilespmem:s31], [sflag:$0x1] =	stream.linear.gather [hbm4b:s23+s3], $0x80, $0x38;
	[tilespmem:$0x11820] =	vst v63  }
0x65: {  	_ =	swait.ge [sflag:s10], $0x2400  }
0x66: {  	[sflag:s10] =	ssyncset.done $0x0  }
0x67: {  	[sflag:s10] =	ssyncadd.s32 $0xFFFFDC00  }
0x68: {  	_ =	swait.ge [sflag:s10], $0x80  }
0x69: {  	[sflag:s10] =	ssyncset.done $0x0  }
0x6a: {  	[sflag:s10] =	ssyncadd.s32 $0xFFFFFF80  }
0x6b: {  	[spmem:s2] =	stream.indirect.scatter.add.f32 [tilespmem:s1], [sflag:$0x3], $0x48, s0, s30, $0xb8;
	[tilespmem:$0x11820] =	vst v63  }
0x6c: {  	s17 =	sadd.s32 $0x10, s23;
	_ =	swait.ge [sflag:s7], $0x2400  }
0x6d: {  	s18 =	sadd.s32 $0x0, s25;
	s15 =	sadd.s32 $0x20, s23;
	[sflag:s7] =	ssyncset.done $0x0  }
0x6e: {  	s16 =	sadd.s32 $0x8000, s24;
	s14 =	simm.s32 $0x1000;
	[sflag:s7] =	ssyncadd.s32 $0xFFFFDC00  }
0x6f: {  	[tilespmem:s1], [sflag:$0x2] =	stream.strided.gather [hbm4b:s18+s29], $0x2400, s30, s29, $0x38;
	[tilespmem:$0x11820] =	vst v63  }
.LBB2_4:
0x70: {  	[tilespmem:s0], [sflag:$0x2] =	stream.linear.gather [hbm4b:s17+s3], $0x80, $0x38;
	[tilespmem:$0x11820] =	vst v63  }
0x71: {  	s17 =	smov.u32 s14  }
0x72: {  	p0 =	sne.s32 s14, $0xD000;
	s14 =	sadd.s32 $0x1000, s14;
	_ =	swait.ge [sflag:s8], $0x2400  }
0x73: {  	[sflag:s8] =	ssyncset.done $0x0  }
0x74: {  	[sflag:s8] =	ssyncadd.s32 $0xFFFFDC00  }
0x75: {  	_ =	swait.ge [sflag:s8], $0x80  }
0x76: {  	[sflag:s8] =	ssyncset.done $0x0  }
0x77: {  	[sflag:s8] =	ssyncadd.s32 $0xFFFFFF80  }
0x78: {  	[spmem:s2] =	stream.indirect.scatter.add.f32 [tilespmem:s3], [sflag:$0x3], $0x48, s31, s30, $0xb8;
	[tilespmem:$0x11820] =	vst v63  }
0x79: {  	_ =	swait.ge [sflag:s7], $0x2400  }
0x7a: {  	s18 =	sshrl.u32 s16, $0x3;
	[sflag:s7] =	ssyncset.done $0x0  }
0x7b: {  	s18 =	sadd.s32 s4, s18;
	[sflag:s7] =	ssyncadd.s32 $0xFFFFDC00  }
0x7c: {  	[tilespmem:s3], [sflag:$0x1] =	stream.strided.gather [hbm4b:s18+s29], $0x2400, s30, s29, $0x38;
	[tilespmem:$0x11820] =	vst v63  }
0x7d: {  	_ = 	snop  }
0x7e: {  	[tilespmem:s31], [sflag:$0x1] =	stream.linear.gather [hbm4b:s15+s3], $0x80, $0x38;
	[tilespmem:$0x11820] =	vst v63  }
0x7f: {  	_ =	swait.ge [sflag:s10], $0x2400  }
0x80: {  	[sflag:s10] =	ssyncset.done $0x0  }
0x81: {  	[sflag:s10] =	ssyncadd.s32 $0xFFFFDC00  }
0x82: {  	_ =	swait.ge [sflag:s10], $0x80  }
0x83: {  	[sflag:s10] =	ssyncset.done $0x0  }
0x84: {  	[sflag:s10] =	ssyncadd.s32 $0xFFFFFF80  }
0x85: {  	[spmem:s2] =	stream.indirect.scatter.add.f32 [tilespmem:s1], [sflag:$0x3], $0x48, s0, s30, $0xb8;
	[tilespmem:$0x11820] =	vst v63  }
.Ltmp1:
0x86: {  	_ =	swait.ge [sflag:s7], $0x2400;
	(pc) =	sbr.rel @p0 .LBB2_4-.Ltmp1, $4  }
0x87: {  	[sflag:s7] =	ssyncset.done $0x0  }
0x88: {  	s17 =	sadd.s32 s17, s25;
	[sflag:s7] =	ssyncadd.s32 $0xFFFFDC00  }
0x89: {  	[tilespmem:s1], [sflag:$0x2] =	stream.strided.gather [hbm4b:s17+s29], $0x2400, s30, s29, $0x38;
	[tilespmem:$0x11820] =	vst v63  }
0x8a: {  	s16 =	sadd.s32 $0x8000, s16;
	s17 =	sadd.s32 $0x10, s15;
	s15 =	sadd.s32 $0x20, s15  }
0x8b: {  	[tilespmem:s0], [sflag:$0x2] =	stream.linear.gather [hbm4b:s17+s3], $0x80, $0x38;
	[tilespmem:$0x11820] =	vst v63  }
0x8c: {  	_ =	swait.ge [sflag:s8], $0x2400  }
0x8d: {  	[sflag:s8] =	ssyncset.done $0x0  }
0x8e: {  	[sflag:s8] =	ssyncadd.s32 $0xFFFFDC00  }
0x8f: {  	_ =	swait.ge [sflag:s8], $0x80  }
0x90: {  	[sflag:s8] =	ssyncset.done $0x0  }
0x91: {  	[sflag:s8] =	ssyncadd.s32 $0xFFFFFF80  }
0x92: {  	[spmem:s2] =	stream.indirect.scatter.add.f32 [tilespmem:s3], [sflag:$0x3], $0x48, s31, s30, $0xb8;
	[tilespmem:$0x11820] =	vst v63  }
0x93: {  	_ =	swait.ge [sflag:s7], $0x2400  }
0x94: {  	[sflag:s7] =	ssyncset.done $0x0  }
0x95: {  	[sflag:s7] =	ssyncadd.s32 $0xFFFFDC00  }
0x96: {  	[tilespmem:s3], [sflag:$0x1] =	stream.strided.gather [hbm4b:s28+s29], $0x2400, s30, s29, $0x38;
	[tilespmem:$0x11820] =	vst v63  }
0x97: {  	_ = 	snop  }
0x98: {  	[tilespmem:s31], [sflag:$0x1] =	stream.linear.gather [hbm4b:s22+s3], $0x80, $0x38;
	[tilespmem:$0x11820] =	vst v63  }
0x99: {  	_ =	swait.ge [sflag:s10], $0x2400  }
0x9a: {  	[sflag:s10] =	ssyncset.done $0x0  }
0x9b: {  	[sflag:s10] =	ssyncadd.s32 $0xFFFFDC00  }
0x9c: {  	_ =	swait.ge [sflag:s10], $0x80  }
0x9d: {  	[sflag:s10] =	ssyncset.done $0x0  }
0x9e: {  	[sflag:s10] =	ssyncadd.s32 $0xFFFFFF80  }
0x9f: {  	[spmem:s2] =	stream.indirect.scatter.add.f32 [tilespmem:s1], [sflag:$0x3], $0x48, s0, s30, $0xb8;
	[tilespmem:$0x11820] =	vst v63  }
0xa0: {  	_ =	swait.ge [sflag:s7], $0x2400  }
0xa1: {  	[sflag:s7] =	ssyncset.done $0x0  }
0xa2: {  	[sflag:s7] =	ssyncadd.s32 $0xFFFFDC00  }
0xa3: {  	_ =	swait.ge [sflag:s8], $0x2400  }
0xa4: {  	[sflag:s8] =	ssyncset.done $0x0  }
0xa5: {  	[sflag:s8] =	ssyncadd.s32 $0xFFFFDC00  }
0xa6: {  	_ =	swait.ge [sflag:s8], $0x80  }
0xa7: {  	[sflag:s8] =	ssyncset.done $0x0  }
0xa8: {  	[sflag:s8] =	ssyncadd.s32 $0xFFFFFF80  }
0xa9: {  	[spmem:s2] =	stream.indirect.scatter.add.f32 [tilespmem:s3], [sflag:$0x3], $0x48, s31, s30, $0xb8;
	[tilespmem:$0x11820] =	vst v63  }
0xaa: {  	_ =	swait.ge [sflag:s7], $0x2400  }
0xab: {  	[sflag:s7] =	ssyncset.done $0x0  }
0xac: {  	[sflag:s7] =	ssyncadd.s32 $0xFFFFDC00  }
0xad: {  	[tilespmem:s11], [sflag:$0x3] =	stream.strided.gather [hbm4b:s26+s29], $0x900, s30, s29, $0x38;
	[tilespmem:$0x11820] =	vst v63  }
0xae: {  	_ =	swait.ge [sflag:s7], $0x900  }
0xaf: {  	[sflag:s7] =	ssyncset.done $0x0  }
0xb0: {  	[sflag:s7] =	ssyncadd.s32 $0xFFFFF700  }
0xb1: {  	[tilespmem:s12], [sflag:$0x3] =	stream.linear.gather [hbm4b:s19+s3], $0x20, $0x38;
	[tilespmem:$0x11820] =	vst v63  }
0xb2: {  	_ =	swait.ge [sflag:s7], $0x20  }
0xb3: {  	[sflag:s7] =	ssyncset.done $0x0  }
0xb4: {  	s14 =	simm.s32 $0x20;
	[sflag:s7] =	ssyncadd.s32 $0xFFFFFFE0  }
0xb5: {  	[spmem:s2] =	stream.indirect.scatter.add.f32 [tilespmem:s11], [sflag:$0x3], $0x48, s12, s14, $0xb8;
	[tilespmem:$0x11820] =	vst v63  }
0xb6: {  	s18 =	stileid.u32;
	_ =	swait.ge [sflag:s7], $0x900  }
0xb7: {  	s15 =	sshrl.u32 s9, $0x3;
	s13 =	sadd.s32 $0x1, s13;
	[sflag:s7] =	ssyncset.done $0x0  }
0xb8: {  	p0 =	sne.s32 s13, s21;
	s14 =	sshll.u32 s18, $0x6;
	[sflag:s7] =	ssyncadd.s32 $0xFFFFF700  }
.Ltmp2:
0xb9: {  	s14 =	sor.u32 $0x1C03, s14;
	[bflag:$0x0] =	sbarrier.arrive $0xFFFF;
	(pc) =	sbr.rel @p0 .LBB2_1-.Ltmp2, $4  }
0xba: {  	[hbm:s20], [sflag:s14] =	dma.local [spmem:s15], $0x1680  }
0xbb: {  	_ =	swait.ge [sflag:s7], $0x1680  }
0xbc: {  	[sflag:s7] =	ssyncset.done $0x0  }
0xbd: {  	[sflag:s7] =	ssyncadd.s32 $0xFFFFE980  }
0xbe: {  	_ =	sfence.sel $0x180000  }
0xbf: {  	[bflag:$0x0] =	sbarrier.arrive $0xFFFF  }
0xc0: {  	_ =	strace $0x90000047  }
0xc1: {  	s0 =	stileid.u32;
	[bflag:$0x2] =	sbarrier.arrive $0xFFFF  }
0xc2: {  	p0 =	sne.s32 s0, $0x0;
	s0 =	rddreg [dreg:$0x3]  }
0xc3: {  	s0 =	sadd.s32 @!p0 $0x100000, s0  }
0xc4: {  	[sflag:s0] =	ssyncadd.tile.s32 @!p0 $0x1;
	_ =	shalt  }
.Lfunc_end2:
_tile_overlayer_lowered:
.L_overlay_start_2:
0xc5: {  	(tag) =	ssettag $0x2  }
0xc6: {  	s0 =	rddreg [dreg:$0x0];
	s2 =	stileid.u32  }
0xc7: {  	s1 =	rddreg [dreg:$0x1];
	p0 =	sne.s32 s2, $0x0  }
0xc8: {  	s3 =	rddreg [dreg:$0x2];
	[bflag:$0x3] =	sbarrier.arrive $0xFFFF;
	s2 =	simm.s32 @!p0 $0x1C03  }
0xc9: {  	[timem:s3], [sflag:s2] =	dma.local @!p0 [hbm:s0], s1  }
0xca: {  	s0 =	simm.s32 @!p0 $0x3  }
0xcb: {  	_ =	swait.ge @!p0 [sflag:s0], s1  }
0xcc: {  	s1 =	ssub.s32 @!p0 $0x0, s1;
	[sflag:s0] =	ssyncset.done @!p0 $0x0  }
0xcd: {  	[sflag:s0] =	ssyncadd.s32 @!p0 s1  }
0xce: {  	[bflag:$0x3] =	sbarrier.arrive $0xFFFF  }
0xcf: {  	_ =	shalt  }

</sc_bundles>
